<compile_context>
chip_gen: v7x
topology: tpu7x:2x2x1
jax: 0.10.2.dev20260603
libtpu: 0.0.44.dev20260713+nightly
codegen_flags: <defaults>
</compile_context>

<pallas_src>
import functools

import jax
import jax.numpy as jnp
from jax import lax
from jax.experimental import pallas as pl
from jax.experimental.pallas import tpu as pltpu
from jax.experimental.pallas import tpu_sc as plsc

N = 10000
E = 320000
D = 128
DE = 16

BLK = 128
NBLK = E // BLK
BPW = NBLK // 32
CHUNK = 13
NCH = BPW // CHUNK
ECH = CHUNK * BLK
NPAD = 10240
RPT = NPAD // 16


def _sc_scatter_body(idx_hbm, attr_hbm, out_hbm,
                     idx_v, av0, av1, tr0, tr1, shared, lsem, ssem):
    cid = lax.axis_index("c")
    sid = lax.axis_index("s")
    w = sid * 2 + cid
    row0 = sid * RPT

    @plsc.parallel_loop(0, RPT, step=1, unroll=8)
    def _z(i):
        tr0[i] = jnp.zeros((16,), jnp.float32)

    pltpu.sync_copy(tr0.at[pl.ds(0, RPT)], shared.at[pl.ds(row0, RPT)])
    plsc.subcore_barrier()

    base_b = w * BPW + jnp.minimum(w, 4)
    pltpu.sync_copy(idx_hbm.at[pl.ds(base_b, BPW), 0],
                    idx_v.at[pl.ds(0, BPW)])

    avs = [av0, av1]
    trs = [tr0, tr1]
    iota = lax.iota(jnp.int32, 16)
    fhi_vec = iota // 8
    flo_vec = iota % 8

    def transpose_chunk(av, tr, nblk):
        def blk_body(eblk, _):
            blk_vec = jnp.full((16,), eblk, jnp.int32)
            e0 = eblk * BLK

            @plsc.parallel_loop(0, BLK, step=1, unroll=16)
            def _t(elo):
                vals = plsc.load_gather(
                    av, [fhi_vec, blk_vec, flo_vec,
                         jnp.full((16,), elo, jnp.int32)])
                tr[e0 + elo] = vals

            return _

        lax.fori_loop(0, nblk, blk_body, 0)

    loads = [None] * NCH
    scatters = [None] * NCH
    loads[0] = pltpu.async_copy(
        attr_hbm.at[:, pl.ds(base_b, CHUNK)],
        avs[0].at[:, :, :, pl.ds(0, BLK)], lsem)
    for ch in range(NCH):
        buf = ch & 1
        if ch + 1 < NCH:
            loads[ch + 1] = pltpu.async_copy(
                attr_hbm.at[:, pl.ds(base_b + (ch + 1) * CHUNK, CHUNK)],
                avs[(ch + 1) & 1].at[:, :, :, pl.ds(0, BLK)], lsem)
        if ch >= 2:
            for dsc in scatters[ch - 2]:
                dsc.wait()
        loads[ch].wait()
        transpose_chunk(avs[buf], trs[buf], CHUNK)
        scatters[ch] = [
            pltpu.async_copy(trs[buf].at[pl.ds(b * BLK, BLK)],
                             shared.at[idx_v.at[ch * CHUNK + b]],
                             ssem, add=True)
            for b in range(CHUNK)
        ]
    for ch in (NCH - 2, NCH - 1):
        for dsc in scatters[ch]:
            dsc.wait()

    @pl.when(w < 4)
    def _tail():
        pltpu.sync_copy(idx_hbm.at[base_b + BPW, 0], idx_v.at[BPW])
        pltpu.sync_copy(attr_hbm.at[:, pl.ds(base_b + BPW, 1)],
                        avs[0].at[:, pl.ds(0, 1), :, pl.ds(0, BLK)])
        transpose_chunk(avs[0], trs[0], 1)
        pltpu.sync_copy(trs[0].at[pl.ds(0, BLK)],
                        shared.at[idx_v.at[BPW]], add=True)

    plsc.subcore_barrier()

    pltpu.sync_copy(shared.at[pl.ds(row0, RPT)],
                    out_hbm.at[cid, pl.ds(row0, RPT)])


_sc_scatter = functools.partial(
    pl.kernel,
    out_type=jax.ShapeDtypeStruct((2, NPAD, DE), jnp.float32),
    mesh=plsc.VectorSubcoreMesh(core_axis_name="c", subcore_axis_name="s"),
    scratch_types=[
        pltpu.VMEM((BPW + 1, BLK), jnp.int32),
        pltpu.VMEM((2, CHUNK, 8, BLK + 1), jnp.float32),
        pltpu.VMEM((2, CHUNK, 8, BLK + 1), jnp.float32),
        pltpu.VMEM((ECH, DE), jnp.float32),
        pltpu.VMEM((ECH, DE), jnp.float32),
        pltpu.VMEM_SHARED((NPAD, DE), jnp.float32),
        pltpu.SemaphoreType.DMA,
        pltpu.SemaphoreType.DMA,
    ],
    compiler_params=pltpu.CompilerParams(
        use_tc_tiling_on_sc=False, needs_layout_passes=False),
)(_sc_scatter_body)


def _tc_mlp_body(x_ref, p0_ref, p1_ref, w1x_ref, w1a_ref, b1_ref, w2_ref,
                 b2_ref, g_ref, bt_ref, o_ref):
    x = x_ref[...]
    pp = p0_ref[...] + p1_ref[...]
    ha = jnp.dot(pp, w1a_ref[...], preferred_element_type=jnp.float32)
    ha = ha.reshape(pp.shape[0], 8, D).reshape(x.shape[0], D)
    h = (jnp.dot(x, w1x_ref[...], preferred_element_type=jnp.float32)
         + ha + b1_ref[...])
    h = h * jax.nn.sigmoid(h)
    h = jnp.dot(h, w2_ref[...], preferred_element_type=jnp.float32) + b2_ref[...]
    mu = jnp.mean(h, axis=-1, keepdims=True)
    var = jnp.mean((h - mu) ** 2, axis=-1, keepdims=True)
    h = (h - mu) * lax.rsqrt(var + 1e-5) * g_ref[...] + bt_ref[...]
    o_ref[...] = h + x


def _tc_mlp(x, p0, p1, w1x, w1a, b1, w2, b2, gamma, beta):
    rows = 2560
    grid = ((N + rows - 1) // rows,)
    prows = rows // 8
    full = lambda shape: pl.BlockSpec(shape, lambda i: (0, 0))
    return pl.pallas_call(
        _tc_mlp_body,
        grid=grid,
        in_specs=[
            pl.BlockSpec((rows, D), lambda i: (i, 0)),
            pl.BlockSpec((prows, D), lambda i: (i, 0)),
            pl.BlockSpec((prows, D), lambda i: (i + NPAD * DE // D // prows, 0)),
            full((D, D)),
            full((D, 8 * D)),
            full((1, D)),
            full((D, D)),
            full((1, D)),
            full((1, D)),
            full((1, D)),
        ],
        out_specs=pl.BlockSpec((rows, D), lambda i: (i, 0)),
        out_shape=jax.ShapeDtypeStruct((N, D), jnp.float32),
    )(x, p0, p1, w1x, w1a, b1, w2, b2, gamma, beta)


def kernel(x, edge_index, edge_attr, W1, b1, W2, b2, gamma, beta):
    idx_r = edge_index.reshape(2, NBLK, BLK).transpose(1, 0, 2)
    attr4 = edge_attr.T.reshape(2, 8, NBLK, BLK).transpose(0, 2, 1, 3)

    partials = _sc_scatter(idx_r, attr4)
    p_packed = partials.reshape(2 * NPAD * DE // D, D)

    w1x = W1[:D]
    w1a = W1[D:]
    w1ap = jnp.kron(jnp.eye(8, dtype=jnp.float32), w1a)
    return _tc_mlp(x, p_packed, p_packed, w1x, w1ap,
                   b1.reshape(1, D), W2, b2.reshape(1, D),
                   gamma.reshape(1, D), beta.reshape(1, D))

# --- scband reference (transcript-rebuilt; emitter-appended) ---
"""Pipeline reference for scband-node-processor-1159641170086 (READ-ONLY COPY).

The authoritative reference and input builder live on the scoring server;
editing this copy changes nothing except your own understanding.
"""

import jax, jax.numpy as jnp
import numpy as np

N, E, D, DE = 10000, 320000, 128, 16
H_IN, H_MID, H_OUT = 144, 128, 128  # hs = [144, 128, 128]

def setup_inputs(seed: int = 0) -> dict:
    key = jax.random.key(seed)
    k = jax.random.split(key, 9)
    x = jax.random.normal(k[0], (N, D), dtype=jnp.float32)
    edge_index = jax.random.randint(k[1], (2, E), 0, N, dtype=jnp.int32)
    edge_attr = jax.random.normal(k[2], (E, DE), dtype=jnp.float32)
    # MLP params (Linear stored as [in, out] for x @ W)
    W1 = jax.random.normal(k[3], (H_IN, H_MID), dtype=jnp.float32) / np.sqrt(H_IN)
    b1 = jnp.zeros((H_MID,), dtype=jnp.float32)
    W2 = jax.random.normal(k[4], (H_MID, H_OUT), dtype=jnp.float32) / np.sqrt(H_MID)
    b2 = jnp.zeros((H_OUT,), dtype=jnp.float32)
    # LayerNorm params
    gamma = jnp.ones((H_OUT,), dtype=jnp.float32)
    beta = jnp.zeros((H_OUT,), dtype=jnp.float32)
    return {"x": x, "edge_index": edge_index, "edge_attr": edge_attr,
            "W1": W1, "b1": b1, "W2": W2, "b2": b2, "gamma": gamma, "beta": beta}

def reference(x, edge_index, edge_attr, W1, b1, W2, b2, gamma, beta):
    i = edge_index[0]
    # scatter-add edge_attr into per-node buckets (dim_size = N)
    agg = jnp.zeros((x.shape[0], edge_attr.shape[1]), dtype=edge_attr.dtype).at[i].add(edge_attr)
    out = jnp.concatenate([x, agg], axis=-1)
    # MLP: Linear -> SiLU -> Linear
    h = out @ W1 + b1
    h = jax.nn.silu(h)
    h = h @ W2 + b2
    # LayerNorm
    mu = jnp.mean(h, axis=-1, keepdims=True)
    var = jnp.mean((h - mu) ** 2, axis=-1, keepdims=True)
    h = (h - mu) / jnp.sqrt(var + 1e-5) * gamma + beta
    return h + x

if __name__ == "__main__":
    import jax
    _d = setup_inputs()
    print(jax.jit(kernel)(*tuple(_d.values())))

</pallas_src>

<mosaic_0001>
#map = affine_map<(d0, d1) -> (0, 0, 0)>
#map1 = affine_map<(d0, d1) -> (0, 0, 0, 0)>
module attributes {stable_mosaic.version = 14 : i64} {
  func.func @_sc_scatter_body(%arg0: i32, %arg1: i32, %arg2: memref<2500x2x128xi32, #tpu.memory_space<hbm>>, %arg3: memref<2x2500x8x128xf32, #tpu.memory_space<hbm>>, %arg4: memref<2x10240x16xf32, #tpu.memory_space<hbm>>, %arg5: memref<79x128xi32, #tpu.memory_space<vmem>>, %arg6: memref<2x13x8x129xf32, #tpu.memory_space<vmem>>, %arg7: memref<2x13x8x129xf32, #tpu.memory_space<vmem>>, %arg8: memref<1664x16xf32, #tpu.memory_space<vmem>>, %arg9: memref<1664x16xf32, #tpu.memory_space<vmem>>, %arg10: memref<10240x16xf32, #tpu.memory_space<vmem_shared>>, %arg11: memref<!tpu.dma_semaphore, #tpu.memory_space<semaphore_mem>>, %arg12: memref<!tpu.dma_semaphore, #tpu.memory_space<semaphore_mem>>) attributes {dimension_semantics = [#tpu.dimension_semantics<core_parallel>, #tpu.dimension_semantics<subcore_parallel>], iteration_bounds = array<i64: 2, 16>, scalar_prefetch = 0 : i64, scratch_operands = 8 : i64, tpu.core_type = #tpu.core_type<sc_vector_subcore>, window_params = [{transform_indices = #map}, {transform_indices = #map1}, {transform_indices = #map}]} {
    %mul3A = arith.constant 2 : i32
    %mul3A_0 = arith.muli %arg1, %mul3A : i32
    %add3A = arith.addi %mul3A_0, %arg0 : i32
    %mul3A_1 = arith.constant 640 : i32
    %mul3A_2 = arith.muli %arg1, %mul3A_1 : i32
    %parallel_loop3A = arith.constant 0 : i32
    %parallel_loop3A_3 = arith.constant 640 : i32
    %parallel_loop3A_4 = arith.constant 1 : i32
    scf.for %parallel_loop3A_1875 = %parallel_loop3A to %parallel_loop3A_3 step %parallel_loop3A_4  : i32 {
      %parallel_loop3A_1876 = arith.constant 0.000000e+00 : f32
      %parallel_loop3A_1877 = vector.broadcast %parallel_loop3A_1876 : f32 to vector<16xf32>
      %parallel_loop3A_1878 = arith.index_cast %parallel_loop3A_1875 : i32 to index
      %parallel_loop3A_1879 = arith.constant 0 : index
      %parallel_loop3A_1880 = tpu.vector_load %arg8[%parallel_loop3A_1878, %parallel_loop3A_1879] {strides = array<i32>} : memref<1664x16xf32, #tpu.memory_space<vmem>>, vector<16xf32>,
      tpu.vector_store %arg8[%parallel_loop3A_1878, %parallel_loop3A_1879], %parallel_loop3A_1877 {strides = array<i32>} : memref<1664x16xf32, #tpu.memory_space<vmem>>, vector<16xf32>,
    } {sc.loop_unroll_factor = 8 : i64, sc.parallel_access}
    "tpu.region"() ({
      %run_scoped3A_1875 = tpu.sem_alloc : memref<!tpu.dma_semaphore, #tpu.memory_space<semaphore_mem>>
      %dma_start3A_1876 = arith.constant 0 : i32
      %dma_start3A_1877 = arith.constant 0 : i32
      %dma_start3A_1878 = tpu.memref_slice %arg8[%dma_start3A_1876, %dma_start3A_1877] : memref<1664x16xf32, #tpu.memory_space<vmem>> -> memref<640x16xf32, #tpu.memory_space<vmem>>
      %dma_start3A_1879 = arith.constant 0 : i32
      %dma_start3A_1880 = tpu.memref_slice %arg10[%mul3A_2, %dma_start3A_1879] : memref<10240x16xf32, #tpu.memory_space<vmem_shared>> -> memref<640x16xf32, #tpu.memory_space<vmem_shared>>
      %dma_start3A_1881 = arith.constant 0 : i32
      %dma_start3A_1882 = tpu.memref_slice %arg10[%mul3A_2, %dma_start3A_1881] : memref<10240x16xf32, #tpu.memory_space<vmem_shared>> -> memref<640x16xf32, #tpu.memory_space<vmem_shared>>
      %dma_start3A_1883 = arith.constant 0 : i32
      %dma_start3A_1884 = arith.constant 0 : i32
      %dma_start3A_1885 = tpu.memref_slice %arg8[%dma_start3A_1883, %dma_start3A_1884] : memref<1664x16xf32, #tpu.memory_space<vmem>> -> memref<640x16xf32, #tpu.memory_space<vmem>>
      tpu.enqueue_dma source(%dma_start3A_1885 : memref<640x16xf32, #tpu.memory_space<vmem>>) target(%dma_start3A_1882 : memref<640x16xf32, #tpu.memory_space<vmem_shared>>) target_semaphore(%run_scoped3A_1875 : memref<!tpu.dma_semaphore, #tpu.memory_space<semaphore_mem>>)
      %dma_wait3A_1886 = arith.constant 0 : i32
      %dma_wait3A_1887 = arith.constant 0 : i32
      %dma_wait3A_1888 = tpu.memref_slice %arg8[%dma_wait3A_1886, %dma_wait3A_1887] : memref<1664x16xf32, #tpu.memory_space<vmem>> -> memref<640x16xf32, #tpu.memory_space<vmem>>
      %dma_wait3A_1889 = arith.constant 0 : i32
      %dma_wait3A_1890 = tpu.memref_slice %arg10[%mul3A_2, %dma_wait3A_1889] : memref<10240x16xf32, #tpu.memory_space<vmem_shared>> -> memref<640x16xf32, #tpu.memory_space<vmem_shared>>
      %dma_wait3A_1891 = arith.constant 0 : i32
      %dma_wait3A_1892 = tpu.memref_slice %arg10[%mul3A_2, %dma_wait3A_1891] : memref<10240x16xf32, #tpu.memory_space<vmem_shared>> -> memref<640x16xf32, #tpu.memory_space<vmem_shared>>
      %dma_wait3A_1893 = arith.constant 0 : i32
      %dma_wait3A_1894 = arith.constant 0 : i32
      %dma_wait3A_1895 = tpu.memref_slice %arg8[%dma_wait3A_1893, %dma_wait3A_1894] : memref<1664x16xf32, #tpu.memory_space<vmem>> -> memref<640x16xf32, #tpu.memory_space<vmem>>
      tpu.wait_dma2 semaphore(%run_scoped3A_1875 : memref<!tpu.dma_semaphore, #tpu.memory_space<semaphore_mem>>) src(%dma_wait3A_1895 : memref<640x16xf32, #tpu.memory_space<vmem>>) dst(%dma_wait3A_1892 : memref<640x16xf32, #tpu.memory_space<vmem_shared>>)
      tpu.yield
    }) : () -> ()
    %barrier3A = arith.constant 0 : index
    tpu.barrier barrier_id(%barrier3A)
    %mul3A_5 = arith.constant 78 : i32
    %mul3A_6 = arith.muli %add3A, %mul3A_5 : i32
    %min3A = arith.constant 4 : i32
    %min3A_7 = arith.minsi %add3A, %min3A : i32
    %add3A_8 = arith.addi %mul3A_6, %min3A_7 : i32
    %run_scoped3A = arith.constant 0 : i32
    "tpu.region"() ({
      %run_scoped3A_1875 = tpu.sem_alloc : memref<!tpu.dma_semaphore, #tpu.memory_space<semaphore_mem>>
      %dma_start3A_1876 = arith.constant 0 : i32
      %dma_start3A_1877 = arith.constant 0 : i32
      %dma_start3A_1878 = tpu.memref_slice %arg5[%dma_start3A_1876, %dma_start3A_1877] : memref<79x128xi32, #tpu.memory_space<vmem>> -> memref<78x128xi32, #tpu.memory_space<vmem>>
      %dma_start3A_1879 = arith.constant 0 : i32
      %dma_start3A_1880 = tpu.memref_slice %arg2[%add3A_8, %run_scoped3A, %dma_start3A_1879] : memref<2500x2x128xi32, #tpu.memory_space<hbm>> -> memref<78x1x128xi32, #tpu.memory_space<hbm>>
      %dma_start3A_1881 = tpu.memref_squeeze %dma_start3A_1880 : memref<78x1x128xi32, #tpu.memory_space<hbm>> -> memref<78x128xi32, #tpu.memory_space<hbm>>
      %dma_start3A_1882 = arith.constant 0 : i32
      %dma_start3A_1883 = arith.constant 0 : i32
      %dma_start3A_1884 = tpu.memref_slice %arg5[%dma_start3A_1882, %dma_start3A_1883] : memref<79x128xi32, #tpu.memory_space<vmem>> -> memref<78x128xi32, #tpu.memory_space<vmem>>
      %dma_start3A_1885 = arith.constant 0 : i32
      %dma_start3A_1886 = tpu.memref_slice %arg2[%add3A_8, %run_scoped3A, %dma_start3A_1885] : memref<2500x2x128xi32, #tpu.memory_space<hbm>> -> memref<78x1x128xi32, #tpu.memory_space<hbm>>
      %dma_start3A_1887 = tpu.memref_squeeze %dma_start3A_1886 : memref<78x1x128xi32, #tpu.memory_space<hbm>> -> memref<78x128xi32, #tpu.memory_space<hbm>>
      tpu.enqueue_dma source(%dma_start3A_1887 : memref<78x128xi32, #tpu.memory_space<hbm>>) target(%dma_start3A_1884 : memref<78x128xi32, #tpu.memory_space<vmem>>) target_semaphore(%run_scoped3A_1875 : memref<!tpu.dma_semaphore, #tpu.memory_space<semaphore_mem>>)
      %dma_wait3A_1888 = arith.constant 0 : i32
      %dma_wait3A_1889 = arith.constant 0 : i32
      %dma_wait3A_1890 = tpu.memref_slice %arg5[%dma_wait3A_1888, %dma_wait3A_1889] : memref<79x128xi32, #tpu.memory_space<vmem>> -> memref<78x128xi32, #tpu.memory_space<vmem>>
      %dma_wait3A_1891 = arith.constant 0 : i32
      %dma_wait3A_1892 = tpu.memref_slice %arg2[%add3A_8, %run_scoped3A, %dma_wait3A_1891] : memref<2500x2x128xi32, #tpu.memory_space<hbm>> -> memref<78x1x128xi32, #tpu.memory_space<hbm>>
      %dma_wait3A_1893 = tpu.memref_squeeze %dma_wait3A_1892 : memref<78x1x128xi32, #tpu.memory_space<hbm>> -> memref<78x128xi32, #tpu.memory_space<hbm>>
      %dma_wait3A_1894 = arith.constant 0 : i32
      %dma_wait3A_1895 = arith.constant 0 : i32
      %dma_wait3A_1896 = tpu.memref_slice %arg5[%dma_wait3A_1894, %dma_wait3A_1895] : memref<79x128xi32, #tpu.memory_space<vmem>> -> memref<78x128xi32, #tpu.memory_space<vmem>>
      %dma_wait3A_1897 = arith.constant 0 : i32
      %dma_wait3A_1898 = tpu.memref_slice %arg2[%add3A_8, %run_scoped3A, %dma_wait3A_1897] : memref<2500x2x128xi32, #tpu.memory_space<hbm>> -> memref<78x1x128xi32, #tpu.memory_space<hbm>>
      %dma_wait3A_1899 = tpu.memref_squeeze %dma_wait3A_1898 : memref<78x1x128xi32, #tpu.memory_space<hbm>> -> memref<78x128xi32, #tpu.memory_space<hbm>>
      tpu.wait_dma2 semaphore(%run_scoped3A_1875 : memref<!tpu.dma_semaphore, #tpu.memory_space<semaphore_mem>>) src(%dma_wait3A_1899 : memref<78x128xi32, #tpu.memory_space<hbm>>) dst(%dma_wait3A_1896 : memref<78x128xi32, #tpu.memory_space<vmem>>)
      tpu.yield
    }) : () -> ()
    %iota3A = tpu.iota {dimensions = array<i32: 0>} : vector<16xi32>
    %jit3A = arith.constant 8 : i32
    %div3A = vector.broadcast %jit3A : i32 to vector<16xi32>
    %div3A_9 = arith.divsi %iota3A, %div3A : vector<16xi32>
    %sign3A = arith.constant 0 : i32
    %sign3A_10 = vector.broadcast %sign3A : i32 to vector<16xi32>
    %sign3A_11 = arith.cmpi sgt, %iota3A, %sign3A_10 : vector<16xi32>
    %sign3A_12 = arith.extui %sign3A_11 : vector<16xi1> to vector<16xi32>
    %sign3A_13 = arith.constant 0 : i32
    %sign3A_14 = vector.broadcast %sign3A_13 : i32 to vector<16xi32>
    %sign3A_15 = arith.cmpi slt, %iota3A, %sign3A_14 : vector<16xi32>
    %sign3A_16 = arith.extui %sign3A_15 : vector<16xi1> to vector<16xi32>
    %sign3A_17 = arith.subi %sign3A_12, %sign3A_16 : vector<16xi32>
    %sign3A_18 = arith.constant 0 : i32
    %sign3A_19 = arith.cmpi sgt, %jit3A, %sign3A_18 : i32
    %sign3A_20 = arith.extui %sign3A_19 : i1 to i32
    %sign3A_21 = arith.constant 0 : i32
    %sign3A_22 = arith.cmpi slt, %jit3A, %sign3A_21 : i32
    %sign3A_23 = arith.extui %sign3A_22 : i1 to i32
    %sign3A_24 = arith.subi %sign3A_20, %sign3A_23 : i32
    %ne3A = vector.broadcast %sign3A_24 : i32 to vector<16xi32>
    %ne3A_25 = arith.cmpi ne, %sign3A_17, %ne3A : vector<16xi32>
    %rem3A = vector.broadcast %jit3A : i32 to vector<16xi32>
    %rem3A_26 = arith.remsi %iota3A, %rem3A : vector<16xi32>
    %ne3A_27 = arith.constant 0 : i32
    %ne3A_28 = vector.broadcast %ne3A_27 : i32 to vector<16xi32>
    %ne3A_29 = arith.cmpi ne, %rem3A_26, %ne3A_28 : vector<16xi32>
    %and3A = arith.andi %ne3A_25, %ne3A_29 : vector<16xi1>
    %sub3A = arith.constant 1 : i32
    %sub3A_30 = vector.broadcast %sub3A : i32 to vector<16xi32>
    %sub3A_31 = arith.subi %div3A_9, %sub3A_30 : vector<16xi32>
    %select_n3A = arith.select %and3A, %sub3A_31, %div3A_9 : vector<16xi1>, vector<16xi32>
    %jit3A_32 = arith.constant 8 : i32
    %eq3A = arith.constant 0 : i32
    %eq3A_33 = arith.cmpi eq, %jit3A_32, %eq3A : i32
    %jit3A_34 = arith.constant 1 : i32
    %select_n3A_35 = arith.select %eq3A_33, %jit3A_34, %jit3A_32 : i32
    %rem3A_36 = vector.broadcast %select_n3A_35 : i32 to vector<16xi32>
    %rem3A_37 = arith.remsi %iota3A, %rem3A_36 : vector<16xi32>
    %ne3A_38 = arith.constant 0 : i32
    %ne3A_39 = vector.broadcast %ne3A_38 : i32 to vector<16xi32>
    %ne3A_40 = arith.cmpi ne, %rem3A_37, %ne3A_39 : vector<16xi32>
    %lt3A = arith.constant 0 : i32
    %lt3A_41 = vector.broadcast %lt3A : i32 to vector<16xi32>
    %lt3A_42 = arith.cmpi slt, %rem3A_37, %lt3A_41 : vector<16xi32>
    %lt3A_43 = arith.constant 0 : i32
    %lt3A_44 = arith.cmpi slt, %select_n3A_35, %lt3A_43 : i32
    %ne3A_45 = vector.broadcast %lt3A_44 : i1 to vector<16xi1>
    %ne3A_46 = vector.broadcast %ne3A_45 : vector<16xi1> to vector<16xi1>
    %ne3A_47 = arith.xori %lt3A_42, %ne3A_46 : vector<16xi1>
    %and3A_48 = arith.andi %ne3A_47, %ne3A_40 : vector<16xi1>
    %add3A_49 = vector.broadcast %select_n3A_35 : i32 to vector<16xi32>
    %add3A_50 = arith.addi %rem3A_37, %add3A_49 : vector<16xi32>
    %select_n3A_51 = arith.select %and3A_48, %add3A_50, %rem3A_37 : vector<16xi1>, vector<16xi32>
    %dma_start3A = arith.constant 0 : i32
    %dma_start3A_52 = arith.constant 0 : i32
    %dma_start3A_53 = arith.constant 0 : i32
    %dma_start3A_54 = arith.constant 0 : i32
    %dma_start3A_55 = tpu.memref_slice %arg6[%dma_start3A, %dma_start3A_52, %dma_start3A_53, %dma_start3A_54] : memref<2x13x8x129xf32, #tpu.memory_space<vmem>> -> memref<2x13x8x128xf32, #tpu.memory_space<vmem>>
    %dma_start3A_56 = arith.constant 0 : i32
    %dma_start3A_57 = arith.constant 0 : i32
    %dma_start3A_58 = arith.constant 0 : i32
    %dma_start3A_59 = tpu.memref_slice %arg3[%dma_start3A_56, %add3A_8, %dma_start3A_57, %dma_start3A_58] : memref<2x2500x8x128xf32, #tpu.memory_space<hbm>> -> memref<2x13x8x128xf32, #tpu.memory_space<hbm>>
    %dma_start3A_60 = arith.constant 0 : i32
    %dma_start3A_61 = arith.constant 0 : i32
    %dma_start3A_62 = arith.constant 0 : i32
    %dma_start3A_63 = arith.constant 0 : i32
    %dma_start3A_64 = tpu.memref_slice %arg6[%dma_start3A_60, %dma_start3A_61, %dma_start3A_62, %dma_start3A_63] : memref<2x13x8x129xf32, #tpu.memory_space<vmem>> -> memref<2x13x8x128xf32, #tpu.memory_space<vmem>>
    %dma_start3A_65 = arith.constant 0 : i32
    %dma_start3A_66 = arith.constant 0 : i32
    %dma_start3A_67 = arith.constant 0 : i32
    %dma_start3A_68 = tpu.memref_slice %arg3[%dma_start3A_65, %add3A_8, %dma_start3A_66, %dma_start3A_67] : memref<2x2500x8x128xf32, #tpu.memory_space<hbm>> -> memref<2x13x8x128xf32, #tpu.memory_space<hbm>>
    tpu.enqueue_dma source(%dma_start3A_68 : memref<2x13x8x128xf32, #tpu.memory_space<hbm>>) target(%dma_start3A_64 : memref<2x13x8x128xf32, #tpu.memory_space<vmem>>) target_semaphore(%arg11 : memref<!tpu.dma_semaphore, #tpu.memory_space<semaphore_mem>>)
    %add3A_69 = arith.constant 13 : i32
    %add3A_70 = arith.addi %add3A_8, %add3A_69 : i32
    %dma_start3A_71 = arith.constant 0 : i32
    %dma_start3A_72 = arith.constant 0 : i32
    %dma_start3A_73 = arith.constant 0 : i32
    %dma_start3A_74 = arith.constant 0 : i32
    %dma_start3A_75 = tpu.memref_slice %arg7[%dma_start3A_71, %dma_start3A_72, %dma_start3A_73, %dma_start3A_74] : memref<2x13x8x129xf32, #tpu.memory_space<vmem>> -> memref<2x13x8x128xf32, #tpu.memory_space<vmem>>
    %dma_start3A_76 = arith.constant 0 : i32
    %dma_start3A_77 = arith.constant 0 : i32
    %dma_start3A_78 = arith.constant 0 : i32
    %dma_start3A_79 = tpu.memref_slice %arg3[%dma_start3A_76, %add3A_70, %dma_start3A_77, %dma_start3A_78] : memref<2x2500x8x128xf32, #tpu.memory_space<hbm>> -> memref<2x13x8x128xf32, #tpu.memory_space<hbm>>
    %dma_start3A_80 = arith.constant 0 : i32
    %dma_start3A_81 = arith.constant 0 : i32
    %dma_start3A_82 = arith.constant 0 : i32
    %dma_start3A_83 = arith.constant 0 : i32
    %dma_start3A_84 = tpu.memref_slice %arg7[%dma_start3A_80, %dma_start3A_81, %dma_start3A_82, %dma_start3A_83] : memref<2x13x8x129xf32, #tpu.memory_space<vmem>> -> memref<2x13x8x128xf32, #tpu.memory_space<vmem>>
    %dma_start3A_85 = arith.constant 0 : i32
    %dma_start3A_86 = arith.constant 0 : i32
    %dma_start3A_87 = arith.constant 0 : i32
    %dma_start3A_88 = tpu.memref_slice %arg3[%dma_start3A_85, %add3A_70, %dma_start3A_86, %dma_start3A_87] : memref<2x2500x8x128xf32, #tpu.memory_space<hbm>> -> memref<2x13x8x128xf32, #tpu.memory_space<hbm>>
    tpu.enqueue_dma source(%dma_start3A_88 : memref<2x13x8x128xf32, #tpu.memory_space<hbm>>) target(%dma_start3A_84 : memref<2x13x8x128xf32, #tpu.memory_space<vmem>>) target_semaphore(%arg11 : memref<!tpu.dma_semaphore, #tpu.memory_space<semaphore_mem>>)
    %dma_wait3A = arith.constant 0 : i32
    %dma_wait3A_89 = arith.constant 0 : i32
    %dma_wait3A_90 = arith.constant 0 : i32
    %dma_wait3A_91 = arith.constant 0 : i32
    %dma_wait3A_92 = tpu.memref_slice %arg6[%dma_wait3A, %dma_wait3A_89, %dma_wait3A_90, %dma_wait3A_91] : memref<2x13x8x129xf32, #tpu.memory_space<vmem>> -> memref<2x13x8x128xf32, #tpu.memory_space<vmem>>
    %dma_wait3A_93 = arith.constant 0 : i32
    %dma_wait3A_94 = arith.constant 0 : i32
    %dma_wait3A_95 = arith.constant 0 : i32
    %dma_wait3A_96 = tpu.memref_slice %arg3[%dma_wait3A_93, %add3A_8, %dma_wait3A_94, %dma_wait3A_95] : memref<2x2500x8x128xf32, #tpu.memory_space<hbm>> -> memref<2x13x8x128xf32, #tpu.memory_space<hbm>>
    %dma_wait3A_97 = arith.constant 0 : i32
    %dma_wait3A_98 = arith.constant 0 : i32
    %dma_wait3A_99 = arith.constant 0 : i32
    %dma_wait3A_100 = arith.constant 0 : i32
    %dma_wait3A_101 = tpu.memref_slice %arg6[%dma_wait3A_97, %dma_wait3A_98, %dma_wait3A_99, %dma_wait3A_100] : memref<2x13x8x129xf32, #tpu.memory_space<vmem>> -> memref<2x13x8x128xf32, #tpu.memory_space<vmem>>
    %dma_wait3A_102 = arith.constant 0 : i32
    %dma_wait3A_103 = arith.constant 0 : i32
    %dma_wait3A_104 = arith.constant 0 : i32
    %dma_wait3A_105 = tpu.memref_slice %arg3[%dma_wait3A_102, %add3A_8, %dma_wait3A_103, %dma_wait3A_104] : memref<2x2500x8x128xf32, #tpu.memory_space<hbm>> -> memref<2x13x8x128xf32, #tpu.memory_space<hbm>>
    tpu.wait_dma2 semaphore(%arg11 : memref<!tpu.dma_semaphore, #tpu.memory_space<semaphore_mem>>) src(%dma_wait3A_105 : memref<2x13x8x128xf32, #tpu.memory_space<hbm>>) dst(%dma_wait3A_101 : memref<2x13x8x128xf32, #tpu.memory_space<vmem>>)
    %scan3A = arith.constant 0 : i32
    %scan3A_106 = arith.constant 0 : i32
    %scan3A_107 = arith.constant 13 : i32
    %scan3A_108 = arith.addi %scan3A_106, %scan3A_107 : i32
    %scan3A_109 = arith.constant 1 : i32
    scf.for %scan3A_1875 = %scan3A_106 to %scan3A_108 step %scan3A_109  : i32 {
      %broadcast_in_dim3A = vector.broadcast %scan3A_1875 : i32 to vector<16xi32>
      %mul3A_1876 = arith.constant 128 : i32
      %mul3A_1877 = arith.muli %scan3A_1875, %mul3A_1876 : i32
      %parallel_loop3A_1878 = arith.constant 0 : i32
      %parallel_loop3A_1879 = arith.constant 128 : i32
      %parallel_loop3A_1880 = arith.constant 1 : i32
      scf.for %parallel_loop3A_1881 = %parallel_loop3A_1878 to %parallel_loop3A_1879 step %parallel_loop3A_1880  : i32 {
        %parallel_loop3A_1882 = vector.broadcast %parallel_loop3A_1881 : i32 to vector<16xi32>
        %parallel_loop3A_1883 = tpu.vector_load_idx %arg6[%select_n3A, %broadcast_in_dim3A, %select_n3A_51, %parallel_loop3A_1882] : memref<2x13x8x129xf32, #tpu.memory_space<vmem>>[vector<16xi32>, vector<16xi32>, vector<16xi32>, vector<16xi32>], vector<16xf32>,
        %parallel_loop3A_1884 = arith.addi %mul3A_1877, %parallel_loop3A_1881 : i32
        %parallel_loop3A_1885 = arith.index_cast %parallel_loop3A_1884 : i32 to index
        %parallel_loop3A_1886 = arith.constant 0 : index
        %parallel_loop3A_1887 = tpu.vector_load %arg8[%parallel_loop3A_1885, %parallel_loop3A_1886] {strides = array<i32>} : memref<1664x16xf32, #tpu.memory_space<vmem>>, vector<16xf32>,
        tpu.vector_store %arg8[%parallel_loop3A_1885, %parallel_loop3A_1886], %parallel_loop3A_1883 {strides = array<i32>} : memref<1664x16xf32, #tpu.memory_space<vmem>>, vector<16xf32>,
      } {sc.loop_unroll_factor = 16 : i64, sc.parallel_access}
    }
    %scan3A_110 = arith.constant 13 : i32
    %dma_start3A_111 = arith.constant 0 : i32
    %dma_start3A_112 = arith.constant 0 : i32
    %dma_start3A_113 = arith.constant 0 : i32
    %dma_start3A_114 = tpu.memref_slice %arg8[%dma_start3A_112, %dma_start3A_113] : memref<1664x16xf32, #tpu.memory_space<vmem>> -> memref<128x16xf32, #tpu.memory_space<vmem>>
    %dma_start3A_115 = arith.constant 0 : i32
    %dma_start3A_116 = tpu.memref_slice %arg5[%dma_start3A_111, %dma_start3A_115] : memref<79x128xi32, #tpu.memory_space<vmem>> -> memref<1x128xi32, #tpu.memory_space<vmem>>
    %dma_start3A_117 = tpu.memref_squeeze %dma_start3A_116 : memref<1x128xi32, #tpu.memory_space<vmem>> -> memref<128xi32, #tpu.memory_space<vmem>>
    %dma_start3A_118 = arith.constant 0 : i32
    %dma_start3A_119 = arith.constant 0 : i32
    %dma_start3A_120 = tpu.memref_slice %arg10[%dma_start3A_118, %dma_start3A_119] : memref<10240x16xf32, #tpu.memory_space<vmem_shared>> -> memref<10240x16xf32, #tpu.memory_space<vmem_shared>>
    tpu.enqueue_indirect_dma source(%dma_start3A_114 : memref<128x16xf32, #tpu.memory_space<vmem>>) target(%dma_start3A_120 : memref<10240x16xf32, #tpu.memory_space<vmem_shared>>) offsets(%dma_start3A_117 : memref<128xi32, #tpu.memory_space<vmem>>) semaphore(%arg12 : memref<!tpu.dma_semaphore, #tpu.memory_space<semaphore_mem>>) {add = true}
    %dma_start3A_121 = arith.constant 1 : i32
    %dma_start3A_122 = arith.constant 128 : i32
    %dma_start3A_123 = arith.constant 0 : i32
    %dma_start3A_124 = tpu.memref_slice %arg8[%dma_start3A_122, %dma_start3A_123] : memref<1664x16xf32, #tpu.memory_space<vmem>> -> memref<128x16xf32, #tpu.memory_space<vmem>>
    %dma_start3A_125 = arith.constant 0 : i32
    %dma_start3A_126 = tpu.memref_slice %arg5[%dma_start3A_121, %dma_start3A_125] : memref<79x128xi32, #tpu.memory_space<vmem>> -> memref<1x128xi32, #tpu.memory_space<vmem>>
    %dma_start3A_127 = tpu.memref_squeeze %dma_start3A_126 : memref<1x128xi32, #tpu.memory_space<vmem>> -> memref<128xi32, #tpu.memory_space<vmem>>
    %dma_start3A_128 = arith.constant 0 : i32
    %dma_start3A_129 = arith.constant 0 : i32
    %dma_start3A_130 = tpu.memref_slice %arg10[%dma_start3A_128, %dma_start3A_129] : memref<10240x16xf32, #tpu.memory_space<vmem_shared>> -> memref<10240x16xf32, #tpu.memory_space<vmem_shared>>
    tpu.enqueue_indirect_dma source(%dma_start3A_124 : memref<128x16xf32, #tpu.memory_space<vmem>>) target(%dma_start3A_130 : memref<10240x16xf32, #tpu.memory_space<vmem_shared>>) offsets(%dma_start3A_127 : memref<128xi32, #tpu.memory_space<vmem>>) semaphore(%arg12 : memref<!tpu.dma_semaphore, #tpu.memory_space<semaphore_mem>>) {add = true}
    %dma_start3A_131 = arith.constant 2 : i32
    %dma_start3A_132 = arith.constant 256 : i32
    %dma_start3A_133 = arith.constant 0 : i32
    %dma_start3A_134 = tpu.memref_slice %arg8[%dma_start3A_132, %dma_start3A_133] : memref<1664x16xf32, #tpu.memory_space<vmem>> -> memref<128x16xf32, #tpu.memory_space<vmem>>
    %dma_start3A_135 = arith.constant 0 : i32
    %dma_start3A_136 = tpu.memref_slice %arg5[%dma_start3A_131, %dma_start3A_135] : memref<79x128xi32, #tpu.memory_space<vmem>> -> memref<1x128xi32, #tpu.memory_space<vmem>>
    %dma_start3A_137 = tpu.memref_squeeze %dma_start3A_136 : memref<1x128xi32, #tpu.memory_space<vmem>> -> memref<128xi32, #tpu.memory_space<vmem>>
    %dma_start3A_138 = arith.constant 0 : i32
    %dma_start3A_139 = arith.constant 0 : i32
    %dma_start3A_140 = tpu.memref_slice %arg10[%dma_start3A_138, %dma_start3A_139] : memref<10240x16xf32, #tpu.memory_space<vmem_shared>> -> memref<10240x16xf32, #tpu.memory_space<vmem_shared>>
    tpu.enqueue_indirect_dma source(%dma_start3A_134 : memref<128x16xf32, #tpu.memory_space<vmem>>) target(%dma_start3A_140 : memref<10240x16xf32, #tpu.memory_space<vmem_shared>>) offsets(%dma_start3A_137 : memref<128xi32, #tpu.memory_space<vmem>>) semaphore(%arg12 : memref<!tpu.dma_semaphore, #tpu.memory_space<semaphore_mem>>) {add = true}
    %dma_start3A_141 = arith.constant 3 : i32
    %dma_start3A_142 = arith.constant 384 : i32
    %dma_start3A_143 = arith.constant 0 : i32
    %dma_start3A_144 = tpu.memref_slice %arg8[%dma_start3A_142, %dma_start3A_143] : memref<1664x16xf32, #tpu.memory_space<vmem>> -> memref<128x16xf32, #tpu.memory_space<vmem>>
    %dma_start3A_145 = arith.constant 0 : i32
    %dma_start3A_146 = tpu.memref_slice %arg5[%dma_start3A_141, %dma_start3A_145] : memref<79x128xi32, #tpu.memory_space<vmem>> -> memref<1x128xi32, #tpu.memory_space<vmem>>
    %dma_start3A_147 = tpu.memref_squeeze %dma_start3A_146 : memref<1x128xi32, #tpu.memory_space<vmem>> -> memref<128xi32, #tpu.memory_space<vmem>>
    %dma_start3A_148 = arith.constant 0 : i32
    %dma_start3A_149 = arith.constant 0 : i32
    %dma_start3A_150 = tpu.memref_slice %arg10[%dma_start3A_148, %dma_start3A_149] : memref<10240x16xf32, #tpu.memory_space<vmem_shared>> -> memref<10240x16xf32, #tpu.memory_space<vmem_shared>>
    tpu.enqueue_indirect_dma source(%dma_start3A_144 : memref<128x16xf32, #tpu.memory_space<vmem>>) target(%dma_start3A_150 : memref<10240x16xf32, #tpu.memory_space<vmem_shared>>) offsets(%dma_start3A_147 : memref<128xi32, #tpu.memory_space<vmem>>) semaphore(%arg12 : memref<!tpu.dma_semaphore, #tpu.memory_space<semaphore_mem>>) {add = true}
    %dma_start3A_151 = arith.constant 4 : i32
    %dma_start3A_152 = arith.constant 512 : i32
    %dma_start3A_153 = arith.constant 0 : i32
    %dma_start3A_154 = tpu.memref_slice %arg8[%dma_start3A_152, %dma_start3A_153] : memref<1664x16xf32, #tpu.memory_space<vmem>> -> memref<128x16xf32, #tpu.memory_space<vmem>>
    %dma_start3A_155 = arith.constant 0 : i32
    %dma_start3A_156 = tpu.memref_slice %arg5[%dma_start3A_151, %dma_start3A_155] : memref<79x128xi32, #tpu.memory_space<vmem>> -> memref<1x128xi32, #tpu.memory_space<vmem>>
    %dma_start3A_157 = tpu.memref_squeeze %dma_start3A_156 : memref<1x128xi32, #tpu.memory_space<vmem>> -> memref<128xi32, #tpu.memory_space<vmem>>
    %dma_start3A_158 = arith.constant 0 : i32
    %dma_start3A_159 = arith.constant 0 : i32
    %dma_start3A_160 = tpu.memref_slice %arg10[%dma_start3A_158, %dma_start3A_159] : memref<10240x16xf32, #tpu.memory_space<vmem_shared>> -> memref<10240x16xf32, #tpu.memory_space<vmem_shared>>
    tpu.enqueue_indirect_dma source(%dma_start3A_154 : memref<128x16xf32, #tpu.memory_space<vmem>>) target(%dma_start3A_160 : memref<10240x16xf32, #tpu.memory_space<vmem_shared>>) offsets(%dma_start3A_157 : memref<128xi32, #tpu.memory_space<vmem>>) semaphore(%arg12 : memref<!tpu.dma_semaphore, #tpu.memory_space<semaphore_mem>>) {add = true}
    %dma_start3A_161 = arith.constant 5 : i32
    %dma_start3A_162 = arith.constant 640 : i32
    %dma_start3A_163 = arith.constant 0 : i32
    %dma_start3A_164 = tpu.memref_slice %arg8[%dma_start3A_162, %dma_start3A_163] : memref<1664x16xf32, #tpu.memory_space<vmem>> -> memref<128x16xf32, #tpu.memory_space<vmem>>
    %dma_start3A_165 = arith.constant 0 : i32
    %dma_start3A_166 = tpu.memref_slice %arg5[%dma_start3A_161, %dma_start3A_165] : memref<79x128xi32, #tpu.memory_space<vmem>> -> memref<1x128xi32, #tpu.memory_space<vmem>>
    %dma_start3A_167 = tpu.memref_squeeze %dma_start3A_166 : memref<1x128xi32, #tpu.memory_space<vmem>> -> memref<128xi32, #tpu.memory_space<vmem>>
    %dma_start3A_168 = arith.constant 0 : i32
    %dma_start3A_169 = arith.constant 0 : i32
    %dma_start3A_170 = tpu.memref_slice %arg10[%dma_start3A_168, %dma_start3A_169] : memref<10240x16xf32, #tpu.memory_space<vmem_shared>> -> memref<10240x16xf32, #tpu.memory_space<vmem_shared>>
    tpu.enqueue_indirect_dma source(%dma_start3A_164 : memref<128x16xf32, #tpu.memory_space<vmem>>) target(%dma_start3A_170 : memref<10240x16xf32, #tpu.memory_space<vmem_shared>>) offsets(%dma_start3A_167 : memref<128xi32, #tpu.memory_space<vmem>>) semaphore(%arg12 : memref<!tpu.dma_semaphore, #tpu.memory_space<semaphore_mem>>) {add = true}
    %dma_start3A_171 = arith.constant 6 : i32
    %dma_start3A_172 = arith.constant 768 : i32
    %dma_start3A_173 = arith.constant 0 : i32
    %dma_start3A_174 = tpu.memref_slice %arg8[%dma_start3A_172, %dma_start3A_173] : memref<1664x16xf32, #tpu.memory_space<vmem>> -> memref<128x16xf32, #tpu.memory_space<vmem>>
    %dma_start3A_175 = arith.constant 0 : i32
    %dma_start3A_176 = tpu.memref_slice %arg5[%dma_start3A_171, %dma_start3A_175] : memref<79x128xi32, #tpu.memory_space<vmem>> -> memref<1x128xi32, #tpu.memory_space<vmem>>
    %dma_start3A_177 = tpu.memref_squeeze %dma_start3A_176 : memref<1x128xi32, #tpu.memory_space<vmem>> -> memref<128xi32, #tpu.memory_space<vmem>>
    %dma_start3A_178 = arith.constant 0 : i32
    %dma_start3A_179 = arith.constant 0 : i32
    %dma_start3A_180 = tpu.memref_slice %arg10[%dma_start3A_178, %dma_start3A_179] : memref<10240x16xf32, #tpu.memory_space<vmem_shared>> -> memref<10240x16xf32, #tpu.memory_space<vmem_shared>>
    tpu.enqueue_indirect_dma source(%dma_start3A_174 : memref<128x16xf32, #tpu.memory_space<vmem>>) target(%dma_start3A_180 : memref<10240x16xf32, #tpu.memory_space<vmem_shared>>) offsets(%dma_start3A_177 : memref<128xi32, #tpu.memory_space<vmem>>) semaphore(%arg12 : memref<!tpu.dma_semaphore, #tpu.memory_space<semaphore_mem>>) {add = true}
    %dma_start3A_181 = arith.constant 7 : i32
    %dma_start3A_182 = arith.constant 896 : i32
    %dma_start3A_183 = arith.constant 0 : i32
    %dma_start3A_184 = tpu.memref_slice %arg8[%dma_start3A_182, %dma_start3A_183] : memref<1664x16xf32, #tpu.memory_space<vmem>> -> memref<128x16xf32, #tpu.memory_space<vmem>>
    %dma_start3A_185 = arith.constant 0 : i32
    %dma_start3A_186 = tpu.memref_slice %arg5[%dma_start3A_181, %dma_start3A_185] : memref<79x128xi32, #tpu.memory_space<vmem>> -> memref<1x128xi32, #tpu.memory_space<vmem>>
    %dma_start3A_187 = tpu.memref_squeeze %dma_start3A_186 : memref<1x128xi32, #tpu.memory_space<vmem>> -> memref<128xi32, #tpu.memory_space<vmem>>
    %dma_start3A_188 = arith.constant 0 : i32
    %dma_start3A_189 = arith.constant 0 : i32
    %dma_start3A_190 = tpu.memref_slice %arg10[%dma_start3A_188, %dma_start3A_189] : memref<10240x16xf32, #tpu.memory_space<vmem_shared>> -> memref<10240x16xf32, #tpu.memory_space<vmem_shared>>
    tpu.enqueue_indirect_dma source(%dma_start3A_184 : memref<128x16xf32, #tpu.memory_space<vmem>>) target(%dma_start3A_190 : memref<10240x16xf32, #tpu.memory_space<vmem_shared>>) offsets(%dma_start3A_187 : memref<128xi32, #tpu.memory_space<vmem>>) semaphore(%arg12 : memref<!tpu.dma_semaphore, #tpu.memory_space<semaphore_mem>>) {add = true}
    %dma_start3A_191 = arith.constant 8 : i32
    %dma_start3A_192 = arith.constant 1024 : i32
    %dma_start3A_193 = arith.constant 0 : i32
    %dma_start3A_194 = tpu.memref_slice %arg8[%dma_start3A_192, %dma_start3A_193] : memref<1664x16xf32, #tpu.memory_space<vmem>> -> memref<128x16xf32, #tpu.memory_space<vmem>>
    %dma_start3A_195 = arith.constant 0 : i32
    %dma_start3A_196 = tpu.memref_slice %arg5[%dma_start3A_191, %dma_start3A_195] : memref<79x128xi32, #tpu.memory_space<vmem>> -> memref<1x128xi32, #tpu.memory_space<vmem>>
    %dma_start3A_197 = tpu.memref_squeeze %dma_start3A_196 : memref<1x128xi32, #tpu.memory_space<vmem>> -> memref<128xi32, #tpu.memory_space<vmem>>
    %dma_start3A_198 = arith.constant 0 : i32
    %dma_start3A_199 = arith.constant 0 : i32
    %dma_start3A_200 = tpu.memref_slice %arg10[%dma_start3A_198, %dma_start3A_199] : memref<10240x16xf32, #tpu.memory_space<vmem_shared>> -> memref<10240x16xf32, #tpu.memory_space<vmem_shared>>
    tpu.enqueue_indirect_dma source(%dma_start3A_194 : memref<128x16xf32, #tpu.memory_space<vmem>>) target(%dma_start3A_200 : memref<10240x16xf32, #tpu.memory_space<vmem_shared>>) offsets(%dma_start3A_197 : memref<128xi32, #tpu.memory_space<vmem>>) semaphore(%arg12 : memref<!tpu.dma_semaphore, #tpu.memory_space<semaphore_mem>>) {add = true}
    %dma_start3A_201 = arith.constant 9 : i32
    %dma_start3A_202 = arith.constant 1152 : i32
    %dma_start3A_203 = arith.constant 0 : i32
    %dma_start3A_204 = tpu.memref_slice %arg8[%dma_start3A_202, %dma_start3A_203] : memref<1664x16xf32, #tpu.memory_space<vmem>> -> memref<128x16xf32, #tpu.memory_space<vmem>>
    %dma_start3A_205 = arith.constant 0 : i32
    %dma_start3A_206 = tpu.memref_slice %arg5[%dma_start3A_201, %dma_start3A_205] : memref<79x128xi32, #tpu.memory_space<vmem>> -> memref<1x128xi32, #tpu.memory_space<vmem>>
    %dma_start3A_207 = tpu.memref_squeeze %dma_start3A_206 : memref<1x128xi32, #tpu.memory_space<vmem>> -> memref<128xi32, #tpu.memory_space<vmem>>
    %dma_start3A_208 = arith.constant 0 : i32
    %dma_start3A_209 = arith.constant 0 : i32
    %dma_start3A_210 = tpu.memref_slice %arg10[%dma_start3A_208, %dma_start3A_209] : memref<10240x16xf32, #tpu.memory_space<vmem_shared>> -> memref<10240x16xf32, #tpu.memory_space<vmem_shared>>
    tpu.enqueue_indirect_dma source(%dma_start3A_204 : memref<128x16xf32, #tpu.memory_space<vmem>>) target(%dma_start3A_210 : memref<10240x16xf32, #tpu.memory_space<vmem_shared>>) offsets(%dma_start3A_207 : memref<128xi32, #tpu.memory_space<vmem>>) semaphore(%arg12 : memref<!tpu.dma_semaphore, #tpu.memory_space<semaphore_mem>>) {add = true}
    %dma_start3A_211 = arith.constant 10 : i32
    %dma_start3A_212 = arith.constant 1280 : i32
    %dma_start3A_213 = arith.constant 0 : i32
    %dma_start3A_214 = tpu.memref_slice %arg8[%dma_start3A_212, %dma_start3A_213] : memref<1664x16xf32, #tpu.memory_space<vmem>> -> memref<128x16xf32, #tpu.memory_space<vmem>>
    %dma_start3A_215 = arith.constant 0 : i32
    %dma_start3A_216 = tpu.memref_slice %arg5[%dma_start3A_211, %dma_start3A_215] : memref<79x128xi32, #tpu.memory_space<vmem>> -> memref<1x128xi32, #tpu.memory_space<vmem>>
    %dma_start3A_217 = tpu.memref_squeeze %dma_start3A_216 : memref<1x128xi32, #tpu.memory_space<vmem>> -> memref<128xi32, #tpu.memory_space<vmem>>
    %dma_start3A_218 = arith.constant 0 : i32
    %dma_start3A_219 = arith.constant 0 : i32
    %dma_start3A_220 = tpu.memref_slice %arg10[%dma_start3A_218, %dma_start3A_219] : memref<10240x16xf32, #tpu.memory_space<vmem_shared>> -> memref<10240x16xf32, #tpu.memory_space<vmem_shared>>
    tpu.enqueue_indirect_dma source(%dma_start3A_214 : memref<128x16xf32, #tpu.memory_space<vmem>>) target(%dma_start3A_220 : memref<10240x16xf32, #tpu.memory_space<vmem_shared>>) offsets(%dma_start3A_217 : memref<128xi32, #tpu.memory_space<vmem>>) semaphore(%arg12 : memref<!tpu.dma_semaphore, #tpu.memory_space<semaphore_mem>>) {add = true}
    %dma_start3A_221 = arith.constant 11 : i32
    %dma_start3A_222 = arith.constant 1408 : i32
    %dma_start3A_223 = arith.constant 0 : i32
    %dma_start3A_224 = tpu.memref_slice %arg8[%dma_start3A_222, %dma_start3A_223] : memref<1664x16xf32, #tpu.memory_space<vmem>> -> memref<128x16xf32, #tpu.memory_space<vmem>>
    %dma_start3A_225 = arith.constant 0 : i32
    %dma_start3A_226 = tpu.memref_slice %arg5[%dma_start3A_221, %dma_start3A_225] : memref<79x128xi32, #tpu.memory_space<vmem>> -> memref<1x128xi32, #tpu.memory_space<vmem>>
    %dma_start3A_227 = tpu.memref_squeeze %dma_start3A_226 : memref<1x128xi32, #tpu.memory_space<vmem>> -> memref<128xi32, #tpu.memory_space<vmem>>
    %dma_start3A_228 = arith.constant 0 : i32
    %dma_start3A_229 = arith.constant 0 : i32
    %dma_start3A_230 = tpu.memref_slice %arg10[%dma_start3A_228, %dma_start3A_229] : memref<10240x16xf32, #tpu.memory_space<vmem_shared>> -> memref<10240x16xf32, #tpu.memory_space<vmem_shared>>
    tpu.enqueue_indirect_dma source(%dma_start3A_224 : memref<128x16xf32, #tpu.memory_space<vmem>>) target(%dma_start3A_230 : memref<10240x16xf32, #tpu.memory_space<vmem_shared>>) offsets(%dma_start3A_227 : memref<128xi32, #tpu.memory_space<vmem>>) semaphore(%arg12 : memref<!tpu.dma_semaphore, #tpu.memory_space<semaphore_mem>>) {add = true}
    %dma_start3A_231 = arith.constant 12 : i32
    %dma_start3A_232 = arith.constant 1536 : i32
    %dma_start3A_233 = arith.constant 0 : i32
    %dma_start3A_234 = tpu.memref_slice %arg8[%dma_start3A_232, %dma_start3A_233] : memref<1664x16xf32, #tpu.memory_space<vmem>> -> memref<128x16xf32, #tpu.memory_space<vmem>>
    %dma_start3A_235 = arith.constant 0 : i32
    %dma_start3A_236 = tpu.memref_slice %arg5[%dma_start3A_231, %dma_start3A_235] : memref<79x128xi32, #tpu.memory_space<vmem>> -> memref<1x128xi32, #tpu.memory_space<vmem>>
    %dma_start3A_237 = tpu.memref_squeeze %dma_start3A_236 : memref<1x128xi32, #tpu.memory_space<vmem>> -> memref<128xi32, #tpu.memory_space<vmem>>
    %dma_start3A_238 = arith.constant 0 : i32
    %dma_start3A_239 = arith.constant 0 : i32
    %dma_start3A_240 = tpu.memref_slice %arg10[%dma_start3A_238, %dma_start3A_239] : memref<10240x16xf32, #tpu.memory_space<vmem_shared>> -> memref<10240x16xf32, #tpu.memory_space<vmem_shared>>
    tpu.enqueue_indirect_dma source(%dma_start3A_234 : memref<128x16xf32, #tpu.memory_space<vmem>>) target(%dma_start3A_240 : memref<10240x16xf32, #tpu.memory_space<vmem_shared>>) offsets(%dma_start3A_237 : memref<128xi32, #tpu.memory_space<vmem>>) semaphore(%arg12 : memref<!tpu.dma_semaphore, #tpu.memory_space<semaphore_mem>>) {add = true}
    %add3A_241 = arith.constant 26 : i32
    %add3A_242 = arith.addi %add3A_8, %add3A_241 : i32
    %dma_start3A_243 = arith.constant 0 : i32
    %dma_start3A_244 = arith.constant 0 : i32
    %dma_start3A_245 = arith.constant 0 : i32
    %dma_start3A_246 = arith.constant 0 : i32
    %dma_start3A_247 = tpu.memref_slice %arg6[%dma_start3A_243, %dma_start3A_244, %dma_start3A_245, %dma_start3A_246] : memref<2x13x8x129xf32, #tpu.memory_space<vmem>> -> memref<2x13x8x128xf32, #tpu.memory_space<vmem>>
    %dma_start3A_248 = arith.constant 0 : i32
    %dma_start3A_249 = arith.constant 0 : i32
    %dma_start3A_250 = arith.constant 0 : i32
    %dma_start3A_251 = tpu.memref_slice %arg3[%dma_start3A_248, %add3A_242, %dma_start3A_249, %dma_start3A_250] : memref<2x2500x8x128xf32, #tpu.memory_space<hbm>> -> memref<2x13x8x128xf32, #tpu.memory_space<hbm>>
    %dma_start3A_252 = arith.constant 0 : i32
    %dma_start3A_253 = arith.constant 0 : i32
    %dma_start3A_254 = arith.constant 0 : i32
    %dma_start3A_255 = arith.constant 0 : i32
    %dma_start3A_256 = tpu.memref_slice %arg6[%dma_start3A_252, %dma_start3A_253, %dma_start3A_254, %dma_start3A_255] : memref<2x13x8x129xf32, #tpu.memory_space<vmem>> -> memref<2x13x8x128xf32, #tpu.memory_space<vmem>>
    %dma_start3A_257 = arith.constant 0 : i32
    %dma_start3A_258 = arith.constant 0 : i32
    %dma_start3A_259 = arith.constant 0 : i32
    %dma_start3A_260 = tpu.memref_slice %arg3[%dma_start3A_257, %add3A_242, %dma_start3A_258, %dma_start3A_259] : memref<2x2500x8x128xf32, #tpu.memory_space<hbm>> -> memref<2x13x8x128xf32, #tpu.memory_space<hbm>>
    tpu.enqueue_dma source(%dma_start3A_260 : memref<2x13x8x128xf32, #tpu.memory_space<hbm>>) target(%dma_start3A_256 : memref<2x13x8x128xf32, #tpu.memory_space<vmem>>) target_semaphore(%arg11 : memref<!tpu.dma_semaphore, #tpu.memory_space<semaphore_mem>>)
    %dma_wait3A_261 = arith.constant 0 : i32
    %dma_wait3A_262 = arith.constant 0 : i32
    %dma_wait3A_263 = arith.constant 0 : i32
    %dma_wait3A_264 = arith.constant 0 : i32
    %dma_wait3A_265 = tpu.memref_slice %arg7[%dma_wait3A_261, %dma_wait3A_262, %dma_wait3A_263, %dma_wait3A_264] : memref<2x13x8x129xf32, #tpu.memory_space<vmem>> -> memref<2x13x8x128xf32, #tpu.memory_space<vmem>>
    %dma_wait3A_266 = arith.constant 0 : i32
    %dma_wait3A_267 = arith.constant 0 : i32
    %dma_wait3A_268 = arith.constant 0 : i32
    %dma_wait3A_269 = tpu.memref_slice %arg3[%dma_wait3A_266, %add3A_70, %dma_wait3A_267, %dma_wait3A_268] : memref<2x2500x8x128xf32, #tpu.memory_space<hbm>> -> memref<2x13x8x128xf32, #tpu.memory_space<hbm>>
    %dma_wait3A_270 = arith.constant 0 : i32
    %dma_wait3A_271 = arith.constant 0 : i32
    %dma_wait3A_272 = arith.constant 0 : i32
    %dma_wait3A_273 = arith.constant 0 : i32
    %dma_wait3A_274 = tpu.memref_slice %arg7[%dma_wait3A_270, %dma_wait3A_271, %dma_wait3A_272, %dma_wait3A_273] : memref<2x13x8x129xf32, #tpu.memory_space<vmem>> -> memref<2x13x8x128xf32, #tpu.memory_space<vmem>>
    %dma_wait3A_275 = arith.constant 0 : i32
    %dma_wait3A_276 = arith.constant 0 : i32
    %dma_wait3A_277 = arith.constant 0 : i32
    %dma_wait3A_278 = tpu.memref_slice %arg3[%dma_wait3A_275, %add3A_70, %dma_wait3A_276, %dma_wait3A_277] : memref<2x2500x8x128xf32, #tpu.memory_space<hbm>> -> memref<2x13x8x128xf32, #tpu.memory_space<hbm>>
    tpu.wait_dma2 semaphore(%arg11 : memref<!tpu.dma_semaphore, #tpu.memory_space<semaphore_mem>>) src(%dma_wait3A_278 : memref<2x13x8x128xf32, #tpu.memory_space<hbm>>) dst(%dma_wait3A_274 : memref<2x13x8x128xf32, #tpu.memory_space<vmem>>)
    %scan3A_279 = arith.constant 0 : i32
    %scan3A_280 = arith.constant 0 : i32
    %scan3A_281 = arith.constant 13 : i32
    %scan3A_282 = arith.addi %scan3A_280, %scan3A_281 : i32
    %scan3A_283 = arith.constant 1 : i32
    scf.for %scan3A_1875 = %scan3A_280 to %scan3A_282 step %scan3A_283  : i32 {
      %broadcast_in_dim3A = vector.broadcast %scan3A_1875 : i32 to vector<16xi32>
      %mul3A_1876 = arith.constant 128 : i32
      %mul3A_1877 = arith.muli %scan3A_1875, %mul3A_1876 : i32
      %parallel_loop3A_1878 = arith.constant 0 : i32
      %parallel_loop3A_1879 = arith.constant 128 : i32
      %parallel_loop3A_1880 = arith.constant 1 : i32
      scf.for %parallel_loop3A_1881 = %parallel_loop3A_1878 to %parallel_loop3A_1879 step %parallel_loop3A_1880  : i32 {
        %parallel_loop3A_1882 = vector.broadcast %parallel_loop3A_1881 : i32 to vector<16xi32>
        %parallel_loop3A_1883 = tpu.vector_load_idx %arg7[%select_n3A, %broadcast_in_dim3A, %select_n3A_51, %parallel_loop3A_1882] : memref<2x13x8x129xf32, #tpu.memory_space<vmem>>[vector<16xi32>, vector<16xi32>, vector<16xi32>, vector<16xi32>], vector<16xf32>,
        %parallel_loop3A_1884 = arith.addi %mul3A_1877, %parallel_loop3A_1881 : i32
        %parallel_loop3A_1885 = arith.index_cast %parallel_loop3A_1884 : i32 to index
        %parallel_loop3A_1886 = arith.constant 0 : index
        %parallel_loop3A_1887 = tpu.vector_load %arg9[%parallel_loop3A_1885, %parallel_loop3A_1886] {strides = array<i32>} : memref<1664x16xf32, #tpu.memory_space<vmem>>, vector<16xf32>,
        tpu.vector_store %arg9[%parallel_loop3A_1885, %parallel_loop3A_1886], %parallel_loop3A_1883 {strides = array<i32>} : memref<1664x16xf32, #tpu.memory_space<vmem>>, vector<16xf32>,
      } {sc.loop_unroll_factor = 16 : i64, sc.parallel_access}
    }
    %scan3A_284 = arith.constant 13 : i32
    %dma_start3A_285 = arith.constant 13 : i32
    %dma_start3A_286 = arith.constant 0 : i32
    %dma_start3A_287 = arith.constant 0 : i32
    %dma_start3A_288 = tpu.memref_slice %arg9[%dma_start3A_286, %dma_start3A_287] : memref<1664x16xf32, #tpu.memory_space<vmem>> -> memref<128x16xf32, #tpu.memory_space<vmem>>
    %dma_start3A_289 = arith.constant 0 : i32
    %dma_start3A_290 = tpu.memref_slice %arg5[%dma_start3A_285, %dma_start3A_289] : memref<79x128xi32, #tpu.memory_space<vmem>> -> memref<1x128xi32, #tpu.memory_space<vmem>>
    %dma_start3A_291 = tpu.memref_squeeze %dma_start3A_290 : memref<1x128xi32, #tpu.memory_space<vmem>> -> memref<128xi32, #tpu.memory_space<vmem>>
    %dma_start3A_292 = arith.constant 0 : i32
    %dma_start3A_293 = arith.constant 0 : i32
    %dma_start3A_294 = tpu.memref_slice %arg10[%dma_start3A_292, %dma_start3A_293] : memref<10240x16xf32, #tpu.memory_space<vmem_shared>> -> memref<10240x16xf32, #tpu.memory_space<vmem_shared>>
    tpu.enqueue_indirect_dma source(%dma_start3A_288 : memref<128x16xf32, #tpu.memory_space<vmem>>) target(%dma_start3A_294 : memref<10240x16xf32, #tpu.memory_space<vmem_shared>>) offsets(%dma_start3A_291 : memref<128xi32, #tpu.memory_space<vmem>>) semaphore(%arg12 : memref<!tpu.dma_semaphore, #tpu.memory_space<semaphore_mem>>) {add = true}
    %dma_start3A_295 = arith.constant 14 : i32
    %dma_start3A_296 = arith.constant 128 : i32
    %dma_start3A_297 = arith.constant 0 : i32
    %dma_start3A_298 = tpu.memref_slice %arg9[%dma_start3A_296, %dma_start3A_297] : memref<1664x16xf32, #tpu.memory_space<vmem>> -> memref<128x16xf32, #tpu.memory_space<vmem>>
    %dma_start3A_299 = arith.constant 0 : i32
    %dma_start3A_300 = tpu.memref_slice %arg5[%dma_start3A_295, %dma_start3A_299] : memref<79x128xi32, #tpu.memory_space<vmem>> -> memref<1x128xi32, #tpu.memory_space<vmem>>
    %dma_start3A_301 = tpu.memref_squeeze %dma_start3A_300 : memref<1x128xi32, #tpu.memory_space<vmem>> -> memref<128xi32, #tpu.memory_space<vmem>>
    %dma_start3A_302 = arith.constant 0 : i32
    %dma_start3A_303 = arith.constant 0 : i32
    %dma_start3A_304 = tpu.memref_slice %arg10[%dma_start3A_302, %dma_start3A_303] : memref<10240x16xf32, #tpu.memory_space<vmem_shared>> -> memref<10240x16xf32, #tpu.memory_space<vmem_shared>>
    tpu.enqueue_indirect_dma source(%dma_start3A_298 : memref<128x16xf32, #tpu.memory_space<vmem>>) target(%dma_start3A_304 : memref<10240x16xf32, #tpu.memory_space<vmem_shared>>) offsets(%dma_start3A_301 : memref<128xi32, #tpu.memory_space<vmem>>) semaphore(%arg12 : memref<!tpu.dma_semaphore, #tpu.memory_space<semaphore_mem>>) {add = true}
    %dma_start3A_305 = arith.constant 15 : i32
    %dma_start3A_306 = arith.constant 256 : i32
    %dma_start3A_307 = arith.constant 0 : i32
    %dma_start3A_308 = tpu.memref_slice %arg9[%dma_start3A_306, %dma_start3A_307] : memref<1664x16xf32, #tpu.memory_space<vmem>> -> memref<128x16xf32, #tpu.memory_space<vmem>>
    %dma_start3A_309 = arith.constant 0 : i32
    %dma_start3A_310 = tpu.memref_slice %arg5[%dma_start3A_305, %dma_start3A_309] : memref<79x128xi32, #tpu.memory_space<vmem>> -> memref<1x128xi32, #tpu.memory_space<vmem>>
    %dma_start3A_311 = tpu.memref_squeeze %dma_start3A_310 : memref<1x128xi32, #tpu.memory_space<vmem>> -> memref<128xi32, #tpu.memory_space<vmem>>
    %dma_start3A_312 = arith.constant 0 : i32
    %dma_start3A_313 = arith.constant 0 : i32
    %dma_start3A_314 = tpu.memref_slice %arg10[%dma_start3A_312, %dma_start3A_313] : memref<10240x16xf32, #tpu.memory_space<vmem_shared>> -> memref<10240x16xf32, #tpu.memory_space<vmem_shared>>
    tpu.enqueue_indirect_dma source(%dma_start3A_308 : memref<128x16xf32, #tpu.memory_space<vmem>>) target(%dma_start3A_314 : memref<10240x16xf32, #tpu.memory_space<vmem_shared>>) offsets(%dma_start3A_311 : memref<128xi32, #tpu.memory_space<vmem>>) semaphore(%arg12 : memref<!tpu.dma_semaphore, #tpu.memory_space<semaphore_mem>>) {add = true}
    %dma_start3A_315 = arith.constant 16 : i32
    %dma_start3A_316 = arith.constant 384 : i32
    %dma_start3A_317 = arith.constant 0 : i32
    %dma_start3A_318 = tpu.memref_slice %arg9[%dma_start3A_316, %dma_start3A_317] : memref<1664x16xf32, #tpu.memory_space<vmem>> -> memref<128x16xf32, #tpu.memory_space<vmem>>
    %dma_start3A_319 = arith.constant 0 : i32
    %dma_start3A_320 = tpu.memref_slice %arg5[%dma_start3A_315, %dma_start3A_319] : memref<79x128xi32, #tpu.memory_space<vmem>> -> memref<1x128xi32, #tpu.memory_space<vmem>>
    %dma_start3A_321 = tpu.memref_squeeze %dma_start3A_320 : memref<1x128xi32, #tpu.memory_space<vmem>> -> memref<128xi32, #tpu.memory_space<vmem>>
    %dma_start3A_322 = arith.constant 0 : i32
    %dma_start3A_323 = arith.constant 0 : i32
    %dma_start3A_324 = tpu.memref_slice %arg10[%dma_start3A_322, %dma_start3A_323] : memref<10240x16xf32, #tpu.memory_space<vmem_shared>> -> memref<10240x16xf32, #tpu.memory_space<vmem_shared>>
    tpu.enqueue_indirect_dma source(%dma_start3A_318 : memref<128x16xf32, #tpu.memory_space<vmem>>) target(%dma_start3A_324 : memref<10240x16xf32, #tpu.memory_space<vmem_shared>>) offsets(%dma_start3A_321 : memref<128xi32, #tpu.memory_space<vmem>>) semaphore(%arg12 : memref<!tpu.dma_semaphore, #tpu.memory_space<semaphore_mem>>) {add = true}
    %dma_start3A_325 = arith.constant 17 : i32
    %dma_start3A_326 = arith.constant 512 : i32
    %dma_start3A_327 = arith.constant 0 : i32
    %dma_start3A_328 = tpu.memref_slice %arg9[%dma_start3A_326, %dma_start3A_327] : memref<1664x16xf32, #tpu.memory_space<vmem>> -> memref<128x16xf32, #tpu.memory_space<vmem>>
    %dma_start3A_329 = arith.constant 0 : i32
    %dma_start3A_330 = tpu.memref_slice %arg5[%dma_start3A_325, %dma_start3A_329] : memref<79x128xi32, #tpu.memory_space<vmem>> -> memref<1x128xi32, #tpu.memory_space<vmem>>
    %dma_start3A_331 = tpu.memref_squeeze %dma_start3A_330 : memref<1x128xi32, #tpu.memory_space<vmem>> -> memref<128xi32, #tpu.memory_space<vmem>>
    %dma_start3A_332 = arith.constant 0 : i32
    %dma_start3A_333 = arith.constant 0 : i32
    %dma_start3A_334 = tpu.memref_slice %arg10[%dma_start3A_332, %dma_start3A_333] : memref<10240x16xf32, #tpu.memory_space<vmem_shared>> -> memref<10240x16xf32, #tpu.memory_space<vmem_shared>>
    tpu.enqueue_indirect_dma source(%dma_start3A_328 : memref<128x16xf32, #tpu.memory_space<vmem>>) target(%dma_start3A_334 : memref<10240x16xf32, #tpu.memory_space<vmem_shared>>) offsets(%dma_start3A_331 : memref<128xi32, #tpu.memory_space<vmem>>) semaphore(%arg12 : memref<!tpu.dma_semaphore, #tpu.memory_space<semaphore_mem>>) {add = true}
    %dma_start3A_335 = arith.constant 18 : i32
    %dma_start3A_336 = arith.constant 640 : i32
    %dma_start3A_337 = arith.constant 0 : i32
    %dma_start3A_338 = tpu.memref_slice %arg9[%dma_start3A_336, %dma_start3A_337] : memref<1664x16xf32, #tpu.memory_space<vmem>> -> memref<128x16xf32, #tpu.memory_space<vmem>>
    %dma_start3A_339 = arith.constant 0 : i32
    %dma_start3A_340 = tpu.memref_slice %arg5[%dma_start3A_335, %dma_start3A_339] : memref<79x128xi32, #tpu.memory_space<vmem>> -> memref<1x128xi32, #tpu.memory_space<vmem>>
    %dma_start3A_341 = tpu.memref_squeeze %dma_start3A_340 : memref<1x128xi32, #tpu.memory_space<vmem>> -> memref<128xi32, #tpu.memory_space<vmem>>
    %dma_start3A_342 = arith.constant 0 : i32
    %dma_start3A_343 = arith.constant 0 : i32
    %dma_start3A_344 = tpu.memref_slice %arg10[%dma_start3A_342, %dma_start3A_343] : memref<10240x16xf32, #tpu.memory_space<vmem_shared>> -> memref<10240x16xf32, #tpu.memory_space<vmem_shared>>
    tpu.enqueue_indirect_dma source(%dma_start3A_338 : memref<128x16xf32, #tpu.memory_space<vmem>>) target(%dma_start3A_344 : memref<10240x16xf32, #tpu.memory_space<vmem_shared>>) offsets(%dma_start3A_341 : memref<128xi32, #tpu.memory_space<vmem>>) semaphore(%arg12 : memref<!tpu.dma_semaphore, #tpu.memory_space<semaphore_mem>>) {add = true}
    %dma_start3A_345 = arith.constant 19 : i32
    %dma_start3A_346 = arith.constant 768 : i32
    %dma_start3A_347 = arith.constant 0 : i32
    %dma_start3A_348 = tpu.memref_slice %arg9[%dma_start3A_346, %dma_start3A_347] : memref<1664x16xf32, #tpu.memory_space<vmem>> -> memref<128x16xf32, #tpu.memory_space<vmem>>
    %dma_start3A_349 = arith.constant 0 : i32
    %dma_start3A_350 = tpu.memref_slice %arg5[%dma_start3A_345, %dma_start3A_349] : memref<79x128xi32, #tpu.memory_space<vmem>> -> memref<1x128xi32, #tpu.memory_space<vmem>>
    %dma_start3A_351 = tpu.memref_squeeze %dma_start3A_350 : memref<1x128xi32, #tpu.memory_space<vmem>> -> memref<128xi32, #tpu.memory_space<vmem>>
    %dma_start3A_352 = arith.constant 0 : i32
    %dma_start3A_353 = arith.constant 0 : i32
    %dma_start3A_354 = tpu.memref_slice %arg10[%dma_start3A_352, %dma_start3A_353] : memref<10240x16xf32, #tpu.memory_space<vmem_shared>> -> memref<10240x16xf32, #tpu.memory_space<vmem_shared>>
    tpu.enqueue_indirect_dma source(%dma_start3A_348 : memref<128x16xf32, #tpu.memory_space<vmem>>) target(%dma_start3A_354 : memref<10240x16xf32, #tpu.memory_space<vmem_shared>>) offsets(%dma_start3A_351 : memref<128xi32, #tpu.memory_space<vmem>>) semaphore(%arg12 : memref<!tpu.dma_semaphore, #tpu.memory_space<semaphore_mem>>) {add = true}
    %dma_start3A_355 = arith.constant 20 : i32
    %dma_start3A_356 = arith.constant 896 : i32
    %dma_start3A_357 = arith.constant 0 : i32
    %dma_start3A_358 = tpu.memref_slice %arg9[%dma_start3A_356, %dma_start3A_357] : memref<1664x16xf32, #tpu.memory_space<vmem>> -> memref<128x16xf32, #tpu.memory_space<vmem>>
    %dma_start3A_359 = arith.constant 0 : i32
    %dma_start3A_360 = tpu.memref_slice %arg5[%dma_start3A_355, %dma_start3A_359] : memref<79x128xi32, #tpu.memory_space<vmem>> -> memref<1x128xi32, #tpu.memory_space<vmem>>
    %dma_start3A_361 = tpu.memref_squeeze %dma_start3A_360 : memref<1x128xi32, #tpu.memory_space<vmem>> -> memref<128xi32, #tpu.memory_space<vmem>>
    %dma_start3A_362 = arith.constant 0 : i32
    %dma_start3A_363 = arith.constant 0 : i32
    %dma_start3A_364 = tpu.memref_slice %arg10[%dma_start3A_362, %dma_start3A_363] : memref<10240x16xf32, #tpu.memory_space<vmem_shared>> -> memref<10240x16xf32, #tpu.memory_space<vmem_shared>>
    tpu.enqueue_indirect_dma source(%dma_start3A_358 : memref<128x16xf32, #tpu.memory_space<vmem>>) target(%dma_start3A_364 : memref<10240x16xf32, #tpu.memory_space<vmem_shared>>) offsets(%dma_start3A_361 : memref<128xi32, #tpu.memory_space<vmem>>) semaphore(%arg12 : memref<!tpu.dma_semaphore, #tpu.memory_space<semaphore_mem>>) {add = true}
    %dma_start3A_365 = arith.constant 21 : i32
    %dma_start3A_366 = arith.constant 1024 : i32
    %dma_start3A_367 = arith.constant 0 : i32
    %dma_start3A_368 = tpu.memref_slice %arg9[%dma_start3A_366, %dma_start3A_367] : memref<1664x16xf32, #tpu.memory_space<vmem>> -> memref<128x16xf32, #tpu.memory_space<vmem>>
    %dma_start3A_369 = arith.constant 0 : i32
    %dma_start3A_370 = tpu.memref_slice %arg5[%dma_start3A_365, %dma_start3A_369] : memref<79x128xi32, #tpu.memory_space<vmem>> -> memref<1x128xi32, #tpu.memory_space<vmem>>
    %dma_start3A_371 = tpu.memref_squeeze %dma_start3A_370 : memref<1x128xi32, #tpu.memory_space<vmem>> -> memref<128xi32, #tpu.memory_space<vmem>>
    %dma_start3A_372 = arith.constant 0 : i32
    %dma_start3A_373 = arith.constant 0 : i32
    %dma_start3A_374 = tpu.memref_slice %arg10[%dma_start3A_372, %dma_start3A_373] : memref<10240x16xf32, #tpu.memory_space<vmem_shared>> -> memref<10240x16xf32, #tpu.memory_space<vmem_shared>>
    tpu.enqueue_indirect_dma source(%dma_start3A_368 : memref<128x16xf32, #tpu.memory_space<vmem>>) target(%dma_start3A_374 : memref<10240x16xf32, #tpu.memory_space<vmem_shared>>) offsets(%dma_start3A_371 : memref<128xi32, #tpu.memory_space<vmem>>) semaphore(%arg12 : memref<!tpu.dma_semaphore, #tpu.memory_space<semaphore_mem>>) {add = true}
    %dma_start3A_375 = arith.constant 22 : i32
    %dma_start3A_376 = arith.constant 1152 : i32
    %dma_start3A_377 = arith.constant 0 : i32
    %dma_start3A_378 = tpu.memref_slice %arg9[%dma_start3A_376, %dma_start3A_377] : memref<1664x16xf32, #tpu.memory_space<vmem>> -> memref<128x16xf32, #tpu.memory_space<vmem>>
    %dma_start3A_379 = arith.constant 0 : i32
    %dma_start3A_380 = tpu.memref_slice %arg5[%dma_start3A_375, %dma_start3A_379] : memref<79x128xi32, #tpu.memory_space<vmem>> -> memref<1x128xi32, #tpu.memory_space<vmem>>
    %dma_start3A_381 = tpu.memref_squeeze %dma_start3A_380 : memref<1x128xi32, #tpu.memory_space<vmem>> -> memref<128xi32, #tpu.memory_space<vmem>>
    %dma_start3A_382 = arith.constant 0 : i32
    %dma_start3A_383 = arith.constant 0 : i32
    %dma_start3A_384 = tpu.memref_slice %arg10[%dma_start3A_382, %dma_start3A_383] : memref<10240x16xf32, #tpu.memory_space<vmem_shared>> -> memref<10240x16xf32, #tpu.memory_space<vmem_shared>>
    tpu.enqueue_indirect_dma source(%dma_start3A_378 : memref<128x16xf32, #tpu.memory_space<vmem>>) target(%dma_start3A_384 : memref<10240x16xf32, #tpu.memory_space<vmem_shared>>) offsets(%dma_start3A_381 : memref<128xi32, #tpu.memory_space<vmem>>) semaphore(%arg12 : memref<!tpu.dma_semaphore, #tpu.memory_space<semaphore_mem>>) {add = true}
    %dma_start3A_385 = arith.constant 23 : i32
    %dma_start3A_386 = arith.constant 1280 : i32
    %dma_start3A_387 = arith.constant 0 : i32
    %dma_start3A_388 = tpu.memref_slice %arg9[%dma_start3A_386, %dma_start3A_387] : memref<1664x16xf32, #tpu.memory_space<vmem>> -> memref<128x16xf32, #tpu.memory_space<vmem>>
    %dma_start3A_389 = arith.constant 0 : i32
    %dma_start3A_390 = tpu.memref_slice %arg5[%dma_start3A_385, %dma_start3A_389] : memref<79x128xi32, #tpu.memory_space<vmem>> -> memref<1x128xi32, #tpu.memory_space<vmem>>
    %dma_start3A_391 = tpu.memref_squeeze %dma_start3A_390 : memref<1x128xi32, #tpu.memory_space<vmem>> -> memref<128xi32, #tpu.memory_space<vmem>>
    %dma_start3A_392 = arith.constant 0 : i32
    %dma_start3A_393 = arith.constant 0 : i32
    %dma_start3A_394 = tpu.memref_slice %arg10[%dma_start3A_392, %dma_start3A_393] : memref<10240x16xf32, #tpu.memory_space<vmem_shared>> -> memref<10240x16xf32, #tpu.memory_space<vmem_shared>>
    tpu.enqueue_indirect_dma source(%dma_start3A_388 : memref<128x16xf32, #tpu.memory_space<vmem>>) target(%dma_start3A_394 : memref<10240x16xf32, #tpu.memory_space<vmem_shared>>) offsets(%dma_start3A_391 : memref<128xi32, #tpu.memory_space<vmem>>) semaphore(%arg12 : memref<!tpu.dma_semaphore, #tpu.memory_space<semaphore_mem>>) {add = true}
    %dma_start3A_395 = arith.constant 24 : i32
    %dma_start3A_396 = arith.constant 1408 : i32
    %dma_start3A_397 = arith.constant 0 : i32
    %dma_start3A_398 = tpu.memref_slice %arg9[%dma_start3A_396, %dma_start3A_397] : memref<1664x16xf32, #tpu.memory_space<vmem>> -> memref<128x16xf32, #tpu.memory_space<vmem>>
    %dma_start3A_399 = arith.constant 0 : i32
    %dma_start3A_400 = tpu.memref_slice %arg5[%dma_start3A_395, %dma_start3A_399] : memref<79x128xi32, #tpu.memory_space<vmem>> -> memref<1x128xi32, #tpu.memory_space<vmem>>
    %dma_start3A_401 = tpu.memref_squeeze %dma_start3A_400 : memref<1x128xi32, #tpu.memory_space<vmem>> -> memref<128xi32, #tpu.memory_space<vmem>>
    %dma_start3A_402 = arith.constant 0 : i32
    %dma_start3A_403 = arith.constant 0 : i32
    %dma_start3A_404 = tpu.memref_slice %arg10[%dma_start3A_402, %dma_start3A_403] : memref<10240x16xf32, #tpu.memory_space<vmem_shared>> -> memref<10240x16xf32, #tpu.memory_space<vmem_shared>>
    tpu.enqueue_indirect_dma source(%dma_start3A_398 : memref<128x16xf32, #tpu.memory_space<vmem>>) target(%dma_start3A_404 : memref<10240x16xf32, #tpu.memory_space<vmem_shared>>) offsets(%dma_start3A_401 : memref<128xi32, #tpu.memory_space<vmem>>) semaphore(%arg12 : memref<!tpu.dma_semaphore, #tpu.memory_space<semaphore_mem>>) {add = true}
    %dma_start3A_405 = arith.constant 25 : i32
    %dma_start3A_406 = arith.constant 1536 : i32
    %dma_start3A_407 = arith.constant 0 : i32
    %dma_start3A_408 = tpu.memref_slice %arg9[%dma_start3A_406, %dma_start3A_407] : memref<1664x16xf32, #tpu.memory_space<vmem>> -> memref<128x16xf32, #tpu.memory_space<vmem>>
    %dma_start3A_409 = arith.constant 0 : i32
    %dma_start3A_410 = tpu.memref_slice %arg5[%dma_start3A_405, %dma_start3A_409] : memref<79x128xi32, #tpu.memory_space<vmem>> -> memref<1x128xi32, #tpu.memory_space<vmem>>
    %dma_start3A_411 = tpu.memref_squeeze %dma_start3A_410 : memref<1x128xi32, #tpu.memory_space<vmem>> -> memref<128xi32, #tpu.memory_space<vmem>>
    %dma_start3A_412 = arith.constant 0 : i32
    %dma_start3A_413 = arith.constant 0 : i32
    %dma_start3A_414 = tpu.memref_slice %arg10[%dma_start3A_412, %dma_start3A_413] : memref<10240x16xf32, #tpu.memory_space<vmem_shared>> -> memref<10240x16xf32, #tpu.memory_space<vmem_shared>>
    tpu.enqueue_indirect_dma source(%dma_start3A_408 : memref<128x16xf32, #tpu.memory_space<vmem>>) target(%dma_start3A_414 : memref<10240x16xf32, #tpu.memory_space<vmem_shared>>) offsets(%dma_start3A_411 : memref<128xi32, #tpu.memory_space<vmem>>) semaphore(%arg12 : memref<!tpu.dma_semaphore, #tpu.memory_space<semaphore_mem>>) {add = true}
    %add3A_415 = arith.constant 39 : i32
    %add3A_416 = arith.addi %add3A_8, %add3A_415 : i32
    %dma_start3A_417 = arith.constant 0 : i32
    %dma_start3A_418 = arith.constant 0 : i32
    %dma_start3A_419 = arith.constant 0 : i32
    %dma_start3A_420 = arith.constant 0 : i32
    %dma_start3A_421 = tpu.memref_slice %arg7[%dma_start3A_417, %dma_start3A_418, %dma_start3A_419, %dma_start3A_420] : memref<2x13x8x129xf32, #tpu.memory_space<vmem>> -> memref<2x13x8x128xf32, #tpu.memory_space<vmem>>
    %dma_start3A_422 = arith.constant 0 : i32
    %dma_start3A_423 = arith.constant 0 : i32
    %dma_start3A_424 = arith.constant 0 : i32
    %dma_start3A_425 = tpu.memref_slice %arg3[%dma_start3A_422, %add3A_416, %dma_start3A_423, %dma_start3A_424] : memref<2x2500x8x128xf32, #tpu.memory_space<hbm>> -> memref<2x13x8x128xf32, #tpu.memory_space<hbm>>
    %dma_start3A_426 = arith.constant 0 : i32
    %dma_start3A_427 = arith.constant 0 : i32
    %dma_start3A_428 = arith.constant 0 : i32
    %dma_start3A_429 = arith.constant 0 : i32
    %dma_start3A_430 = tpu.memref_slice %arg7[%dma_start3A_426, %dma_start3A_427, %dma_start3A_428, %dma_start3A_429] : memref<2x13x8x129xf32, #tpu.memory_space<vmem>> -> memref<2x13x8x128xf32, #tpu.memory_space<vmem>>
    %dma_start3A_431 = arith.constant 0 : i32
    %dma_start3A_432 = arith.constant 0 : i32
    %dma_start3A_433 = arith.constant 0 : i32
    %dma_start3A_434 = tpu.memref_slice %arg3[%dma_start3A_431, %add3A_416, %dma_start3A_432, %dma_start3A_433] : memref<2x2500x8x128xf32, #tpu.memory_space<hbm>> -> memref<2x13x8x128xf32, #tpu.memory_space<hbm>>
    tpu.enqueue_dma source(%dma_start3A_434 : memref<2x13x8x128xf32, #tpu.memory_space<hbm>>) target(%dma_start3A_430 : memref<2x13x8x128xf32, #tpu.memory_space<vmem>>) target_semaphore(%arg11 : memref<!tpu.dma_semaphore, #tpu.memory_space<semaphore_mem>>)
    %dma_wait3A_435 = arith.constant 0 : i32
    %dma_wait3A_436 = arith.constant 0 : i32
    %dma_wait3A_437 = arith.constant 0 : i32
    %dma_wait3A_438 = tpu.memref_slice %arg8[%dma_wait3A_436, %dma_wait3A_437] : memref<1664x16xf32, #tpu.memory_space<vmem>> -> memref<128x16xf32, #tpu.memory_space<vmem>>
    %dma_wait3A_439 = arith.constant 0 : i32
    %dma_wait3A_440 = tpu.memref_slice %arg5[%dma_wait3A_435, %dma_wait3A_439] : memref<79x128xi32, #tpu.memory_space<vmem>> -> memref<1x128xi32, #tpu.memory_space<vmem>>
    %dma_wait3A_441 = tpu.memref_squeeze %dma_wait3A_440 : memref<1x128xi32, #tpu.memory_space<vmem>> -> memref<128xi32, #tpu.memory_space<vmem>>
    %dma_wait3A_442 = arith.constant 0 : i32
    %dma_wait3A_443 = arith.constant 0 : i32
    %dma_wait3A_444 = tpu.memref_slice %arg10[%dma_wait3A_442, %dma_wait3A_443] : memref<10240x16xf32, #tpu.memory_space<vmem_shared>> -> memref<10240x16xf32, #tpu.memory_space<vmem_shared>>
    tpu.wait_indirect_dma semaphore(%arg12 : memref<!tpu.dma_semaphore, #tpu.memory_space<semaphore_mem>>) src(%dma_wait3A_438 : memref<128x16xf32, #tpu.memory_space<vmem>>) dst(%dma_wait3A_444 : memref<10240x16xf32, #tpu.memory_space<vmem_shared>>)
    %dma_wait3A_445 = arith.constant 1 : i32
    %dma_wait3A_446 = arith.constant 128 : i32
    %dma_wait3A_447 = arith.constant 0 : i32
    %dma_wait3A_448 = tpu.memref_slice %arg8[%dma_wait3A_446, %dma_wait3A_447] : memref<1664x16xf32, #tpu.memory_space<vmem>> -> memref<128x16xf32, #tpu.memory_space<vmem>>
    %dma_wait3A_449 = arith.constant 0 : i32
    %dma_wait3A_450 = tpu.memref_slice %arg5[%dma_wait3A_445, %dma_wait3A_449] : memref<79x128xi32, #tpu.memory_space<vmem>> -> memref<1x128xi32, #tpu.memory_space<vmem>>
    %dma_wait3A_451 = tpu.memref_squeeze %dma_wait3A_450 : memref<1x128xi32, #tpu.memory_space<vmem>> -> memref<128xi32, #tpu.memory_space<vmem>>
    %dma_wait3A_452 = arith.constant 0 : i32
    %dma_wait3A_453 = arith.constant 0 : i32
    %dma_wait3A_454 = tpu.memref_slice %arg10[%dma_wait3A_452, %dma_wait3A_453] : memref<10240x16xf32, #tpu.memory_space<vmem_shared>> -> memref<10240x16xf32, #tpu.memory_space<vmem_shared>>
    tpu.wait_indirect_dma semaphore(%arg12 : memref<!tpu.dma_semaphore, #tpu.memory_space<semaphore_mem>>) src(%dma_wait3A_448 : memref<128x16xf32, #tpu.memory_space<vmem>>) dst(%dma_wait3A_454 : memref<10240x16xf32, #tpu.memory_space<vmem_shared>>)
    %dma_wait3A_455 = arith.constant 2 : i32
    %dma_wait3A_456 = arith.constant 256 : i32
    %dma_wait3A_457 = arith.constant 0 : i32
    %dma_wait3A_458 = tpu.memref_slice %arg8[%dma_wait3A_456, %dma_wait3A_457] : memref<1664x16xf32, #tpu.memory_space<vmem>> -> memref<128x16xf32, #tpu.memory_space<vmem>>
    %dma_wait3A_459 = arith.constant 0 : i32
    %dma_wait3A_460 = tpu.memref_slice %arg5[%dma_wait3A_455, %dma_wait3A_459] : memref<79x128xi32, #tpu.memory_space<vmem>> -> memref<1x128xi32, #tpu.memory_space<vmem>>
    %dma_wait3A_461 = tpu.memref_squeeze %dma_wait3A_460 : memref<1x128xi32, #tpu.memory_space<vmem>> -> memref<128xi32, #tpu.memory_space<vmem>>
    %dma_wait3A_462 = arith.constant 0 : i32
    %dma_wait3A_463 = arith.constant 0 : i32
    %dma_wait3A_464 = tpu.memref_slice %arg10[%dma_wait3A_462, %dma_wait3A_463] : memref<10240x16xf32, #tpu.memory_space<vmem_shared>> -> memref<10240x16xf32, #tpu.memory_space<vmem_shared>>
    tpu.wait_indirect_dma semaphore(%arg12 : memref<!tpu.dma_semaphore, #tpu.memory_space<semaphore_mem>>) src(%dma_wait3A_458 : memref<128x16xf32, #tpu.memory_space<vmem>>) dst(%dma_wait3A_464 : memref<10240x16xf32, #tpu.memory_space<vmem_shared>>)
    %dma_wait3A_465 = arith.constant 3 : i32
    %dma_wait3A_466 = arith.constant 384 : i32
    %dma_wait3A_467 = arith.constant 0 : i32
    %dma_wait3A_468 = tpu.memref_slice %arg8[%dma_wait3A_466, %dma_wait3A_467] : memref<1664x16xf32, #tpu.memory_space<vmem>> -> memref<128x16xf32, #tpu.memory_space<vmem>>
    %dma_wait3A_469 = arith.constant 0 : i32
    %dma_wait3A_470 = tpu.memref_slice %arg5[%dma_wait3A_465, %dma_wait3A_469] : memref<79x128xi32, #tpu.memory_space<vmem>> -> memref<1x128xi32, #tpu.memory_space<vmem>>
    %dma_wait3A_471 = tpu.memref_squeeze %dma_wait3A_470 : memref<1x128xi32, #tpu.memory_space<vmem>> -> memref<128xi32, #tpu.memory_space<vmem>>
    %dma_wait3A_472 = arith.constant 0 : i32
    %dma_wait3A_473 = arith.constant 0 : i32
    %dma_wait3A_474 = tpu.memref_slice %arg10[%dma_wait3A_472, %dma_wait3A_473] : memref<10240x16xf32, #tpu.memory_space<vmem_shared>> -> memref<10240x16xf32, #tpu.memory_space<vmem_shared>>
    tpu.wait_indirect_dma semaphore(%arg12 : memref<!tpu.dma_semaphore, #tpu.memory_space<semaphore_mem>>) src(%dma_wait3A_468 : memref<128x16xf32, #tpu.memory_space<vmem>>) dst(%dma_wait3A_474 : memref<10240x16xf32, #tpu.memory_space<vmem_shared>>)
    %dma_wait3A_475 = arith.constant 4 : i32
    %dma_wait3A_476 = arith.constant 512 : i32
    %dma_wait3A_477 = arith.constant 0 : i32
    %dma_wait3A_478 = tpu.memref_slice %arg8[%dma_wait3A_476, %dma_wait3A_477] : memref<1664x16xf32, #tpu.memory_space<vmem>> -> memref<128x16xf32, #tpu.memory_space<vmem>>
    %dma_wait3A_479 = arith.constant 0 : i32
    %dma_wait3A_480 = tpu.memref_slice %arg5[%dma_wait3A_475, %dma_wait3A_479] : memref<79x128xi32, #tpu.memory_space<vmem>> -> memref<1x128xi32, #tpu.memory_space<vmem>>
    %dma_wait3A_481 = tpu.memref_squeeze %dma_wait3A_480 : memref<1x128xi32, #tpu.memory_space<vmem>> -> memref<128xi32, #tpu.memory_space<vmem>>
    %dma_wait3A_482 = arith.constant 0 : i32
    %dma_wait3A_483 = arith.constant 0 : i32
    %dma_wait3A_484 = tpu.memref_slice %arg10[%dma_wait3A_482, %dma_wait3A_483] : memref<10240x16xf32, #tpu.memory_space<vmem_shared>> -> memref<10240x16xf32, #tpu.memory_space<vmem_shared>>
    tpu.wait_indirect_dma semaphore(%arg12 : memref<!tpu.dma_semaphore, #tpu.memory_space<semaphore_mem>>) src(%dma_wait3A_478 : memref<128x16xf32, #tpu.memory_space<vmem>>) dst(%dma_wait3A_484 : memref<10240x16xf32, #tpu.memory_space<vmem_shared>>)
    %dma_wait3A_485 = arith.constant 5 : i32
    %dma_wait3A_486 = arith.constant 640 : i32
    %dma_wait3A_487 = arith.constant 0 : i32
    %dma_wait3A_488 = tpu.memref_slice %arg8[%dma_wait3A_486, %dma_wait3A_487] : memref<1664x16xf32, #tpu.memory_space<vmem>> -> memref<128x16xf32, #tpu.memory_space<vmem>>
    %dma_wait3A_489 = arith.constant 0 : i32
    %dma_wait3A_490 = tpu.memref_slice %arg5[%dma_wait3A_485, %dma_wait3A_489] : memref<79x128xi32, #tpu.memory_space<vmem>> -> memref<1x128xi32, #tpu.memory_space<vmem>>
    %dma_wait3A_491 = tpu.memref_squeeze %dma_wait3A_490 : memref<1x128xi32, #tpu.memory_space<vmem>> -> memref<128xi32, #tpu.memory_space<vmem>>
    %dma_wait3A_492 = arith.constant 0 : i32
    %dma_wait3A_493 = arith.constant 0 : i32
    %dma_wait3A_494 = tpu.memref_slice %arg10[%dma_wait3A_492, %dma_wait3A_493] : memref<10240x16xf32, #tpu.memory_space<vmem_shared>> -> memref<10240x16xf32, #tpu.memory_space<vmem_shared>>
    tpu.wait_indirect_dma semaphore(%arg12 : memref<!tpu.dma_semaphore, #tpu.memory_space<semaphore_mem>>) src(%dma_wait3A_488 : memref<128x16xf32, #tpu.memory_space<vmem>>) dst(%dma_wait3A_494 : memref<10240x16xf32, #tpu.memory_space<vmem_shared>>)
    %dma_wait3A_495 = arith.constant 6 : i32
    %dma_wait3A_496 = arith.constant 768 : i32
    %dma_wait3A_497 = arith.constant 0 : i32
    %dma_wait3A_498 = tpu.memref_slice %arg8[%dma_wait3A_496, %dma_wait3A_497] : memref<1664x16xf32, #tpu.memory_space<vmem>> -> memref<128x16xf32, #tpu.memory_space<vmem>>
    %dma_wait3A_499 = arith.constant 0 : i32
    %dma_wait3A_500 = tpu.memref_slice %arg5[%dma_wait3A_495, %dma_wait3A_499] : memref<79x128xi32, #tpu.memory_space<vmem>> -> memref<1x128xi32, #tpu.memory_space<vmem>>
    %dma_wait3A_501 = tpu.memref_squeeze %dma_wait3A_500 : memref<1x128xi32, #tpu.memory_space<vmem>> -> memref<128xi32, #tpu.memory_space<vmem>>
    %dma_wait3A_502 = arith.constant 0 : i32
    %dma_wait3A_503 = arith.constant 0 : i32
    %dma_wait3A_504 = tpu.memref_slice %arg10[%dma_wait3A_502, %dma_wait3A_503] : memref<10240x16xf32, #tpu.memory_space<vmem_shared>> -> memref<10240x16xf32, #tpu.memory_space<vmem_shared>>
    tpu.wait_indirect_dma semaphore(%arg12 : memref<!tpu.dma_semaphore, #tpu.memory_space<semaphore_mem>>) src(%dma_wait3A_498 : memref<128x16xf32, #tpu.memory_space<vmem>>) dst(%dma_wait3A_504 : memref<10240x16xf32, #tpu.memory_space<vmem_shared>>)
    %dma_wait3A_505 = arith.constant 7 : i32
    %dma_wait3A_506 = arith.constant 896 : i32
    %dma_wait3A_507 = arith.constant 0 : i32
    %dma_wait3A_508 = tpu.memref_slice %arg8[%dma_wait3A_506, %dma_wait3A_507] : memref<1664x16xf32, #tpu.memory_space<vmem>> -> memref<128x16xf32, #tpu.memory_space<vmem>>
    %dma_wait3A_509 = arith.constant 0 : i32
    %dma_wait3A_510 = tpu.memref_slice %arg5[%dma_wait3A_505, %dma_wait3A_509] : memref<79x128xi32, #tpu.memory_space<vmem>> -> memref<1x128xi32, #tpu.memory_space<vmem>>
    %dma_wait3A_511 = tpu.memref_squeeze %dma_wait3A_510 : memref<1x128xi32, #tpu.memory_space<vmem>> -> memref<128xi32, #tpu.memory_space<vmem>>
    %dma_wait3A_512 = arith.constant 0 : i32
    %dma_wait3A_513 = arith.constant 0 : i32
    %dma_wait3A_514 = tpu.memref_slice %arg10[%dma_wait3A_512, %dma_wait3A_513] : memref<10240x16xf32, #tpu.memory_space<vmem_shared>> -> memref<10240x16xf32, #tpu.memory_space<vmem_shared>>
    tpu.wait_indirect_dma semaphore(%arg12 : memref<!tpu.dma_semaphore, #tpu.memory_space<semaphore_mem>>) src(%dma_wait3A_508 : memref<128x16xf32, #tpu.memory_space<vmem>>) dst(%dma_wait3A_514 : memref<10240x16xf32, #tpu.memory_space<vmem_shared>>)
    %dma_wait3A_515 = arith.constant 8 : i32
    %dma_wait3A_516 = arith.constant 1024 : i32
    %dma_wait3A_517 = arith.constant 0 : i32
    %dma_wait3A_518 = tpu.memref_slice %arg8[%dma_wait3A_516, %dma_wait3A_517] : memref<1664x16xf32, #tpu.memory_space<vmem>> -> memref<128x16xf32, #tpu.memory_space<vmem>>
    %dma_wait3A_519 = arith.constant 0 : i32
    %dma_wait3A_520 = tpu.memref_slice %arg5[%dma_wait3A_515, %dma_wait3A_519] : memref<79x128xi32, #tpu.memory_space<vmem>> -> memref<1x128xi32, #tpu.memory_space<vmem>>
    %dma_wait3A_521 = tpu.memref_squeeze %dma_wait3A_520 : memref<1x128xi32, #tpu.memory_space<vmem>> -> memref<128xi32, #tpu.memory_space<vmem>>
    %dma_wait3A_522 = arith.constant 0 : i32
    %dma_wait3A_523 = arith.constant 0 : i32
    %dma_wait3A_524 = tpu.memref_slice %arg10[%dma_wait3A_522, %dma_wait3A_523] : memref<10240x16xf32, #tpu.memory_space<vmem_shared>> -> memref<10240x16xf32, #tpu.memory_space<vmem_shared>>
    tpu.wait_indirect_dma semaphore(%arg12 : memref<!tpu.dma_semaphore, #tpu.memory_space<semaphore_mem>>) src(%dma_wait3A_518 : memref<128x16xf32, #tpu.memory_space<vmem>>) dst(%dma_wait3A_524 : memref<10240x16xf32, #tpu.memory_space<vmem_shared>>)
    %dma_wait3A_525 = arith.constant 9 : i32
    %dma_wait3A_526 = arith.constant 1152 : i32
    %dma_wait3A_527 = arith.constant 0 : i32
    %dma_wait3A_528 = tpu.memref_slice %arg8[%dma_wait3A_526, %dma_wait3A_527] : memref<1664x16xf32, #tpu.memory_space<vmem>> -> memref<128x16xf32, #tpu.memory_space<vmem>>
    %dma_wait3A_529 = arith.constant 0 : i32
    %dma_wait3A_530 = tpu.memref_slice %arg5[%dma_wait3A_525, %dma_wait3A_529] : memref<79x128xi32, #tpu.memory_space<vmem>> -> memref<1x128xi32, #tpu.memory_space<vmem>>
    %dma_wait3A_531 = tpu.memref_squeeze %dma_wait3A_530 : memref<1x128xi32, #tpu.memory_space<vmem>> -> memref<128xi32, #tpu.memory_space<vmem>>
    %dma_wait3A_532 = arith.constant 0 : i32
    %dma_wait3A_533 = arith.constant 0 : i32
    %dma_wait3A_534 = tpu.memref_slice %arg10[%dma_wait3A_532, %dma_wait3A_533] : memref<10240x16xf32, #tpu.memory_space<vmem_shared>> -> memref<10240x16xf32, #tpu.memory_space<vmem_shared>>
    tpu.wait_indirect_dma semaphore(%arg12 : memref<!tpu.dma_semaphore, #tpu.memory_space<semaphore_mem>>) src(%dma_wait3A_528 : memref<128x16xf32, #tpu.memory_space<vmem>>) dst(%dma_wait3A_534 : memref<10240x16xf32, #tpu.memory_space<vmem_shared>>)
    %dma_wait3A_535 = arith.constant 10 : i32
    %dma_wait3A_536 = arith.constant 1280 : i32
    %dma_wait3A_537 = arith.constant 0 : i32
    %dma_wait3A_538 = tpu.memref_slice %arg8[%dma_wait3A_536, %dma_wait3A_537] : memref<1664x16xf32, #tpu.memory_space<vmem>> -> memref<128x16xf32, #tpu.memory_space<vmem>>
    %dma_wait3A_539 = arith.constant 0 : i32
    %dma_wait3A_540 = tpu.memref_slice %arg5[%dma_wait3A_535, %dma_wait3A_539] : memref<79x128xi32, #tpu.memory_space<vmem>> -> memref<1x128xi32, #tpu.memory_space<vmem>>
    %dma_wait3A_541 = tpu.memref_squeeze %dma_wait3A_540 : memref<1x128xi32, #tpu.memory_space<vmem>> -> memref<128xi32, #tpu.memory_space<vmem>>
    %dma_wait3A_542 = arith.constant 0 : i32
    %dma_wait3A_543 = arith.constant 0 : i32
    %dma_wait3A_544 = tpu.memref_slice %arg10[%dma_wait3A_542, %dma_wait3A_543] : memref<10240x16xf32, #tpu.memory_space<vmem_shared>> -> memref<10240x16xf32, #tpu.memory_space<vmem_shared>>
    tpu.wait_indirect_dma semaphore(%arg12 : memref<!tpu.dma_semaphore, #tpu.memory_space<semaphore_mem>>) src(%dma_wait3A_538 : memref<128x16xf32, #tpu.memory_space<vmem>>) dst(%dma_wait3A_544 : memref<10240x16xf32, #tpu.memory_space<vmem_shared>>)
    %dma_wait3A_545 = arith.constant 11 : i32
    %dma_wait3A_546 = arith.constant 1408 : i32
    %dma_wait3A_547 = arith.constant 0 : i32
    %dma_wait3A_548 = tpu.memref_slice %arg8[%dma_wait3A_546, %dma_wait3A_547] : memref<1664x16xf32, #tpu.memory_space<vmem>> -> memref<128x16xf32, #tpu.memory_space<vmem>>
    %dma_wait3A_549 = arith.constant 0 : i32
    %dma_wait3A_550 = tpu.memref_slice %arg5[%dma_wait3A_545, %dma_wait3A_549] : memref<79x128xi32, #tpu.memory_space<vmem>> -> memref<1x128xi32, #tpu.memory_space<vmem>>
    %dma_wait3A_551 = tpu.memref_squeeze %dma_wait3A_550 : memref<1x128xi32, #tpu.memory_space<vmem>> -> memref<128xi32, #tpu.memory_space<vmem>>
    %dma_wait3A_552 = arith.constant 0 : i32
    %dma_wait3A_553 = arith.constant 0 : i32
    %dma_wait3A_554 = tpu.memref_slice %arg10[%dma_wait3A_552, %dma_wait3A_553] : memref<10240x16xf32, #tpu.memory_space<vmem_shared>> -> memref<10240x16xf32, #tpu.memory_space<vmem_shared>>
    tpu.wait_indirect_dma semaphore(%arg12 : memref<!tpu.dma_semaphore, #tpu.memory_space<semaphore_mem>>) src(%dma_wait3A_548 : memref<128x16xf32, #tpu.memory_space<vmem>>) dst(%dma_wait3A_554 : memref<10240x16xf32, #tpu.memory_space<vmem_shared>>)
    %dma_wait3A_555 = arith.constant 12 : i32
    %dma_wait3A_556 = arith.constant 1536 : i32
    %dma_wait3A_557 = arith.constant 0 : i32
    %dma_wait3A_558 = tpu.memref_slice %arg8[%dma_wait3A_556, %dma_wait3A_557] : memref<1664x16xf32, #tpu.memory_space<vmem>> -> memref<128x16xf32, #tpu.memory_space<vmem>>
    %dma_wait3A_559 = arith.constant 0 : i32
    %dma_wait3A_560 = tpu.memref_slice %arg5[%dma_wait3A_555, %dma_wait3A_559] : memref<79x128xi32, #tpu.memory_space<vmem>> -> memref<1x128xi32, #tpu.memory_space<vmem>>
    %dma_wait3A_561 = tpu.memref_squeeze %dma_wait3A_560 : memref<1x128xi32, #tpu.memory_space<vmem>> -> memref<128xi32, #tpu.memory_space<vmem>>
    %dma_wait3A_562 = arith.constant 0 : i32
    %dma_wait3A_563 = arith.constant 0 : i32
    %dma_wait3A_564 = tpu.memref_slice %arg10[%dma_wait3A_562, %dma_wait3A_563] : memref<10240x16xf32, #tpu.memory_space<vmem_shared>> -> memref<10240x16xf32, #tpu.memory_space<vmem_shared>>
    tpu.wait_indirect_dma semaphore(%arg12 : memref<!tpu.dma_semaphore, #tpu.memory_space<semaphore_mem>>) src(%dma_wait3A_558 : memref<128x16xf32, #tpu.memory_space<vmem>>) dst(%dma_wait3A_564 : memref<10240x16xf32, #tpu.memory_space<vmem_shared>>)
    %dma_wait3A_565 = arith.constant 0 : i32
    %dma_wait3A_566 = arith.constant 0 : i32
    %dma_wait3A_567 = arith.constant 0 : i32
    %dma_wait3A_568 = arith.constant 0 : i32
    %dma_wait3A_569 = tpu.memref_slice %arg6[%dma_wait3A_565, %dma_wait3A_566, %dma_wait3A_567, %dma_wait3A_568] : memref<2x13x8x129xf32, #tpu.memory_space<vmem>> -> memref<2x13x8x128xf32, #tpu.memory_space<vmem>>
    %dma_wait3A_570 = arith.constant 0 : i32
    %dma_wait3A_571 = arith.constant 0 : i32
    %dma_wait3A_572 = arith.constant 0 : i32
    %dma_wait3A_573 = tpu.memref_slice %arg3[%dma_wait3A_570, %add3A_242, %dma_wait3A_571, %dma_wait3A_572] : memref<2x2500x8x128xf32, #tpu.memory_space<hbm>> -> memref<2x13x8x128xf32, #tpu.memory_space<hbm>>
    %dma_wait3A_574 = arith.constant 0 : i32
    %dma_wait3A_575 = arith.constant 0 : i32
    %dma_wait3A_576 = arith.constant 0 : i32
    %dma_wait3A_577 = arith.constant 0 : i32
    %dma_wait3A_578 = tpu.memref_slice %arg6[%dma_wait3A_574, %dma_wait3A_575, %dma_wait3A_576, %dma_wait3A_577] : memref<2x13x8x129xf32, #tpu.memory_space<vmem>> -> memref<2x13x8x128xf32, #tpu.memory_space<vmem>>
    %dma_wait3A_579 = arith.constant 0 : i32
    %dma_wait3A_580 = arith.constant 0 : i32
    %dma_wait3A_581 = arith.constant 0 : i32
    %dma_wait3A_582 = tpu.memref_slice %arg3[%dma_wait3A_579, %add3A_242, %dma_wait3A_580, %dma_wait3A_581] : memref<2x2500x8x128xf32, #tpu.memory_space<hbm>> -> memref<2x13x8x128xf32, #tpu.memory_space<hbm>>
    tpu.wait_dma2 semaphore(%arg11 : memref<!tpu.dma_semaphore, #tpu.memory_space<semaphore_mem>>) src(%dma_wait3A_582 : memref<2x13x8x128xf32, #tpu.memory_space<hbm>>) dst(%dma_wait3A_578 : memref<2x13x8x128xf32, #tpu.memory_space<vmem>>)
    %scan3A_583 = arith.constant 0 : i32
    %scan3A_584 = arith.constant 0 : i32
    %scan3A_585 = arith.constant 13 : i32
    %scan3A_586 = arith.addi %scan3A_584, %scan3A_585 : i32
    %scan3A_587 = arith.constant 1 : i32
    scf.for %scan3A_1875 = %scan3A_584 to %scan3A_586 step %scan3A_587  : i32 {
      %broadcast_in_dim3A = vector.broadcast %scan3A_1875 : i32 to vector<16xi32>
      %mul3A_1876 = arith.constant 128 : i32
      %mul3A_1877 = arith.muli %scan3A_1875, %mul3A_1876 : i32
      %parallel_loop3A_1878 = arith.constant 0 : i32
      %parallel_loop3A_1879 = arith.constant 128 : i32
      %parallel_loop3A_1880 = arith.constant 1 : i32
      scf.for %parallel_loop3A_1881 = %parallel_loop3A_1878 to %parallel_loop3A_1879 step %parallel_loop3A_1880  : i32 {
        %parallel_loop3A_1882 = vector.broadcast %parallel_loop3A_1881 : i32 to vector<16xi32>
        %parallel_loop3A_1883 = tpu.vector_load_idx %arg6[%select_n3A, %broadcast_in_dim3A, %select_n3A_51, %parallel_loop3A_1882] : memref<2x13x8x129xf32, #tpu.memory_space<vmem>>[vector<16xi32>, vector<16xi32>, vector<16xi32>, vector<16xi32>], vector<16xf32>,
        %parallel_loop3A_1884 = arith.addi %mul3A_1877, %parallel_loop3A_1881 : i32
        %parallel_loop3A_1885 = arith.index_cast %parallel_loop3A_1884 : i32 to index
        %parallel_loop3A_1886 = arith.constant 0 : index
        %parallel_loop3A_1887 = tpu.vector_load %arg8[%parallel_loop3A_1885, %parallel_loop3A_1886] {strides = array<i32>} : memref<1664x16xf32, #tpu.memory_space<vmem>>, vector<16xf32>,
        tpu.vector_store %arg8[%parallel_loop3A_1885, %parallel_loop3A_1886], %parallel_loop3A_1883 {strides = array<i32>} : memref<1664x16xf32, #tpu.memory_space<vmem>>, vector<16xf32>,
      } {sc.loop_unroll_factor = 16 : i64, sc.parallel_access}
    }
    %scan3A_588 = arith.constant 13 : i32
    %dma_start3A_589 = arith.constant 26 : i32
    %dma_start3A_590 = arith.constant 0 : i32
    %dma_start3A_591 = arith.constant 0 : i32
    %dma_start3A_592 = tpu.memref_slice %arg8[%dma_start3A_590, %dma_start3A_591] : memref<1664x16xf32, #tpu.memory_space<vmem>> -> memref<128x16xf32, #tpu.memory_space<vmem>>
    %dma_start3A_593 = arith.constant 0 : i32
    %dma_start3A_594 = tpu.memref_slice %arg5[%dma_start3A_589, %dma_start3A_593] : memref<79x128xi32, #tpu.memory_space<vmem>> -> memref<1x128xi32, #tpu.memory_space<vmem>>
    %dma_start3A_595 = tpu.memref_squeeze %dma_start3A_594 : memref<1x128xi32, #tpu.memory_space<vmem>> -> memref<128xi32, #tpu.memory_space<vmem>>
    %dma_start3A_596 = arith.constant 0 : i32
    %dma_start3A_597 = arith.constant 0 : i32
    %dma_start3A_598 = tpu.memref_slice %arg10[%dma_start3A_596, %dma_start3A_597] : memref<10240x16xf32, #tpu.memory_space<vmem_shared>> -> memref<10240x16xf32, #tpu.memory_space<vmem_shared>>
    tpu.enqueue_indirect_dma source(%dma_start3A_592 : memref<128x16xf32, #tpu.memory_space<vmem>>) target(%dma_start3A_598 : memref<10240x16xf32, #tpu.memory_space<vmem_shared>>) offsets(%dma_start3A_595 : memref<128xi32, #tpu.memory_space<vmem>>) semaphore(%arg12 : memref<!tpu.dma_semaphore, #tpu.memory_space<semaphore_mem>>) {add = true}
    %dma_start3A_599 = arith.constant 27 : i32
    %dma_start3A_600 = arith.constant 128 : i32
    %dma_start3A_601 = arith.constant 0 : i32
    %dma_start3A_602 = tpu.memref_slice %arg8[%dma_start3A_600, %dma_start3A_601] : memref<1664x16xf32, #tpu.memory_space<vmem>> -> memref<128x16xf32, #tpu.memory_space<vmem>>
    %dma_start3A_603 = arith.constant 0 : i32
    %dma_start3A_604 = tpu.memref_slice %arg5[%dma_start3A_599, %dma_start3A_603] : memref<79x128xi32, #tpu.memory_space<vmem>> -> memref<1x128xi32, #tpu.memory_space<vmem>>
    %dma_start3A_605 = tpu.memref_squeeze %dma_start3A_604 : memref<1x128xi32, #tpu.memory_space<vmem>> -> memref<128xi32, #tpu.memory_space<vmem>>
    %dma_start3A_606 = arith.constant 0 : i32
    %dma_start3A_607 = arith.constant 0 : i32
    %dma_start3A_608 = tpu.memref_slice %arg10[%dma_start3A_606, %dma_start3A_607] : memref<10240x16xf32, #tpu.memory_space<vmem_shared>> -> memref<10240x16xf32, #tpu.memory_space<vmem_shared>>
    tpu.enqueue_indirect_dma source(%dma_start3A_602 : memref<128x16xf32, #tpu.memory_space<vmem>>) target(%dma_start3A_608 : memref<10240x16xf32, #tpu.memory_space<vmem_shared>>) offsets(%dma_start3A_605 : memref<128xi32, #tpu.memory_space<vmem>>) semaphore(%arg12 : memref<!tpu.dma_semaphore, #tpu.memory_space<semaphore_mem>>) {add = true}
    %dma_start3A_609 = arith.constant 28 : i32
    %dma_start3A_610 = arith.constant 256 : i32
    %dma_start3A_611 = arith.constant 0 : i32
    %dma_start3A_612 = tpu.memref_slice %arg8[%dma_start3A_610, %dma_start3A_611] : memref<1664x16xf32, #tpu.memory_space<vmem>> -> memref<128x16xf32, #tpu.memory_space<vmem>>
    %dma_start3A_613 = arith.constant 0 : i32
    %dma_start3A_614 = tpu.memref_slice %arg5[%dma_start3A_609, %dma_start3A_613] : memref<79x128xi32, #tpu.memory_space<vmem>> -> memref<1x128xi32, #tpu.memory_space<vmem>>
    %dma_start3A_615 = tpu.memref_squeeze %dma_start3A_614 : memref<1x128xi32, #tpu.memory_space<vmem>> -> memref<128xi32, #tpu.memory_space<vmem>>
    %dma_start3A_616 = arith.constant 0 : i32
    %dma_start3A_617 = arith.constant 0 : i32
    %dma_start3A_618 = tpu.memref_slice %arg10[%dma_start3A_616, %dma_start3A_617] : memref<10240x16xf32, #tpu.memory_space<vmem_shared>> -> memref<10240x16xf32, #tpu.memory_space<vmem_shared>>
    tpu.enqueue_indirect_dma source(%dma_start3A_612 : memref<128x16xf32, #tpu.memory_space<vmem>>) target(%dma_start3A_618 : memref<10240x16xf32, #tpu.memory_space<vmem_shared>>) offsets(%dma_start3A_615 : memref<128xi32, #tpu.memory_space<vmem>>) semaphore(%arg12 : memref<!tpu.dma_semaphore, #tpu.memory_space<semaphore_mem>>) {add = true}
    %dma_start3A_619 = arith.constant 29 : i32
    %dma_start3A_620 = arith.constant 384 : i32
    %dma_start3A_621 = arith.constant 0 : i32
    %dma_start3A_622 = tpu.memref_slice %arg8[%dma_start3A_620, %dma_start3A_621] : memref<1664x16xf32, #tpu.memory_space<vmem>> -> memref<128x16xf32, #tpu.memory_space<vmem>>
    %dma_start3A_623 = arith.constant 0 : i32
    %dma_start3A_624 = tpu.memref_slice %arg5[%dma_start3A_619, %dma_start3A_623] : memref<79x128xi32, #tpu.memory_space<vmem>> -> memref<1x128xi32, #tpu.memory_space<vmem>>
    %dma_start3A_625 = tpu.memref_squeeze %dma_start3A_624 : memref<1x128xi32, #tpu.memory_space<vmem>> -> memref<128xi32, #tpu.memory_space<vmem>>
    %dma_start3A_626 = arith.constant 0 : i32
    %dma_start3A_627 = arith.constant 0 : i32
    %dma_start3A_628 = tpu.memref_slice %arg10[%dma_start3A_626, %dma_start3A_627] : memref<10240x16xf32, #tpu.memory_space<vmem_shared>> -> memref<10240x16xf32, #tpu.memory_space<vmem_shared>>
    tpu.enqueue_indirect_dma source(%dma_start3A_622 : memref<128x16xf32, #tpu.memory_space<vmem>>) target(%dma_start3A_628 : memref<10240x16xf32, #tpu.memory_space<vmem_shared>>) offsets(%dma_start3A_625 : memref<128xi32, #tpu.memory_space<vmem>>) semaphore(%arg12 : memref<!tpu.dma_semaphore, #tpu.memory_space<semaphore_mem>>) {add = true}
    %dma_start3A_629 = arith.constant 30 : i32
    %dma_start3A_630 = arith.constant 512 : i32
    %dma_start3A_631 = arith.constant 0 : i32
    %dma_start3A_632 = tpu.memref_slice %arg8[%dma_start3A_630, %dma_start3A_631] : memref<1664x16xf32, #tpu.memory_space<vmem>> -> memref<128x16xf32, #tpu.memory_space<vmem>>
    %dma_start3A_633 = arith.constant 0 : i32
    %dma_start3A_634 = tpu.memref_slice %arg5[%dma_start3A_629, %dma_start3A_633] : memref<79x128xi32, #tpu.memory_space<vmem>> -> memref<1x128xi32, #tpu.memory_space<vmem>>
    %dma_start3A_635 = tpu.memref_squeeze %dma_start3A_634 : memref<1x128xi32, #tpu.memory_space<vmem>> -> memref<128xi32, #tpu.memory_space<vmem>>
    %dma_start3A_636 = arith.constant 0 : i32
    %dma_start3A_637 = arith.constant 0 : i32
    %dma_start3A_638 = tpu.memref_slice %arg10[%dma_start3A_636, %dma_start3A_637] : memref<10240x16xf32, #tpu.memory_space<vmem_shared>> -> memref<10240x16xf32, #tpu.memory_space<vmem_shared>>
    tpu.enqueue_indirect_dma source(%dma_start3A_632 : memref<128x16xf32, #tpu.memory_space<vmem>>) target(%dma_start3A_638 : memref<10240x16xf32, #tpu.memory_space<vmem_shared>>) offsets(%dma_start3A_635 : memref<128xi32, #tpu.memory_space<vmem>>) semaphore(%arg12 : memref<!tpu.dma_semaphore, #tpu.memory_space<semaphore_mem>>) {add = true}
    %dma_start3A_639 = arith.constant 31 : i32
    %dma_start3A_640 = arith.constant 640 : i32
    %dma_start3A_641 = arith.constant 0 : i32
    %dma_start3A_642 = tpu.memref_slice %arg8[%dma_start3A_640, %dma_start3A_641] : memref<1664x16xf32, #tpu.memory_space<vmem>> -> memref<128x16xf32, #tpu.memory_space<vmem>>
    %dma_start3A_643 = arith.constant 0 : i32
    %dma_start3A_644 = tpu.memref_slice %arg5[%dma_start3A_639, %dma_start3A_643] : memref<79x128xi32, #tpu.memory_space<vmem>> -> memref<1x128xi32, #tpu.memory_space<vmem>>
    %dma_start3A_645 = tpu.memref_squeeze %dma_start3A_644 : memref<1x128xi32, #tpu.memory_space<vmem>> -> memref<128xi32, #tpu.memory_space<vmem>>
    %dma_start3A_646 = arith.constant 0 : i32
    %dma_start3A_647 = arith.constant 0 : i32
    %dma_start3A_648 = tpu.memref_slice %arg10[%dma_start3A_646, %dma_start3A_647] : memref<10240x16xf32, #tpu.memory_space<vmem_shared>> -> memref<10240x16xf32, #tpu.memory_space<vmem_shared>>
    tpu.enqueue_indirect_dma source(%dma_start3A_642 : memref<128x16xf32, #tpu.memory_space<vmem>>) target(%dma_start3A_648 : memref<10240x16xf32, #tpu.memory_space<vmem_shared>>) offsets(%dma_start3A_645 : memref<128xi32, #tpu.memory_space<vmem>>) semaphore(%arg12 : memref<!tpu.dma_semaphore, #tpu.memory_space<semaphore_mem>>) {add = true}
    %dma_start3A_649 = arith.constant 32 : i32
    %dma_start3A_650 = arith.constant 768 : i32
    %dma_start3A_651 = arith.constant 0 : i32
    %dma_start3A_652 = tpu.memref_slice %arg8[%dma_start3A_650, %dma_start3A_651] : memref<1664x16xf32, #tpu.memory_space<vmem>> -> memref<128x16xf32, #tpu.memory_space<vmem>>
    %dma_start3A_653 = arith.constant 0 : i32
    %dma_start3A_654 = tpu.memref_slice %arg5[%dma_start3A_649, %dma_start3A_653] : memref<79x128xi32, #tpu.memory_space<vmem>> -> memref<1x128xi32, #tpu.memory_space<vmem>>
    %dma_start3A_655 = tpu.memref_squeeze %dma_start3A_654 : memref<1x128xi32, #tpu.memory_space<vmem>> -> memref<128xi32, #tpu.memory_space<vmem>>
    %dma_start3A_656 = arith.constant 0 : i32
    %dma_start3A_657 = arith.constant 0 : i32
    %dma_start3A_658 = tpu.memref_slice %arg10[%dma_start3A_656, %dma_start3A_657] : memref<10240x16xf32, #tpu.memory_space<vmem_shared>> -> memref<10240x16xf32, #tpu.memory_space<vmem_shared>>
    tpu.enqueue_indirect_dma source(%dma_start3A_652 : memref<128x16xf32, #tpu.memory_space<vmem>>) target(%dma_start3A_658 : memref<10240x16xf32, #tpu.memory_space<vmem_shared>>) offsets(%dma_start3A_655 : memref<128xi32, #tpu.memory_space<vmem>>) semaphore(%arg12 : memref<!tpu.dma_semaphore, #tpu.memory_space<semaphore_mem>>) {add = true}
    %dma_start3A_659 = arith.constant 33 : i32
    %dma_start3A_660 = arith.constant 896 : i32
    %dma_start3A_661 = arith.constant 0 : i32
    %dma_start3A_662 = tpu.memref_slice %arg8[%dma_start3A_660, %dma_start3A_661] : memref<1664x16xf32, #tpu.memory_space<vmem>> -> memref<128x16xf32, #tpu.memory_space<vmem>>
    %dma_start3A_663 = arith.constant 0 : i32
    %dma_start3A_664 = tpu.memref_slice %arg5[%dma_start3A_659, %dma_start3A_663] : memref<79x128xi32, #tpu.memory_space<vmem>> -> memref<1x128xi32, #tpu.memory_space<vmem>>
    %dma_start3A_665 = tpu.memref_squeeze %dma_start3A_664 : memref<1x128xi32, #tpu.memory_space<vmem>> -> memref<128xi32, #tpu.memory_space<vmem>>
    %dma_start3A_666 = arith.constant 0 : i32
    %dma_start3A_667 = arith.constant 0 : i32
    %dma_start3A_668 = tpu.memref_slice %arg10[%dma_start3A_666, %dma_start3A_667] : memref<10240x16xf32, #tpu.memory_space<vmem_shared>> -> memref<10240x16xf32, #tpu.memory_space<vmem_shared>>
    tpu.enqueue_indirect_dma source(%dma_start3A_662 : memref<128x16xf32, #tpu.memory_space<vmem>>) target(%dma_start3A_668 : memref<10240x16xf32, #tpu.memory_space<vmem_shared>>) offsets(%dma_start3A_665 : memref<128xi32, #tpu.memory_space<vmem>>) semaphore(%arg12 : memref<!tpu.dma_semaphore, #tpu.memory_space<semaphore_mem>>) {add = true}
    %dma_start3A_669 = arith.constant 34 : i32
    %dma_start3A_670 = arith.constant 1024 : i32
    %dma_start3A_671 = arith.constant 0 : i32
    %dma_start3A_672 = tpu.memref_slice %arg8[%dma_start3A_670, %dma_start3A_671] : memref<1664x16xf32, #tpu.memory_space<vmem>> -> memref<128x16xf32, #tpu.memory_space<vmem>>
    %dma_start3A_673 = arith.constant 0 : i32
    %dma_start3A_674 = tpu.memref_slice %arg5[%dma_start3A_669, %dma_start3A_673] : memref<79x128xi32, #tpu.memory_space<vmem>> -> memref<1x128xi32, #tpu.memory_space<vmem>>
    %dma_start3A_675 = tpu.memref_squeeze %dma_start3A_674 : memref<1x128xi32, #tpu.memory_space<vmem>> -> memref<128xi32, #tpu.memory_space<vmem>>
    %dma_start3A_676 = arith.constant 0 : i32
    %dma_start3A_677 = arith.constant 0 : i32
    %dma_start3A_678 = tpu.memref_slice %arg10[%dma_start3A_676, %dma_start3A_677] : memref<10240x16xf32, #tpu.memory_space<vmem_shared>> -> memref<10240x16xf32, #tpu.memory_space<vmem_shared>>
    tpu.enqueue_indirect_dma source(%dma_start3A_672 : memref<128x16xf32, #tpu.memory_space<vmem>>) target(%dma_start3A_678 : memref<10240x16xf32, #tpu.memory_space<vmem_shared>>) offsets(%dma_start3A_675 : memref<128xi32, #tpu.memory_space<vmem>>) semaphore(%arg12 : memref<!tpu.dma_semaphore, #tpu.memory_space<semaphore_mem>>) {add = true}
    %dma_start3A_679 = arith.constant 35 : i32
    %dma_start3A_680 = arith.constant 1152 : i32
    %dma_start3A_681 = arith.constant 0 : i32
    %dma_start3A_682 = tpu.memref_slice %arg8[%dma_start3A_680, %dma_start3A_681] : memref<1664x16xf32, #tpu.memory_space<vmem>> -> memref<128x16xf32, #tpu.memory_space<vmem>>
    %dma_start3A_683 = arith.constant 0 : i32
    %dma_start3A_684 = tpu.memref_slice %arg5[%dma_start3A_679, %dma_start3A_683] : memref<79x128xi32, #tpu.memory_space<vmem>> -> memref<1x128xi32, #tpu.memory_space<vmem>>
    %dma_start3A_685 = tpu.memref_squeeze %dma_start3A_684 : memref<1x128xi32, #tpu.memory_space<vmem>> -> memref<128xi32, #tpu.memory_space<vmem>>
    %dma_start3A_686 = arith.constant 0 : i32
    %dma_start3A_687 = arith.constant 0 : i32
    %dma_start3A_688 = tpu.memref_slice %arg10[%dma_start3A_686, %dma_start3A_687] : memref<10240x16xf32, #tpu.memory_space<vmem_shared>> -> memref<10240x16xf32, #tpu.memory_space<vmem_shared>>
    tpu.enqueue_indirect_dma source(%dma_start3A_682 : memref<128x16xf32, #tpu.memory_space<vmem>>) target(%dma_start3A_688 : memref<10240x16xf32, #tpu.memory_space<vmem_shared>>) offsets(%dma_start3A_685 : memref<128xi32, #tpu.memory_space<vmem>>) semaphore(%arg12 : memref<!tpu.dma_semaphore, #tpu.memory_space<semaphore_mem>>) {add = true}
    %dma_start3A_689 = arith.constant 36 : i32
    %dma_start3A_690 = arith.constant 1280 : i32
    %dma_start3A_691 = arith.constant 0 : i32
    %dma_start3A_692 = tpu.memref_slice %arg8[%dma_start3A_690, %dma_start3A_691] : memref<1664x16xf32, #tpu.memory_space<vmem>> -> memref<128x16xf32, #tpu.memory_space<vmem>>
    %dma_start3A_693 = arith.constant 0 : i32
    %dma_start3A_694 = tpu.memref_slice %arg5[%dma_start3A_689, %dma_start3A_693] : memref<79x128xi32, #tpu.memory_space<vmem>> -> memref<1x128xi32, #tpu.memory_space<vmem>>
    %dma_start3A_695 = tpu.memref_squeeze %dma_start3A_694 : memref<1x128xi32, #tpu.memory_space<vmem>> -> memref<128xi32, #tpu.memory_space<vmem>>
    %dma_start3A_696 = arith.constant 0 : i32
    %dma_start3A_697 = arith.constant 0 : i32
    %dma_start3A_698 = tpu.memref_slice %arg10[%dma_start3A_696, %dma_start3A_697] : memref<10240x16xf32, #tpu.memory_space<vmem_shared>> -> memref<10240x16xf32, #tpu.memory_space<vmem_shared>>
    tpu.enqueue_indirect_dma source(%dma_start3A_692 : memref<128x16xf32, #tpu.memory_space<vmem>>) target(%dma_start3A_698 : memref<10240x16xf32, #tpu.memory_space<vmem_shared>>) offsets(%dma_start3A_695 : memref<128xi32, #tpu.memory_space<vmem>>) semaphore(%arg12 : memref<!tpu.dma_semaphore, #tpu.memory_space<semaphore_mem>>) {add = true}
    %dma_start3A_699 = arith.constant 37 : i32
    %dma_start3A_700 = arith.constant 1408 : i32
    %dma_start3A_701 = arith.constant 0 : i32
    %dma_start3A_702 = tpu.memref_slice %arg8[%dma_start3A_700, %dma_start3A_701] : memref<1664x16xf32, #tpu.memory_space<vmem>> -> memref<128x16xf32, #tpu.memory_space<vmem>>
    %dma_start3A_703 = arith.constant 0 : i32
    %dma_start3A_704 = tpu.memref_slice %arg5[%dma_start3A_699, %dma_start3A_703] : memref<79x128xi32, #tpu.memory_space<vmem>> -> memref<1x128xi32, #tpu.memory_space<vmem>>
    %dma_start3A_705 = tpu.memref_squeeze %dma_start3A_704 : memref<1x128xi32, #tpu.memory_space<vmem>> -> memref<128xi32, #tpu.memory_space<vmem>>
    %dma_start3A_706 = arith.constant 0 : i32
    %dma_start3A_707 = arith.constant 0 : i32
    %dma_start3A_708 = tpu.memref_slice %arg10[%dma_start3A_706, %dma_start3A_707] : memref<10240x16xf32, #tpu.memory_space<vmem_shared>> -> memref<10240x16xf32, #tpu.memory_space<vmem_shared>>
    tpu.enqueue_indirect_dma source(%dma_start3A_702 : memref<128x16xf32, #tpu.memory_space<vmem>>) target(%dma_start3A_708 : memref<10240x16xf32, #tpu.memory_space<vmem_shared>>) offsets(%dma_start3A_705 : memref<128xi32, #tpu.memory_space<vmem>>) semaphore(%arg12 : memref<!tpu.dma_semaphore, #tpu.memory_space<semaphore_mem>>) {add = true}
    %dma_start3A_709 = arith.constant 38 : i32
    %dma_start3A_710 = arith.constant 1536 : i32
    %dma_start3A_711 = arith.constant 0 : i32
    %dma_start3A_712 = tpu.memref_slice %arg8[%dma_start3A_710, %dma_start3A_711] : memref<1664x16xf32, #tpu.memory_space<vmem>> -> memref<128x16xf32, #tpu.memory_space<vmem>>
    %dma_start3A_713 = arith.constant 0 : i32
    %dma_start3A_714 = tpu.memref_slice %arg5[%dma_start3A_709, %dma_start3A_713] : memref<79x128xi32, #tpu.memory_space<vmem>> -> memref<1x128xi32, #tpu.memory_space<vmem>>
    %dma_start3A_715 = tpu.memref_squeeze %dma_start3A_714 : memref<1x128xi32, #tpu.memory_space<vmem>> -> memref<128xi32, #tpu.memory_space<vmem>>
    %dma_start3A_716 = arith.constant 0 : i32
    %dma_start3A_717 = arith.constant 0 : i32
    %dma_start3A_718 = tpu.memref_slice %arg10[%dma_start3A_716, %dma_start3A_717] : memref<10240x16xf32, #tpu.memory_space<vmem_shared>> -> memref<10240x16xf32, #tpu.memory_space<vmem_shared>>
    tpu.enqueue_indirect_dma source(%dma_start3A_712 : memref<128x16xf32, #tpu.memory_space<vmem>>) target(%dma_start3A_718 : memref<10240x16xf32, #tpu.memory_space<vmem_shared>>) offsets(%dma_start3A_715 : memref<128xi32, #tpu.memory_space<vmem>>) semaphore(%arg12 : memref<!tpu.dma_semaphore, #tpu.memory_space<semaphore_mem>>) {add = true}
    %add3A_719 = arith.constant 52 : i32
    %add3A_720 = arith.addi %add3A_8, %add3A_719 : i32
    %dma_start3A_721 = arith.constant 0 : i32
    %dma_start3A_722 = arith.constant 0 : i32
    %dma_start3A_723 = arith.constant 0 : i32
    %dma_start3A_724 = arith.constant 0 : i32
    %dma_start3A_725 = tpu.memref_slice %arg6[%dma_start3A_721, %dma_start3A_722, %dma_start3A_723, %dma_start3A_724] : memref<2x13x8x129xf32, #tpu.memory_space<vmem>> -> memref<2x13x8x128xf32, #tpu.memory_space<vmem>>
    %dma_start3A_726 = arith.constant 0 : i32
    %dma_start3A_727 = arith.constant 0 : i32
    %dma_start3A_728 = arith.constant 0 : i32
    %dma_start3A_729 = tpu.memref_slice %arg3[%dma_start3A_726, %add3A_720, %dma_start3A_727, %dma_start3A_728] : memref<2x2500x8x128xf32, #tpu.memory_space<hbm>> -> memref<2x13x8x128xf32, #tpu.memory_space<hbm>>
    %dma_start3A_730 = arith.constant 0 : i32
    %dma_start3A_731 = arith.constant 0 : i32
    %dma_start3A_732 = arith.constant 0 : i32
    %dma_start3A_733 = arith.constant 0 : i32
    %dma_start3A_734 = tpu.memref_slice %arg6[%dma_start3A_730, %dma_start3A_731, %dma_start3A_732, %dma_start3A_733] : memref<2x13x8x129xf32, #tpu.memory_space<vmem>> -> memref<2x13x8x128xf32, #tpu.memory_space<vmem>>
    %dma_start3A_735 = arith.constant 0 : i32
    %dma_start3A_736 = arith.constant 0 : i32
    %dma_start3A_737 = arith.constant 0 : i32
    %dma_start3A_738 = tpu.memref_slice %arg3[%dma_start3A_735, %add3A_720, %dma_start3A_736, %dma_start3A_737] : memref<2x2500x8x128xf32, #tpu.memory_space<hbm>> -> memref<2x13x8x128xf32, #tpu.memory_space<hbm>>
    tpu.enqueue_dma source(%dma_start3A_738 : memref<2x13x8x128xf32, #tpu.memory_space<hbm>>) target(%dma_start3A_734 : memref<2x13x8x128xf32, #tpu.memory_space<vmem>>) target_semaphore(%arg11 : memref<!tpu.dma_semaphore, #tpu.memory_space<semaphore_mem>>)
    %dma_wait3A_739 = arith.constant 13 : i32
    %dma_wait3A_740 = arith.constant 0 : i32
    %dma_wait3A_741 = arith.constant 0 : i32
    %dma_wait3A_742 = tpu.memref_slice %arg9[%dma_wait3A_740, %dma_wait3A_741] : memref<1664x16xf32, #tpu.memory_space<vmem>> -> memref<128x16xf32, #tpu.memory_space<vmem>>
    %dma_wait3A_743 = arith.constant 0 : i32
    %dma_wait3A_744 = tpu.memref_slice %arg5[%dma_wait3A_739, %dma_wait3A_743] : memref<79x128xi32, #tpu.memory_space<vmem>> -> memref<1x128xi32, #tpu.memory_space<vmem>>
    %dma_wait3A_745 = tpu.memref_squeeze %dma_wait3A_744 : memref<1x128xi32, #tpu.memory_space<vmem>> -> memref<128xi32, #tpu.memory_space<vmem>>
    %dma_wait3A_746 = arith.constant 0 : i32
    %dma_wait3A_747 = arith.constant 0 : i32
    %dma_wait3A_748 = tpu.memref_slice %arg10[%dma_wait3A_746, %dma_wait3A_747] : memref<10240x16xf32, #tpu.memory_space<vmem_shared>> -> memref<10240x16xf32, #tpu.memory_space<vmem_shared>>
    tpu.wait_indirect_dma semaphore(%arg12 : memref<!tpu.dma_semaphore, #tpu.memory_space<semaphore_mem>>) src(%dma_wait3A_742 : memref<128x16xf32, #tpu.memory_space<vmem>>) dst(%dma_wait3A_748 : memref<10240x16xf32, #tpu.memory_space<vmem_shared>>)
    %dma_wait3A_749 = arith.constant 14 : i32
    %dma_wait3A_750 = arith.constant 128 : i32
    %dma_wait3A_751 = arith.constant 0 : i32
    %dma_wait3A_752 = tpu.memref_slice %arg9[%dma_wait3A_750, %dma_wait3A_751] : memref<1664x16xf32, #tpu.memory_space<vmem>> -> memref<128x16xf32, #tpu.memory_space<vmem>>
    %dma_wait3A_753 = arith.constant 0 : i32
    %dma_wait3A_754 = tpu.memref_slice %arg5[%dma_wait3A_749, %dma_wait3A_753] : memref<79x128xi32, #tpu.memory_space<vmem>> -> memref<1x128xi32, #tpu.memory_space<vmem>>
    %dma_wait3A_755 = tpu.memref_squeeze %dma_wait3A_754 : memref<1x128xi32, #tpu.memory_space<vmem>> -> memref<128xi32, #tpu.memory_space<vmem>>
    %dma_wait3A_756 = arith.constant 0 : i32
    %dma_wait3A_757 = arith.constant 0 : i32
    %dma_wait3A_758 = tpu.memref_slice %arg10[%dma_wait3A_756, %dma_wait3A_757] : memref<10240x16xf32, #tpu.memory_space<vmem_shared>> -> memref<10240x16xf32, #tpu.memory_space<vmem_shared>>
    tpu.wait_indirect_dma semaphore(%arg12 : memref<!tpu.dma_semaphore, #tpu.memory_space<semaphore_mem>>) src(%dma_wait3A_752 : memref<128x16xf32, #tpu.memory_space<vmem>>) dst(%dma_wait3A_758 : memref<10240x16xf32, #tpu.memory_space<vmem_shared>>)
    %dma_wait3A_759 = arith.constant 15 : i32
    %dma_wait3A_760 = arith.constant 256 : i32
    %dma_wait3A_761 = arith.constant 0 : i32
    %dma_wait3A_762 = tpu.memref_slice %arg9[%dma_wait3A_760, %dma_wait3A_761] : memref<1664x16xf32, #tpu.memory_space<vmem>> -> memref<128x16xf32, #tpu.memory_space<vmem>>
    %dma_wait3A_763 = arith.constant 0 : i32
    %dma_wait3A_764 = tpu.memref_slice %arg5[%dma_wait3A_759, %dma_wait3A_763] : memref<79x128xi32, #tpu.memory_space<vmem>> -> memref<1x128xi32, #tpu.memory_space<vmem>>
    %dma_wait3A_765 = tpu.memref_squeeze %dma_wait3A_764 : memref<1x128xi32, #tpu.memory_space<vmem>> -> memref<128xi32, #tpu.memory_space<vmem>>
    %dma_wait3A_766 = arith.constant 0 : i32
    %dma_wait3A_767 = arith.constant 0 : i32
    %dma_wait3A_768 = tpu.memref_slice %arg10[%dma_wait3A_766, %dma_wait3A_767] : memref<10240x16xf32, #tpu.memory_space<vmem_shared>> -> memref<10240x16xf32, #tpu.memory_space<vmem_shared>>
    tpu.wait_indirect_dma semaphore(%arg12 : memref<!tpu.dma_semaphore, #tpu.memory_space<semaphore_mem>>) src(%dma_wait3A_762 : memref<128x16xf32, #tpu.memory_space<vmem>>) dst(%dma_wait3A_768 : memref<10240x16xf32, #tpu.memory_space<vmem_shared>>)
    %dma_wait3A_769 = arith.constant 16 : i32
    %dma_wait3A_770 = arith.constant 384 : i32
    %dma_wait3A_771 = arith.constant 0 : i32
    %dma_wait3A_772 = tpu.memref_slice %arg9[%dma_wait3A_770, %dma_wait3A_771] : memref<1664x16xf32, #tpu.memory_space<vmem>> -> memref<128x16xf32, #tpu.memory_space<vmem>>
    %dma_wait3A_773 = arith.constant 0 : i32
    %dma_wait3A_774 = tpu.memref_slice %arg5[%dma_wait3A_769, %dma_wait3A_773] : memref<79x128xi32, #tpu.memory_space<vmem>> -> memref<1x128xi32, #tpu.memory_space<vmem>>
    %dma_wait3A_775 = tpu.memref_squeeze %dma_wait3A_774 : memref<1x128xi32, #tpu.memory_space<vmem>> -> memref<128xi32, #tpu.memory_space<vmem>>
    %dma_wait3A_776 = arith.constant 0 : i32
    %dma_wait3A_777 = arith.constant 0 : i32
    %dma_wait3A_778 = tpu.memref_slice %arg10[%dma_wait3A_776, %dma_wait3A_777] : memref<10240x16xf32, #tpu.memory_space<vmem_shared>> -> memref<10240x16xf32, #tpu.memory_space<vmem_shared>>
    tpu.wait_indirect_dma semaphore(%arg12 : memref<!tpu.dma_semaphore, #tpu.memory_space<semaphore_mem>>) src(%dma_wait3A_772 : memref<128x16xf32, #tpu.memory_space<vmem>>) dst(%dma_wait3A_778 : memref<10240x16xf32, #tpu.memory_space<vmem_shared>>)
    %dma_wait3A_779 = arith.constant 17 : i32
    %dma_wait3A_780 = arith.constant 512 : i32
    %dma_wait3A_781 = arith.constant 0 : i32
    %dma_wait3A_782 = tpu.memref_slice %arg9[%dma_wait3A_780, %dma_wait3A_781] : memref<1664x16xf32, #tpu.memory_space<vmem>> -> memref<128x16xf32, #tpu.memory_space<vmem>>
    %dma_wait3A_783 = arith.constant 0 : i32
    %dma_wait3A_784 = tpu.memref_slice %arg5[%dma_wait3A_779, %dma_wait3A_783] : memref<79x128xi32, #tpu.memory_space<vmem>> -> memref<1x128xi32, #tpu.memory_space<vmem>>
    %dma_wait3A_785 = tpu.memref_squeeze %dma_wait3A_784 : memref<1x128xi32, #tpu.memory_space<vmem>> -> memref<128xi32, #tpu.memory_space<vmem>>
    %dma_wait3A_786 = arith.constant 0 : i32
    %dma_wait3A_787 = arith.constant 0 : i32
    %dma_wait3A_788 = tpu.memref_slice %arg10[%dma_wait3A_786, %dma_wait3A_787] : memref<10240x16xf32, #tpu.memory_space<vmem_shared>> -> memref<10240x16xf32, #tpu.memory_space<vmem_shared>>
    tpu.wait_indirect_dma semaphore(%arg12 : memref<!tpu.dma_semaphore, #tpu.memory_space<semaphore_mem>>) src(%dma_wait3A_782 : memref<128x16xf32, #tpu.memory_space<vmem>>) dst(%dma_wait3A_788 : memref<10240x16xf32, #tpu.memory_space<vmem_shared>>)
    %dma_wait3A_789 = arith.constant 18 : i32
    %dma_wait3A_790 = arith.constant 640 : i32
    %dma_wait3A_791 = arith.constant 0 : i32
    %dma_wait3A_792 = tpu.memref_slice %arg9[%dma_wait3A_790, %dma_wait3A_791] : memref<1664x16xf32, #tpu.memory_space<vmem>> -> memref<128x16xf32, #tpu.memory_space<vmem>>
    %dma_wait3A_793 = arith.constant 0 : i32
    %dma_wait3A_794 = tpu.memref_slice %arg5[%dma_wait3A_789, %dma_wait3A_793] : memref<79x128xi32, #tpu.memory_space<vmem>> -> memref<1x128xi32, #tpu.memory_space<vmem>>
    %dma_wait3A_795 = tpu.memref_squeeze %dma_wait3A_794 : memref<1x128xi32, #tpu.memory_space<vmem>> -> memref<128xi32, #tpu.memory_space<vmem>>
    %dma_wait3A_796 = arith.constant 0 : i32
    %dma_wait3A_797 = arith.constant 0 : i32
    %dma_wait3A_798 = tpu.memref_slice %arg10[%dma_wait3A_796, %dma_wait3A_797] : memref<10240x16xf32, #tpu.memory_space<vmem_shared>> -> memref<10240x16xf32, #tpu.memory_space<vmem_shared>>
    tpu.wait_indirect_dma semaphore(%arg12 : memref<!tpu.dma_semaphore, #tpu.memory_space<semaphore_mem>>) src(%dma_wait3A_792 : memref<128x16xf32, #tpu.memory_space<vmem>>) dst(%dma_wait3A_798 : memref<10240x16xf32, #tpu.memory_space<vmem_shared>>)
    %dma_wait3A_799 = arith.constant 19 : i32
    %dma_wait3A_800 = arith.constant 768 : i32
    %dma_wait3A_801 = arith.constant 0 : i32
    %dma_wait3A_802 = tpu.memref_slice %arg9[%dma_wait3A_800, %dma_wait3A_801] : memref<1664x16xf32, #tpu.memory_space<vmem>> -> memref<128x16xf32, #tpu.memory_space<vmem>>
    %dma_wait3A_803 = arith.constant 0 : i32
    %dma_wait3A_804 = tpu.memref_slice %arg5[%dma_wait3A_799, %dma_wait3A_803] : memref<79x128xi32, #tpu.memory_space<vmem>> -> memref<1x128xi32, #tpu.memory_space<vmem>>
    %dma_wait3A_805 = tpu.memref_squeeze %dma_wait3A_804 : memref<1x128xi32, #tpu.memory_space<vmem>> -> memref<128xi32, #tpu.memory_space<vmem>>
    %dma_wait3A_806 = arith.constant 0 : i32
    %dma_wait3A_807 = arith.constant 0 : i32
    %dma_wait3A_808 = tpu.memref_slice %arg10[%dma_wait3A_806, %dma_wait3A_807] : memref<10240x16xf32, #tpu.memory_space<vmem_shared>> -> memref<10240x16xf32, #tpu.memory_space<vmem_shared>>
    tpu.wait_indirect_dma semaphore(%arg12 : memref<!tpu.dma_semaphore, #tpu.memory_space<semaphore_mem>>) src(%dma_wait3A_802 : memref<128x16xf32, #tpu.memory_space<vmem>>) dst(%dma_wait3A_808 : memref<10240x16xf32, #tpu.memory_space<vmem_shared>>)
    %dma_wait3A_809 = arith.constant 20 : i32
    %dma_wait3A_810 = arith.constant 896 : i32
    %dma_wait3A_811 = arith.constant 0 : i32
    %dma_wait3A_812 = tpu.memref_slice %arg9[%dma_wait3A_810, %dma_wait3A_811] : memref<1664x16xf32, #tpu.memory_space<vmem>> -> memref<128x16xf32, #tpu.memory_space<vmem>>
    %dma_wait3A_813 = arith.constant 0 : i32
    %dma_wait3A_814 = tpu.memref_slice %arg5[%dma_wait3A_809, %dma_wait3A_813] : memref<79x128xi32, #tpu.memory_space<vmem>> -> memref<1x128xi32, #tpu.memory_space<vmem>>
    %dma_wait3A_815 = tpu.memref_squeeze %dma_wait3A_814 : memref<1x128xi32, #tpu.memory_space<vmem>> -> memref<128xi32, #tpu.memory_space<vmem>>
    %dma_wait3A_816 = arith.constant 0 : i32
    %dma_wait3A_817 = arith.constant 0 : i32
    %dma_wait3A_818 = tpu.memref_slice %arg10[%dma_wait3A_816, %dma_wait3A_817] : memref<10240x16xf32, #tpu.memory_space<vmem_shared>> -> memref<10240x16xf32, #tpu.memory_space<vmem_shared>>
    tpu.wait_indirect_dma semaphore(%arg12 : memref<!tpu.dma_semaphore, #tpu.memory_space<semaphore_mem>>) src(%dma_wait3A_812 : memref<128x16xf32, #tpu.memory_space<vmem>>) dst(%dma_wait3A_818 : memref<10240x16xf32, #tpu.memory_space<vmem_shared>>)
    %dma_wait3A_819 = arith.constant 21 : i32
    %dma_wait3A_820 = arith.constant 1024 : i32
    %dma_wait3A_821 = arith.constant 0 : i32
    %dma_wait3A_822 = tpu.memref_slice %arg9[%dma_wait3A_820, %dma_wait3A_821] : memref<1664x16xf32, #tpu.memory_space<vmem>> -> memref<128x16xf32, #tpu.memory_space<vmem>>
    %dma_wait3A_823 = arith.constant 0 : i32
    %dma_wait3A_824 = tpu.memref_slice %arg5[%dma_wait3A_819, %dma_wait3A_823] : memref<79x128xi32, #tpu.memory_space<vmem>> -> memref<1x128xi32, #tpu.memory_space<vmem>>
    %dma_wait3A_825 = tpu.memref_squeeze %dma_wait3A_824 : memref<1x128xi32, #tpu.memory_space<vmem>> -> memref<128xi32, #tpu.memory_space<vmem>>
    %dma_wait3A_826 = arith.constant 0 : i32
    %dma_wait3A_827 = arith.constant 0 : i32
    %dma_wait3A_828 = tpu.memref_slice %arg10[%dma_wait3A_826, %dma_wait3A_827] : memref<10240x16xf32, #tpu.memory_space<vmem_shared>> -> memref<10240x16xf32, #tpu.memory_space<vmem_shared>>
    tpu.wait_indirect_dma semaphore(%arg12 : memref<!tpu.dma_semaphore, #tpu.memory_space<semaphore_mem>>) src(%dma_wait3A_822 : memref<128x16xf32, #tpu.memory_space<vmem>>) dst(%dma_wait3A_828 : memref<10240x16xf32, #tpu.memory_space<vmem_shared>>)
    %dma_wait3A_829 = arith.constant 22 : i32
    %dma_wait3A_830 = arith.constant 1152 : i32
    %dma_wait3A_831 = arith.constant 0 : i32
    %dma_wait3A_832 = tpu.memref_slice %arg9[%dma_wait3A_830, %dma_wait3A_831] : memref<1664x16xf32, #tpu.memory_space<vmem>> -> memref<128x16xf32, #tpu.memory_space<vmem>>
    %dma_wait3A_833 = arith.constant 0 : i32
    %dma_wait3A_834 = tpu.memref_slice %arg5[%dma_wait3A_829, %dma_wait3A_833] : memref<79x128xi32, #tpu.memory_space<vmem>> -> memref<1x128xi32, #tpu.memory_space<vmem>>
    %dma_wait3A_835 = tpu.memref_squeeze %dma_wait3A_834 : memref<1x128xi32, #tpu.memory_space<vmem>> -> memref<128xi32, #tpu.memory_space<vmem>>
    %dma_wait3A_836 = arith.constant 0 : i32
    %dma_wait3A_837 = arith.constant 0 : i32
    %dma_wait3A_838 = tpu.memref_slice %arg10[%dma_wait3A_836, %dma_wait3A_837] : memref<10240x16xf32, #tpu.memory_space<vmem_shared>> -> memref<10240x16xf32, #tpu.memory_space<vmem_shared>>
    tpu.wait_indirect_dma semaphore(%arg12 : memref<!tpu.dma_semaphore, #tpu.memory_space<semaphore_mem>>) src(%dma_wait3A_832 : memref<128x16xf32, #tpu.memory_space<vmem>>) dst(%dma_wait3A_838 : memref<10240x16xf32, #tpu.memory_space<vmem_shared>>)
    %dma_wait3A_839 = arith.constant 23 : i32
    %dma_wait3A_840 = arith.constant 1280 : i32
    %dma_wait3A_841 = arith.constant 0 : i32
    %dma_wait3A_842 = tpu.memref_slice %arg9[%dma_wait3A_840, %dma_wait3A_841] : memref<1664x16xf32, #tpu.memory_space<vmem>> -> memref<128x16xf32, #tpu.memory_space<vmem>>
    %dma_wait3A_843 = arith.constant 0 : i32
    %dma_wait3A_844 = tpu.memref_slice %arg5[%dma_wait3A_839, %dma_wait3A_843] : memref<79x128xi32, #tpu.memory_space<vmem>> -> memref<1x128xi32, #tpu.memory_space<vmem>>
    %dma_wait3A_845 = tpu.memref_squeeze %dma_wait3A_844 : memref<1x128xi32, #tpu.memory_space<vmem>> -> memref<128xi32, #tpu.memory_space<vmem>>
    %dma_wait3A_846 = arith.constant 0 : i32
    %dma_wait3A_847 = arith.constant 0 : i32
    %dma_wait3A_848 = tpu.memref_slice %arg10[%dma_wait3A_846, %dma_wait3A_847] : memref<10240x16xf32, #tpu.memory_space<vmem_shared>> -> memref<10240x16xf32, #tpu.memory_space<vmem_shared>>
    tpu.wait_indirect_dma semaphore(%arg12 : memref<!tpu.dma_semaphore, #tpu.memory_space<semaphore_mem>>) src(%dma_wait3A_842 : memref<128x16xf32, #tpu.memory_space<vmem>>) dst(%dma_wait3A_848 : memref<10240x16xf32, #tpu.memory_space<vmem_shared>>)
    %dma_wait3A_849 = arith.constant 24 : i32
    %dma_wait3A_850 = arith.constant 1408 : i32
    %dma_wait3A_851 = arith.constant 0 : i32
    %dma_wait3A_852 = tpu.memref_slice %arg9[%dma_wait3A_850, %dma_wait3A_851] : memref<1664x16xf32, #tpu.memory_space<vmem>> -> memref<128x16xf32, #tpu.memory_space<vmem>>
    %dma_wait3A_853 = arith.constant 0 : i32
    %dma_wait3A_854 = tpu.memref_slice %arg5[%dma_wait3A_849, %dma_wait3A_853] : memref<79x128xi32, #tpu.memory_space<vmem>> -> memref<1x128xi32, #tpu.memory_space<vmem>>
    %dma_wait3A_855 = tpu.memref_squeeze %dma_wait3A_854 : memref<1x128xi32, #tpu.memory_space<vmem>> -> memref<128xi32, #tpu.memory_space<vmem>>
    %dma_wait3A_856 = arith.constant 0 : i32
    %dma_wait3A_857 = arith.constant 0 : i32
    %dma_wait3A_858 = tpu.memref_slice %arg10[%dma_wait3A_856, %dma_wait3A_857] : memref<10240x16xf32, #tpu.memory_space<vmem_shared>> -> memref<10240x16xf32, #tpu.memory_space<vmem_shared>>
    tpu.wait_indirect_dma semaphore(%arg12 : memref<!tpu.dma_semaphore, #tpu.memory_space<semaphore_mem>>) src(%dma_wait3A_852 : memref<128x16xf32, #tpu.memory_space<vmem>>) dst(%dma_wait3A_858 : memref<10240x16xf32, #tpu.memory_space<vmem_shared>>)
    %dma_wait3A_859 = arith.constant 25 : i32
    %dma_wait3A_860 = arith.constant 1536 : i32
    %dma_wait3A_861 = arith.constant 0 : i32
    %dma_wait3A_862 = tpu.memref_slice %arg9[%dma_wait3A_860, %dma_wait3A_861] : memref<1664x16xf32, #tpu.memory_space<vmem>> -> memref<128x16xf32, #tpu.memory_space<vmem>>
    %dma_wait3A_863 = arith.constant 0 : i32
    %dma_wait3A_864 = tpu.memref_slice %arg5[%dma_wait3A_859, %dma_wait3A_863] : memref<79x128xi32, #tpu.memory_space<vmem>> -> memref<1x128xi32, #tpu.memory_space<vmem>>
    %dma_wait3A_865 = tpu.memref_squeeze %dma_wait3A_864 : memref<1x128xi32, #tpu.memory_space<vmem>> -> memref<128xi32, #tpu.memory_space<vmem>>
    %dma_wait3A_866 = arith.constant 0 : i32
    %dma_wait3A_867 = arith.constant 0 : i32
    %dma_wait3A_868 = tpu.memref_slice %arg10[%dma_wait3A_866, %dma_wait3A_867] : memref<10240x16xf32, #tpu.memory_space<vmem_shared>> -> memref<10240x16xf32, #tpu.memory_space<vmem_shared>>
    tpu.wait_indirect_dma semaphore(%arg12 : memref<!tpu.dma_semaphore, #tpu.memory_space<semaphore_mem>>) src(%dma_wait3A_862 : memref<128x16xf32, #tpu.memory_space<vmem>>) dst(%dma_wait3A_868 : memref<10240x16xf32, #tpu.memory_space<vmem_shared>>)
    %dma_wait3A_869 = arith.constant 0 : i32
    %dma_wait3A_870 = arith.constant 0 : i32
    %dma_wait3A_871 = arith.constant 0 : i32
    %dma_wait3A_872 = arith.constant 0 : i32
    %dma_wait3A_873 = tpu.memref_slice %arg7[%dma_wait3A_869, %dma_wait3A_870, %dma_wait3A_871, %dma_wait3A_872] : memref<2x13x8x129xf32, #tpu.memory_space<vmem>> -> memref<2x13x8x128xf32, #tpu.memory_space<vmem>>
    %dma_wait3A_874 = arith.constant 0 : i32
    %dma_wait3A_875 = arith.constant 0 : i32
    %dma_wait3A_876 = arith.constant 0 : i32
    %dma_wait3A_877 = tpu.memref_slice %arg3[%dma_wait3A_874, %add3A_416, %dma_wait3A_875, %dma_wait3A_876] : memref<2x2500x8x128xf32, #tpu.memory_space<hbm>> -> memref<2x13x8x128xf32, #tpu.memory_space<hbm>>
    %dma_wait3A_878 = arith.constant 0 : i32
    %dma_wait3A_879 = arith.constant 0 : i32
    %dma_wait3A_880 = arith.constant 0 : i32
    %dma_wait3A_881 = arith.constant 0 : i32
    %dma_wait3A_882 = tpu.memref_slice %arg7[%dma_wait3A_878, %dma_wait3A_879, %dma_wait3A_880, %dma_wait3A_881] : memref<2x13x8x129xf32, #tpu.memory_space<vmem>> -> memref<2x13x8x128xf32, #tpu.memory_space<vmem>>
    %dma_wait3A_883 = arith.constant 0 : i32
    %dma_wait3A_884 = arith.constant 0 : i32
    %dma_wait3A_885 = arith.constant 0 : i32
    %dma_wait3A_886 = tpu.memref_slice %arg3[%dma_wait3A_883, %add3A_416, %dma_wait3A_884, %dma_wait3A_885] : memref<2x2500x8x128xf32, #tpu.memory_space<hbm>> -> memref<2x13x8x128xf32, #tpu.memory_space<hbm>>
    tpu.wait_dma2 semaphore(%arg11 : memref<!tpu.dma_semaphore, #tpu.memory_space<semaphore_mem>>) src(%dma_wait3A_886 : memref<2x13x8x128xf32, #tpu.memory_space<hbm>>) dst(%dma_wait3A_882 : memref<2x13x8x128xf32, #tpu.memory_space<vmem>>)
    %scan3A_887 = arith.constant 0 : i32
    %scan3A_888 = arith.constant 0 : i32
    %scan3A_889 = arith.constant 13 : i32
    %scan3A_890 = arith.addi %scan3A_888, %scan3A_889 : i32
    %scan3A_891 = arith.constant 1 : i32
    scf.for %scan3A_1875 = %scan3A_888 to %scan3A_890 step %scan3A_891  : i32 {
      %broadcast_in_dim3A = vector.broadcast %scan3A_1875 : i32 to vector<16xi32>
      %mul3A_1876 = arith.constant 128 : i32
      %mul3A_1877 = arith.muli %scan3A_1875, %mul3A_1876 : i32
      %parallel_loop3A_1878 = arith.constant 0 : i32
      %parallel_loop3A_1879 = arith.constant 128 : i32
      %parallel_loop3A_1880 = arith.constant 1 : i32
      scf.for %parallel_loop3A_1881 = %parallel_loop3A_1878 to %parallel_loop3A_1879 step %parallel_loop3A_1880  : i32 {
        %parallel_loop3A_1882 = vector.broadcast %parallel_loop3A_1881 : i32 to vector<16xi32>
        %parallel_loop3A_1883 = tpu.vector_load_idx %arg7[%select_n3A, %broadcast_in_dim3A, %select_n3A_51, %parallel_loop3A_1882] : memref<2x13x8x129xf32, #tpu.memory_space<vmem>>[vector<16xi32>, vector<16xi32>, vector<16xi32>, vector<16xi32>], vector<16xf32>,
        %parallel_loop3A_1884 = arith.addi %mul3A_1877, %parallel_loop3A_1881 : i32
        %parallel_loop3A_1885 = arith.index_cast %parallel_loop3A_1884 : i32 to index
        %parallel_loop3A_1886 = arith.constant 0 : index
        %parallel_loop3A_1887 = tpu.vector_load %arg9[%parallel_loop3A_1885, %parallel_loop3A_1886] {strides = array<i32>} : memref<1664x16xf32, #tpu.memory_space<vmem>>, vector<16xf32>,
        tpu.vector_store %arg9[%parallel_loop3A_1885, %parallel_loop3A_1886], %parallel_loop3A_1883 {strides = array<i32>} : memref<1664x16xf32, #tpu.memory_space<vmem>>, vector<16xf32>,
      } {sc.loop_unroll_factor = 16 : i64, sc.parallel_access}
    }
    %scan3A_892 = arith.constant 13 : i32
    %dma_start3A_893 = arith.constant 39 : i32
    %dma_start3A_894 = arith.constant 0 : i32
    %dma_start3A_895 = arith.constant 0 : i32
    %dma_start3A_896 = tpu.memref_slice %arg9[%dma_start3A_894, %dma_start3A_895] : memref<1664x16xf32, #tpu.memory_space<vmem>> -> memref<128x16xf32, #tpu.memory_space<vmem>>
    %dma_start3A_897 = arith.constant 0 : i32
    %dma_start3A_898 = tpu.memref_slice %arg5[%dma_start3A_893, %dma_start3A_897] : memref<79x128xi32, #tpu.memory_space<vmem>> -> memref<1x128xi32, #tpu.memory_space<vmem>>
    %dma_start3A_899 = tpu.memref_squeeze %dma_start3A_898 : memref<1x128xi32, #tpu.memory_space<vmem>> -> memref<128xi32, #tpu.memory_space<vmem>>
    %dma_start3A_900 = arith.constant 0 : i32
    %dma_start3A_901 = arith.constant 0 : i32
    %dma_start3A_902 = tpu.memref_slice %arg10[%dma_start3A_900, %dma_start3A_901] : memref<10240x16xf32, #tpu.memory_space<vmem_shared>> -> memref<10240x16xf32, #tpu.memory_space<vmem_shared>>
    tpu.enqueue_indirect_dma source(%dma_start3A_896 : memref<128x16xf32, #tpu.memory_space<vmem>>) target(%dma_start3A_902 : memref<10240x16xf32, #tpu.memory_space<vmem_shared>>) offsets(%dma_start3A_899 : memref<128xi32, #tpu.memory_space<vmem>>) semaphore(%arg12 : memref<!tpu.dma_semaphore, #tpu.memory_space<semaphore_mem>>) {add = true}
    %dma_start3A_903 = arith.constant 40 : i32
    %dma_start3A_904 = arith.constant 128 : i32
    %dma_start3A_905 = arith.constant 0 : i32
    %dma_start3A_906 = tpu.memref_slice %arg9[%dma_start3A_904, %dma_start3A_905] : memref<1664x16xf32, #tpu.memory_space<vmem>> -> memref<128x16xf32, #tpu.memory_space<vmem>>
    %dma_start3A_907 = arith.constant 0 : i32
    %dma_start3A_908 = tpu.memref_slice %arg5[%dma_start3A_903, %dma_start3A_907] : memref<79x128xi32, #tpu.memory_space<vmem>> -> memref<1x128xi32, #tpu.memory_space<vmem>>
    %dma_start3A_909 = tpu.memref_squeeze %dma_start3A_908 : memref<1x128xi32, #tpu.memory_space<vmem>> -> memref<128xi32, #tpu.memory_space<vmem>>
    %dma_start3A_910 = arith.constant 0 : i32
    %dma_start3A_911 = arith.constant 0 : i32
    %dma_start3A_912 = tpu.memref_slice %arg10[%dma_start3A_910, %dma_start3A_911] : memref<10240x16xf32, #tpu.memory_space<vmem_shared>> -> memref<10240x16xf32, #tpu.memory_space<vmem_shared>>
    tpu.enqueue_indirect_dma source(%dma_start3A_906 : memref<128x16xf32, #tpu.memory_space<vmem>>) target(%dma_start3A_912 : memref<10240x16xf32, #tpu.memory_space<vmem_shared>>) offsets(%dma_start3A_909 : memref<128xi32, #tpu.memory_space<vmem>>) semaphore(%arg12 : memref<!tpu.dma_semaphore, #tpu.memory_space<semaphore_mem>>) {add = true}
    %dma_start3A_913 = arith.constant 41 : i32
    %dma_start3A_914 = arith.constant 256 : i32
    %dma_start3A_915 = arith.constant 0 : i32
    %dma_start3A_916 = tpu.memref_slice %arg9[%dma_start3A_914, %dma_start3A_915] : memref<1664x16xf32, #tpu.memory_space<vmem>> -> memref<128x16xf32, #tpu.memory_space<vmem>>
    %dma_start3A_917 = arith.constant 0 : i32
    %dma_start3A_918 = tpu.memref_slice %arg5[%dma_start3A_913, %dma_start3A_917] : memref<79x128xi32, #tpu.memory_space<vmem>> -> memref<1x128xi32, #tpu.memory_space<vmem>>
    %dma_start3A_919 = tpu.memref_squeeze %dma_start3A_918 : memref<1x128xi32, #tpu.memory_space<vmem>> -> memref<128xi32, #tpu.memory_space<vmem>>
    %dma_start3A_920 = arith.constant 0 : i32
    %dma_start3A_921 = arith.constant 0 : i32
    %dma_start3A_922 = tpu.memref_slice %arg10[%dma_start3A_920, %dma_start3A_921] : memref<10240x16xf32, #tpu.memory_space<vmem_shared>> -> memref<10240x16xf32, #tpu.memory_space<vmem_shared>>
    tpu.enqueue_indirect_dma source(%dma_start3A_916 : memref<128x16xf32, #tpu.memory_space<vmem>>) target(%dma_start3A_922 : memref<10240x16xf32, #tpu.memory_space<vmem_shared>>) offsets(%dma_start3A_919 : memref<128xi32, #tpu.memory_space<vmem>>) semaphore(%arg12 : memref<!tpu.dma_semaphore, #tpu.memory_space<semaphore_mem>>) {add = true}
    %dma_start3A_923 = arith.constant 42 : i32
    %dma_start3A_924 = arith.constant 384 : i32
    %dma_start3A_925 = arith.constant 0 : i32
    %dma_start3A_926 = tpu.memref_slice %arg9[%dma_start3A_924, %dma_start3A_925] : memref<1664x16xf32, #tpu.memory_space<vmem>> -> memref<128x16xf32, #tpu.memory_space<vmem>>
    %dma_start3A_927 = arith.constant 0 : i32
    %dma_start3A_928 = tpu.memref_slice %arg5[%dma_start3A_923, %dma_start3A_927] : memref<79x128xi32, #tpu.memory_space<vmem>> -> memref<1x128xi32, #tpu.memory_space<vmem>>
    %dma_start3A_929 = tpu.memref_squeeze %dma_start3A_928 : memref<1x128xi32, #tpu.memory_space<vmem>> -> memref<128xi32, #tpu.memory_space<vmem>>
    %dma_start3A_930 = arith.constant 0 : i32
    %dma_start3A_931 = arith.constant 0 : i32
    %dma_start3A_932 = tpu.memref_slice %arg10[%dma_start3A_930, %dma_start3A_931] : memref<10240x16xf32, #tpu.memory_space<vmem_shared>> -> memref<10240x16xf32, #tpu.memory_space<vmem_shared>>
    tpu.enqueue_indirect_dma source(%dma_start3A_926 : memref<128x16xf32, #tpu.memory_space<vmem>>) target(%dma_start3A_932 : memref<10240x16xf32, #tpu.memory_space<vmem_shared>>) offsets(%dma_start3A_929 : memref<128xi32, #tpu.memory_space<vmem>>) semaphore(%arg12 : memref<!tpu.dma_semaphore, #tpu.memory_space<semaphore_mem>>) {add = true}
    %dma_start3A_933 = arith.constant 43 : i32
    %dma_start3A_934 = arith.constant 512 : i32
    %dma_start3A_935 = arith.constant 0 : i32
    %dma_start3A_936 = tpu.memref_slice %arg9[%dma_start3A_934, %dma_start3A_935] : memref<1664x16xf32, #tpu.memory_space<vmem>> -> memref<128x16xf32, #tpu.memory_space<vmem>>
    %dma_start3A_937 = arith.constant 0 : i32
    %dma_start3A_938 = tpu.memref_slice %arg5[%dma_start3A_933, %dma_start3A_937] : memref<79x128xi32, #tpu.memory_space<vmem>> -> memref<1x128xi32, #tpu.memory_space<vmem>>
    %dma_start3A_939 = tpu.memref_squeeze %dma_start3A_938 : memref<1x128xi32, #tpu.memory_space<vmem>> -> memref<128xi32, #tpu.memory_space<vmem>>
    %dma_start3A_940 = arith.constant 0 : i32
    %dma_start3A_941 = arith.constant 0 : i32
    %dma_start3A_942 = tpu.memref_slice %arg10[%dma_start3A_940, %dma_start3A_941] : memref<10240x16xf32, #tpu.memory_space<vmem_shared>> -> memref<10240x16xf32, #tpu.memory_space<vmem_shared>>
    tpu.enqueue_indirect_dma source(%dma_start3A_936 : memref<128x16xf32, #tpu.memory_space<vmem>>) target(%dma_start3A_942 : memref<10240x16xf32, #tpu.memory_space<vmem_shared>>) offsets(%dma_start3A_939 : memref<128xi32, #tpu.memory_space<vmem>>) semaphore(%arg12 : memref<!tpu.dma_semaphore, #tpu.memory_space<semaphore_mem>>) {add = true}
    %dma_start3A_943 = arith.constant 44 : i32
    %dma_start3A_944 = arith.constant 640 : i32
    %dma_start3A_945 = arith.constant 0 : i32
    %dma_start3A_946 = tpu.memref_slice %arg9[%dma_start3A_944, %dma_start3A_945] : memref<1664x16xf32, #tpu.memory_space<vmem>> -> memref<128x16xf32, #tpu.memory_space<vmem>>
    %dma_start3A_947 = arith.constant 0 : i32
    %dma_start3A_948 = tpu.memref_slice %arg5[%dma_start3A_943, %dma_start3A_947] : memref<79x128xi32, #tpu.memory_space<vmem>> -> memref<1x128xi32, #tpu.memory_space<vmem>>
    %dma_start3A_949 = tpu.memref_squeeze %dma_start3A_948 : memref<1x128xi32, #tpu.memory_space<vmem>> -> memref<128xi32, #tpu.memory_space<vmem>>
    %dma_start3A_950 = arith.constant 0 : i32
    %dma_start3A_951 = arith.constant 0 : i32
    %dma_start3A_952 = tpu.memref_slice %arg10[%dma_start3A_950, %dma_start3A_951] : memref<10240x16xf32, #tpu.memory_space<vmem_shared>> -> memref<10240x16xf32, #tpu.memory_space<vmem_shared>>
    tpu.enqueue_indirect_dma source(%dma_start3A_946 : memref<128x16xf32, #tpu.memory_space<vmem>>) target(%dma_start3A_952 : memref<10240x16xf32, #tpu.memory_space<vmem_shared>>) offsets(%dma_start3A_949 : memref<128xi32, #tpu.memory_space<vmem>>) semaphore(%arg12 : memref<!tpu.dma_semaphore, #tpu.memory_space<semaphore_mem>>) {add = true}
    %dma_start3A_953 = arith.constant 45 : i32
    %dma_start3A_954 = arith.constant 768 : i32
    %dma_start3A_955 = arith.constant 0 : i32
    %dma_start3A_956 = tpu.memref_slice %arg9[%dma_start3A_954, %dma_start3A_955] : memref<1664x16xf32, #tpu.memory_space<vmem>> -> memref<128x16xf32, #tpu.memory_space<vmem>>
    %dma_start3A_957 = arith.constant 0 : i32
    %dma_start3A_958 = tpu.memref_slice %arg5[%dma_start3A_953, %dma_start3A_957] : memref<79x128xi32, #tpu.memory_space<vmem>> -> memref<1x128xi32, #tpu.memory_space<vmem>>
    %dma_start3A_959 = tpu.memref_squeeze %dma_start3A_958 : memref<1x128xi32, #tpu.memory_space<vmem>> -> memref<128xi32, #tpu.memory_space<vmem>>
    %dma_start3A_960 = arith.constant 0 : i32
    %dma_start3A_961 = arith.constant 0 : i32
    %dma_start3A_962 = tpu.memref_slice %arg10[%dma_start3A_960, %dma_start3A_961] : memref<10240x16xf32, #tpu.memory_space<vmem_shared>> -> memref<10240x16xf32, #tpu.memory_space<vmem_shared>>
    tpu.enqueue_indirect_dma source(%dma_start3A_956 : memref<128x16xf32, #tpu.memory_space<vmem>>) target(%dma_start3A_962 : memref<10240x16xf32, #tpu.memory_space<vmem_shared>>) offsets(%dma_start3A_959 : memref<128xi32, #tpu.memory_space<vmem>>) semaphore(%arg12 : memref<!tpu.dma_semaphore, #tpu.memory_space<semaphore_mem>>) {add = true}
    %dma_start3A_963 = arith.constant 46 : i32
    %dma_start3A_964 = arith.constant 896 : i32
    %dma_start3A_965 = arith.constant 0 : i32
    %dma_start3A_966 = tpu.memref_slice %arg9[%dma_start3A_964, %dma_start3A_965] : memref<1664x16xf32, #tpu.memory_space<vmem>> -> memref<128x16xf32, #tpu.memory_space<vmem>>
    %dma_start3A_967 = arith.constant 0 : i32
    %dma_start3A_968 = tpu.memref_slice %arg5[%dma_start3A_963, %dma_start3A_967] : memref<79x128xi32, #tpu.memory_space<vmem>> -> memref<1x128xi32, #tpu.memory_space<vmem>>
    %dma_start3A_969 = tpu.memref_squeeze %dma_start3A_968 : memref<1x128xi32, #tpu.memory_space<vmem>> -> memref<128xi32, #tpu.memory_space<vmem>>
    %dma_start3A_970 = arith.constant 0 : i32
    %dma_start3A_971 = arith.constant 0 : i32
    %dma_start3A_972 = tpu.memref_slice %arg10[%dma_start3A_970, %dma_start3A_971] : memref<10240x16xf32, #tpu.memory_space<vmem_shared>> -> memref<10240x16xf32, #tpu.memory_space<vmem_shared>>
    tpu.enqueue_indirect_dma source(%dma_start3A_966 : memref<128x16xf32, #tpu.memory_space<vmem>>) target(%dma_start3A_972 : memref<10240x16xf32, #tpu.memory_space<vmem_shared>>) offsets(%dma_start3A_969 : memref<128xi32, #tpu.memory_space<vmem>>) semaphore(%arg12 : memref<!tpu.dma_semaphore, #tpu.memory_space<semaphore_mem>>) {add = true}
    %dma_start3A_973 = arith.constant 47 : i32
    %dma_start3A_974 = arith.constant 1024 : i32
    %dma_start3A_975 = arith.constant 0 : i32
    %dma_start3A_976 = tpu.memref_slice %arg9[%dma_start3A_974, %dma_start3A_975] : memref<1664x16xf32, #tpu.memory_space<vmem>> -> memref<128x16xf32, #tpu.memory_space<vmem>>
    %dma_start3A_977 = arith.constant 0 : i32
    %dma_start3A_978 = tpu.memref_slice %arg5[%dma_start3A_973, %dma_start3A_977] : memref<79x128xi32, #tpu.memory_space<vmem>> -> memref<1x128xi32, #tpu.memory_space<vmem>>
    %dma_start3A_979 = tpu.memref_squeeze %dma_start3A_978 : memref<1x128xi32, #tpu.memory_space<vmem>> -> memref<128xi32, #tpu.memory_space<vmem>>
    %dma_start3A_980 = arith.constant 0 : i32
    %dma_start3A_981 = arith.constant 0 : i32
    %dma_start3A_982 = tpu.memref_slice %arg10[%dma_start3A_980, %dma_start3A_981] : memref<10240x16xf32, #tpu.memory_space<vmem_shared>> -> memref<10240x16xf32, #tpu.memory_space<vmem_shared>>
    tpu.enqueue_indirect_dma source(%dma_start3A_976 : memref<128x16xf32, #tpu.memory_space<vmem>>) target(%dma_start3A_982 : memref<10240x16xf32, #tpu.memory_space<vmem_shared>>) offsets(%dma_start3A_979 : memref<128xi32, #tpu.memory_space<vmem>>) semaphore(%arg12 : memref<!tpu.dma_semaphore, #tpu.memory_space<semaphore_mem>>) {add = true}
    %dma_start3A_983 = arith.constant 48 : i32
    %dma_start3A_984 = arith.constant 1152 : i32
    %dma_start3A_985 = arith.constant 0 : i32
    %dma_start3A_986 = tpu.memref_slice %arg9[%dma_start3A_984, %dma_start3A_985] : memref<1664x16xf32, #tpu.memory_space<vmem>> -> memref<128x16xf32, #tpu.memory_space<vmem>>
    %dma_start3A_987 = arith.constant 0 : i32
    %dma_start3A_988 = tpu.memref_slice %arg5[%dma_start3A_983, %dma_start3A_987] : memref<79x128xi32, #tpu.memory_space<vmem>> -> memref<1x128xi32, #tpu.memory_space<vmem>>
    %dma_start3A_989 = tpu.memref_squeeze %dma_start3A_988 : memref<1x128xi32, #tpu.memory_space<vmem>> -> memref<128xi32, #tpu.memory_space<vmem>>
    %dma_start3A_990 = arith.constant 0 : i32
    %dma_start3A_991 = arith.constant 0 : i32
    %dma_start3A_992 = tpu.memref_slice %arg10[%dma_start3A_990, %dma_start3A_991] : memref<10240x16xf32, #tpu.memory_space<vmem_shared>> -> memref<10240x16xf32, #tpu.memory_space<vmem_shared>>
    tpu.enqueue_indirect_dma source(%dma_start3A_986 : memref<128x16xf32, #tpu.memory_space<vmem>>) target(%dma_start3A_992 : memref<10240x16xf32, #tpu.memory_space<vmem_shared>>) offsets(%dma_start3A_989 : memref<128xi32, #tpu.memory_space<vmem>>) semaphore(%arg12 : memref<!tpu.dma_semaphore, #tpu.memory_space<semaphore_mem>>) {add = true}
    %dma_start3A_993 = arith.constant 49 : i32
    %dma_start3A_994 = arith.constant 1280 : i32
    %dma_start3A_995 = arith.constant 0 : i32
    %dma_start3A_996 = tpu.memref_slice %arg9[%dma_start3A_994, %dma_start3A_995] : memref<1664x16xf32, #tpu.memory_space<vmem>> -> memref<128x16xf32, #tpu.memory_space<vmem>>
    %dma_start3A_997 = arith.constant 0 : i32
    %dma_start3A_998 = tpu.memref_slice %arg5[%dma_start3A_993, %dma_start3A_997] : memref<79x128xi32, #tpu.memory_space<vmem>> -> memref<1x128xi32, #tpu.memory_space<vmem>>
    %dma_start3A_999 = tpu.memref_squeeze %dma_start3A_998 : memref<1x128xi32, #tpu.memory_space<vmem>> -> memref<128xi32, #tpu.memory_space<vmem>>
    %dma_start3A_1000 = arith.constant 0 : i32
    %dma_start3A_1001 = arith.constant 0 : i32
    %dma_start3A_1002 = tpu.memref_slice %arg10[%dma_start3A_1000, %dma_start3A_1001] : memref<10240x16xf32, #tpu.memory_space<vmem_shared>> -> memref<10240x16xf32, #tpu.memory_space<vmem_shared>>
    tpu.enqueue_indirect_dma source(%dma_start3A_996 : memref<128x16xf32, #tpu.memory_space<vmem>>) target(%dma_start3A_1002 : memref<10240x16xf32, #tpu.memory_space<vmem_shared>>) offsets(%dma_start3A_999 : memref<128xi32, #tpu.memory_space<vmem>>) semaphore(%arg12 : memref<!tpu.dma_semaphore, #tpu.memory_space<semaphore_mem>>) {add = true}
    %dma_start3A_1003 = arith.constant 50 : i32
    %dma_start3A_1004 = arith.constant 1408 : i32
    %dma_start3A_1005 = arith.constant 0 : i32
    %dma_start3A_1006 = tpu.memref_slice %arg9[%dma_start3A_1004, %dma_start3A_1005] : memref<1664x16xf32, #tpu.memory_space<vmem>> -> memref<128x16xf32, #tpu.memory_space<vmem>>
    %dma_start3A_1007 = arith.constant 0 : i32
    %dma_start3A_1008 = tpu.memref_slice %arg5[%dma_start3A_1003, %dma_start3A_1007] : memref<79x128xi32, #tpu.memory_space<vmem>> -> memref<1x128xi32, #tpu.memory_space<vmem>>
    %dma_start3A_1009 = tpu.memref_squeeze %dma_start3A_1008 : memref<1x128xi32, #tpu.memory_space<vmem>> -> memref<128xi32, #tpu.memory_space<vmem>>
    %dma_start3A_1010 = arith.constant 0 : i32
    %dma_start3A_1011 = arith.constant 0 : i32
    %dma_start3A_1012 = tpu.memref_slice %arg10[%dma_start3A_1010, %dma_start3A_1011] : memref<10240x16xf32, #tpu.memory_space<vmem_shared>> -> memref<10240x16xf32, #tpu.memory_space<vmem_shared>>
    tpu.enqueue_indirect_dma source(%dma_start3A_1006 : memref<128x16xf32, #tpu.memory_space<vmem>>) target(%dma_start3A_1012 : memref<10240x16xf32, #tpu.memory_space<vmem_shared>>) offsets(%dma_start3A_1009 : memref<128xi32, #tpu.memory_space<vmem>>) semaphore(%arg12 : memref<!tpu.dma_semaphore, #tpu.memory_space<semaphore_mem>>) {add = true}
    %dma_start3A_1013 = arith.constant 51 : i32
    %dma_start3A_1014 = arith.constant 1536 : i32
    %dma_start3A_1015 = arith.constant 0 : i32
    %dma_start3A_1016 = tpu.memref_slice %arg9[%dma_start3A_1014, %dma_start3A_1015] : memref<1664x16xf32, #tpu.memory_space<vmem>> -> memref<128x16xf32, #tpu.memory_space<vmem>>
    %dma_start3A_1017 = arith.constant 0 : i32
    %dma_start3A_1018 = tpu.memref_slice %arg5[%dma_start3A_1013, %dma_start3A_1017] : memref<79x128xi32, #tpu.memory_space<vmem>> -> memref<1x128xi32, #tpu.memory_space<vmem>>
    %dma_start3A_1019 = tpu.memref_squeeze %dma_start3A_1018 : memref<1x128xi32, #tpu.memory_space<vmem>> -> memref<128xi32, #tpu.memory_space<vmem>>
    %dma_start3A_1020 = arith.constant 0 : i32
    %dma_start3A_1021 = arith.constant 0 : i32
    %dma_start3A_1022 = tpu.memref_slice %arg10[%dma_start3A_1020, %dma_start3A_1021] : memref<10240x16xf32, #tpu.memory_space<vmem_shared>> -> memref<10240x16xf32, #tpu.memory_space<vmem_shared>>
    tpu.enqueue_indirect_dma source(%dma_start3A_1016 : memref<128x16xf32, #tpu.memory_space<vmem>>) target(%dma_start3A_1022 : memref<10240x16xf32, #tpu.memory_space<vmem_shared>>) offsets(%dma_start3A_1019 : memref<128xi32, #tpu.memory_space<vmem>>) semaphore(%arg12 : memref<!tpu.dma_semaphore, #tpu.memory_space<semaphore_mem>>) {add = true}
    %add3A_1023 = arith.constant 65 : i32
    %add3A_1024 = arith.addi %add3A_8, %add3A_1023 : i32
    %dma_start3A_1025 = arith.constant 0 : i32
    %dma_start3A_1026 = arith.constant 0 : i32
    %dma_start3A_1027 = arith.constant 0 : i32
    %dma_start3A_1028 = arith.constant 0 : i32
    %dma_start3A_1029 = tpu.memref_slice %arg7[%dma_start3A_1025, %dma_start3A_1026, %dma_start3A_1027, %dma_start3A_1028] : memref<2x13x8x129xf32, #tpu.memory_space<vmem>> -> memref<2x13x8x128xf32, #tpu.memory_space<vmem>>
    %dma_start3A_1030 = arith.constant 0 : i32
    %dma_start3A_1031 = arith.constant 0 : i32
    %dma_start3A_1032 = arith.constant 0 : i32
    %dma_start3A_1033 = tpu.memref_slice %arg3[%dma_start3A_1030, %add3A_1024, %dma_start3A_1031, %dma_start3A_1032] : memref<2x2500x8x128xf32, #tpu.memory_space<hbm>> -> memref<2x13x8x128xf32, #tpu.memory_space<hbm>>
    %dma_start3A_1034 = arith.constant 0 : i32
    %dma_start3A_1035 = arith.constant 0 : i32
    %dma_start3A_1036 = arith.constant 0 : i32
    %dma_start3A_1037 = arith.constant 0 : i32
    %dma_start3A_1038 = tpu.memref_slice %arg7[%dma_start3A_1034, %dma_start3A_1035, %dma_start3A_1036, %dma_start3A_1037] : memref<2x13x8x129xf32, #tpu.memory_space<vmem>> -> memref<2x13x8x128xf32, #tpu.memory_space<vmem>>
    %dma_start3A_1039 = arith.constant 0 : i32
    %dma_start3A_1040 = arith.constant 0 : i32
    %dma_start3A_1041 = arith.constant 0 : i32
    %dma_start3A_1042 = tpu.memref_slice %arg3[%dma_start3A_1039, %add3A_1024, %dma_start3A_1040, %dma_start3A_1041] : memref<2x2500x8x128xf32, #tpu.memory_space<hbm>> -> memref<2x13x8x128xf32, #tpu.memory_space<hbm>>
    tpu.enqueue_dma source(%dma_start3A_1042 : memref<2x13x8x128xf32, #tpu.memory_space<hbm>>) target(%dma_start3A_1038 : memref<2x13x8x128xf32, #tpu.memory_space<vmem>>) target_semaphore(%arg11 : memref<!tpu.dma_semaphore, #tpu.memory_space<semaphore_mem>>)
    %dma_wait3A_1043 = arith.constant 26 : i32
    %dma_wait3A_1044 = arith.constant 0 : i32
    %dma_wait3A_1045 = arith.constant 0 : i32
    %dma_wait3A_1046 = tpu.memref_slice %arg8[%dma_wait3A_1044, %dma_wait3A_1045] : memref<1664x16xf32, #tpu.memory_space<vmem>> -> memref<128x16xf32, #tpu.memory_space<vmem>>
    %dma_wait3A_1047 = arith.constant 0 : i32
    %dma_wait3A_1048 = tpu.memref_slice %arg5[%dma_wait3A_1043, %dma_wait3A_1047] : memref<79x128xi32, #tpu.memory_space<vmem>> -> memref<1x128xi32, #tpu.memory_space<vmem>>
    %dma_wait3A_1049 = tpu.memref_squeeze %dma_wait3A_1048 : memref<1x128xi32, #tpu.memory_space<vmem>> -> memref<128xi32, #tpu.memory_space<vmem>>
    %dma_wait3A_1050 = arith.constant 0 : i32
    %dma_wait3A_1051 = arith.constant 0 : i32
    %dma_wait3A_1052 = tpu.memref_slice %arg10[%dma_wait3A_1050, %dma_wait3A_1051] : memref<10240x16xf32, #tpu.memory_space<vmem_shared>> -> memref<10240x16xf32, #tpu.memory_space<vmem_shared>>
    tpu.wait_indirect_dma semaphore(%arg12 : memref<!tpu.dma_semaphore, #tpu.memory_space<semaphore_mem>>) src(%dma_wait3A_1046 : memref<128x16xf32, #tpu.memory_space<vmem>>) dst(%dma_wait3A_1052 : memref<10240x16xf32, #tpu.memory_space<vmem_shared>>)
    %dma_wait3A_1053 = arith.constant 27 : i32
    %dma_wait3A_1054 = arith.constant 128 : i32
    %dma_wait3A_1055 = arith.constant 0 : i32
    %dma_wait3A_1056 = tpu.memref_slice %arg8[%dma_wait3A_1054, %dma_wait3A_1055] : memref<1664x16xf32, #tpu.memory_space<vmem>> -> memref<128x16xf32, #tpu.memory_space<vmem>>
    %dma_wait3A_1057 = arith.constant 0 : i32
    %dma_wait3A_1058 = tpu.memref_slice %arg5[%dma_wait3A_1053, %dma_wait3A_1057] : memref<79x128xi32, #tpu.memory_space<vmem>> -> memref<1x128xi32, #tpu.memory_space<vmem>>
    %dma_wait3A_1059 = tpu.memref_squeeze %dma_wait3A_1058 : memref<1x128xi32, #tpu.memory_space<vmem>> -> memref<128xi32, #tpu.memory_space<vmem>>
    %dma_wait3A_1060 = arith.constant 0 : i32
    %dma_wait3A_1061 = arith.constant 0 : i32
    %dma_wait3A_1062 = tpu.memref_slice %arg10[%dma_wait3A_1060, %dma_wait3A_1061] : memref<10240x16xf32, #tpu.memory_space<vmem_shared>> -> memref<10240x16xf32, #tpu.memory_space<vmem_shared>>
    tpu.wait_indirect_dma semaphore(%arg12 : memref<!tpu.dma_semaphore, #tpu.memory_space<semaphore_mem>>) src(%dma_wait3A_1056 : memref<128x16xf32, #tpu.memory_space<vmem>>) dst(%dma_wait3A_1062 : memref<10240x16xf32, #tpu.memory_space<vmem_shared>>)
    %dma_wait3A_1063 = arith.constant 28 : i32
    %dma_wait3A_1064 = arith.constant 256 : i32
    %dma_wait3A_1065 = arith.constant 0 : i32
    %dma_wait3A_1066 = tpu.memref_slice %arg8[%dma_wait3A_1064, %dma_wait3A_1065] : memref<1664x16xf32, #tpu.memory_space<vmem>> -> memref<128x16xf32, #tpu.memory_space<vmem>>
    %dma_wait3A_1067 = arith.constant 0 : i32
    %dma_wait3A_1068 = tpu.memref_slice %arg5[%dma_wait3A_1063, %dma_wait3A_1067] : memref<79x128xi32, #tpu.memory_space<vmem>> -> memref<1x128xi32, #tpu.memory_space<vmem>>
    %dma_wait3A_1069 = tpu.memref_squeeze %dma_wait3A_1068 : memref<1x128xi32, #tpu.memory_space<vmem>> -> memref<128xi32, #tpu.memory_space<vmem>>
    %dma_wait3A_1070 = arith.constant 0 : i32
    %dma_wait3A_1071 = arith.constant 0 : i32
    %dma_wait3A_1072 = tpu.memref_slice %arg10[%dma_wait3A_1070, %dma_wait3A_1071] : memref<10240x16xf32, #tpu.memory_space<vmem_shared>> -> memref<10240x16xf32, #tpu.memory_space<vmem_shared>>
    tpu.wait_indirect_dma semaphore(%arg12 : memref<!tpu.dma_semaphore, #tpu.memory_space<semaphore_mem>>) src(%dma_wait3A_1066 : memref<128x16xf32, #tpu.memory_space<vmem>>) dst(%dma_wait3A_1072 : memref<10240x16xf32, #tpu.memory_space<vmem_shared>>)
    %dma_wait3A_1073 = arith.constant 29 : i32
    %dma_wait3A_1074 = arith.constant 384 : i32
    %dma_wait3A_1075 = arith.constant 0 : i32
    %dma_wait3A_1076 = tpu.memref_slice %arg8[%dma_wait3A_1074, %dma_wait3A_1075] : memref<1664x16xf32, #tpu.memory_space<vmem>> -> memref<128x16xf32, #tpu.memory_space<vmem>>
    %dma_wait3A_1077 = arith.constant 0 : i32
    %dma_wait3A_1078 = tpu.memref_slice %arg5[%dma_wait3A_1073, %dma_wait3A_1077] : memref<79x128xi32, #tpu.memory_space<vmem>> -> memref<1x128xi32, #tpu.memory_space<vmem>>
    %dma_wait3A_1079 = tpu.memref_squeeze %dma_wait3A_1078 : memref<1x128xi32, #tpu.memory_space<vmem>> -> memref<128xi32, #tpu.memory_space<vmem>>
    %dma_wait3A_1080 = arith.constant 0 : i32
    %dma_wait3A_1081 = arith.constant 0 : i32
    %dma_wait3A_1082 = tpu.memref_slice %arg10[%dma_wait3A_1080, %dma_wait3A_1081] : memref<10240x16xf32, #tpu.memory_space<vmem_shared>> -> memref<10240x16xf32, #tpu.memory_space<vmem_shared>>
    tpu.wait_indirect_dma semaphore(%arg12 : memref<!tpu.dma_semaphore, #tpu.memory_space<semaphore_mem>>) src(%dma_wait3A_1076 : memref<128x16xf32, #tpu.memory_space<vmem>>) dst(%dma_wait3A_1082 : memref<10240x16xf32, #tpu.memory_space<vmem_shared>>)
    %dma_wait3A_1083 = arith.constant 30 : i32
    %dma_wait3A_1084 = arith.constant 512 : i32
    %dma_wait3A_1085 = arith.constant 0 : i32
    %dma_wait3A_1086 = tpu.memref_slice %arg8[%dma_wait3A_1084, %dma_wait3A_1085] : memref<1664x16xf32, #tpu.memory_space<vmem>> -> memref<128x16xf32, #tpu.memory_space<vmem>>
    %dma_wait3A_1087 = arith.constant 0 : i32
    %dma_wait3A_1088 = tpu.memref_slice %arg5[%dma_wait3A_1083, %dma_wait3A_1087] : memref<79x128xi32, #tpu.memory_space<vmem>> -> memref<1x128xi32, #tpu.memory_space<vmem>>
    %dma_wait3A_1089 = tpu.memref_squeeze %dma_wait3A_1088 : memref<1x128xi32, #tpu.memory_space<vmem>> -> memref<128xi32, #tpu.memory_space<vmem>>
    %dma_wait3A_1090 = arith.constant 0 : i32
    %dma_wait3A_1091 = arith.constant 0 : i32
    %dma_wait3A_1092 = tpu.memref_slice %arg10[%dma_wait3A_1090, %dma_wait3A_1091] : memref<10240x16xf32, #tpu.memory_space<vmem_shared>> -> memref<10240x16xf32, #tpu.memory_space<vmem_shared>>
    tpu.wait_indirect_dma semaphore(%arg12 : memref<!tpu.dma_semaphore, #tpu.memory_space<semaphore_mem>>) src(%dma_wait3A_1086 : memref<128x16xf32, #tpu.memory_space<vmem>>) dst(%dma_wait3A_1092 : memref<10240x16xf32, #tpu.memory_space<vmem_shared>>)
    %dma_wait3A_1093 = arith.constant 31 : i32
    %dma_wait3A_1094 = arith.constant 640 : i32
    %dma_wait3A_1095 = arith.constant 0 : i32
    %dma_wait3A_1096 = tpu.memref_slice %arg8[%dma_wait3A_1094, %dma_wait3A_1095] : memref<1664x16xf32, #tpu.memory_space<vmem>> -> memref<128x16xf32, #tpu.memory_space<vmem>>
    %dma_wait3A_1097 = arith.constant 0 : i32
    %dma_wait3A_1098 = tpu.memref_slice %arg5[%dma_wait3A_1093, %dma_wait3A_1097] : memref<79x128xi32, #tpu.memory_space<vmem>> -> memref<1x128xi32, #tpu.memory_space<vmem>>
    %dma_wait3A_1099 = tpu.memref_squeeze %dma_wait3A_1098 : memref<1x128xi32, #tpu.memory_space<vmem>> -> memref<128xi32, #tpu.memory_space<vmem>>
    %dma_wait3A_1100 = arith.constant 0 : i32
    %dma_wait3A_1101 = arith.constant 0 : i32
    %dma_wait3A_1102 = tpu.memref_slice %arg10[%dma_wait3A_1100, %dma_wait3A_1101] : memref<10240x16xf32, #tpu.memory_space<vmem_shared>> -> memref<10240x16xf32, #tpu.memory_space<vmem_shared>>
    tpu.wait_indirect_dma semaphore(%arg12 : memref<!tpu.dma_semaphore, #tpu.memory_space<semaphore_mem>>) src(%dma_wait3A_1096 : memref<128x16xf32, #tpu.memory_space<vmem>>) dst(%dma_wait3A_1102 : memref<10240x16xf32, #tpu.memory_space<vmem_shared>>)
    %dma_wait3A_1103 = arith.constant 32 : i32
    %dma_wait3A_1104 = arith.constant 768 : i32
    %dma_wait3A_1105 = arith.constant 0 : i32
    %dma_wait3A_1106 = tpu.memref_slice %arg8[%dma_wait3A_1104, %dma_wait3A_1105] : memref<1664x16xf32, #tpu.memory_space<vmem>> -> memref<128x16xf32, #tpu.memory_space<vmem>>
    %dma_wait3A_1107 = arith.constant 0 : i32
    %dma_wait3A_1108 = tpu.memref_slice %arg5[%dma_wait3A_1103, %dma_wait3A_1107] : memref<79x128xi32, #tpu.memory_space<vmem>> -> memref<1x128xi32, #tpu.memory_space<vmem>>
    %dma_wait3A_1109 = tpu.memref_squeeze %dma_wait3A_1108 : memref<1x128xi32, #tpu.memory_space<vmem>> -> memref<128xi32, #tpu.memory_space<vmem>>
    %dma_wait3A_1110 = arith.constant 0 : i32
    %dma_wait3A_1111 = arith.constant 0 : i32
    %dma_wait3A_1112 = tpu.memref_slice %arg10[%dma_wait3A_1110, %dma_wait3A_1111] : memref<10240x16xf32, #tpu.memory_space<vmem_shared>> -> memref<10240x16xf32, #tpu.memory_space<vmem_shared>>
    tpu.wait_indirect_dma semaphore(%arg12 : memref<!tpu.dma_semaphore, #tpu.memory_space<semaphore_mem>>) src(%dma_wait3A_1106 : memref<128x16xf32, #tpu.memory_space<vmem>>) dst(%dma_wait3A_1112 : memref<10240x16xf32, #tpu.memory_space<vmem_shared>>)
    %dma_wait3A_1113 = arith.constant 33 : i32
    %dma_wait3A_1114 = arith.constant 896 : i32
    %dma_wait3A_1115 = arith.constant 0 : i32
    %dma_wait3A_1116 = tpu.memref_slice %arg8[%dma_wait3A_1114, %dma_wait3A_1115] : memref<1664x16xf32, #tpu.memory_space<vmem>> -> memref<128x16xf32, #tpu.memory_space<vmem>>
    %dma_wait3A_1117 = arith.constant 0 : i32
    %dma_wait3A_1118 = tpu.memref_slice %arg5[%dma_wait3A_1113, %dma_wait3A_1117] : memref<79x128xi32, #tpu.memory_space<vmem>> -> memref<1x128xi32, #tpu.memory_space<vmem>>
    %dma_wait3A_1119 = tpu.memref_squeeze %dma_wait3A_1118 : memref<1x128xi32, #tpu.memory_space<vmem>> -> memref<128xi32, #tpu.memory_space<vmem>>
    %dma_wait3A_1120 = arith.constant 0 : i32
    %dma_wait3A_1121 = arith.constant 0 : i32
    %dma_wait3A_1122 = tpu.memref_slice %arg10[%dma_wait3A_1120, %dma_wait3A_1121] : memref<10240x16xf32, #tpu.memory_space<vmem_shared>> -> memref<10240x16xf32, #tpu.memory_space<vmem_shared>>
    tpu.wait_indirect_dma semaphore(%arg12 : memref<!tpu.dma_semaphore, #tpu.memory_space<semaphore_mem>>) src(%dma_wait3A_1116 : memref<128x16xf32, #tpu.memory_space<vmem>>) dst(%dma_wait3A_1122 : memref<10240x16xf32, #tpu.memory_space<vmem_shared>>)
    %dma_wait3A_1123 = arith.constant 34 : i32
    %dma_wait3A_1124 = arith.constant 1024 : i32
    %dma_wait3A_1125 = arith.constant 0 : i32
    %dma_wait3A_1126 = tpu.memref_slice %arg8[%dma_wait3A_1124, %dma_wait3A_1125] : memref<1664x16xf32, #tpu.memory_space<vmem>> -> memref<128x16xf32, #tpu.memory_space<vmem>>
    %dma_wait3A_1127 = arith.constant 0 : i32
    %dma_wait3A_1128 = tpu.memref_slice %arg5[%dma_wait3A_1123, %dma_wait3A_1127] : memref<79x128xi32, #tpu.memory_space<vmem>> -> memref<1x128xi32, #tpu.memory_space<vmem>>
    %dma_wait3A_1129 = tpu.memref_squeeze %dma_wait3A_1128 : memref<1x128xi32, #tpu.memory_space<vmem>> -> memref<128xi32, #tpu.memory_space<vmem>>
    %dma_wait3A_1130 = arith.constant 0 : i32
    %dma_wait3A_1131 = arith.constant 0 : i32
    %dma_wait3A_1132 = tpu.memref_slice %arg10[%dma_wait3A_1130, %dma_wait3A_1131] : memref<10240x16xf32, #tpu.memory_space<vmem_shared>> -> memref<10240x16xf32, #tpu.memory_space<vmem_shared>>
    tpu.wait_indirect_dma semaphore(%arg12 : memref<!tpu.dma_semaphore, #tpu.memory_space<semaphore_mem>>) src(%dma_wait3A_1126 : memref<128x16xf32, #tpu.memory_space<vmem>>) dst(%dma_wait3A_1132 : memref<10240x16xf32, #tpu.memory_space<vmem_shared>>)
    %dma_wait3A_1133 = arith.constant 35 : i32
    %dma_wait3A_1134 = arith.constant 1152 : i32
    %dma_wait3A_1135 = arith.constant 0 : i32
    %dma_wait3A_1136 = tpu.memref_slice %arg8[%dma_wait3A_1134, %dma_wait3A_1135] : memref<1664x16xf32, #tpu.memory_space<vmem>> -> memref<128x16xf32, #tpu.memory_space<vmem>>
    %dma_wait3A_1137 = arith.constant 0 : i32
    %dma_wait3A_1138 = tpu.memref_slice %arg5[%dma_wait3A_1133, %dma_wait3A_1137] : memref<79x128xi32, #tpu.memory_space<vmem>> -> memref<1x128xi32, #tpu.memory_space<vmem>>
    %dma_wait3A_1139 = tpu.memref_squeeze %dma_wait3A_1138 : memref<1x128xi32, #tpu.memory_space<vmem>> -> memref<128xi32, #tpu.memory_space<vmem>>
    %dma_wait3A_1140 = arith.constant 0 : i32
    %dma_wait3A_1141 = arith.constant 0 : i32
    %dma_wait3A_1142 = tpu.memref_slice %arg10[%dma_wait3A_1140, %dma_wait3A_1141] : memref<10240x16xf32, #tpu.memory_space<vmem_shared>> -> memref<10240x16xf32, #tpu.memory_space<vmem_shared>>
    tpu.wait_indirect_dma semaphore(%arg12 : memref<!tpu.dma_semaphore, #tpu.memory_space<semaphore_mem>>) src(%dma_wait3A_1136 : memref<128x16xf32, #tpu.memory_space<vmem>>) dst(%dma_wait3A_1142 : memref<10240x16xf32, #tpu.memory_space<vmem_shared>>)
    %dma_wait3A_1143 = arith.constant 36 : i32
    %dma_wait3A_1144 = arith.constant 1280 : i32
    %dma_wait3A_1145 = arith.constant 0 : i32
    %dma_wait3A_1146 = tpu.memref_slice %arg8[%dma_wait3A_1144, %dma_wait3A_1145] : memref<1664x16xf32, #tpu.memory_space<vmem>> -> memref<128x16xf32, #tpu.memory_space<vmem>>
    %dma_wait3A_1147 = arith.constant 0 : i32
    %dma_wait3A_1148 = tpu.memref_slice %arg5[%dma_wait3A_1143, %dma_wait3A_1147] : memref<79x128xi32, #tpu.memory_space<vmem>> -> memref<1x128xi32, #tpu.memory_space<vmem>>
    %dma_wait3A_1149 = tpu.memref_squeeze %dma_wait3A_1148 : memref<1x128xi32, #tpu.memory_space<vmem>> -> memref<128xi32, #tpu.memory_space<vmem>>
    %dma_wait3A_1150 = arith.constant 0 : i32
    %dma_wait3A_1151 = arith.constant 0 : i32
    %dma_wait3A_1152 = tpu.memref_slice %arg10[%dma_wait3A_1150, %dma_wait3A_1151] : memref<10240x16xf32, #tpu.memory_space<vmem_shared>> -> memref<10240x16xf32, #tpu.memory_space<vmem_shared>>
    tpu.wait_indirect_dma semaphore(%arg12 : memref<!tpu.dma_semaphore, #tpu.memory_space<semaphore_mem>>) src(%dma_wait3A_1146 : memref<128x16xf32, #tpu.memory_space<vmem>>) dst(%dma_wait3A_1152 : memref<10240x16xf32, #tpu.memory_space<vmem_shared>>)
    %dma_wait3A_1153 = arith.constant 37 : i32
    %dma_wait3A_1154 = arith.constant 1408 : i32
    %dma_wait3A_1155 = arith.constant 0 : i32
    %dma_wait3A_1156 = tpu.memref_slice %arg8[%dma_wait3A_1154, %dma_wait3A_1155] : memref<1664x16xf32, #tpu.memory_space<vmem>> -> memref<128x16xf32, #tpu.memory_space<vmem>>
    %dma_wait3A_1157 = arith.constant 0 : i32
    %dma_wait3A_1158 = tpu.memref_slice %arg5[%dma_wait3A_1153, %dma_wait3A_1157] : memref<79x128xi32, #tpu.memory_space<vmem>> -> memref<1x128xi32, #tpu.memory_space<vmem>>
    %dma_wait3A_1159 = tpu.memref_squeeze %dma_wait3A_1158 : memref<1x128xi32, #tpu.memory_space<vmem>> -> memref<128xi32, #tpu.memory_space<vmem>>
    %dma_wait3A_1160 = arith.constant 0 : i32
    %dma_wait3A_1161 = arith.constant 0 : i32
    %dma_wait3A_1162 = tpu.memref_slice %arg10[%dma_wait3A_1160, %dma_wait3A_1161] : memref<10240x16xf32, #tpu.memory_space<vmem_shared>> -> memref<10240x16xf32, #tpu.memory_space<vmem_shared>>
    tpu.wait_indirect_dma semaphore(%arg12 : memref<!tpu.dma_semaphore, #tpu.memory_space<semaphore_mem>>) src(%dma_wait3A_1156 : memref<128x16xf32, #tpu.memory_space<vmem>>) dst(%dma_wait3A_1162 : memref<10240x16xf32, #tpu.memory_space<vmem_shared>>)
    %dma_wait3A_1163 = arith.constant 38 : i32
    %dma_wait3A_1164 = arith.constant 1536 : i32
    %dma_wait3A_1165 = arith.constant 0 : i32
    %dma_wait3A_1166 = tpu.memref_slice %arg8[%dma_wait3A_1164, %dma_wait3A_1165] : memref<1664x16xf32, #tpu.memory_space<vmem>> -> memref<128x16xf32, #tpu.memory_space<vmem>>
    %dma_wait3A_1167 = arith.constant 0 : i32
    %dma_wait3A_1168 = tpu.memref_slice %arg5[%dma_wait3A_1163, %dma_wait3A_1167] : memref<79x128xi32, #tpu.memory_space<vmem>> -> memref<1x128xi32, #tpu.memory_space<vmem>>
    %dma_wait3A_1169 = tpu.memref_squeeze %dma_wait3A_1168 : memref<1x128xi32, #tpu.memory_space<vmem>> -> memref<128xi32, #tpu.memory_space<vmem>>
    %dma_wait3A_1170 = arith.constant 0 : i32
    %dma_wait3A_1171 = arith.constant 0 : i32
    %dma_wait3A_1172 = tpu.memref_slice %arg10[%dma_wait3A_1170, %dma_wait3A_1171] : memref<10240x16xf32, #tpu.memory_space<vmem_shared>> -> memref<10240x16xf32, #tpu.memory_space<vmem_shared>>
    tpu.wait_indirect_dma semaphore(%arg12 : memref<!tpu.dma_semaphore, #tpu.memory_space<semaphore_mem>>) src(%dma_wait3A_1166 : memref<128x16xf32, #tpu.memory_space<vmem>>) dst(%dma_wait3A_1172 : memref<10240x16xf32, #tpu.memory_space<vmem_shared>>)
    %dma_wait3A_1173 = arith.constant 0 : i32
    %dma_wait3A_1174 = arith.constant 0 : i32
    %dma_wait3A_1175 = arith.constant 0 : i32
    %dma_wait3A_1176 = arith.constant 0 : i32
    %dma_wait3A_1177 = tpu.memref_slice %arg6[%dma_wait3A_1173, %dma_wait3A_1174, %dma_wait3A_1175, %dma_wait3A_1176] : memref<2x13x8x129xf32, #tpu.memory_space<vmem>> -> memref<2x13x8x128xf32, #tpu.memory_space<vmem>>
    %dma_wait3A_1178 = arith.constant 0 : i32
    %dma_wait3A_1179 = arith.constant 0 : i32
    %dma_wait3A_1180 = arith.constant 0 : i32
    %dma_wait3A_1181 = tpu.memref_slice %arg3[%dma_wait3A_1178, %add3A_720, %dma_wait3A_1179, %dma_wait3A_1180] : memref<2x2500x8x128xf32, #tpu.memory_space<hbm>> -> memref<2x13x8x128xf32, #tpu.memory_space<hbm>>
    %dma_wait3A_1182 = arith.constant 0 : i32
    %dma_wait3A_1183 = arith.constant 0 : i32
    %dma_wait3A_1184 = arith.constant 0 : i32
    %dma_wait3A_1185 = arith.constant 0 : i32
    %dma_wait3A_1186 = tpu.memref_slice %arg6[%dma_wait3A_1182, %dma_wait3A_1183, %dma_wait3A_1184, %dma_wait3A_1185] : memref<2x13x8x129xf32, #tpu.memory_space<vmem>> -> memref<2x13x8x128xf32, #tpu.memory_space<vmem>>
    %dma_wait3A_1187 = arith.constant 0 : i32
    %dma_wait3A_1188 = arith.constant 0 : i32
    %dma_wait3A_1189 = arith.constant 0 : i32
    %dma_wait3A_1190 = tpu.memref_slice %arg3[%dma_wait3A_1187, %add3A_720, %dma_wait3A_1188, %dma_wait3A_1189] : memref<2x2500x8x128xf32, #tpu.memory_space<hbm>> -> memref<2x13x8x128xf32, #tpu.memory_space<hbm>>
    tpu.wait_dma2 semaphore(%arg11 : memref<!tpu.dma_semaphore, #tpu.memory_space<semaphore_mem>>) src(%dma_wait3A_1190 : memref<2x13x8x128xf32, #tpu.memory_space<hbm>>) dst(%dma_wait3A_1186 : memref<2x13x8x128xf32, #tpu.memory_space<vmem>>)
    %scan3A_1191 = arith.constant 0 : i32
    %scan3A_1192 = arith.constant 0 : i32
    %scan3A_1193 = arith.constant 13 : i32
    %scan3A_1194 = arith.addi %scan3A_1192, %scan3A_1193 : i32
    %scan3A_1195 = arith.constant 1 : i32
    scf.for %scan3A_1875 = %scan3A_1192 to %scan3A_1194 step %scan3A_1195  : i32 {
      %broadcast_in_dim3A = vector.broadcast %scan3A_1875 : i32 to vector<16xi32>
      %mul3A_1876 = arith.constant 128 : i32
      %mul3A_1877 = arith.muli %scan3A_1875, %mul3A_1876 : i32
      %parallel_loop3A_1878 = arith.constant 0 : i32
      %parallel_loop3A_1879 = arith.constant 128 : i32
      %parallel_loop3A_1880 = arith.constant 1 : i32
      scf.for %parallel_loop3A_1881 = %parallel_loop3A_1878 to %parallel_loop3A_1879 step %parallel_loop3A_1880  : i32 {
        %parallel_loop3A_1882 = vector.broadcast %parallel_loop3A_1881 : i32 to vector<16xi32>
        %parallel_loop3A_1883 = tpu.vector_load_idx %arg6[%select_n3A, %broadcast_in_dim3A, %select_n3A_51, %parallel_loop3A_1882] : memref<2x13x8x129xf32, #tpu.memory_space<vmem>>[vector<16xi32>, vector<16xi32>, vector<16xi32>, vector<16xi32>], vector<16xf32>,
        %parallel_loop3A_1884 = arith.addi %mul3A_1877, %parallel_loop3A_1881 : i32
        %parallel_loop3A_1885 = arith.index_cast %parallel_loop3A_1884 : i32 to index
        %parallel_loop3A_1886 = arith.constant 0 : index
        %parallel_loop3A_1887 = tpu.vector_load %arg8[%parallel_loop3A_1885, %parallel_loop3A_1886] {strides = array<i32>} : memref<1664x16xf32, #tpu.memory_space<vmem>>, vector<16xf32>,
        tpu.vector_store %arg8[%parallel_loop3A_1885, %parallel_loop3A_1886], %parallel_loop3A_1883 {strides = array<i32>} : memref<1664x16xf32, #tpu.memory_space<vmem>>, vector<16xf32>,
      } {sc.loop_unroll_factor = 16 : i64, sc.parallel_access}
    }
    %scan3A_1196 = arith.constant 13 : i32
    %dma_start3A_1197 = arith.constant 52 : i32
    %dma_start3A_1198 = arith.constant 0 : i32
    %dma_start3A_1199 = arith.constant 0 : i32
    %dma_start3A_1200 = tpu.memref_slice %arg8[%dma_start3A_1198, %dma_start3A_1199] : memref<1664x16xf32, #tpu.memory_space<vmem>> -> memref<128x16xf32, #tpu.memory_space<vmem>>
    %dma_start3A_1201 = arith.constant 0 : i32
    %dma_start3A_1202 = tpu.memref_slice %arg5[%dma_start3A_1197, %dma_start3A_1201] : memref<79x128xi32, #tpu.memory_space<vmem>> -> memref<1x128xi32, #tpu.memory_space<vmem>>
    %dma_start3A_1203 = tpu.memref_squeeze %dma_start3A_1202 : memref<1x128xi32, #tpu.memory_space<vmem>> -> memref<128xi32, #tpu.memory_space<vmem>>
    %dma_start3A_1204 = arith.constant 0 : i32
    %dma_start3A_1205 = arith.constant 0 : i32
    %dma_start3A_1206 = tpu.memref_slice %arg10[%dma_start3A_1204, %dma_start3A_1205] : memref<10240x16xf32, #tpu.memory_space<vmem_shared>> -> memref<10240x16xf32, #tpu.memory_space<vmem_shared>>
    tpu.enqueue_indirect_dma source(%dma_start3A_1200 : memref<128x16xf32, #tpu.memory_space<vmem>>) target(%dma_start3A_1206 : memref<10240x16xf32, #tpu.memory_space<vmem_shared>>) offsets(%dma_start3A_1203 : memref<128xi32, #tpu.memory_space<vmem>>) semaphore(%arg12 : memref<!tpu.dma_semaphore, #tpu.memory_space<semaphore_mem>>) {add = true}
    %dma_start3A_1207 = arith.constant 53 : i32
    %dma_start3A_1208 = arith.constant 128 : i32
    %dma_start3A_1209 = arith.constant 0 : i32
    %dma_start3A_1210 = tpu.memref_slice %arg8[%dma_start3A_1208, %dma_start3A_1209] : memref<1664x16xf32, #tpu.memory_space<vmem>> -> memref<128x16xf32, #tpu.memory_space<vmem>>
    %dma_start3A_1211 = arith.constant 0 : i32
    %dma_start3A_1212 = tpu.memref_slice %arg5[%dma_start3A_1207, %dma_start3A_1211] : memref<79x128xi32, #tpu.memory_space<vmem>> -> memref<1x128xi32, #tpu.memory_space<vmem>>
    %dma_start3A_1213 = tpu.memref_squeeze %dma_start3A_1212 : memref<1x128xi32, #tpu.memory_space<vmem>> -> memref<128xi32, #tpu.memory_space<vmem>>
    %dma_start3A_1214 = arith.constant 0 : i32
    %dma_start3A_1215 = arith.constant 0 : i32
    %dma_start3A_1216 = tpu.memref_slice %arg10[%dma_start3A_1214, %dma_start3A_1215] : memref<10240x16xf32, #tpu.memory_space<vmem_shared>> -> memref<10240x16xf32, #tpu.memory_space<vmem_shared>>
    tpu.enqueue_indirect_dma source(%dma_start3A_1210 : memref<128x16xf32, #tpu.memory_space<vmem>>) target(%dma_start3A_1216 : memref<10240x16xf32, #tpu.memory_space<vmem_shared>>) offsets(%dma_start3A_1213 : memref<128xi32, #tpu.memory_space<vmem>>) semaphore(%arg12 : memref<!tpu.dma_semaphore, #tpu.memory_space<semaphore_mem>>) {add = true}
    %dma_start3A_1217 = arith.constant 54 : i32
    %dma_start3A_1218 = arith.constant 256 : i32
    %dma_start3A_1219 = arith.constant 0 : i32
    %dma_start3A_1220 = tpu.memref_slice %arg8[%dma_start3A_1218, %dma_start3A_1219] : memref<1664x16xf32, #tpu.memory_space<vmem>> -> memref<128x16xf32, #tpu.memory_space<vmem>>
    %dma_start3A_1221 = arith.constant 0 : i32
    %dma_start3A_1222 = tpu.memref_slice %arg5[%dma_start3A_1217, %dma_start3A_1221] : memref<79x128xi32, #tpu.memory_space<vmem>> -> memref<1x128xi32, #tpu.memory_space<vmem>>
    %dma_start3A_1223 = tpu.memref_squeeze %dma_start3A_1222 : memref<1x128xi32, #tpu.memory_space<vmem>> -> memref<128xi32, #tpu.memory_space<vmem>>
    %dma_start3A_1224 = arith.constant 0 : i32
    %dma_start3A_1225 = arith.constant 0 : i32
    %dma_start3A_1226 = tpu.memref_slice %arg10[%dma_start3A_1224, %dma_start3A_1225] : memref<10240x16xf32, #tpu.memory_space<vmem_shared>> -> memref<10240x16xf32, #tpu.memory_space<vmem_shared>>
    tpu.enqueue_indirect_dma source(%dma_start3A_1220 : memref<128x16xf32, #tpu.memory_space<vmem>>) target(%dma_start3A_1226 : memref<10240x16xf32, #tpu.memory_space<vmem_shared>>) offsets(%dma_start3A_1223 : memref<128xi32, #tpu.memory_space<vmem>>) semaphore(%arg12 : memref<!tpu.dma_semaphore, #tpu.memory_space<semaphore_mem>>) {add = true}
    %dma_start3A_1227 = arith.constant 55 : i32
    %dma_start3A_1228 = arith.constant 384 : i32
    %dma_start3A_1229 = arith.constant 0 : i32
    %dma_start3A_1230 = tpu.memref_slice %arg8[%dma_start3A_1228, %dma_start3A_1229] : memref<1664x16xf32, #tpu.memory_space<vmem>> -> memref<128x16xf32, #tpu.memory_space<vmem>>
    %dma_start3A_1231 = arith.constant 0 : i32
    %dma_start3A_1232 = tpu.memref_slice %arg5[%dma_start3A_1227, %dma_start3A_1231] : memref<79x128xi32, #tpu.memory_space<vmem>> -> memref<1x128xi32, #tpu.memory_space<vmem>>
    %dma_start3A_1233 = tpu.memref_squeeze %dma_start3A_1232 : memref<1x128xi32, #tpu.memory_space<vmem>> -> memref<128xi32, #tpu.memory_space<vmem>>
    %dma_start3A_1234 = arith.constant 0 : i32
    %dma_start3A_1235 = arith.constant 0 : i32
    %dma_start3A_1236 = tpu.memref_slice %arg10[%dma_start3A_1234, %dma_start3A_1235] : memref<10240x16xf32, #tpu.memory_space<vmem_shared>> -> memref<10240x16xf32, #tpu.memory_space<vmem_shared>>
    tpu.enqueue_indirect_dma source(%dma_start3A_1230 : memref<128x16xf32, #tpu.memory_space<vmem>>) target(%dma_start3A_1236 : memref<10240x16xf32, #tpu.memory_space<vmem_shared>>) offsets(%dma_start3A_1233 : memref<128xi32, #tpu.memory_space<vmem>>) semaphore(%arg12 : memref<!tpu.dma_semaphore, #tpu.memory_space<semaphore_mem>>) {add = true}
    %dma_start3A_1237 = arith.constant 56 : i32
    %dma_start3A_1238 = arith.constant 512 : i32
    %dma_start3A_1239 = arith.constant 0 : i32
    %dma_start3A_1240 = tpu.memref_slice %arg8[%dma_start3A_1238, %dma_start3A_1239] : memref<1664x16xf32, #tpu.memory_space<vmem>> -> memref<128x16xf32, #tpu.memory_space<vmem>>
    %dma_start3A_1241 = arith.constant 0 : i32
    %dma_start3A_1242 = tpu.memref_slice %arg5[%dma_start3A_1237, %dma_start3A_1241] : memref<79x128xi32, #tpu.memory_space<vmem>> -> memref<1x128xi32, #tpu.memory_space<vmem>>
    %dma_start3A_1243 = tpu.memref_squeeze %dma_start3A_1242 : memref<1x128xi32, #tpu.memory_space<vmem>> -> memref<128xi32, #tpu.memory_space<vmem>>
    %dma_start3A_1244 = arith.constant 0 : i32
    %dma_start3A_1245 = arith.constant 0 : i32
    %dma_start3A_1246 = tpu.memref_slice %arg10[%dma_start3A_1244, %dma_start3A_1245] : memref<10240x16xf32, #tpu.memory_space<vmem_shared>> -> memref<10240x16xf32, #tpu.memory_space<vmem_shared>>
    tpu.enqueue_indirect_dma source(%dma_start3A_1240 : memref<128x16xf32, #tpu.memory_space<vmem>>) target(%dma_start3A_1246 : memref<10240x16xf32, #tpu.memory_space<vmem_shared>>) offsets(%dma_start3A_1243 : memref<128xi32, #tpu.memory_space<vmem>>) semaphore(%arg12 : memref<!tpu.dma_semaphore, #tpu.memory_space<semaphore_mem>>) {add = true}
    %dma_start3A_1247 = arith.constant 57 : i32
    %dma_start3A_1248 = arith.constant 640 : i32
    %dma_start3A_1249 = arith.constant 0 : i32
    %dma_start3A_1250 = tpu.memref_slice %arg8[%dma_start3A_1248, %dma_start3A_1249] : memref<1664x16xf32, #tpu.memory_space<vmem>> -> memref<128x16xf32, #tpu.memory_space<vmem>>
    %dma_start3A_1251 = arith.constant 0 : i32
    %dma_start3A_1252 = tpu.memref_slice %arg5[%dma_start3A_1247, %dma_start3A_1251] : memref<79x128xi32, #tpu.memory_space<vmem>> -> memref<1x128xi32, #tpu.memory_space<vmem>>
    %dma_start3A_1253 = tpu.memref_squeeze %dma_start3A_1252 : memref<1x128xi32, #tpu.memory_space<vmem>> -> memref<128xi32, #tpu.memory_space<vmem>>
    %dma_start3A_1254 = arith.constant 0 : i32
    %dma_start3A_1255 = arith.constant 0 : i32
    %dma_start3A_1256 = tpu.memref_slice %arg10[%dma_start3A_1254, %dma_start3A_1255] : memref<10240x16xf32, #tpu.memory_space<vmem_shared>> -> memref<10240x16xf32, #tpu.memory_space<vmem_shared>>
    tpu.enqueue_indirect_dma source(%dma_start3A_1250 : memref<128x16xf32, #tpu.memory_space<vmem>>) target(%dma_start3A_1256 : memref<10240x16xf32, #tpu.memory_space<vmem_shared>>) offsets(%dma_start3A_1253 : memref<128xi32, #tpu.memory_space<vmem>>) semaphore(%arg12 : memref<!tpu.dma_semaphore, #tpu.memory_space<semaphore_mem>>) {add = true}
    %dma_start3A_1257 = arith.constant 58 : i32
    %dma_start3A_1258 = arith.constant 768 : i32
    %dma_start3A_1259 = arith.constant 0 : i32
    %dma_start3A_1260 = tpu.memref_slice %arg8[%dma_start3A_1258, %dma_start3A_1259] : memref<1664x16xf32, #tpu.memory_space<vmem>> -> memref<128x16xf32, #tpu.memory_space<vmem>>
    %dma_start3A_1261 = arith.constant 0 : i32
    %dma_start3A_1262 = tpu.memref_slice %arg5[%dma_start3A_1257, %dma_start3A_1261] : memref<79x128xi32, #tpu.memory_space<vmem>> -> memref<1x128xi32, #tpu.memory_space<vmem>>
    %dma_start3A_1263 = tpu.memref_squeeze %dma_start3A_1262 : memref<1x128xi32, #tpu.memory_space<vmem>> -> memref<128xi32, #tpu.memory_space<vmem>>
    %dma_start3A_1264 = arith.constant 0 : i32
    %dma_start3A_1265 = arith.constant 0 : i32
    %dma_start3A_1266 = tpu.memref_slice %arg10[%dma_start3A_1264, %dma_start3A_1265] : memref<10240x16xf32, #tpu.memory_space<vmem_shared>> -> memref<10240x16xf32, #tpu.memory_space<vmem_shared>>
    tpu.enqueue_indirect_dma source(%dma_start3A_1260 : memref<128x16xf32, #tpu.memory_space<vmem>>) target(%dma_start3A_1266 : memref<10240x16xf32, #tpu.memory_space<vmem_shared>>) offsets(%dma_start3A_1263 : memref<128xi32, #tpu.memory_space<vmem>>) semaphore(%arg12 : memref<!tpu.dma_semaphore, #tpu.memory_space<semaphore_mem>>) {add = true}
    %dma_start3A_1267 = arith.constant 59 : i32
    %dma_start3A_1268 = arith.constant 896 : i32
    %dma_start3A_1269 = arith.constant 0 : i32
    %dma_start3A_1270 = tpu.memref_slice %arg8[%dma_start3A_1268, %dma_start3A_1269] : memref<1664x16xf32, #tpu.memory_space<vmem>> -> memref<128x16xf32, #tpu.memory_space<vmem>>
    %dma_start3A_1271 = arith.constant 0 : i32
    %dma_start3A_1272 = tpu.memref_slice %arg5[%dma_start3A_1267, %dma_start3A_1271] : memref<79x128xi32, #tpu.memory_space<vmem>> -> memref<1x128xi32, #tpu.memory_space<vmem>>
    %dma_start3A_1273 = tpu.memref_squeeze %dma_start3A_1272 : memref<1x128xi32, #tpu.memory_space<vmem>> -> memref<128xi32, #tpu.memory_space<vmem>>
    %dma_start3A_1274 = arith.constant 0 : i32
    %dma_start3A_1275 = arith.constant 0 : i32
    %dma_start3A_1276 = tpu.memref_slice %arg10[%dma_start3A_1274, %dma_start3A_1275] : memref<10240x16xf32, #tpu.memory_space<vmem_shared>> -> memref<10240x16xf32, #tpu.memory_space<vmem_shared>>
    tpu.enqueue_indirect_dma source(%dma_start3A_1270 : memref<128x16xf32, #tpu.memory_space<vmem>>) target(%dma_start3A_1276 : memref<10240x16xf32, #tpu.memory_space<vmem_shared>>) offsets(%dma_start3A_1273 : memref<128xi32, #tpu.memory_space<vmem>>) semaphore(%arg12 : memref<!tpu.dma_semaphore, #tpu.memory_space<semaphore_mem>>) {add = true}
    %dma_start3A_1277 = arith.constant 60 : i32
    %dma_start3A_1278 = arith.constant 1024 : i32
    %dma_start3A_1279 = arith.constant 0 : i32
    %dma_start3A_1280 = tpu.memref_slice %arg8[%dma_start3A_1278, %dma_start3A_1279] : memref<1664x16xf32, #tpu.memory_space<vmem>> -> memref<128x16xf32, #tpu.memory_space<vmem>>
    %dma_start3A_1281 = arith.constant 0 : i32
    %dma_start3A_1282 = tpu.memref_slice %arg5[%dma_start3A_1277, %dma_start3A_1281] : memref<79x128xi32, #tpu.memory_space<vmem>> -> memref<1x128xi32, #tpu.memory_space<vmem>>
    %dma_start3A_1283 = tpu.memref_squeeze %dma_start3A_1282 : memref<1x128xi32, #tpu.memory_space<vmem>> -> memref<128xi32, #tpu.memory_space<vmem>>
    %dma_start3A_1284 = arith.constant 0 : i32
    %dma_start3A_1285 = arith.constant 0 : i32
    %dma_start3A_1286 = tpu.memref_slice %arg10[%dma_start3A_1284, %dma_start3A_1285] : memref<10240x16xf32, #tpu.memory_space<vmem_shared>> -> memref<10240x16xf32, #tpu.memory_space<vmem_shared>>
    tpu.enqueue_indirect_dma source(%dma_start3A_1280 : memref<128x16xf32, #tpu.memory_space<vmem>>) target(%dma_start3A_1286 : memref<10240x16xf32, #tpu.memory_space<vmem_shared>>) offsets(%dma_start3A_1283 : memref<128xi32, #tpu.memory_space<vmem>>) semaphore(%arg12 : memref<!tpu.dma_semaphore, #tpu.memory_space<semaphore_mem>>) {add = true}
    %dma_start3A_1287 = arith.constant 61 : i32
    %dma_start3A_1288 = arith.constant 1152 : i32
    %dma_start3A_1289 = arith.constant 0 : i32
    %dma_start3A_1290 = tpu.memref_slice %arg8[%dma_start3A_1288, %dma_start3A_1289] : memref<1664x16xf32, #tpu.memory_space<vmem>> -> memref<128x16xf32, #tpu.memory_space<vmem>>
    %dma_start3A_1291 = arith.constant 0 : i32
    %dma_start3A_1292 = tpu.memref_slice %arg5[%dma_start3A_1287, %dma_start3A_1291] : memref<79x128xi32, #tpu.memory_space<vmem>> -> memref<1x128xi32, #tpu.memory_space<vmem>>
    %dma_start3A_1293 = tpu.memref_squeeze %dma_start3A_1292 : memref<1x128xi32, #tpu.memory_space<vmem>> -> memref<128xi32, #tpu.memory_space<vmem>>
    %dma_start3A_1294 = arith.constant 0 : i32
    %dma_start3A_1295 = arith.constant 0 : i32
    %dma_start3A_1296 = tpu.memref_slice %arg10[%dma_start3A_1294, %dma_start3A_1295] : memref<10240x16xf32, #tpu.memory_space<vmem_shared>> -> memref<10240x16xf32, #tpu.memory_space<vmem_shared>>
    tpu.enqueue_indirect_dma source(%dma_start3A_1290 : memref<128x16xf32, #tpu.memory_space<vmem>>) target(%dma_start3A_1296 : memref<10240x16xf32, #tpu.memory_space<vmem_shared>>) offsets(%dma_start3A_1293 : memref<128xi32, #tpu.memory_space<vmem>>) semaphore(%arg12 : memref<!tpu.dma_semaphore, #tpu.memory_space<semaphore_mem>>) {add = true}
    %dma_start3A_1297 = arith.constant 62 : i32
    %dma_start3A_1298 = arith.constant 1280 : i32
    %dma_start3A_1299 = arith.constant 0 : i32
    %dma_start3A_1300 = tpu.memref_slice %arg8[%dma_start3A_1298, %dma_start3A_1299] : memref<1664x16xf32, #tpu.memory_space<vmem>> -> memref<128x16xf32, #tpu.memory_space<vmem>>
    %dma_start3A_1301 = arith.constant 0 : i32
    %dma_start3A_1302 = tpu.memref_slice %arg5[%dma_start3A_1297, %dma_start3A_1301] : memref<79x128xi32, #tpu.memory_space<vmem>> -> memref<1x128xi32, #tpu.memory_space<vmem>>
    %dma_start3A_1303 = tpu.memref_squeeze %dma_start3A_1302 : memref<1x128xi32, #tpu.memory_space<vmem>> -> memref<128xi32, #tpu.memory_space<vmem>>
    %dma_start3A_1304 = arith.constant 0 : i32
    %dma_start3A_1305 = arith.constant 0 : i32
    %dma_start3A_1306 = tpu.memref_slice %arg10[%dma_start3A_1304, %dma_start3A_1305] : memref<10240x16xf32, #tpu.memory_space<vmem_shared>> -> memref<10240x16xf32, #tpu.memory_space<vmem_shared>>
    tpu.enqueue_indirect_dma source(%dma_start3A_1300 : memref<128x16xf32, #tpu.memory_space<vmem>>) target(%dma_start3A_1306 : memref<10240x16xf32, #tpu.memory_space<vmem_shared>>) offsets(%dma_start3A_1303 : memref<128xi32, #tpu.memory_space<vmem>>) semaphore(%arg12 : memref<!tpu.dma_semaphore, #tpu.memory_space<semaphore_mem>>) {add = true}
    %dma_start3A_1307 = arith.constant 63 : i32
    %dma_start3A_1308 = arith.constant 1408 : i32
    %dma_start3A_1309 = arith.constant 0 : i32
    %dma_start3A_1310 = tpu.memref_slice %arg8[%dma_start3A_1308, %dma_start3A_1309] : memref<1664x16xf32, #tpu.memory_space<vmem>> -> memref<128x16xf32, #tpu.memory_space<vmem>>
    %dma_start3A_1311 = arith.constant 0 : i32
    %dma_start3A_1312 = tpu.memref_slice %arg5[%dma_start3A_1307, %dma_start3A_1311] : memref<79x128xi32, #tpu.memory_space<vmem>> -> memref<1x128xi32, #tpu.memory_space<vmem>>
    %dma_start3A_1313 = tpu.memref_squeeze %dma_start3A_1312 : memref<1x128xi32, #tpu.memory_space<vmem>> -> memref<128xi32, #tpu.memory_space<vmem>>
    %dma_start3A_1314 = arith.constant 0 : i32
    %dma_start3A_1315 = arith.constant 0 : i32
    %dma_start3A_1316 = tpu.memref_slice %arg10[%dma_start3A_1314, %dma_start3A_1315] : memref<10240x16xf32, #tpu.memory_space<vmem_shared>> -> memref<10240x16xf32, #tpu.memory_space<vmem_shared>>
    tpu.enqueue_indirect_dma source(%dma_start3A_1310 : memref<128x16xf32, #tpu.memory_space<vmem>>) target(%dma_start3A_1316 : memref<10240x16xf32, #tpu.memory_space<vmem_shared>>) offsets(%dma_start3A_1313 : memref<128xi32, #tpu.memory_space<vmem>>) semaphore(%arg12 : memref<!tpu.dma_semaphore, #tpu.memory_space<semaphore_mem>>) {add = true}
    %dma_start3A_1317 = arith.constant 64 : i32
    %dma_start3A_1318 = arith.constant 1536 : i32
    %dma_start3A_1319 = arith.constant 0 : i32
    %dma_start3A_1320 = tpu.memref_slice %arg8[%dma_start3A_1318, %dma_start3A_1319] : memref<1664x16xf32, #tpu.memory_space<vmem>> -> memref<128x16xf32, #tpu.memory_space<vmem>>
    %dma_start3A_1321 = arith.constant 0 : i32
    %dma_start3A_1322 = tpu.memref_slice %arg5[%dma_start3A_1317, %dma_start3A_1321] : memref<79x128xi32, #tpu.memory_space<vmem>> -> memref<1x128xi32, #tpu.memory_space<vmem>>
    %dma_start3A_1323 = tpu.memref_squeeze %dma_start3A_1322 : memref<1x128xi32, #tpu.memory_space<vmem>> -> memref<128xi32, #tpu.memory_space<vmem>>
    %dma_start3A_1324 = arith.constant 0 : i32
    %dma_start3A_1325 = arith.constant 0 : i32
    %dma_start3A_1326 = tpu.memref_slice %arg10[%dma_start3A_1324, %dma_start3A_1325] : memref<10240x16xf32, #tpu.memory_space<vmem_shared>> -> memref<10240x16xf32, #tpu.memory_space<vmem_shared>>
    tpu.enqueue_indirect_dma source(%dma_start3A_1320 : memref<128x16xf32, #tpu.memory_space<vmem>>) target(%dma_start3A_1326 : memref<10240x16xf32, #tpu.memory_space<vmem_shared>>) offsets(%dma_start3A_1323 : memref<128xi32, #tpu.memory_space<vmem>>) semaphore(%arg12 : memref<!tpu.dma_semaphore, #tpu.memory_space<semaphore_mem>>) {add = true}
    %dma_wait3A_1327 = arith.constant 39 : i32
    %dma_wait3A_1328 = arith.constant 0 : i32
    %dma_wait3A_1329 = arith.constant 0 : i32
    %dma_wait3A_1330 = tpu.memref_slice %arg9[%dma_wait3A_1328, %dma_wait3A_1329] : memref<1664x16xf32, #tpu.memory_space<vmem>> -> memref<128x16xf32, #tpu.memory_space<vmem>>
    %dma_wait3A_1331 = arith.constant 0 : i32
    %dma_wait3A_1332 = tpu.memref_slice %arg5[%dma_wait3A_1327, %dma_wait3A_1331] : memref<79x128xi32, #tpu.memory_space<vmem>> -> memref<1x128xi32, #tpu.memory_space<vmem>>
    %dma_wait3A_1333 = tpu.memref_squeeze %dma_wait3A_1332 : memref<1x128xi32, #tpu.memory_space<vmem>> -> memref<128xi32, #tpu.memory_space<vmem>>
    %dma_wait3A_1334 = arith.constant 0 : i32
    %dma_wait3A_1335 = arith.constant 0 : i32
    %dma_wait3A_1336 = tpu.memref_slice %arg10[%dma_wait3A_1334, %dma_wait3A_1335] : memref<10240x16xf32, #tpu.memory_space<vmem_shared>> -> memref<10240x16xf32, #tpu.memory_space<vmem_shared>>
    tpu.wait_indirect_dma semaphore(%arg12 : memref<!tpu.dma_semaphore, #tpu.memory_space<semaphore_mem>>) src(%dma_wait3A_1330 : memref<128x16xf32, #tpu.memory_space<vmem>>) dst(%dma_wait3A_1336 : memref<10240x16xf32, #tpu.memory_space<vmem_shared>>)
    %dma_wait3A_1337 = arith.constant 40 : i32
    %dma_wait3A_1338 = arith.constant 128 : i32
    %dma_wait3A_1339 = arith.constant 0 : i32
    %dma_wait3A_1340 = tpu.memref_slice %arg9[%dma_wait3A_1338, %dma_wait3A_1339] : memref<1664x16xf32, #tpu.memory_space<vmem>> -> memref<128x16xf32, #tpu.memory_space<vmem>>
    %dma_wait3A_1341 = arith.constant 0 : i32
    %dma_wait3A_1342 = tpu.memref_slice %arg5[%dma_wait3A_1337, %dma_wait3A_1341] : memref<79x128xi32, #tpu.memory_space<vmem>> -> memref<1x128xi32, #tpu.memory_space<vmem>>
    %dma_wait3A_1343 = tpu.memref_squeeze %dma_wait3A_1342 : memref<1x128xi32, #tpu.memory_space<vmem>> -> memref<128xi32, #tpu.memory_space<vmem>>
    %dma_wait3A_1344 = arith.constant 0 : i32
    %dma_wait3A_1345 = arith.constant 0 : i32
    %dma_wait3A_1346 = tpu.memref_slice %arg10[%dma_wait3A_1344, %dma_wait3A_1345] : memref<10240x16xf32, #tpu.memory_space<vmem_shared>> -> memref<10240x16xf32, #tpu.memory_space<vmem_shared>>
    tpu.wait_indirect_dma semaphore(%arg12 : memref<!tpu.dma_semaphore, #tpu.memory_space<semaphore_mem>>) src(%dma_wait3A_1340 : memref<128x16xf32, #tpu.memory_space<vmem>>) dst(%dma_wait3A_1346 : memref<10240x16xf32, #tpu.memory_space<vmem_shared>>)
    %dma_wait3A_1347 = arith.constant 41 : i32
    %dma_wait3A_1348 = arith.constant 256 : i32
    %dma_wait3A_1349 = arith.constant 0 : i32
    %dma_wait3A_1350 = tpu.memref_slice %arg9[%dma_wait3A_1348, %dma_wait3A_1349] : memref<1664x16xf32, #tpu.memory_space<vmem>> -> memref<128x16xf32, #tpu.memory_space<vmem>>
    %dma_wait3A_1351 = arith.constant 0 : i32
    %dma_wait3A_1352 = tpu.memref_slice %arg5[%dma_wait3A_1347, %dma_wait3A_1351] : memref<79x128xi32, #tpu.memory_space<vmem>> -> memref<1x128xi32, #tpu.memory_space<vmem>>
    %dma_wait3A_1353 = tpu.memref_squeeze %dma_wait3A_1352 : memref<1x128xi32, #tpu.memory_space<vmem>> -> memref<128xi32, #tpu.memory_space<vmem>>
    %dma_wait3A_1354 = arith.constant 0 : i32
    %dma_wait3A_1355 = arith.constant 0 : i32
    %dma_wait3A_1356 = tpu.memref_slice %arg10[%dma_wait3A_1354, %dma_wait3A_1355] : memref<10240x16xf32, #tpu.memory_space<vmem_shared>> -> memref<10240x16xf32, #tpu.memory_space<vmem_shared>>
    tpu.wait_indirect_dma semaphore(%arg12 : memref<!tpu.dma_semaphore, #tpu.memory_space<semaphore_mem>>) src(%dma_wait3A_1350 : memref<128x16xf32, #tpu.memory_space<vmem>>) dst(%dma_wait3A_1356 : memref<10240x16xf32, #tpu.memory_space<vmem_shared>>)
    %dma_wait3A_1357 = arith.constant 42 : i32
    %dma_wait3A_1358 = arith.constant 384 : i32
    %dma_wait3A_1359 = arith.constant 0 : i32
    %dma_wait3A_1360 = tpu.memref_slice %arg9[%dma_wait3A_1358, %dma_wait3A_1359] : memref<1664x16xf32, #tpu.memory_space<vmem>> -> memref<128x16xf32, #tpu.memory_space<vmem>>
    %dma_wait3A_1361 = arith.constant 0 : i32
    %dma_wait3A_1362 = tpu.memref_slice %arg5[%dma_wait3A_1357, %dma_wait3A_1361] : memref<79x128xi32, #tpu.memory_space<vmem>> -> memref<1x128xi32, #tpu.memory_space<vmem>>
    %dma_wait3A_1363 = tpu.memref_squeeze %dma_wait3A_1362 : memref<1x128xi32, #tpu.memory_space<vmem>> -> memref<128xi32, #tpu.memory_space<vmem>>
    %dma_wait3A_1364 = arith.constant 0 : i32
    %dma_wait3A_1365 = arith.constant 0 : i32
    %dma_wait3A_1366 = tpu.memref_slice %arg10[%dma_wait3A_1364, %dma_wait3A_1365] : memref<10240x16xf32, #tpu.memory_space<vmem_shared>> -> memref<10240x16xf32, #tpu.memory_space<vmem_shared>>
    tpu.wait_indirect_dma semaphore(%arg12 : memref<!tpu.dma_semaphore, #tpu.memory_space<semaphore_mem>>) src(%dma_wait3A_1360 : memref<128x16xf32, #tpu.memory_space<vmem>>) dst(%dma_wait3A_1366 : memref<10240x16xf32, #tpu.memory_space<vmem_shared>>)
    %dma_wait3A_1367 = arith.constant 43 : i32
    %dma_wait3A_1368 = arith.constant 512 : i32
    %dma_wait3A_1369 = arith.constant 0 : i32
    %dma_wait3A_1370 = tpu.memref_slice %arg9[%dma_wait3A_1368, %dma_wait3A_1369] : memref<1664x16xf32, #tpu.memory_space<vmem>> -> memref<128x16xf32, #tpu.memory_space<vmem>>
    %dma_wait3A_1371 = arith.constant 0 : i32
    %dma_wait3A_1372 = tpu.memref_slice %arg5[%dma_wait3A_1367, %dma_wait3A_1371] : memref<79x128xi32, #tpu.memory_space<vmem>> -> memref<1x128xi32, #tpu.memory_space<vmem>>
    %dma_wait3A_1373 = tpu.memref_squeeze %dma_wait3A_1372 : memref<1x128xi32, #tpu.memory_space<vmem>> -> memref<128xi32, #tpu.memory_space<vmem>>
    %dma_wait3A_1374 = arith.constant 0 : i32
    %dma_wait3A_1375 = arith.constant 0 : i32
    %dma_wait3A_1376 = tpu.memref_slice %arg10[%dma_wait3A_1374, %dma_wait3A_1375] : memref<10240x16xf32, #tpu.memory_space<vmem_shared>> -> memref<10240x16xf32, #tpu.memory_space<vmem_shared>>
    tpu.wait_indirect_dma semaphore(%arg12 : memref<!tpu.dma_semaphore, #tpu.memory_space<semaphore_mem>>) src(%dma_wait3A_1370 : memref<128x16xf32, #tpu.memory_space<vmem>>) dst(%dma_wait3A_1376 : memref<10240x16xf32, #tpu.memory_space<vmem_shared>>)
    %dma_wait3A_1377 = arith.constant 44 : i32
    %dma_wait3A_1378 = arith.constant 640 : i32
    %dma_wait3A_1379 = arith.constant 0 : i32
    %dma_wait3A_1380 = tpu.memref_slice %arg9[%dma_wait3A_1378, %dma_wait3A_1379] : memref<1664x16xf32, #tpu.memory_space<vmem>> -> memref<128x16xf32, #tpu.memory_space<vmem>>
    %dma_wait3A_1381 = arith.constant 0 : i32
    %dma_wait3A_1382 = tpu.memref_slice %arg5[%dma_wait3A_1377, %dma_wait3A_1381] : memref<79x128xi32, #tpu.memory_space<vmem>> -> memref<1x128xi32, #tpu.memory_space<vmem>>
    %dma_wait3A_1383 = tpu.memref_squeeze %dma_wait3A_1382 : memref<1x128xi32, #tpu.memory_space<vmem>> -> memref<128xi32, #tpu.memory_space<vmem>>
    %dma_wait3A_1384 = arith.constant 0 : i32
    %dma_wait3A_1385 = arith.constant 0 : i32
    %dma_wait3A_1386 = tpu.memref_slice %arg10[%dma_wait3A_1384, %dma_wait3A_1385] : memref<10240x16xf32, #tpu.memory_space<vmem_shared>> -> memref<10240x16xf32, #tpu.memory_space<vmem_shared>>
    tpu.wait_indirect_dma semaphore(%arg12 : memref<!tpu.dma_semaphore, #tpu.memory_space<semaphore_mem>>) src(%dma_wait3A_1380 : memref<128x16xf32, #tpu.memory_space<vmem>>) dst(%dma_wait3A_1386 : memref<10240x16xf32, #tpu.memory_space<vmem_shared>>)
    %dma_wait3A_1387 = arith.constant 45 : i32
    %dma_wait3A_1388 = arith.constant 768 : i32
    %dma_wait3A_1389 = arith.constant 0 : i32
    %dma_wait3A_1390 = tpu.memref_slice %arg9[%dma_wait3A_1388, %dma_wait3A_1389] : memref<1664x16xf32, #tpu.memory_space<vmem>> -> memref<128x16xf32, #tpu.memory_space<vmem>>
    %dma_wait3A_1391 = arith.constant 0 : i32
    %dma_wait3A_1392 = tpu.memref_slice %arg5[%dma_wait3A_1387, %dma_wait3A_1391] : memref<79x128xi32, #tpu.memory_space<vmem>> -> memref<1x128xi32, #tpu.memory_space<vmem>>
    %dma_wait3A_1393 = tpu.memref_squeeze %dma_wait3A_1392 : memref<1x128xi32, #tpu.memory_space<vmem>> -> memref<128xi32, #tpu.memory_space<vmem>>
    %dma_wait3A_1394 = arith.constant 0 : i32
    %dma_wait3A_1395 = arith.constant 0 : i32
    %dma_wait3A_1396 = tpu.memref_slice %arg10[%dma_wait3A_1394, %dma_wait3A_1395] : memref<10240x16xf32, #tpu.memory_space<vmem_shared>> -> memref<10240x16xf32, #tpu.memory_space<vmem_shared>>
    tpu.wait_indirect_dma semaphore(%arg12 : memref<!tpu.dma_semaphore, #tpu.memory_space<semaphore_mem>>) src(%dma_wait3A_1390 : memref<128x16xf32, #tpu.memory_space<vmem>>) dst(%dma_wait3A_1396 : memref<10240x16xf32, #tpu.memory_space<vmem_shared>>)
    %dma_wait3A_1397 = arith.constant 46 : i32
    %dma_wait3A_1398 = arith.constant 896 : i32
    %dma_wait3A_1399 = arith.constant 0 : i32
    %dma_wait3A_1400 = tpu.memref_slice %arg9[%dma_wait3A_1398, %dma_wait3A_1399] : memref<1664x16xf32, #tpu.memory_space<vmem>> -> memref<128x16xf32, #tpu.memory_space<vmem>>
    %dma_wait3A_1401 = arith.constant 0 : i32
    %dma_wait3A_1402 = tpu.memref_slice %arg5[%dma_wait3A_1397, %dma_wait3A_1401] : memref<79x128xi32, #tpu.memory_space<vmem>> -> memref<1x128xi32, #tpu.memory_space<vmem>>
    %dma_wait3A_1403 = tpu.memref_squeeze %dma_wait3A_1402 : memref<1x128xi32, #tpu.memory_space<vmem>> -> memref<128xi32, #tpu.memory_space<vmem>>
    %dma_wait3A_1404 = arith.constant 0 : i32
    %dma_wait3A_1405 = arith.constant 0 : i32
    %dma_wait3A_1406 = tpu.memref_slice %arg10[%dma_wait3A_1404, %dma_wait3A_1405] : memref<10240x16xf32, #tpu.memory_space<vmem_shared>> -> memref<10240x16xf32, #tpu.memory_space<vmem_shared>>
    tpu.wait_indirect_dma semaphore(%arg12 : memref<!tpu.dma_semaphore, #tpu.memory_space<semaphore_mem>>) src(%dma_wait3A_1400 : memref<128x16xf32, #tpu.memory_space<vmem>>) dst(%dma_wait3A_1406 : memref<10240x16xf32, #tpu.memory_space<vmem_shared>>)
    %dma_wait3A_1407 = arith.constant 47 : i32
    %dma_wait3A_1408 = arith.constant 1024 : i32
    %dma_wait3A_1409 = arith.constant 0 : i32
    %dma_wait3A_1410 = tpu.memref_slice %arg9[%dma_wait3A_1408, %dma_wait3A_1409] : memref<1664x16xf32, #tpu.memory_space<vmem>> -> memref<128x16xf32, #tpu.memory_space<vmem>>
    %dma_wait3A_1411 = arith.constant 0 : i32
    %dma_wait3A_1412 = tpu.memref_slice %arg5[%dma_wait3A_1407, %dma_wait3A_1411] : memref<79x128xi32, #tpu.memory_space<vmem>> -> memref<1x128xi32, #tpu.memory_space<vmem>>
    %dma_wait3A_1413 = tpu.memref_squeeze %dma_wait3A_1412 : memref<1x128xi32, #tpu.memory_space<vmem>> -> memref<128xi32, #tpu.memory_space<vmem>>
    %dma_wait3A_1414 = arith.constant 0 : i32
    %dma_wait3A_1415 = arith.constant 0 : i32
    %dma_wait3A_1416 = tpu.memref_slice %arg10[%dma_wait3A_1414, %dma_wait3A_1415] : memref<10240x16xf32, #tpu.memory_space<vmem_shared>> -> memref<10240x16xf32, #tpu.memory_space<vmem_shared>>
    tpu.wait_indirect_dma semaphore(%arg12 : memref<!tpu.dma_semaphore, #tpu.memory_space<semaphore_mem>>) src(%dma_wait3A_1410 : memref<128x16xf32, #tpu.memory_space<vmem>>) dst(%dma_wait3A_1416 : memref<10240x16xf32, #tpu.memory_space<vmem_shared>>)
    %dma_wait3A_1417 = arith.constant 48 : i32
    %dma_wait3A_1418 = arith.constant 1152 : i32
    %dma_wait3A_1419 = arith.constant 0 : i32
    %dma_wait3A_1420 = tpu.memref_slice %arg9[%dma_wait3A_1418, %dma_wait3A_1419] : memref<1664x16xf32, #tpu.memory_space<vmem>> -> memref<128x16xf32, #tpu.memory_space<vmem>>
    %dma_wait3A_1421 = arith.constant 0 : i32
    %dma_wait3A_1422 = tpu.memref_slice %arg5[%dma_wait3A_1417, %dma_wait3A_1421] : memref<79x128xi32, #tpu.memory_space<vmem>> -> memref<1x128xi32, #tpu.memory_space<vmem>>
    %dma_wait3A_1423 = tpu.memref_squeeze %dma_wait3A_1422 : memref<1x128xi32, #tpu.memory_space<vmem>> -> memref<128xi32, #tpu.memory_space<vmem>>
    %dma_wait3A_1424 = arith.constant 0 : i32
    %dma_wait3A_1425 = arith.constant 0 : i32
    %dma_wait3A_1426 = tpu.memref_slice %arg10[%dma_wait3A_1424, %dma_wait3A_1425] : memref<10240x16xf32, #tpu.memory_space<vmem_shared>> -> memref<10240x16xf32, #tpu.memory_space<vmem_shared>>
    tpu.wait_indirect_dma semaphore(%arg12 : memref<!tpu.dma_semaphore, #tpu.memory_space<semaphore_mem>>) src(%dma_wait3A_1420 : memref<128x16xf32, #tpu.memory_space<vmem>>) dst(%dma_wait3A_1426 : memref<10240x16xf32, #tpu.memory_space<vmem_shared>>)
    %dma_wait3A_1427 = arith.constant 49 : i32
    %dma_wait3A_1428 = arith.constant 1280 : i32
    %dma_wait3A_1429 = arith.constant 0 : i32
    %dma_wait3A_1430 = tpu.memref_slice %arg9[%dma_wait3A_1428, %dma_wait3A_1429] : memref<1664x16xf32, #tpu.memory_space<vmem>> -> memref<128x16xf32, #tpu.memory_space<vmem>>
    %dma_wait3A_1431 = arith.constant 0 : i32
    %dma_wait3A_1432 = tpu.memref_slice %arg5[%dma_wait3A_1427, %dma_wait3A_1431] : memref<79x128xi32, #tpu.memory_space<vmem>> -> memref<1x128xi32, #tpu.memory_space<vmem>>
    %dma_wait3A_1433 = tpu.memref_squeeze %dma_wait3A_1432 : memref<1x128xi32, #tpu.memory_space<vmem>> -> memref<128xi32, #tpu.memory_space<vmem>>
    %dma_wait3A_1434 = arith.constant 0 : i32
    %dma_wait3A_1435 = arith.constant 0 : i32
    %dma_wait3A_1436 = tpu.memref_slice %arg10[%dma_wait3A_1434, %dma_wait3A_1435] : memref<10240x16xf32, #tpu.memory_space<vmem_shared>> -> memref<10240x16xf32, #tpu.memory_space<vmem_shared>>
    tpu.wait_indirect_dma semaphore(%arg12 : memref<!tpu.dma_semaphore, #tpu.memory_space<semaphore_mem>>) src(%dma_wait3A_1430 : memref<128x16xf32, #tpu.memory_space<vmem>>) dst(%dma_wait3A_1436 : memref<10240x16xf32, #tpu.memory_space<vmem_shared>>)
    %dma_wait3A_1437 = arith.constant 50 : i32
    %dma_wait3A_1438 = arith.constant 1408 : i32
    %dma_wait3A_1439 = arith.constant 0 : i32
    %dma_wait3A_1440 = tpu.memref_slice %arg9[%dma_wait3A_1438, %dma_wait3A_1439] : memref<1664x16xf32, #tpu.memory_space<vmem>> -> memref<128x16xf32, #tpu.memory_space<vmem>>
    %dma_wait3A_1441 = arith.constant 0 : i32
    %dma_wait3A_1442 = tpu.memref_slice %arg5[%dma_wait3A_1437, %dma_wait3A_1441] : memref<79x128xi32, #tpu.memory_space<vmem>> -> memref<1x128xi32, #tpu.memory_space<vmem>>
    %dma_wait3A_1443 = tpu.memref_squeeze %dma_wait3A_1442 : memref<1x128xi32, #tpu.memory_space<vmem>> -> memref<128xi32, #tpu.memory_space<vmem>>
    %dma_wait3A_1444 = arith.constant 0 : i32
    %dma_wait3A_1445 = arith.constant 0 : i32
    %dma_wait3A_1446 = tpu.memref_slice %arg10[%dma_wait3A_1444, %dma_wait3A_1445] : memref<10240x16xf32, #tpu.memory_space<vmem_shared>> -> memref<10240x16xf32, #tpu.memory_space<vmem_shared>>
    tpu.wait_indirect_dma semaphore(%arg12 : memref<!tpu.dma_semaphore, #tpu.memory_space<semaphore_mem>>) src(%dma_wait3A_1440 : memref<128x16xf32, #tpu.memory_space<vmem>>) dst(%dma_wait3A_1446 : memref<10240x16xf32, #tpu.memory_space<vmem_shared>>)
    %dma_wait3A_1447 = arith.constant 51 : i32
    %dma_wait3A_1448 = arith.constant 1536 : i32
    %dma_wait3A_1449 = arith.constant 0 : i32
    %dma_wait3A_1450 = tpu.memref_slice %arg9[%dma_wait3A_1448, %dma_wait3A_1449] : memref<1664x16xf32, #tpu.memory_space<vmem>> -> memref<128x16xf32, #tpu.memory_space<vmem>>
    %dma_wait3A_1451 = arith.constant 0 : i32
    %dma_wait3A_1452 = tpu.memref_slice %arg5[%dma_wait3A_1447, %dma_wait3A_1451] : memref<79x128xi32, #tpu.memory_space<vmem>> -> memref<1x128xi32, #tpu.memory_space<vmem>>
    %dma_wait3A_1453 = tpu.memref_squeeze %dma_wait3A_1452 : memref<1x128xi32, #tpu.memory_space<vmem>> -> memref<128xi32, #tpu.memory_space<vmem>>
    %dma_wait3A_1454 = arith.constant 0 : i32
    %dma_wait3A_1455 = arith.constant 0 : i32
    %dma_wait3A_1456 = tpu.memref_slice %arg10[%dma_wait3A_1454, %dma_wait3A_1455] : memref<10240x16xf32, #tpu.memory_space<vmem_shared>> -> memref<10240x16xf32, #tpu.memory_space<vmem_shared>>
    tpu.wait_indirect_dma semaphore(%arg12 : memref<!tpu.dma_semaphore, #tpu.memory_space<semaphore_mem>>) src(%dma_wait3A_1450 : memref<128x16xf32, #tpu.memory_space<vmem>>) dst(%dma_wait3A_1456 : memref<10240x16xf32, #tpu.memory_space<vmem_shared>>)
    %dma_wait3A_1457 = arith.constant 0 : i32
    %dma_wait3A_1458 = arith.constant 0 : i32
    %dma_wait3A_1459 = arith.constant 0 : i32
    %dma_wait3A_1460 = arith.constant 0 : i32
    %dma_wait3A_1461 = tpu.memref_slice %arg7[%dma_wait3A_1457, %dma_wait3A_1458, %dma_wait3A_1459, %dma_wait3A_1460] : memref<2x13x8x129xf32, #tpu.memory_space<vmem>> -> memref<2x13x8x128xf32, #tpu.memory_space<vmem>>
    %dma_wait3A_1462 = arith.constant 0 : i32
    %dma_wait3A_1463 = arith.constant 0 : i32
    %dma_wait3A_1464 = arith.constant 0 : i32
    %dma_wait3A_1465 = tpu.memref_slice %arg3[%dma_wait3A_1462, %add3A_1024, %dma_wait3A_1463, %dma_wait3A_1464] : memref<2x2500x8x128xf32, #tpu.memory_space<hbm>> -> memref<2x13x8x128xf32, #tpu.memory_space<hbm>>
    %dma_wait3A_1466 = arith.constant 0 : i32
    %dma_wait3A_1467 = arith.constant 0 : i32
    %dma_wait3A_1468 = arith.constant 0 : i32
    %dma_wait3A_1469 = arith.constant 0 : i32
    %dma_wait3A_1470 = tpu.memref_slice %arg7[%dma_wait3A_1466, %dma_wait3A_1467, %dma_wait3A_1468, %dma_wait3A_1469] : memref<2x13x8x129xf32, #tpu.memory_space<vmem>> -> memref<2x13x8x128xf32, #tpu.memory_space<vmem>>
    %dma_wait3A_1471 = arith.constant 0 : i32
    %dma_wait3A_1472 = arith.constant 0 : i32
    %dma_wait3A_1473 = arith.constant 0 : i32
    %dma_wait3A_1474 = tpu.memref_slice %arg3[%dma_wait3A_1471, %add3A_1024, %dma_wait3A_1472, %dma_wait3A_1473] : memref<2x2500x8x128xf32, #tpu.memory_space<hbm>> -> memref<2x13x8x128xf32, #tpu.memory_space<hbm>>
    tpu.wait_dma2 semaphore(%arg11 : memref<!tpu.dma_semaphore, #tpu.memory_space<semaphore_mem>>) src(%dma_wait3A_1474 : memref<2x13x8x128xf32, #tpu.memory_space<hbm>>) dst(%dma_wait3A_1470 : memref<2x13x8x128xf32, #tpu.memory_space<vmem>>)
    %scan3A_1475 = arith.constant 0 : i32
    %scan3A_1476 = arith.constant 0 : i32
    %scan3A_1477 = arith.constant 13 : i32
    %scan3A_1478 = arith.addi %scan3A_1476, %scan3A_1477 : i32
    %scan3A_1479 = arith.constant 1 : i32
    scf.for %scan3A_1875 = %scan3A_1476 to %scan3A_1478 step %scan3A_1479  : i32 {
      %broadcast_in_dim3A = vector.broadcast %scan3A_1875 : i32 to vector<16xi32>
      %mul3A_1876 = arith.constant 128 : i32
      %mul3A_1877 = arith.muli %scan3A_1875, %mul3A_1876 : i32
      %parallel_loop3A_1878 = arith.constant 0 : i32
      %parallel_loop3A_1879 = arith.constant 128 : i32
      %parallel_loop3A_1880 = arith.constant 1 : i32
      scf.for %parallel_loop3A_1881 = %parallel_loop3A_1878 to %parallel_loop3A_1879 step %parallel_loop3A_1880  : i32 {
        %parallel_loop3A_1882 = vector.broadcast %parallel_loop3A_1881 : i32 to vector<16xi32>
        %parallel_loop3A_1883 = tpu.vector_load_idx %arg7[%select_n3A, %broadcast_in_dim3A, %select_n3A_51, %parallel_loop3A_1882] : memref<2x13x8x129xf32, #tpu.memory_space<vmem>>[vector<16xi32>, vector<16xi32>, vector<16xi32>, vector<16xi32>], vector<16xf32>,
        %parallel_loop3A_1884 = arith.addi %mul3A_1877, %parallel_loop3A_1881 : i32
        %parallel_loop3A_1885 = arith.index_cast %parallel_loop3A_1884 : i32 to index
        %parallel_loop3A_1886 = arith.constant 0 : index
        %parallel_loop3A_1887 = tpu.vector_load %arg9[%parallel_loop3A_1885, %parallel_loop3A_1886] {strides = array<i32>} : memref<1664x16xf32, #tpu.memory_space<vmem>>, vector<16xf32>,
        tpu.vector_store %arg9[%parallel_loop3A_1885, %parallel_loop3A_1886], %parallel_loop3A_1883 {strides = array<i32>} : memref<1664x16xf32, #tpu.memory_space<vmem>>, vector<16xf32>,
      } {sc.loop_unroll_factor = 16 : i64, sc.parallel_access}
    }
    %scan3A_1480 = arith.constant 13 : i32
    %dma_start3A_1481 = arith.constant 65 : i32
    %dma_start3A_1482 = arith.constant 0 : i32
    %dma_start3A_1483 = arith.constant 0 : i32
    %dma_start3A_1484 = tpu.memref_slice %arg9[%dma_start3A_1482, %dma_start3A_1483] : memref<1664x16xf32, #tpu.memory_space<vmem>> -> memref<128x16xf32, #tpu.memory_space<vmem>>
    %dma_start3A_1485 = arith.constant 0 : i32
    %dma_start3A_1486 = tpu.memref_slice %arg5[%dma_start3A_1481, %dma_start3A_1485] : memref<79x128xi32, #tpu.memory_space<vmem>> -> memref<1x128xi32, #tpu.memory_space<vmem>>
    %dma_start3A_1487 = tpu.memref_squeeze %dma_start3A_1486 : memref<1x128xi32, #tpu.memory_space<vmem>> -> memref<128xi32, #tpu.memory_space<vmem>>
    %dma_start3A_1488 = arith.constant 0 : i32
    %dma_start3A_1489 = arith.constant 0 : i32
    %dma_start3A_1490 = tpu.memref_slice %arg10[%dma_start3A_1488, %dma_start3A_1489] : memref<10240x16xf32, #tpu.memory_space<vmem_shared>> -> memref<10240x16xf32, #tpu.memory_space<vmem_shared>>
    tpu.enqueue_indirect_dma source(%dma_start3A_1484 : memref<128x16xf32, #tpu.memory_space<vmem>>) target(%dma_start3A_1490 : memref<10240x16xf32, #tpu.memory_space<vmem_shared>>) offsets(%dma_start3A_1487 : memref<128xi32, #tpu.memory_space<vmem>>) semaphore(%arg12 : memref<!tpu.dma_semaphore, #tpu.memory_space<semaphore_mem>>) {add = true}
    %dma_start3A_1491 = arith.constant 66 : i32
    %dma_start3A_1492 = arith.constant 128 : i32
    %dma_start3A_1493 = arith.constant 0 : i32
    %dma_start3A_1494 = tpu.memref_slice %arg9[%dma_start3A_1492, %dma_start3A_1493] : memref<1664x16xf32, #tpu.memory_space<vmem>> -> memref<128x16xf32, #tpu.memory_space<vmem>>
    %dma_start3A_1495 = arith.constant 0 : i32
    %dma_start3A_1496 = tpu.memref_slice %arg5[%dma_start3A_1491, %dma_start3A_1495] : memref<79x128xi32, #tpu.memory_space<vmem>> -> memref<1x128xi32, #tpu.memory_space<vmem>>
    %dma_start3A_1497 = tpu.memref_squeeze %dma_start3A_1496 : memref<1x128xi32, #tpu.memory_space<vmem>> -> memref<128xi32, #tpu.memory_space<vmem>>
    %dma_start3A_1498 = arith.constant 0 : i32
    %dma_start3A_1499 = arith.constant 0 : i32
    %dma_start3A_1500 = tpu.memref_slice %arg10[%dma_start3A_1498, %dma_start3A_1499] : memref<10240x16xf32, #tpu.memory_space<vmem_shared>> -> memref<10240x16xf32, #tpu.memory_space<vmem_shared>>
    tpu.enqueue_indirect_dma source(%dma_start3A_1494 : memref<128x16xf32, #tpu.memory_space<vmem>>) target(%dma_start3A_1500 : memref<10240x16xf32, #tpu.memory_space<vmem_shared>>) offsets(%dma_start3A_1497 : memref<128xi32, #tpu.memory_space<vmem>>) semaphore(%arg12 : memref<!tpu.dma_semaphore, #tpu.memory_space<semaphore_mem>>) {add = true}
    %dma_start3A_1501 = arith.constant 67 : i32
    %dma_start3A_1502 = arith.constant 256 : i32
    %dma_start3A_1503 = arith.constant 0 : i32
    %dma_start3A_1504 = tpu.memref_slice %arg9[%dma_start3A_1502, %dma_start3A_1503] : memref<1664x16xf32, #tpu.memory_space<vmem>> -> memref<128x16xf32, #tpu.memory_space<vmem>>
    %dma_start3A_1505 = arith.constant 0 : i32
    %dma_start3A_1506 = tpu.memref_slice %arg5[%dma_start3A_1501, %dma_start3A_1505] : memref<79x128xi32, #tpu.memory_space<vmem>> -> memref<1x128xi32, #tpu.memory_space<vmem>>
    %dma_start3A_1507 = tpu.memref_squeeze %dma_start3A_1506 : memref<1x128xi32, #tpu.memory_space<vmem>> -> memref<128xi32, #tpu.memory_space<vmem>>
    %dma_start3A_1508 = arith.constant 0 : i32
    %dma_start3A_1509 = arith.constant 0 : i32
    %dma_start3A_1510 = tpu.memref_slice %arg10[%dma_start3A_1508, %dma_start3A_1509] : memref<10240x16xf32, #tpu.memory_space<vmem_shared>> -> memref<10240x16xf32, #tpu.memory_space<vmem_shared>>
    tpu.enqueue_indirect_dma source(%dma_start3A_1504 : memref<128x16xf32, #tpu.memory_space<vmem>>) target(%dma_start3A_1510 : memref<10240x16xf32, #tpu.memory_space<vmem_shared>>) offsets(%dma_start3A_1507 : memref<128xi32, #tpu.memory_space<vmem>>) semaphore(%arg12 : memref<!tpu.dma_semaphore, #tpu.memory_space<semaphore_mem>>) {add = true}
    %dma_start3A_1511 = arith.constant 68 : i32
    %dma_start3A_1512 = arith.constant 384 : i32
    %dma_start3A_1513 = arith.constant 0 : i32
    %dma_start3A_1514 = tpu.memref_slice %arg9[%dma_start3A_1512, %dma_start3A_1513] : memref<1664x16xf32, #tpu.memory_space<vmem>> -> memref<128x16xf32, #tpu.memory_space<vmem>>
    %dma_start3A_1515 = arith.constant 0 : i32
    %dma_start3A_1516 = tpu.memref_slice %arg5[%dma_start3A_1511, %dma_start3A_1515] : memref<79x128xi32, #tpu.memory_space<vmem>> -> memref<1x128xi32, #tpu.memory_space<vmem>>
    %dma_start3A_1517 = tpu.memref_squeeze %dma_start3A_1516 : memref<1x128xi32, #tpu.memory_space<vmem>> -> memref<128xi32, #tpu.memory_space<vmem>>
    %dma_start3A_1518 = arith.constant 0 : i32
    %dma_start3A_1519 = arith.constant 0 : i32
    %dma_start3A_1520 = tpu.memref_slice %arg10[%dma_start3A_1518, %dma_start3A_1519] : memref<10240x16xf32, #tpu.memory_space<vmem_shared>> -> memref<10240x16xf32, #tpu.memory_space<vmem_shared>>
    tpu.enqueue_indirect_dma source(%dma_start3A_1514 : memref<128x16xf32, #tpu.memory_space<vmem>>) target(%dma_start3A_1520 : memref<10240x16xf32, #tpu.memory_space<vmem_shared>>) offsets(%dma_start3A_1517 : memref<128xi32, #tpu.memory_space<vmem>>) semaphore(%arg12 : memref<!tpu.dma_semaphore, #tpu.memory_space<semaphore_mem>>) {add = true}
    %dma_start3A_1521 = arith.constant 69 : i32
    %dma_start3A_1522 = arith.constant 512 : i32
    %dma_start3A_1523 = arith.constant 0 : i32
    %dma_start3A_1524 = tpu.memref_slice %arg9[%dma_start3A_1522, %dma_start3A_1523] : memref<1664x16xf32, #tpu.memory_space<vmem>> -> memref<128x16xf32, #tpu.memory_space<vmem>>
    %dma_start3A_1525 = arith.constant 0 : i32
    %dma_start3A_1526 = tpu.memref_slice %arg5[%dma_start3A_1521, %dma_start3A_1525] : memref<79x128xi32, #tpu.memory_space<vmem>> -> memref<1x128xi32, #tpu.memory_space<vmem>>
    %dma_start3A_1527 = tpu.memref_squeeze %dma_start3A_1526 : memref<1x128xi32, #tpu.memory_space<vmem>> -> memref<128xi32, #tpu.memory_space<vmem>>
    %dma_start3A_1528 = arith.constant 0 : i32
    %dma_start3A_1529 = arith.constant 0 : i32
    %dma_start3A_1530 = tpu.memref_slice %arg10[%dma_start3A_1528, %dma_start3A_1529] : memref<10240x16xf32, #tpu.memory_space<vmem_shared>> -> memref<10240x16xf32, #tpu.memory_space<vmem_shared>>
    tpu.enqueue_indirect_dma source(%dma_start3A_1524 : memref<128x16xf32, #tpu.memory_space<vmem>>) target(%dma_start3A_1530 : memref<10240x16xf32, #tpu.memory_space<vmem_shared>>) offsets(%dma_start3A_1527 : memref<128xi32, #tpu.memory_space<vmem>>) semaphore(%arg12 : memref<!tpu.dma_semaphore, #tpu.memory_space<semaphore_mem>>) {add = true}
    %dma_start3A_1531 = arith.constant 70 : i32
    %dma_start3A_1532 = arith.constant 640 : i32
    %dma_start3A_1533 = arith.constant 0 : i32
    %dma_start3A_1534 = tpu.memref_slice %arg9[%dma_start3A_1532, %dma_start3A_1533] : memref<1664x16xf32, #tpu.memory_space<vmem>> -> memref<128x16xf32, #tpu.memory_space<vmem>>
    %dma_start3A_1535 = arith.constant 0 : i32
    %dma_start3A_1536 = tpu.memref_slice %arg5[%dma_start3A_1531, %dma_start3A_1535] : memref<79x128xi32, #tpu.memory_space<vmem>> -> memref<1x128xi32, #tpu.memory_space<vmem>>
    %dma_start3A_1537 = tpu.memref_squeeze %dma_start3A_1536 : memref<1x128xi32, #tpu.memory_space<vmem>> -> memref<128xi32, #tpu.memory_space<vmem>>
    %dma_start3A_1538 = arith.constant 0 : i32
    %dma_start3A_1539 = arith.constant 0 : i32
    %dma_start3A_1540 = tpu.memref_slice %arg10[%dma_start3A_1538, %dma_start3A_1539] : memref<10240x16xf32, #tpu.memory_space<vmem_shared>> -> memref<10240x16xf32, #tpu.memory_space<vmem_shared>>
    tpu.enqueue_indirect_dma source(%dma_start3A_1534 : memref<128x16xf32, #tpu.memory_space<vmem>>) target(%dma_start3A_1540 : memref<10240x16xf32, #tpu.memory_space<vmem_shared>>) offsets(%dma_start3A_1537 : memref<128xi32, #tpu.memory_space<vmem>>) semaphore(%arg12 : memref<!tpu.dma_semaphore, #tpu.memory_space<semaphore_mem>>) {add = true}
    %dma_start3A_1541 = arith.constant 71 : i32
    %dma_start3A_1542 = arith.constant 768 : i32
    %dma_start3A_1543 = arith.constant 0 : i32
    %dma_start3A_1544 = tpu.memref_slice %arg9[%dma_start3A_1542, %dma_start3A_1543] : memref<1664x16xf32, #tpu.memory_space<vmem>> -> memref<128x16xf32, #tpu.memory_space<vmem>>
    %dma_start3A_1545 = arith.constant 0 : i32
    %dma_start3A_1546 = tpu.memref_slice %arg5[%dma_start3A_1541, %dma_start3A_1545] : memref<79x128xi32, #tpu.memory_space<vmem>> -> memref<1x128xi32, #tpu.memory_space<vmem>>
    %dma_start3A_1547 = tpu.memref_squeeze %dma_start3A_1546 : memref<1x128xi32, #tpu.memory_space<vmem>> -> memref<128xi32, #tpu.memory_space<vmem>>
    %dma_start3A_1548 = arith.constant 0 : i32
    %dma_start3A_1549 = arith.constant 0 : i32
    %dma_start3A_1550 = tpu.memref_slice %arg10[%dma_start3A_1548, %dma_start3A_1549] : memref<10240x16xf32, #tpu.memory_space<vmem_shared>> -> memref<10240x16xf32, #tpu.memory_space<vmem_shared>>
    tpu.enqueue_indirect_dma source(%dma_start3A_1544 : memref<128x16xf32, #tpu.memory_space<vmem>>) target(%dma_start3A_1550 : memref<10240x16xf32, #tpu.memory_space<vmem_shared>>) offsets(%dma_start3A_1547 : memref<128xi32, #tpu.memory_space<vmem>>) semaphore(%arg12 : memref<!tpu.dma_semaphore, #tpu.memory_space<semaphore_mem>>) {add = true}
    %dma_start3A_1551 = arith.constant 72 : i32
    %dma_start3A_1552 = arith.constant 896 : i32
    %dma_start3A_1553 = arith.constant 0 : i32
    %dma_start3A_1554 = tpu.memref_slice %arg9[%dma_start3A_1552, %dma_start3A_1553] : memref<1664x16xf32, #tpu.memory_space<vmem>> -> memref<128x16xf32, #tpu.memory_space<vmem>>
    %dma_start3A_1555 = arith.constant 0 : i32
    %dma_start3A_1556 = tpu.memref_slice %arg5[%dma_start3A_1551, %dma_start3A_1555] : memref<79x128xi32, #tpu.memory_space<vmem>> -> memref<1x128xi32, #tpu.memory_space<vmem>>
    %dma_start3A_1557 = tpu.memref_squeeze %dma_start3A_1556 : memref<1x128xi32, #tpu.memory_space<vmem>> -> memref<128xi32, #tpu.memory_space<vmem>>
    %dma_start3A_1558 = arith.constant 0 : i32
    %dma_start3A_1559 = arith.constant 0 : i32
    %dma_start3A_1560 = tpu.memref_slice %arg10[%dma_start3A_1558, %dma_start3A_1559] : memref<10240x16xf32, #tpu.memory_space<vmem_shared>> -> memref<10240x16xf32, #tpu.memory_space<vmem_shared>>
    tpu.enqueue_indirect_dma source(%dma_start3A_1554 : memref<128x16xf32, #tpu.memory_space<vmem>>) target(%dma_start3A_1560 : memref<10240x16xf32, #tpu.memory_space<vmem_shared>>) offsets(%dma_start3A_1557 : memref<128xi32, #tpu.memory_space<vmem>>) semaphore(%arg12 : memref<!tpu.dma_semaphore, #tpu.memory_space<semaphore_mem>>) {add = true}
    %dma_start3A_1561 = arith.constant 73 : i32
    %dma_start3A_1562 = arith.constant 1024 : i32
    %dma_start3A_1563 = arith.constant 0 : i32
    %dma_start3A_1564 = tpu.memref_slice %arg9[%dma_start3A_1562, %dma_start3A_1563] : memref<1664x16xf32, #tpu.memory_space<vmem>> -> memref<128x16xf32, #tpu.memory_space<vmem>>
    %dma_start3A_1565 = arith.constant 0 : i32
    %dma_start3A_1566 = tpu.memref_slice %arg5[%dma_start3A_1561, %dma_start3A_1565] : memref<79x128xi32, #tpu.memory_space<vmem>> -> memref<1x128xi32, #tpu.memory_space<vmem>>
    %dma_start3A_1567 = tpu.memref_squeeze %dma_start3A_1566 : memref<1x128xi32, #tpu.memory_space<vmem>> -> memref<128xi32, #tpu.memory_space<vmem>>
    %dma_start3A_1568 = arith.constant 0 : i32
    %dma_start3A_1569 = arith.constant 0 : i32
    %dma_start3A_1570 = tpu.memref_slice %arg10[%dma_start3A_1568, %dma_start3A_1569] : memref<10240x16xf32, #tpu.memory_space<vmem_shared>> -> memref<10240x16xf32, #tpu.memory_space<vmem_shared>>
    tpu.enqueue_indirect_dma source(%dma_start3A_1564 : memref<128x16xf32, #tpu.memory_space<vmem>>) target(%dma_start3A_1570 : memref<10240x16xf32, #tpu.memory_space<vmem_shared>>) offsets(%dma_start3A_1567 : memref<128xi32, #tpu.memory_space<vmem>>) semaphore(%arg12 : memref<!tpu.dma_semaphore, #tpu.memory_space<semaphore_mem>>) {add = true}
    %dma_start3A_1571 = arith.constant 74 : i32
    %dma_start3A_1572 = arith.constant 1152 : i32
    %dma_start3A_1573 = arith.constant 0 : i32
    %dma_start3A_1574 = tpu.memref_slice %arg9[%dma_start3A_1572, %dma_start3A_1573] : memref<1664x16xf32, #tpu.memory_space<vmem>> -> memref<128x16xf32, #tpu.memory_space<vmem>>
    %dma_start3A_1575 = arith.constant 0 : i32
    %dma_start3A_1576 = tpu.memref_slice %arg5[%dma_start3A_1571, %dma_start3A_1575] : memref<79x128xi32, #tpu.memory_space<vmem>> -> memref<1x128xi32, #tpu.memory_space<vmem>>
    %dma_start3A_1577 = tpu.memref_squeeze %dma_start3A_1576 : memref<1x128xi32, #tpu.memory_space<vmem>> -> memref<128xi32, #tpu.memory_space<vmem>>
    %dma_start3A_1578 = arith.constant 0 : i32
    %dma_start3A_1579 = arith.constant 0 : i32
    %dma_start3A_1580 = tpu.memref_slice %arg10[%dma_start3A_1578, %dma_start3A_1579] : memref<10240x16xf32, #tpu.memory_space<vmem_shared>> -> memref<10240x16xf32, #tpu.memory_space<vmem_shared>>
    tpu.enqueue_indirect_dma source(%dma_start3A_1574 : memref<128x16xf32, #tpu.memory_space<vmem>>) target(%dma_start3A_1580 : memref<10240x16xf32, #tpu.memory_space<vmem_shared>>) offsets(%dma_start3A_1577 : memref<128xi32, #tpu.memory_space<vmem>>) semaphore(%arg12 : memref<!tpu.dma_semaphore, #tpu.memory_space<semaphore_mem>>) {add = true}
    %dma_start3A_1581 = arith.constant 75 : i32
    %dma_start3A_1582 = arith.constant 1280 : i32
    %dma_start3A_1583 = arith.constant 0 : i32
    %dma_start3A_1584 = tpu.memref_slice %arg9[%dma_start3A_1582, %dma_start3A_1583] : memref<1664x16xf32, #tpu.memory_space<vmem>> -> memref<128x16xf32, #tpu.memory_space<vmem>>
    %dma_start3A_1585 = arith.constant 0 : i32
    %dma_start3A_1586 = tpu.memref_slice %arg5[%dma_start3A_1581, %dma_start3A_1585] : memref<79x128xi32, #tpu.memory_space<vmem>> -> memref<1x128xi32, #tpu.memory_space<vmem>>
    %dma_start3A_1587 = tpu.memref_squeeze %dma_start3A_1586 : memref<1x128xi32, #tpu.memory_space<vmem>> -> memref<128xi32, #tpu.memory_space<vmem>>
    %dma_start3A_1588 = arith.constant 0 : i32
    %dma_start3A_1589 = arith.constant 0 : i32
    %dma_start3A_1590 = tpu.memref_slice %arg10[%dma_start3A_1588, %dma_start3A_1589] : memref<10240x16xf32, #tpu.memory_space<vmem_shared>> -> memref<10240x16xf32, #tpu.memory_space<vmem_shared>>
    tpu.enqueue_indirect_dma source(%dma_start3A_1584 : memref<128x16xf32, #tpu.memory_space<vmem>>) target(%dma_start3A_1590 : memref<10240x16xf32, #tpu.memory_space<vmem_shared>>) offsets(%dma_start3A_1587 : memref<128xi32, #tpu.memory_space<vmem>>) semaphore(%arg12 : memref<!tpu.dma_semaphore, #tpu.memory_space<semaphore_mem>>) {add = true}
    %dma_start3A_1591 = arith.constant 76 : i32
    %dma_start3A_1592 = arith.constant 1408 : i32
    %dma_start3A_1593 = arith.constant 0 : i32
    %dma_start3A_1594 = tpu.memref_slice %arg9[%dma_start3A_1592, %dma_start3A_1593] : memref<1664x16xf32, #tpu.memory_space<vmem>> -> memref<128x16xf32, #tpu.memory_space<vmem>>
    %dma_start3A_1595 = arith.constant 0 : i32
    %dma_start3A_1596 = tpu.memref_slice %arg5[%dma_start3A_1591, %dma_start3A_1595] : memref<79x128xi32, #tpu.memory_space<vmem>> -> memref<1x128xi32, #tpu.memory_space<vmem>>
    %dma_start3A_1597 = tpu.memref_squeeze %dma_start3A_1596 : memref<1x128xi32, #tpu.memory_space<vmem>> -> memref<128xi32, #tpu.memory_space<vmem>>
    %dma_start3A_1598 = arith.constant 0 : i32
    %dma_start3A_1599 = arith.constant 0 : i32
    %dma_start3A_1600 = tpu.memref_slice %arg10[%dma_start3A_1598, %dma_start3A_1599] : memref<10240x16xf32, #tpu.memory_space<vmem_shared>> -> memref<10240x16xf32, #tpu.memory_space<vmem_shared>>
    tpu.enqueue_indirect_dma source(%dma_start3A_1594 : memref<128x16xf32, #tpu.memory_space<vmem>>) target(%dma_start3A_1600 : memref<10240x16xf32, #tpu.memory_space<vmem_shared>>) offsets(%dma_start3A_1597 : memref<128xi32, #tpu.memory_space<vmem>>) semaphore(%arg12 : memref<!tpu.dma_semaphore, #tpu.memory_space<semaphore_mem>>) {add = true}
    %dma_start3A_1601 = arith.constant 77 : i32
    %dma_start3A_1602 = arith.constant 1536 : i32
    %dma_start3A_1603 = arith.constant 0 : i32
    %dma_start3A_1604 = tpu.memref_slice %arg9[%dma_start3A_1602, %dma_start3A_1603] : memref<1664x16xf32, #tpu.memory_space<vmem>> -> memref<128x16xf32, #tpu.memory_space<vmem>>
    %dma_start3A_1605 = arith.constant 0 : i32
    %dma_start3A_1606 = tpu.memref_slice %arg5[%dma_start3A_1601, %dma_start3A_1605] : memref<79x128xi32, #tpu.memory_space<vmem>> -> memref<1x128xi32, #tpu.memory_space<vmem>>
    %dma_start3A_1607 = tpu.memref_squeeze %dma_start3A_1606 : memref<1x128xi32, #tpu.memory_space<vmem>> -> memref<128xi32, #tpu.memory_space<vmem>>
    %dma_start3A_1608 = arith.constant 0 : i32
    %dma_start3A_1609 = arith.constant 0 : i32
    %dma_start3A_1610 = tpu.memref_slice %arg10[%dma_start3A_1608, %dma_start3A_1609] : memref<10240x16xf32, #tpu.memory_space<vmem_shared>> -> memref<10240x16xf32, #tpu.memory_space<vmem_shared>>
    tpu.enqueue_indirect_dma source(%dma_start3A_1604 : memref<128x16xf32, #tpu.memory_space<vmem>>) target(%dma_start3A_1610 : memref<10240x16xf32, #tpu.memory_space<vmem_shared>>) offsets(%dma_start3A_1607 : memref<128xi32, #tpu.memory_space<vmem>>) semaphore(%arg12 : memref<!tpu.dma_semaphore, #tpu.memory_space<semaphore_mem>>) {add = true}
    %dma_wait3A_1611 = arith.constant 52 : i32
    %dma_wait3A_1612 = arith.constant 0 : i32
    %dma_wait3A_1613 = arith.constant 0 : i32
    %dma_wait3A_1614 = tpu.memref_slice %arg8[%dma_wait3A_1612, %dma_wait3A_1613] : memref<1664x16xf32, #tpu.memory_space<vmem>> -> memref<128x16xf32, #tpu.memory_space<vmem>>
    %dma_wait3A_1615 = arith.constant 0 : i32
    %dma_wait3A_1616 = tpu.memref_slice %arg5[%dma_wait3A_1611, %dma_wait3A_1615] : memref<79x128xi32, #tpu.memory_space<vmem>> -> memref<1x128xi32, #tpu.memory_space<vmem>>
    %dma_wait3A_1617 = tpu.memref_squeeze %dma_wait3A_1616 : memref<1x128xi32, #tpu.memory_space<vmem>> -> memref<128xi32, #tpu.memory_space<vmem>>
    %dma_wait3A_1618 = arith.constant 0 : i32
    %dma_wait3A_1619 = arith.constant 0 : i32
    %dma_wait3A_1620 = tpu.memref_slice %arg10[%dma_wait3A_1618, %dma_wait3A_1619] : memref<10240x16xf32, #tpu.memory_space<vmem_shared>> -> memref<10240x16xf32, #tpu.memory_space<vmem_shared>>
    tpu.wait_indirect_dma semaphore(%arg12 : memref<!tpu.dma_semaphore, #tpu.memory_space<semaphore_mem>>) src(%dma_wait3A_1614 : memref<128x16xf32, #tpu.memory_space<vmem>>) dst(%dma_wait3A_1620 : memref<10240x16xf32, #tpu.memory_space<vmem_shared>>)
    %dma_wait3A_1621 = arith.constant 53 : i32
    %dma_wait3A_1622 = arith.constant 128 : i32
    %dma_wait3A_1623 = arith.constant 0 : i32
    %dma_wait3A_1624 = tpu.memref_slice %arg8[%dma_wait3A_1622, %dma_wait3A_1623] : memref<1664x16xf32, #tpu.memory_space<vmem>> -> memref<128x16xf32, #tpu.memory_space<vmem>>
    %dma_wait3A_1625 = arith.constant 0 : i32
    %dma_wait3A_1626 = tpu.memref_slice %arg5[%dma_wait3A_1621, %dma_wait3A_1625] : memref<79x128xi32, #tpu.memory_space<vmem>> -> memref<1x128xi32, #tpu.memory_space<vmem>>
    %dma_wait3A_1627 = tpu.memref_squeeze %dma_wait3A_1626 : memref<1x128xi32, #tpu.memory_space<vmem>> -> memref<128xi32, #tpu.memory_space<vmem>>
    %dma_wait3A_1628 = arith.constant 0 : i32
    %dma_wait3A_1629 = arith.constant 0 : i32
    %dma_wait3A_1630 = tpu.memref_slice %arg10[%dma_wait3A_1628, %dma_wait3A_1629] : memref<10240x16xf32, #tpu.memory_space<vmem_shared>> -> memref<10240x16xf32, #tpu.memory_space<vmem_shared>>
    tpu.wait_indirect_dma semaphore(%arg12 : memref<!tpu.dma_semaphore, #tpu.memory_space<semaphore_mem>>) src(%dma_wait3A_1624 : memref<128x16xf32, #tpu.memory_space<vmem>>) dst(%dma_wait3A_1630 : memref<10240x16xf32, #tpu.memory_space<vmem_shared>>)
    %dma_wait3A_1631 = arith.constant 54 : i32
    %dma_wait3A_1632 = arith.constant 256 : i32
    %dma_wait3A_1633 = arith.constant 0 : i32
    %dma_wait3A_1634 = tpu.memref_slice %arg8[%dma_wait3A_1632, %dma_wait3A_1633] : memref<1664x16xf32, #tpu.memory_space<vmem>> -> memref<128x16xf32, #tpu.memory_space<vmem>>
    %dma_wait3A_1635 = arith.constant 0 : i32
    %dma_wait3A_1636 = tpu.memref_slice %arg5[%dma_wait3A_1631, %dma_wait3A_1635] : memref<79x128xi32, #tpu.memory_space<vmem>> -> memref<1x128xi32, #tpu.memory_space<vmem>>
    %dma_wait3A_1637 = tpu.memref_squeeze %dma_wait3A_1636 : memref<1x128xi32, #tpu.memory_space<vmem>> -> memref<128xi32, #tpu.memory_space<vmem>>
    %dma_wait3A_1638 = arith.constant 0 : i32
    %dma_wait3A_1639 = arith.constant 0 : i32
    %dma_wait3A_1640 = tpu.memref_slice %arg10[%dma_wait3A_1638, %dma_wait3A_1639] : memref<10240x16xf32, #tpu.memory_space<vmem_shared>> -> memref<10240x16xf32, #tpu.memory_space<vmem_shared>>
    tpu.wait_indirect_dma semaphore(%arg12 : memref<!tpu.dma_semaphore, #tpu.memory_space<semaphore_mem>>) src(%dma_wait3A_1634 : memref<128x16xf32, #tpu.memory_space<vmem>>) dst(%dma_wait3A_1640 : memref<10240x16xf32, #tpu.memory_space<vmem_shared>>)
    %dma_wait3A_1641 = arith.constant 55 : i32
    %dma_wait3A_1642 = arith.constant 384 : i32
    %dma_wait3A_1643 = arith.constant 0 : i32
    %dma_wait3A_1644 = tpu.memref_slice %arg8[%dma_wait3A_1642, %dma_wait3A_1643] : memref<1664x16xf32, #tpu.memory_space<vmem>> -> memref<128x16xf32, #tpu.memory_space<vmem>>
    %dma_wait3A_1645 = arith.constant 0 : i32
    %dma_wait3A_1646 = tpu.memref_slice %arg5[%dma_wait3A_1641, %dma_wait3A_1645] : memref<79x128xi32, #tpu.memory_space<vmem>> -> memref<1x128xi32, #tpu.memory_space<vmem>>
    %dma_wait3A_1647 = tpu.memref_squeeze %dma_wait3A_1646 : memref<1x128xi32, #tpu.memory_space<vmem>> -> memref<128xi32, #tpu.memory_space<vmem>>
    %dma_wait3A_1648 = arith.constant 0 : i32
    %dma_wait3A_1649 = arith.constant 0 : i32
    %dma_wait3A_1650 = tpu.memref_slice %arg10[%dma_wait3A_1648, %dma_wait3A_1649] : memref<10240x16xf32, #tpu.memory_space<vmem_shared>> -> memref<10240x16xf32, #tpu.memory_space<vmem_shared>>
    tpu.wait_indirect_dma semaphore(%arg12 : memref<!tpu.dma_semaphore, #tpu.memory_space<semaphore_mem>>) src(%dma_wait3A_1644 : memref<128x16xf32, #tpu.memory_space<vmem>>) dst(%dma_wait3A_1650 : memref<10240x16xf32, #tpu.memory_space<vmem_shared>>)
    %dma_wait3A_1651 = arith.constant 56 : i32
    %dma_wait3A_1652 = arith.constant 512 : i32
    %dma_wait3A_1653 = arith.constant 0 : i32
    %dma_wait3A_1654 = tpu.memref_slice %arg8[%dma_wait3A_1652, %dma_wait3A_1653] : memref<1664x16xf32, #tpu.memory_space<vmem>> -> memref<128x16xf32, #tpu.memory_space<vmem>>
    %dma_wait3A_1655 = arith.constant 0 : i32
    %dma_wait3A_1656 = tpu.memref_slice %arg5[%dma_wait3A_1651, %dma_wait3A_1655] : memref<79x128xi32, #tpu.memory_space<vmem>> -> memref<1x128xi32, #tpu.memory_space<vmem>>
    %dma_wait3A_1657 = tpu.memref_squeeze %dma_wait3A_1656 : memref<1x128xi32, #tpu.memory_space<vmem>> -> memref<128xi32, #tpu.memory_space<vmem>>
    %dma_wait3A_1658 = arith.constant 0 : i32
    %dma_wait3A_1659 = arith.constant 0 : i32
    %dma_wait3A_1660 = tpu.memref_slice %arg10[%dma_wait3A_1658, %dma_wait3A_1659] : memref<10240x16xf32, #tpu.memory_space<vmem_shared>> -> memref<10240x16xf32, #tpu.memory_space<vmem_shared>>
    tpu.wait_indirect_dma semaphore(%arg12 : memref<!tpu.dma_semaphore, #tpu.memory_space<semaphore_mem>>) src(%dma_wait3A_1654 : memref<128x16xf32, #tpu.memory_space<vmem>>) dst(%dma_wait3A_1660 : memref<10240x16xf32, #tpu.memory_space<vmem_shared>>)
    %dma_wait3A_1661 = arith.constant 57 : i32
    %dma_wait3A_1662 = arith.constant 640 : i32
    %dma_wait3A_1663 = arith.constant 0 : i32
    %dma_wait3A_1664 = tpu.memref_slice %arg8[%dma_wait3A_1662, %dma_wait3A_1663] : memref<1664x16xf32, #tpu.memory_space<vmem>> -> memref<128x16xf32, #tpu.memory_space<vmem>>
    %dma_wait3A_1665 = arith.constant 0 : i32
    %dma_wait3A_1666 = tpu.memref_slice %arg5[%dma_wait3A_1661, %dma_wait3A_1665] : memref<79x128xi32, #tpu.memory_space<vmem>> -> memref<1x128xi32, #tpu.memory_space<vmem>>
    %dma_wait3A_1667 = tpu.memref_squeeze %dma_wait3A_1666 : memref<1x128xi32, #tpu.memory_space<vmem>> -> memref<128xi32, #tpu.memory_space<vmem>>
    %dma_wait3A_1668 = arith.constant 0 : i32
    %dma_wait3A_1669 = arith.constant 0 : i32
    %dma_wait3A_1670 = tpu.memref_slice %arg10[%dma_wait3A_1668, %dma_wait3A_1669] : memref<10240x16xf32, #tpu.memory_space<vmem_shared>> -> memref<10240x16xf32, #tpu.memory_space<vmem_shared>>
    tpu.wait_indirect_dma semaphore(%arg12 : memref<!tpu.dma_semaphore, #tpu.memory_space<semaphore_mem>>) src(%dma_wait3A_1664 : memref<128x16xf32, #tpu.memory_space<vmem>>) dst(%dma_wait3A_1670 : memref<10240x16xf32, #tpu.memory_space<vmem_shared>>)
    %dma_wait3A_1671 = arith.constant 58 : i32
    %dma_wait3A_1672 = arith.constant 768 : i32
    %dma_wait3A_1673 = arith.constant 0 : i32
    %dma_wait3A_1674 = tpu.memref_slice %arg8[%dma_wait3A_1672, %dma_wait3A_1673] : memref<1664x16xf32, #tpu.memory_space<vmem>> -> memref<128x16xf32, #tpu.memory_space<vmem>>
    %dma_wait3A_1675 = arith.constant 0 : i32
    %dma_wait3A_1676 = tpu.memref_slice %arg5[%dma_wait3A_1671, %dma_wait3A_1675] : memref<79x128xi32, #tpu.memory_space<vmem>> -> memref<1x128xi32, #tpu.memory_space<vmem>>
    %dma_wait3A_1677 = tpu.memref_squeeze %dma_wait3A_1676 : memref<1x128xi32, #tpu.memory_space<vmem>> -> memref<128xi32, #tpu.memory_space<vmem>>
    %dma_wait3A_1678 = arith.constant 0 : i32
    %dma_wait3A_1679 = arith.constant 0 : i32
    %dma_wait3A_1680 = tpu.memref_slice %arg10[%dma_wait3A_1678, %dma_wait3A_1679] : memref<10240x16xf32, #tpu.memory_space<vmem_shared>> -> memref<10240x16xf32, #tpu.memory_space<vmem_shared>>
    tpu.wait_indirect_dma semaphore(%arg12 : memref<!tpu.dma_semaphore, #tpu.memory_space<semaphore_mem>>) src(%dma_wait3A_1674 : memref<128x16xf32, #tpu.memory_space<vmem>>) dst(%dma_wait3A_1680 : memref<10240x16xf32, #tpu.memory_space<vmem_shared>>)
    %dma_wait3A_1681 = arith.constant 59 : i32
    %dma_wait3A_1682 = arith.constant 896 : i32
    %dma_wait3A_1683 = arith.constant 0 : i32
    %dma_wait3A_1684 = tpu.memref_slice %arg8[%dma_wait3A_1682, %dma_wait3A_1683] : memref<1664x16xf32, #tpu.memory_space<vmem>> -> memref<128x16xf32, #tpu.memory_space<vmem>>
    %dma_wait3A_1685 = arith.constant 0 : i32
    %dma_wait3A_1686 = tpu.memref_slice %arg5[%dma_wait3A_1681, %dma_wait3A_1685] : memref<79x128xi32, #tpu.memory_space<vmem>> -> memref<1x128xi32, #tpu.memory_space<vmem>>
    %dma_wait3A_1687 = tpu.memref_squeeze %dma_wait3A_1686 : memref<1x128xi32, #tpu.memory_space<vmem>> -> memref<128xi32, #tpu.memory_space<vmem>>
    %dma_wait3A_1688 = arith.constant 0 : i32
    %dma_wait3A_1689 = arith.constant 0 : i32
    %dma_wait3A_1690 = tpu.memref_slice %arg10[%dma_wait3A_1688, %dma_wait3A_1689] : memref<10240x16xf32, #tpu.memory_space<vmem_shared>> -> memref<10240x16xf32, #tpu.memory_space<vmem_shared>>
    tpu.wait_indirect_dma semaphore(%arg12 : memref<!tpu.dma_semaphore, #tpu.memory_space<semaphore_mem>>) src(%dma_wait3A_1684 : memref<128x16xf32, #tpu.memory_space<vmem>>) dst(%dma_wait3A_1690 : memref<10240x16xf32, #tpu.memory_space<vmem_shared>>)
    %dma_wait3A_1691 = arith.constant 60 : i32
    %dma_wait3A_1692 = arith.constant 1024 : i32
    %dma_wait3A_1693 = arith.constant 0 : i32
    %dma_wait3A_1694 = tpu.memref_slice %arg8[%dma_wait3A_1692, %dma_wait3A_1693] : memref<1664x16xf32, #tpu.memory_space<vmem>> -> memref<128x16xf32, #tpu.memory_space<vmem>>
    %dma_wait3A_1695 = arith.constant 0 : i32
    %dma_wait3A_1696 = tpu.memref_slice %arg5[%dma_wait3A_1691, %dma_wait3A_1695] : memref<79x128xi32, #tpu.memory_space<vmem>> -> memref<1x128xi32, #tpu.memory_space<vmem>>
    %dma_wait3A_1697 = tpu.memref_squeeze %dma_wait3A_1696 : memref<1x128xi32, #tpu.memory_space<vmem>> -> memref<128xi32, #tpu.memory_space<vmem>>
    %dma_wait3A_1698 = arith.constant 0 : i32
    %dma_wait3A_1699 = arith.constant 0 : i32
    %dma_wait3A_1700 = tpu.memref_slice %arg10[%dma_wait3A_1698, %dma_wait3A_1699] : memref<10240x16xf32, #tpu.memory_space<vmem_shared>> -> memref<10240x16xf32, #tpu.memory_space<vmem_shared>>
    tpu.wait_indirect_dma semaphore(%arg12 : memref<!tpu.dma_semaphore, #tpu.memory_space<semaphore_mem>>) src(%dma_wait3A_1694 : memref<128x16xf32, #tpu.memory_space<vmem>>) dst(%dma_wait3A_1700 : memref<10240x16xf32, #tpu.memory_space<vmem_shared>>)
    %dma_wait3A_1701 = arith.constant 61 : i32
    %dma_wait3A_1702 = arith.constant 1152 : i32
    %dma_wait3A_1703 = arith.constant 0 : i32
    %dma_wait3A_1704 = tpu.memref_slice %arg8[%dma_wait3A_1702, %dma_wait3A_1703] : memref<1664x16xf32, #tpu.memory_space<vmem>> -> memref<128x16xf32, #tpu.memory_space<vmem>>
    %dma_wait3A_1705 = arith.constant 0 : i32
    %dma_wait3A_1706 = tpu.memref_slice %arg5[%dma_wait3A_1701, %dma_wait3A_1705] : memref<79x128xi32, #tpu.memory_space<vmem>> -> memref<1x128xi32, #tpu.memory_space<vmem>>
    %dma_wait3A_1707 = tpu.memref_squeeze %dma_wait3A_1706 : memref<1x128xi32, #tpu.memory_space<vmem>> -> memref<128xi32, #tpu.memory_space<vmem>>
    %dma_wait3A_1708 = arith.constant 0 : i32
    %dma_wait3A_1709 = arith.constant 0 : i32
    %dma_wait3A_1710 = tpu.memref_slice %arg10[%dma_wait3A_1708, %dma_wait3A_1709] : memref<10240x16xf32, #tpu.memory_space<vmem_shared>> -> memref<10240x16xf32, #tpu.memory_space<vmem_shared>>
    tpu.wait_indirect_dma semaphore(%arg12 : memref<!tpu.dma_semaphore, #tpu.memory_space<semaphore_mem>>) src(%dma_wait3A_1704 : memref<128x16xf32, #tpu.memory_space<vmem>>) dst(%dma_wait3A_1710 : memref<10240x16xf32, #tpu.memory_space<vmem_shared>>)
    %dma_wait3A_1711 = arith.constant 62 : i32
    %dma_wait3A_1712 = arith.constant 1280 : i32
    %dma_wait3A_1713 = arith.constant 0 : i32
    %dma_wait3A_1714 = tpu.memref_slice %arg8[%dma_wait3A_1712, %dma_wait3A_1713] : memref<1664x16xf32, #tpu.memory_space<vmem>> -> memref<128x16xf32, #tpu.memory_space<vmem>>
    %dma_wait3A_1715 = arith.constant 0 : i32
    %dma_wait3A_1716 = tpu.memref_slice %arg5[%dma_wait3A_1711, %dma_wait3A_1715] : memref<79x128xi32, #tpu.memory_space<vmem>> -> memref<1x128xi32, #tpu.memory_space<vmem>>
    %dma_wait3A_1717 = tpu.memref_squeeze %dma_wait3A_1716 : memref<1x128xi32, #tpu.memory_space<vmem>> -> memref<128xi32, #tpu.memory_space<vmem>>
    %dma_wait3A_1718 = arith.constant 0 : i32
    %dma_wait3A_1719 = arith.constant 0 : i32
    %dma_wait3A_1720 = tpu.memref_slice %arg10[%dma_wait3A_1718, %dma_wait3A_1719] : memref<10240x16xf32, #tpu.memory_space<vmem_shared>> -> memref<10240x16xf32, #tpu.memory_space<vmem_shared>>
    tpu.wait_indirect_dma semaphore(%arg12 : memref<!tpu.dma_semaphore, #tpu.memory_space<semaphore_mem>>) src(%dma_wait3A_1714 : memref<128x16xf32, #tpu.memory_space<vmem>>) dst(%dma_wait3A_1720 : memref<10240x16xf32, #tpu.memory_space<vmem_shared>>)
    %dma_wait3A_1721 = arith.constant 63 : i32
    %dma_wait3A_1722 = arith.constant 1408 : i32
    %dma_wait3A_1723 = arith.constant 0 : i32
    %dma_wait3A_1724 = tpu.memref_slice %arg8[%dma_wait3A_1722, %dma_wait3A_1723] : memref<1664x16xf32, #tpu.memory_space<vmem>> -> memref<128x16xf32, #tpu.memory_space<vmem>>
    %dma_wait3A_1725 = arith.constant 0 : i32
    %dma_wait3A_1726 = tpu.memref_slice %arg5[%dma_wait3A_1721, %dma_wait3A_1725] : memref<79x128xi32, #tpu.memory_space<vmem>> -> memref<1x128xi32, #tpu.memory_space<vmem>>
    %dma_wait3A_1727 = tpu.memref_squeeze %dma_wait3A_1726 : memref<1x128xi32, #tpu.memory_space<vmem>> -> memref<128xi32, #tpu.memory_space<vmem>>
    %dma_wait3A_1728 = arith.constant 0 : i32
    %dma_wait3A_1729 = arith.constant 0 : i32
    %dma_wait3A_1730 = tpu.memref_slice %arg10[%dma_wait3A_1728, %dma_wait3A_1729] : memref<10240x16xf32, #tpu.memory_space<vmem_shared>> -> memref<10240x16xf32, #tpu.memory_space<vmem_shared>>
    tpu.wait_indirect_dma semaphore(%arg12 : memref<!tpu.dma_semaphore, #tpu.memory_space<semaphore_mem>>) src(%dma_wait3A_1724 : memref<128x16xf32, #tpu.memory_space<vmem>>) dst(%dma_wait3A_1730 : memref<10240x16xf32, #tpu.memory_space<vmem_shared>>)
    %dma_wait3A_1731 = arith.constant 64 : i32
    %dma_wait3A_1732 = arith.constant 1536 : i32
    %dma_wait3A_1733 = arith.constant 0 : i32
    %dma_wait3A_1734 = tpu.memref_slice %arg8[%dma_wait3A_1732, %dma_wait3A_1733] : memref<1664x16xf32, #tpu.memory_space<vmem>> -> memref<128x16xf32, #tpu.memory_space<vmem>>
    %dma_wait3A_1735 = arith.constant 0 : i32
    %dma_wait3A_1736 = tpu.memref_slice %arg5[%dma_wait3A_1731, %dma_wait3A_1735] : memref<79x128xi32, #tpu.memory_space<vmem>> -> memref<1x128xi32, #tpu.memory_space<vmem>>
    %dma_wait3A_1737 = tpu.memref_squeeze %dma_wait3A_1736 : memref<1x128xi32, #tpu.memory_space<vmem>> -> memref<128xi32, #tpu.memory_space<vmem>>
    %dma_wait3A_1738 = arith.constant 0 : i32
    %dma_wait3A_1739 = arith.constant 0 : i32
    %dma_wait3A_1740 = tpu.memref_slice %arg10[%dma_wait3A_1738, %dma_wait3A_1739] : memref<10240x16xf32, #tpu.memory_space<vmem_shared>> -> memref<10240x16xf32, #tpu.memory_space<vmem_shared>>
    tpu.wait_indirect_dma semaphore(%arg12 : memref<!tpu.dma_semaphore, #tpu.memory_space<semaphore_mem>>) src(%dma_wait3A_1734 : memref<128x16xf32, #tpu.memory_space<vmem>>) dst(%dma_wait3A_1740 : memref<10240x16xf32, #tpu.memory_space<vmem_shared>>)
    %dma_wait3A_1741 = arith.constant 65 : i32
    %dma_wait3A_1742 = arith.constant 0 : i32
    %dma_wait3A_1743 = arith.constant 0 : i32
    %dma_wait3A_1744 = tpu.memref_slice %arg9[%dma_wait3A_1742, %dma_wait3A_1743] : memref<1664x16xf32, #tpu.memory_space<vmem>> -> memref<128x16xf32, #tpu.memory_space<vmem>>
    %dma_wait3A_1745 = arith.constant 0 : i32
    %dma_wait3A_1746 = tpu.memref_slice %arg5[%dma_wait3A_1741, %dma_wait3A_1745] : memref<79x128xi32, #tpu.memory_space<vmem>> -> memref<1x128xi32, #tpu.memory_space<vmem>>
    %dma_wait3A_1747 = tpu.memref_squeeze %dma_wait3A_1746 : memref<1x128xi32, #tpu.memory_space<vmem>> -> memref<128xi32, #tpu.memory_space<vmem>>
    %dma_wait3A_1748 = arith.constant 0 : i32
    %dma_wait3A_1749 = arith.constant 0 : i32
    %dma_wait3A_1750 = tpu.memref_slice %arg10[%dma_wait3A_1748, %dma_wait3A_1749] : memref<10240x16xf32, #tpu.memory_space<vmem_shared>> -> memref<10240x16xf32, #tpu.memory_space<vmem_shared>>
    tpu.wait_indirect_dma semaphore(%arg12 : memref<!tpu.dma_semaphore, #tpu.memory_space<semaphore_mem>>) src(%dma_wait3A_1744 : memref<128x16xf32, #tpu.memory_space<vmem>>) dst(%dma_wait3A_1750 : memref<10240x16xf32, #tpu.memory_space<vmem_shared>>)
    %dma_wait3A_1751 = arith.constant 66 : i32
    %dma_wait3A_1752 = arith.constant 128 : i32
    %dma_wait3A_1753 = arith.constant 0 : i32
    %dma_wait3A_1754 = tpu.memref_slice %arg9[%dma_wait3A_1752, %dma_wait3A_1753] : memref<1664x16xf32, #tpu.memory_space<vmem>> -> memref<128x16xf32, #tpu.memory_space<vmem>>
    %dma_wait3A_1755 = arith.constant 0 : i32
    %dma_wait3A_1756 = tpu.memref_slice %arg5[%dma_wait3A_1751, %dma_wait3A_1755] : memref<79x128xi32, #tpu.memory_space<vmem>> -> memref<1x128xi32, #tpu.memory_space<vmem>>
    %dma_wait3A_1757 = tpu.memref_squeeze %dma_wait3A_1756 : memref<1x128xi32, #tpu.memory_space<vmem>> -> memref<128xi32, #tpu.memory_space<vmem>>
    %dma_wait3A_1758 = arith.constant 0 : i32
    %dma_wait3A_1759 = arith.constant 0 : i32
    %dma_wait3A_1760 = tpu.memref_slice %arg10[%dma_wait3A_1758, %dma_wait3A_1759] : memref<10240x16xf32, #tpu.memory_space<vmem_shared>> -> memref<10240x16xf32, #tpu.memory_space<vmem_shared>>
    tpu.wait_indirect_dma semaphore(%arg12 : memref<!tpu.dma_semaphore, #tpu.memory_space<semaphore_mem>>) src(%dma_wait3A_1754 : memref<128x16xf32, #tpu.memory_space<vmem>>) dst(%dma_wait3A_1760 : memref<10240x16xf32, #tpu.memory_space<vmem_shared>>)
    %dma_wait3A_1761 = arith.constant 67 : i32
    %dma_wait3A_1762 = arith.constant 256 : i32
    %dma_wait3A_1763 = arith.constant 0 : i32
    %dma_wait3A_1764 = tpu.memref_slice %arg9[%dma_wait3A_1762, %dma_wait3A_1763] : memref<1664x16xf32, #tpu.memory_space<vmem>> -> memref<128x16xf32, #tpu.memory_space<vmem>>
    %dma_wait3A_1765 = arith.constant 0 : i32
    %dma_wait3A_1766 = tpu.memref_slice %arg5[%dma_wait3A_1761, %dma_wait3A_1765] : memref<79x128xi32, #tpu.memory_space<vmem>> -> memref<1x128xi32, #tpu.memory_space<vmem>>
    %dma_wait3A_1767 = tpu.memref_squeeze %dma_wait3A_1766 : memref<1x128xi32, #tpu.memory_space<vmem>> -> memref<128xi32, #tpu.memory_space<vmem>>
    %dma_wait3A_1768 = arith.constant 0 : i32
    %dma_wait3A_1769 = arith.constant 0 : i32
    %dma_wait3A_1770 = tpu.memref_slice %arg10[%dma_wait3A_1768, %dma_wait3A_1769] : memref<10240x16xf32, #tpu.memory_space<vmem_shared>> -> memref<10240x16xf32, #tpu.memory_space<vmem_shared>>
    tpu.wait_indirect_dma semaphore(%arg12 : memref<!tpu.dma_semaphore, #tpu.memory_space<semaphore_mem>>) src(%dma_wait3A_1764 : memref<128x16xf32, #tpu.memory_space<vmem>>) dst(%dma_wait3A_1770 : memref<10240x16xf32, #tpu.memory_space<vmem_shared>>)
    %dma_wait3A_1771 = arith.constant 68 : i32
    %dma_wait3A_1772 = arith.constant 384 : i32
    %dma_wait3A_1773 = arith.constant 0 : i32
    %dma_wait3A_1774 = tpu.memref_slice %arg9[%dma_wait3A_1772, %dma_wait3A_1773] : memref<1664x16xf32, #tpu.memory_space<vmem>> -> memref<128x16xf32, #tpu.memory_space<vmem>>
    %dma_wait3A_1775 = arith.constant 0 : i32
    %dma_wait3A_1776 = tpu.memref_slice %arg5[%dma_wait3A_1771, %dma_wait3A_1775] : memref<79x128xi32, #tpu.memory_space<vmem>> -> memref<1x128xi32, #tpu.memory_space<vmem>>
    %dma_wait3A_1777 = tpu.memref_squeeze %dma_wait3A_1776 : memref<1x128xi32, #tpu.memory_space<vmem>> -> memref<128xi32, #tpu.memory_space<vmem>>
    %dma_wait3A_1778 = arith.constant 0 : i32
    %dma_wait3A_1779 = arith.constant 0 : i32
    %dma_wait3A_1780 = tpu.memref_slice %arg10[%dma_wait3A_1778, %dma_wait3A_1779] : memref<10240x16xf32, #tpu.memory_space<vmem_shared>> -> memref<10240x16xf32, #tpu.memory_space<vmem_shared>>
    tpu.wait_indirect_dma semaphore(%arg12 : memref<!tpu.dma_semaphore, #tpu.memory_space<semaphore_mem>>) src(%dma_wait3A_1774 : memref<128x16xf32, #tpu.memory_space<vmem>>) dst(%dma_wait3A_1780 : memref<10240x16xf32, #tpu.memory_space<vmem_shared>>)
    %dma_wait3A_1781 = arith.constant 69 : i32
    %dma_wait3A_1782 = arith.constant 512 : i32
    %dma_wait3A_1783 = arith.constant 0 : i32
    %dma_wait3A_1784 = tpu.memref_slice %arg9[%dma_wait3A_1782, %dma_wait3A_1783] : memref<1664x16xf32, #tpu.memory_space<vmem>> -> memref<128x16xf32, #tpu.memory_space<vmem>>
    %dma_wait3A_1785 = arith.constant 0 : i32
    %dma_wait3A_1786 = tpu.memref_slice %arg5[%dma_wait3A_1781, %dma_wait3A_1785] : memref<79x128xi32, #tpu.memory_space<vmem>> -> memref<1x128xi32, #tpu.memory_space<vmem>>
    %dma_wait3A_1787 = tpu.memref_squeeze %dma_wait3A_1786 : memref<1x128xi32, #tpu.memory_space<vmem>> -> memref<128xi32, #tpu.memory_space<vmem>>
    %dma_wait3A_1788 = arith.constant 0 : i32
    %dma_wait3A_1789 = arith.constant 0 : i32
    %dma_wait3A_1790 = tpu.memref_slice %arg10[%dma_wait3A_1788, %dma_wait3A_1789] : memref<10240x16xf32, #tpu.memory_space<vmem_shared>> -> memref<10240x16xf32, #tpu.memory_space<vmem_shared>>
    tpu.wait_indirect_dma semaphore(%arg12 : memref<!tpu.dma_semaphore, #tpu.memory_space<semaphore_mem>>) src(%dma_wait3A_1784 : memref<128x16xf32, #tpu.memory_space<vmem>>) dst(%dma_wait3A_1790 : memref<10240x16xf32, #tpu.memory_space<vmem_shared>>)
    %dma_wait3A_1791 = arith.constant 70 : i32
    %dma_wait3A_1792 = arith.constant 640 : i32
    %dma_wait3A_1793 = arith.constant 0 : i32
    %dma_wait3A_1794 = tpu.memref_slice %arg9[%dma_wait3A_1792, %dma_wait3A_1793] : memref<1664x16xf32, #tpu.memory_space<vmem>> -> memref<128x16xf32, #tpu.memory_space<vmem>>
    %dma_wait3A_1795 = arith.constant 0 : i32
    %dma_wait3A_1796 = tpu.memref_slice %arg5[%dma_wait3A_1791, %dma_wait3A_1795] : memref<79x128xi32, #tpu.memory_space<vmem>> -> memref<1x128xi32, #tpu.memory_space<vmem>>
    %dma_wait3A_1797 = tpu.memref_squeeze %dma_wait3A_1796 : memref<1x128xi32, #tpu.memory_space<vmem>> -> memref<128xi32, #tpu.memory_space<vmem>>
    %dma_wait3A_1798 = arith.constant 0 : i32
    %dma_wait3A_1799 = arith.constant 0 : i32
    %dma_wait3A_1800 = tpu.memref_slice %arg10[%dma_wait3A_1798, %dma_wait3A_1799] : memref<10240x16xf32, #tpu.memory_space<vmem_shared>> -> memref<10240x16xf32, #tpu.memory_space<vmem_shared>>
    tpu.wait_indirect_dma semaphore(%arg12 : memref<!tpu.dma_semaphore, #tpu.memory_space<semaphore_mem>>) src(%dma_wait3A_1794 : memref<128x16xf32, #tpu.memory_space<vmem>>) dst(%dma_wait3A_1800 : memref<10240x16xf32, #tpu.memory_space<vmem_shared>>)
    %dma_wait3A_1801 = arith.constant 71 : i32
    %dma_wait3A_1802 = arith.constant 768 : i32
    %dma_wait3A_1803 = arith.constant 0 : i32
    %dma_wait3A_1804 = tpu.memref_slice %arg9[%dma_wait3A_1802, %dma_wait3A_1803] : memref<1664x16xf32, #tpu.memory_space<vmem>> -> memref<128x16xf32, #tpu.memory_space<vmem>>
    %dma_wait3A_1805 = arith.constant 0 : i32
    %dma_wait3A_1806 = tpu.memref_slice %arg5[%dma_wait3A_1801, %dma_wait3A_1805] : memref<79x128xi32, #tpu.memory_space<vmem>> -> memref<1x128xi32, #tpu.memory_space<vmem>>
    %dma_wait3A_1807 = tpu.memref_squeeze %dma_wait3A_1806 : memref<1x128xi32, #tpu.memory_space<vmem>> -> memref<128xi32, #tpu.memory_space<vmem>>
    %dma_wait3A_1808 = arith.constant 0 : i32
    %dma_wait3A_1809 = arith.constant 0 : i32
    %dma_wait3A_1810 = tpu.memref_slice %arg10[%dma_wait3A_1808, %dma_wait3A_1809] : memref<10240x16xf32, #tpu.memory_space<vmem_shared>> -> memref<10240x16xf32, #tpu.memory_space<vmem_shared>>
    tpu.wait_indirect_dma semaphore(%arg12 : memref<!tpu.dma_semaphore, #tpu.memory_space<semaphore_mem>>) src(%dma_wait3A_1804 : memref<128x16xf32, #tpu.memory_space<vmem>>) dst(%dma_wait3A_1810 : memref<10240x16xf32, #tpu.memory_space<vmem_shared>>)
    %dma_wait3A_1811 = arith.constant 72 : i32
    %dma_wait3A_1812 = arith.constant 896 : i32
    %dma_wait3A_1813 = arith.constant 0 : i32
    %dma_wait3A_1814 = tpu.memref_slice %arg9[%dma_wait3A_1812, %dma_wait3A_1813] : memref<1664x16xf32, #tpu.memory_space<vmem>> -> memref<128x16xf32, #tpu.memory_space<vmem>>
    %dma_wait3A_1815 = arith.constant 0 : i32
    %dma_wait3A_1816 = tpu.memref_slice %arg5[%dma_wait3A_1811, %dma_wait3A_1815] : memref<79x128xi32, #tpu.memory_space<vmem>> -> memref<1x128xi32, #tpu.memory_space<vmem>>
    %dma_wait3A_1817 = tpu.memref_squeeze %dma_wait3A_1816 : memref<1x128xi32, #tpu.memory_space<vmem>> -> memref<128xi32, #tpu.memory_space<vmem>>
    %dma_wait3A_1818 = arith.constant 0 : i32
    %dma_wait3A_1819 = arith.constant 0 : i32
    %dma_wait3A_1820 = tpu.memref_slice %arg10[%dma_wait3A_1818, %dma_wait3A_1819] : memref<10240x16xf32, #tpu.memory_space<vmem_shared>> -> memref<10240x16xf32, #tpu.memory_space<vmem_shared>>
    tpu.wait_indirect_dma semaphore(%arg12 : memref<!tpu.dma_semaphore, #tpu.memory_space<semaphore_mem>>) src(%dma_wait3A_1814 : memref<128x16xf32, #tpu.memory_space<vmem>>) dst(%dma_wait3A_1820 : memref<10240x16xf32, #tpu.memory_space<vmem_shared>>)
    %dma_wait3A_1821 = arith.constant 73 : i32
    %dma_wait3A_1822 = arith.constant 1024 : i32
    %dma_wait3A_1823 = arith.constant 0 : i32
    %dma_wait3A_1824 = tpu.memref_slice %arg9[%dma_wait3A_1822, %dma_wait3A_1823] : memref<1664x16xf32, #tpu.memory_space<vmem>> -> memref<128x16xf32, #tpu.memory_space<vmem>>
    %dma_wait3A_1825 = arith.constant 0 : i32
    %dma_wait3A_1826 = tpu.memref_slice %arg5[%dma_wait3A_1821, %dma_wait3A_1825] : memref<79x128xi32, #tpu.memory_space<vmem>> -> memref<1x128xi32, #tpu.memory_space<vmem>>
    %dma_wait3A_1827 = tpu.memref_squeeze %dma_wait3A_1826 : memref<1x128xi32, #tpu.memory_space<vmem>> -> memref<128xi32, #tpu.memory_space<vmem>>
    %dma_wait3A_1828 = arith.constant 0 : i32
    %dma_wait3A_1829 = arith.constant 0 : i32
    %dma_wait3A_1830 = tpu.memref_slice %arg10[%dma_wait3A_1828, %dma_wait3A_1829] : memref<10240x16xf32, #tpu.memory_space<vmem_shared>> -> memref<10240x16xf32, #tpu.memory_space<vmem_shared>>
    tpu.wait_indirect_dma semaphore(%arg12 : memref<!tpu.dma_semaphore, #tpu.memory_space<semaphore_mem>>) src(%dma_wait3A_1824 : memref<128x16xf32, #tpu.memory_space<vmem>>) dst(%dma_wait3A_1830 : memref<10240x16xf32, #tpu.memory_space<vmem_shared>>)
    %dma_wait3A_1831 = arith.constant 74 : i32
    %dma_wait3A_1832 = arith.constant 1152 : i32
    %dma_wait3A_1833 = arith.constant 0 : i32
    %dma_wait3A_1834 = tpu.memref_slice %arg9[%dma_wait3A_1832, %dma_wait3A_1833] : memref<1664x16xf32, #tpu.memory_space<vmem>> -> memref<128x16xf32, #tpu.memory_space<vmem>>
    %dma_wait3A_1835 = arith.constant 0 : i32
    %dma_wait3A_1836 = tpu.memref_slice %arg5[%dma_wait3A_1831, %dma_wait3A_1835] : memref<79x128xi32, #tpu.memory_space<vmem>> -> memref<1x128xi32, #tpu.memory_space<vmem>>
    %dma_wait3A_1837 = tpu.memref_squeeze %dma_wait3A_1836 : memref<1x128xi32, #tpu.memory_space<vmem>> -> memref<128xi32, #tpu.memory_space<vmem>>
    %dma_wait3A_1838 = arith.constant 0 : i32
    %dma_wait3A_1839 = arith.constant 0 : i32
    %dma_wait3A_1840 = tpu.memref_slice %arg10[%dma_wait3A_1838, %dma_wait3A_1839] : memref<10240x16xf32, #tpu.memory_space<vmem_shared>> -> memref<10240x16xf32, #tpu.memory_space<vmem_shared>>
    tpu.wait_indirect_dma semaphore(%arg12 : memref<!tpu.dma_semaphore, #tpu.memory_space<semaphore_mem>>) src(%dma_wait3A_1834 : memref<128x16xf32, #tpu.memory_space<vmem>>) dst(%dma_wait3A_1840 : memref<10240x16xf32, #tpu.memory_space<vmem_shared>>)
    %dma_wait3A_1841 = arith.constant 75 : i32
    %dma_wait3A_1842 = arith.constant 1280 : i32
    %dma_wait3A_1843 = arith.constant 0 : i32
    %dma_wait3A_1844 = tpu.memref_slice %arg9[%dma_wait3A_1842, %dma_wait3A_1843] : memref<1664x16xf32, #tpu.memory_space<vmem>> -> memref<128x16xf32, #tpu.memory_space<vmem>>
    %dma_wait3A_1845 = arith.constant 0 : i32
    %dma_wait3A_1846 = tpu.memref_slice %arg5[%dma_wait3A_1841, %dma_wait3A_1845] : memref<79x128xi32, #tpu.memory_space<vmem>> -> memref<1x128xi32, #tpu.memory_space<vmem>>
    %dma_wait3A_1847 = tpu.memref_squeeze %dma_wait3A_1846 : memref<1x128xi32, #tpu.memory_space<vmem>> -> memref<128xi32, #tpu.memory_space<vmem>>
    %dma_wait3A_1848 = arith.constant 0 : i32
    %dma_wait3A_1849 = arith.constant 0 : i32
    %dma_wait3A_1850 = tpu.memref_slice %arg10[%dma_wait3A_1848, %dma_wait3A_1849] : memref<10240x16xf32, #tpu.memory_space<vmem_shared>> -> memref<10240x16xf32, #tpu.memory_space<vmem_shared>>
    tpu.wait_indirect_dma semaphore(%arg12 : memref<!tpu.dma_semaphore, #tpu.memory_space<semaphore_mem>>) src(%dma_wait3A_1844 : memref<128x16xf32, #tpu.memory_space<vmem>>) dst(%dma_wait3A_1850 : memref<10240x16xf32, #tpu.memory_space<vmem_shared>>)
    %dma_wait3A_1851 = arith.constant 76 : i32
    %dma_wait3A_1852 = arith.constant 1408 : i32
    %dma_wait3A_1853 = arith.constant 0 : i32
    %dma_wait3A_1854 = tpu.memref_slice %arg9[%dma_wait3A_1852, %dma_wait3A_1853] : memref<1664x16xf32, #tpu.memory_space<vmem>> -> memref<128x16xf32, #tpu.memory_space<vmem>>
    %dma_wait3A_1855 = arith.constant 0 : i32
    %dma_wait3A_1856 = tpu.memref_slice %arg5[%dma_wait3A_1851, %dma_wait3A_1855] : memref<79x128xi32, #tpu.memory_space<vmem>> -> memref<1x128xi32, #tpu.memory_space<vmem>>
    %dma_wait3A_1857 = tpu.memref_squeeze %dma_wait3A_1856 : memref<1x128xi32, #tpu.memory_space<vmem>> -> memref<128xi32, #tpu.memory_space<vmem>>
    %dma_wait3A_1858 = arith.constant 0 : i32
    %dma_wait3A_1859 = arith.constant 0 : i32
    %dma_wait3A_1860 = tpu.memref_slice %arg10[%dma_wait3A_1858, %dma_wait3A_1859] : memref<10240x16xf32, #tpu.memory_space<vmem_shared>> -> memref<10240x16xf32, #tpu.memory_space<vmem_shared>>
    tpu.wait_indirect_dma semaphore(%arg12 : memref<!tpu.dma_semaphore, #tpu.memory_space<semaphore_mem>>) src(%dma_wait3A_1854 : memref<128x16xf32, #tpu.memory_space<vmem>>) dst(%dma_wait3A_1860 : memref<10240x16xf32, #tpu.memory_space<vmem_shared>>)
    %dma_wait3A_1861 = arith.constant 77 : i32
    %dma_wait3A_1862 = arith.constant 1536 : i32
    %dma_wait3A_1863 = arith.constant 0 : i32
    %dma_wait3A_1864 = tpu.memref_slice %arg9[%dma_wait3A_1862, %dma_wait3A_1863] : memref<1664x16xf32, #tpu.memory_space<vmem>> -> memref<128x16xf32, #tpu.memory_space<vmem>>
    %dma_wait3A_1865 = arith.constant 0 : i32
    %dma_wait3A_1866 = tpu.memref_slice %arg5[%dma_wait3A_1861, %dma_wait3A_1865] : memref<79x128xi32, #tpu.memory_space<vmem>> -> memref<1x128xi32, #tpu.memory_space<vmem>>
    %dma_wait3A_1867 = tpu.memref_squeeze %dma_wait3A_1866 : memref<1x128xi32, #tpu.memory_space<vmem>> -> memref<128xi32, #tpu.memory_space<vmem>>
    %dma_wait3A_1868 = arith.constant 0 : i32
    %dma_wait3A_1869 = arith.constant 0 : i32
    %dma_wait3A_1870 = tpu.memref_slice %arg10[%dma_wait3A_1868, %dma_wait3A_1869] : memref<10240x16xf32, #tpu.memory_space<vmem_shared>> -> memref<10240x16xf32, #tpu.memory_space<vmem_shared>>
    tpu.wait_indirect_dma semaphore(%arg12 : memref<!tpu.dma_semaphore, #tpu.memory_space<semaphore_mem>>) src(%dma_wait3A_1864 : memref<128x16xf32, #tpu.memory_space<vmem>>) dst(%dma_wait3A_1870 : memref<10240x16xf32, #tpu.memory_space<vmem_shared>>)
    %lt3A_1871 = arith.constant 4 : i32
    %lt3A_1872 = arith.cmpi slt, %add3A, %lt3A_1871 : i32
    %convert_element_type3A = arith.extui %lt3A_1872 : i1 to i32
    %cond3A = arith.constant 0 : i32
    %cond3A_1873 = arith.cmpi ne, %convert_element_type3A, %cond3A : i32
    scf.if %cond3A_1873 {
      %add3A_1875 = arith.constant 78 : i32
      %add3A_1876 = arith.addi %add3A_8, %add3A_1875 : i32
      %run_scoped3A_1877 = arith.constant 0 : i32
      %run_scoped3A_1878 = arith.constant 78 : i32
      "tpu.region"() ({
        %run_scoped3A_1890 = tpu.sem_alloc : memref<!tpu.dma_semaphore, #tpu.memory_space<semaphore_mem>>
        %dma_start3A_1891 = arith.constant 0 : i32
        %dma_start3A_1892 = tpu.memref_slice %arg5[%run_scoped3A_1878, %dma_start3A_1891] : memref<79x128xi32, #tpu.memory_space<vmem>> -> memref<1x128xi32, #tpu.memory_space<vmem>>
        %dma_start3A_1893 = tpu.memref_squeeze %dma_start3A_1892 : memref<1x128xi32, #tpu.memory_space<vmem>> -> memref<128xi32, #tpu.memory_space<vmem>>
        %dma_start3A_1894 = arith.constant 0 : i32
        %dma_start3A_1895 = tpu.memref_slice %arg2[%add3A_1876, %run_scoped3A_1877, %dma_start3A_1894] : memref<2500x2x128xi32, #tpu.memory_space<hbm>> -> memref<1x1x128xi32, #tpu.memory_space<hbm>>
        %dma_start3A_1896 = tpu.memref_squeeze %dma_start3A_1895 : memref<1x1x128xi32, #tpu.memory_space<hbm>> -> memref<128xi32, #tpu.memory_space<hbm>>
        %dma_start3A_1897 = arith.constant 0 : i32
        %dma_start3A_1898 = tpu.memref_slice %arg5[%run_scoped3A_1878, %dma_start3A_1897] : memref<79x128xi32, #tpu.memory_space<vmem>> -> memref<1x128xi32, #tpu.memory_space<vmem>>
        %dma_start3A_1899 = tpu.memref_squeeze %dma_start3A_1898 : memref<1x128xi32, #tpu.memory_space<vmem>> -> memref<128xi32, #tpu.memory_space<vmem>>
        %dma_start3A_1900 = arith.constant 0 : i32
        %dma_start3A_1901 = tpu.memref_slice %arg2[%add3A_1876, %run_scoped3A_1877, %dma_start3A_1900] : memref<2500x2x128xi32, #tpu.memory_space<hbm>> -> memref<1x1x128xi32, #tpu.memory_space<hbm>>
        %dma_start3A_1902 = tpu.memref_squeeze %dma_start3A_1901 : memref<1x1x128xi32, #tpu.memory_space<hbm>> -> memref<128xi32, #tpu.memory_space<hbm>>
        tpu.enqueue_dma source(%dma_start3A_1902 : memref<128xi32, #tpu.memory_space<hbm>>) target(%dma_start3A_1899 : memref<128xi32, #tpu.memory_space<vmem>>) target_semaphore(%run_scoped3A_1890 : memref<!tpu.dma_semaphore, #tpu.memory_space<semaphore_mem>>)
        %dma_wait3A_1903 = arith.constant 0 : i32
        %dma_wait3A_1904 = tpu.memref_slice %arg5[%run_scoped3A_1878, %dma_wait3A_1903] : memref<79x128xi32, #tpu.memory_space<vmem>> -> memref<1x128xi32, #tpu.memory_space<vmem>>
        %dma_wait3A_1905 = tpu.memref_squeeze %dma_wait3A_1904 : memref<1x128xi32, #tpu.memory_space<vmem>> -> memref<128xi32, #tpu.memory_space<vmem>>
        %dma_wait3A_1906 = arith.constant 0 : i32
        %dma_wait3A_1907 = tpu.memref_slice %arg2[%add3A_1876, %run_scoped3A_1877, %dma_wait3A_1906] : memref<2500x2x128xi32, #tpu.memory_space<hbm>> -> memref<1x1x128xi32, #tpu.memory_space<hbm>>
        %dma_wait3A_1908 = tpu.memref_squeeze %dma_wait3A_1907 : memref<1x1x128xi32, #tpu.memory_space<hbm>> -> memref<128xi32, #tpu.memory_space<hbm>>
        %dma_wait3A_1909 = arith.constant 0 : i32
        %dma_wait3A_1910 = tpu.memref_slice %arg5[%run_scoped3A_1878, %dma_wait3A_1909] : memref<79x128xi32, #tpu.memory_space<vmem>> -> memref<1x128xi32, #tpu.memory_space<vmem>>
        %dma_wait3A_1911 = tpu.memref_squeeze %dma_wait3A_1910 : memref<1x128xi32, #tpu.memory_space<vmem>> -> memref<128xi32, #tpu.memory_space<vmem>>
        %dma_wait3A_1912 = arith.constant 0 : i32
        %dma_wait3A_1913 = tpu.memref_slice %arg2[%add3A_1876, %run_scoped3A_1877, %dma_wait3A_1912] : memref<2500x2x128xi32, #tpu.memory_space<hbm>> -> memref<1x1x128xi32, #tpu.memory_space<hbm>>
        %dma_wait3A_1914 = tpu.memref_squeeze %dma_wait3A_1913 : memref<1x1x128xi32, #tpu.memory_space<hbm>> -> memref<128xi32, #tpu.memory_space<hbm>>
        tpu.wait_dma2 semaphore(%run_scoped3A_1890 : memref<!tpu.dma_semaphore, #tpu.memory_space<semaphore_mem>>) src(%dma_wait3A_1914 : memref<128xi32, #tpu.memory_space<hbm>>) dst(%dma_wait3A_1911 : memref<128xi32, #tpu.memory_space<vmem>>)
        tpu.yield
      }) : () -> ()
      %add3A_1879 = arith.constant 78 : i32
      %add3A_1880 = arith.addi %add3A_8, %add3A_1879 : i32
      "tpu.region"() ({
        %run_scoped3A_1890 = tpu.sem_alloc : memref<!tpu.dma_semaphore, #tpu.memory_space<semaphore_mem>>
        %dma_start3A_1891 = arith.constant 0 : i32
        %dma_start3A_1892 = arith.constant 0 : i32
        %dma_start3A_1893 = arith.constant 0 : i32
        %dma_start3A_1894 = arith.constant 0 : i32
        %dma_start3A_1895 = tpu.memref_slice %arg6[%dma_start3A_1891, %dma_start3A_1892, %dma_start3A_1893, %dma_start3A_1894] : memref<2x13x8x129xf32, #tpu.memory_space<vmem>> -> memref<2x1x8x128xf32, #tpu.memory_space<vmem>>
        %dma_start3A_1896 = arith.constant 0 : i32
        %dma_start3A_1897 = arith.constant 0 : i32
        %dma_start3A_1898 = arith.constant 0 : i32
        %dma_start3A_1899 = tpu.memref_slice %arg3[%dma_start3A_1896, %add3A_1880, %dma_start3A_1897, %dma_start3A_1898] : memref<2x2500x8x128xf32, #tpu.memory_space<hbm>> -> memref<2x1x8x128xf32, #tpu.memory_space<hbm>>
        %dma_start3A_1900 = arith.constant 0 : i32
        %dma_start3A_1901 = arith.constant 0 : i32
        %dma_start3A_1902 = arith.constant 0 : i32
        %dma_start3A_1903 = arith.constant 0 : i32
        %dma_start3A_1904 = tpu.memref_slice %arg6[%dma_start3A_1900, %dma_start3A_1901, %dma_start3A_1902, %dma_start3A_1903] : memref<2x13x8x129xf32, #tpu.memory_space<vmem>> -> memref<2x1x8x128xf32, #tpu.memory_space<vmem>>
        %dma_start3A_1905 = arith.constant 0 : i32
        %dma_start3A_1906 = arith.constant 0 : i32
        %dma_start3A_1907 = arith.constant 0 : i32
        %dma_start3A_1908 = tpu.memref_slice %arg3[%dma_start3A_1905, %add3A_1880, %dma_start3A_1906, %dma_start3A_1907] : memref<2x2500x8x128xf32, #tpu.memory_space<hbm>> -> memref<2x1x8x128xf32, #tpu.memory_space<hbm>>
        tpu.enqueue_dma source(%dma_start3A_1908 : memref<2x1x8x128xf32, #tpu.memory_space<hbm>>) target(%dma_start3A_1904 : memref<2x1x8x128xf32, #tpu.memory_space<vmem>>) target_semaphore(%run_scoped3A_1890 : memref<!tpu.dma_semaphore, #tpu.memory_space<semaphore_mem>>)
        %dma_wait3A_1909 = arith.constant 0 : i32
        %dma_wait3A_1910 = arith.constant 0 : i32
        %dma_wait3A_1911 = arith.constant 0 : i32
        %dma_wait3A_1912 = arith.constant 0 : i32
        %dma_wait3A_1913 = tpu.memref_slice %arg6[%dma_wait3A_1909, %dma_wait3A_1910, %dma_wait3A_1911, %dma_wait3A_1912] : memref<2x13x8x129xf32, #tpu.memory_space<vmem>> -> memref<2x1x8x128xf32, #tpu.memory_space<vmem>>
        %dma_wait3A_1914 = arith.constant 0 : i32
        %dma_wait3A_1915 = arith.constant 0 : i32
        %dma_wait3A_1916 = arith.constant 0 : i32
        %dma_wait3A_1917 = tpu.memref_slice %arg3[%dma_wait3A_1914, %add3A_1880, %dma_wait3A_1915, %dma_wait3A_1916] : memref<2x2500x8x128xf32, #tpu.memory_space<hbm>> -> memref<2x1x8x128xf32, #tpu.memory_space<hbm>>
        %dma_wait3A_1918 = arith.constant 0 : i32
        %dma_wait3A_1919 = arith.constant 0 : i32
        %dma_wait3A_1920 = arith.constant 0 : i32
        %dma_wait3A_1921 = arith.constant 0 : i32
        %dma_wait3A_1922 = tpu.memref_slice %arg6[%dma_wait3A_1918, %dma_wait3A_1919, %dma_wait3A_1920, %dma_wait3A_1921] : memref<2x13x8x129xf32, #tpu.memory_space<vmem>> -> memref<2x1x8x128xf32, #tpu.memory_space<vmem>>
        %dma_wait3A_1923 = arith.constant 0 : i32
        %dma_wait3A_1924 = arith.constant 0 : i32
        %dma_wait3A_1925 = arith.constant 0 : i32
        %dma_wait3A_1926 = tpu.memref_slice %arg3[%dma_wait3A_1923, %add3A_1880, %dma_wait3A_1924, %dma_wait3A_1925] : memref<2x2500x8x128xf32, #tpu.memory_space<hbm>> -> memref<2x1x8x128xf32, #tpu.memory_space<hbm>>
        tpu.wait_dma2 semaphore(%run_scoped3A_1890 : memref<!tpu.dma_semaphore, #tpu.memory_space<semaphore_mem>>) src(%dma_wait3A_1926 : memref<2x1x8x128xf32, #tpu.memory_space<hbm>>) dst(%dma_wait3A_1922 : memref<2x1x8x128xf32, #tpu.memory_space<vmem>>)
        tpu.yield
      }) : () -> ()
      %scan3A_1881 = arith.constant 0 : i32
      %scan3A_1882 = arith.constant 0 : i32
      %broadcast_in_dim3A = vector.broadcast %scan3A_1882 : i32 to vector<16xi32>
      %mul3A_1883 = arith.constant 128 : i32
      %mul3A_1884 = arith.muli %scan3A_1882, %mul3A_1883 : i32
      %parallel_loop3A_1885 = arith.constant 0 : i32
      %parallel_loop3A_1886 = arith.constant 128 : i32
      %parallel_loop3A_1887 = arith.constant 1 : i32
      scf.for %parallel_loop3A_1890 = %parallel_loop3A_1885 to %parallel_loop3A_1886 step %parallel_loop3A_1887  : i32 {
        %parallel_loop3A_1891 = vector.broadcast %parallel_loop3A_1890 : i32 to vector<16xi32>
        %parallel_loop3A_1892 = tpu.vector_load_idx %arg6[%select_n3A, %broadcast_in_dim3A, %select_n3A_51, %parallel_loop3A_1891] : memref<2x13x8x129xf32, #tpu.memory_space<vmem>>[vector<16xi32>, vector<16xi32>, vector<16xi32>, vector<16xi32>], vector<16xf32>,
        %parallel_loop3A_1893 = arith.addi %mul3A_1884, %parallel_loop3A_1890 : i32
        %parallel_loop3A_1894 = arith.index_cast %parallel_loop3A_1893 : i32 to index
        %parallel_loop3A_1895 = arith.constant 0 : index
        %parallel_loop3A_1896 = tpu.vector_load %arg8[%parallel_loop3A_1894, %parallel_loop3A_1895] {strides = array<i32>} : memref<1664x16xf32, #tpu.memory_space<vmem>>, vector<16xf32>,
        tpu.vector_store %arg8[%parallel_loop3A_1894, %parallel_loop3A_1895], %parallel_loop3A_1892 {strides = array<i32>} : memref<1664x16xf32, #tpu.memory_space<vmem>>, vector<16xf32>,
      } {sc.loop_unroll_factor = 16 : i64, sc.parallel_access}
      %scan3A_1888 = arith.constant 1 : i32
      %run_scoped3A_1889 = arith.constant 78 : i32
      "tpu.region"() ({
        %run_scoped3A_1890 = tpu.sem_alloc : memref<!tpu.dma_semaphore, #tpu.memory_space<semaphore_mem>>
        %dma_start3A_1891 = arith.constant 0 : i32
        %dma_start3A_1892 = arith.constant 0 : i32
        %dma_start3A_1893 = tpu.memref_slice %arg8[%dma_start3A_1891, %dma_start3A_1892] : memref<1664x16xf32, #tpu.memory_space<vmem>> -> memref<128x16xf32, #tpu.memory_space<vmem>>
        %dma_start3A_1894 = arith.constant 0 : i32
        %dma_start3A_1895 = tpu.memref_slice %arg5[%run_scoped3A_1889, %dma_start3A_1894] : memref<79x128xi32, #tpu.memory_space<vmem>> -> memref<1x128xi32, #tpu.memory_space<vmem>>
        %dma_start3A_1896 = tpu.memref_squeeze %dma_start3A_1895 : memref<1x128xi32, #tpu.memory_space<vmem>> -> memref<128xi32, #tpu.memory_space<vmem>>
        %dma_start3A_1897 = arith.constant 0 : i32
        %dma_start3A_1898 = arith.constant 0 : i32
        %dma_start3A_1899 = tpu.memref_slice %arg10[%dma_start3A_1897, %dma_start3A_1898] : memref<10240x16xf32, #tpu.memory_space<vmem_shared>> -> memref<10240x16xf32, #tpu.memory_space<vmem_shared>>
        tpu.enqueue_indirect_dma source(%dma_start3A_1893 : memref<128x16xf32, #tpu.memory_space<vmem>>) target(%dma_start3A_1899 : memref<10240x16xf32, #tpu.memory_space<vmem_shared>>) offsets(%dma_start3A_1896 : memref<128xi32, #tpu.memory_space<vmem>>) semaphore(%run_scoped3A_1890 : memref<!tpu.dma_semaphore, #tpu.memory_space<semaphore_mem>>) {add = true}
        %dma_wait3A_1900 = arith.constant 0 : i32
        %dma_wait3A_1901 = arith.constant 0 : i32
        %dma_wait3A_1902 = tpu.memref_slice %arg8[%dma_wait3A_1900, %dma_wait3A_1901] : memref<1664x16xf32, #tpu.memory_space<vmem>> -> memref<128x16xf32, #tpu.memory_space<vmem>>
        %dma_wait3A_1903 = arith.constant 0 : i32
        %dma_wait3A_1904 = tpu.memref_slice %arg5[%run_scoped3A_1889, %dma_wait3A_1903] : memref<79x128xi32, #tpu.memory_space<vmem>> -> memref<1x128xi32, #tpu.memory_space<vmem>>
        %dma_wait3A_1905 = tpu.memref_squeeze %dma_wait3A_1904 : memref<1x128xi32, #tpu.memory_space<vmem>> -> memref<128xi32, #tpu.memory_space<vmem>>
        %dma_wait3A_1906 = arith.constant 0 : i32
        %dma_wait3A_1907 = arith.constant 0 : i32
        %dma_wait3A_1908 = tpu.memref_slice %arg10[%dma_wait3A_1906, %dma_wait3A_1907] : memref<10240x16xf32, #tpu.memory_space<vmem_shared>> -> memref<10240x16xf32, #tpu.memory_space<vmem_shared>>
        tpu.wait_indirect_dma semaphore(%run_scoped3A_1890 : memref<!tpu.dma_semaphore, #tpu.memory_space<semaphore_mem>>) src(%dma_wait3A_1902 : memref<128x16xf32, #tpu.memory_space<vmem>>) dst(%dma_wait3A_1908 : memref<10240x16xf32, #tpu.memory_space<vmem_shared>>)
        tpu.yield
      }) : () -> ()
    } else {
    }
    %barrier3A_1874 = arith.constant 0 : index
    tpu.barrier barrier_id(%barrier3A_1874)
    "tpu.region"() ({
      %run_scoped3A_1875 = tpu.sem_alloc : memref<!tpu.dma_semaphore, #tpu.memory_space<semaphore_mem>>
      %dma_start3A_1876 = arith.constant 0 : i32
      %dma_start3A_1877 = tpu.memref_slice %arg4[%arg0, %mul3A_2, %dma_start3A_1876] : memref<2x10240x16xf32, #tpu.memory_space<hbm>> -> memref<1x640x16xf32, #tpu.memory_space<hbm>>
      %dma_start3A_1878 = tpu.memref_squeeze %dma_start3A_1877 : memref<1x640x16xf32, #tpu.memory_space<hbm>> -> memref<640x16xf32, #tpu.memory_space<hbm>>
      %dma_start3A_1879 = arith.constant 0 : i32
      %dma_start3A_1880 = tpu.memref_slice %arg10[%mul3A_2, %dma_start3A_1879] : memref<10240x16xf32, #tpu.memory_space<vmem_shared>> -> memref<640x16xf32, #tpu.memory_space<vmem_shared>>
      tpu.enqueue_dma source(%dma_start3A_1880 : memref<640x16xf32, #tpu.memory_space<vmem_shared>>) target(%dma_start3A_1878 : memref<640x16xf32, #tpu.memory_space<hbm>>) target_semaphore(%run_scoped3A_1875 : memref<!tpu.dma_semaphore, #tpu.memory_space<semaphore_mem>>)
      %dma_wait3A_1881 = arith.constant 0 : i32
      %dma_wait3A_1882 = tpu.memref_slice %arg4[%arg0, %mul3A_2, %dma_wait3A_1881] : memref<2x10240x16xf32, #tpu.memory_space<hbm>> -> memref<1x640x16xf32, #tpu.memory_space<hbm>>
      %dma_wait3A_1883 = tpu.memref_squeeze %dma_wait3A_1882 : memref<1x640x16xf32, #tpu.memory_space<hbm>> -> memref<640x16xf32, #tpu.memory_space<hbm>>
      %dma_wait3A_1884 = arith.constant 0 : i32
      %dma_wait3A_1885 = tpu.memref_slice %arg10[%mul3A_2, %dma_wait3A_1884] : memref<10240x16xf32, #tpu.memory_space<vmem_shared>> -> memref<640x16xf32, #tpu.memory_space<vmem_shared>>
      tpu.wait_dma2 semaphore(%run_scoped3A_1875 : memref<!tpu.dma_semaphore, #tpu.memory_space<semaphore_mem>>) src(%dma_wait3A_1885 : memref<640x16xf32, #tpu.memory_space<vmem_shared>>) dst(%dma_wait3A_1883 : memref<640x16xf32, #tpu.memory_space<hbm>>)
      tpu.yield
    }) : () -> ()
    return
  }
}

module attributes {stable_mosaic.version = 14 : i64} {
  func.func @_tc_mlp_body(%arg0: i32, %arg1: memref<2560x128xf32, #tpu.memory_space<vmem>>, %arg2: memref<320x128xf32, #tpu.memory_space<vmem>>, %arg3: memref<320x128xf32, #tpu.memory_space<vmem>>, %arg4: memref<128x128xf32, #tpu.memory_space<vmem>>, %arg5: memref<128x1024xf32, #tpu.memory_space<vmem>>, %arg6: memref<1x128xf32, #tpu.memory_space<vmem>>, %arg7: memref<128x128xf32, #tpu.memory_space<vmem>>, %arg8: memref<1x128xf32, #tpu.memory_space<vmem>>, %arg9: memref<1x128xf32, #tpu.memory_space<vmem>>, %arg10: memref<1x128xf32, #tpu.memory_space<vmem>>, %arg11: memref<2560x128xf32, #tpu.memory_space<vmem>>) attributes {dimension_semantics = [#tpu.dimension_semantics<arbitrary>], iteration_bounds = array<i64: 4>, scalar_prefetch = 0 : i64, scratch_operands = 0 : i64, tpu.core_type = #tpu.core_type<tc>, window_params = [{transform_indices = @transform_0, window_bounds = array<i64: 2560, 128>}, {transform_indices = @transform_1, window_bounds = array<i64: 320, 128>}, {transform_indices = @transform_2, window_bounds = array<i64: 320, 128>}, {pipeline_mode = #tpu.pipeline_mode<synchronous>, transform_indices = @transform_3, window_bounds = array<i64: 128, 128>}, {pipeline_mode = #tpu.pipeline_mode<synchronous>, transform_indices = @transform_4, window_bounds = array<i64: 128, 1024>}, {pipeline_mode = #tpu.pipeline_mode<synchronous>, transform_indices = @transform_5, window_bounds = array<i64: 1, 128>}, {pipeline_mode = #tpu.pipeline_mode<synchronous>, transform_indices = @transform_6, window_bounds = array<i64: 128, 128>}, {pipeline_mode = #tpu.pipeline_mode<synchronous>, transform_indices = @transform_7, window_bounds = array<i64: 1, 128>}, {pipeline_mode = #tpu.pipeline_mode<synchronous>, transform_indices = @transform_8, window_bounds = array<i64: 1, 128>}, {pipeline_mode = #tpu.pipeline_mode<synchronous>, transform_indices = @transform_9, window_bounds = array<i64: 1, 128>}, {transform_indices = @transform_10, window_bounds = array<i64: 2560, 128>}]} {
    %get3A = arith.constant 0 : index
    %get3A_0 = arith.constant 0 : index
    %get3A_1 = vector.load %arg1[%get3A, %get3A_0] : memref<2560x128xf32, #tpu.memory_space<vmem>>, vector<2560x128xf32>
    %get3A_2 = arith.constant 0 : index
    %get3A_3 = arith.constant 0 : index
    %get3A_4 = vector.load %arg2[%get3A_2, %get3A_3] : memref<320x128xf32, #tpu.memory_space<vmem>>, vector<320x128xf32>
    %get3A_5 = arith.constant 0 : index
    %get3A_6 = arith.constant 0 : index
    %get3A_7 = vector.load %arg3[%get3A_5, %get3A_6] : memref<320x128xf32, #tpu.memory_space<vmem>>, vector<320x128xf32>
    %add3A = arith.addf %get3A_4, %get3A_7 : vector<320x128xf32>
    %get3A_8 = arith.constant 0 : index
    %get3A_9 = arith.constant 0 : index
    %get3A_10 = vector.load %arg5[%get3A_8, %get3A_9] : memref<128x1024xf32, #tpu.memory_space<vmem>>, vector<128x1024xf32>
    %dot_general3A = arith.constant dense<0.000000e+00> : vector<320x1024xf32>
    %dot_general3A_11 = tpu.matmul %add3A, %get3A_10, %dot_general3A {dimension_numbers = #tpu.dot_dimension_numbers<[1], [0], [0], [1], [0, 0, 1, 1], [], []>, transpose_lhs_hint = false} : vector<320x128xf32>, vector<128x1024xf32>, vector<320x1024xf32> -> vector<320x1024xf32>
    %reshape3A = vector.shape_cast %dot_general3A_11 : vector<320x1024xf32> to vector<320x8x128xf32>
    %reshape3A_12 = vector.shape_cast %reshape3A : vector<320x8x128xf32> to vector<2560x128xf32>
    %get3A_13 = arith.constant 0 : index
    %get3A_14 = arith.constant 0 : index
    %get3A_15 = vector.load %arg4[%get3A_13, %get3A_14] : memref<128x128xf32, #tpu.memory_space<vmem>>, vector<128x128xf32>
    %dot_general3A_16 = arith.constant dense<0.000000e+00> : vector<2560x128xf32>
    %dot_general3A_17 = tpu.matmul %get3A_1, %get3A_15, %dot_general3A_16 {dimension_numbers = #tpu.dot_dimension_numbers<[1], [0], [0], [1], [0, 0, 1, 1], [], []>, transpose_lhs_hint = false} : vector<2560x128xf32>, vector<128x128xf32>, vector<2560x128xf32> -> vector<2560x128xf32>
    %add3A_18 = arith.addf %dot_general3A_17, %reshape3A_12 : vector<2560x128xf32>
    %get3A_19 = arith.constant 0 : index
    %get3A_20 = arith.constant 0 : index
    %get3A_21 = vector.load %arg6[%get3A_19, %get3A_20] : memref<1x128xf32, #tpu.memory_space<vmem>>, vector<1x128xf32>
    %add3A_22 = vector.broadcast %get3A_21 : vector<1x128xf32> to vector<2560x128xf32>
    %add3A_23 = arith.addf %add3A_18, %add3A_22 : vector<2560x128xf32>
    %logistic3A = arith.negf %add3A_23 : vector<2560x128xf32>
    %logistic3A_24 = math.exp %logistic3A : vector<2560x128xf32>
    %logistic3A_25 = arith.constant 1.000000e+00 : f32
    %logistic3A_26 = vector.broadcast %logistic3A_25 : f32 to vector<2560x128xf32>
    %logistic3A_27 = arith.addf %logistic3A_26, %logistic3A_24 : vector<2560x128xf32>
    %logistic3A_28 = arith.divf %logistic3A_26, %logistic3A_27 : vector<2560x128xf32>
    %mul3A = arith.mulf %add3A_23, %logistic3A_28 : vector<2560x128xf32>
    %get3A_29 = arith.constant 0 : index
    %get3A_30 = arith.constant 0 : index
    %get3A_31 = vector.load %arg7[%get3A_29, %get3A_30] : memref<128x128xf32, #tpu.memory_space<vmem>>, vector<128x128xf32>
    %dot_general3A_32 = arith.constant dense<0.000000e+00> : vector<2560x128xf32>
    %dot_general3A_33 = tpu.matmul %mul3A, %get3A_31, %dot_general3A_32 {dimension_numbers = #tpu.dot_dimension_numbers<[1], [0], [0], [1], [0, 0, 1, 1], [], []>, transpose_lhs_hint = false} : vector<2560x128xf32>, vector<128x128xf32>, vector<2560x128xf32> -> vector<2560x128xf32>
    %get3A_34 = arith.constant 0 : index
    %get3A_35 = arith.constant 0 : index
    %get3A_36 = vector.load %arg8[%get3A_34, %get3A_35] : memref<1x128xf32, #tpu.memory_space<vmem>>, vector<1x128xf32>
    %add3A_37 = vector.broadcast %get3A_36 : vector<1x128xf32> to vector<2560x128xf32>
    %add3A_38 = arith.addf %dot_general3A_33, %add3A_37 : vector<2560x128xf32>
    %reduce_sum3A = arith.constant dense<0.000000e+00> : vector<2560xf32>
    %reduce_sum3A_39 = vector.multi_reduction <add>, %add3A_38, %reduce_sum3A [1] : vector<2560x128xf32> to vector<2560xf32>
    %broadcast_in_dim3A = vector.shape_cast %reduce_sum3A_39 : vector<2560xf32> to vector<2560x1xf32>
    %div3A = arith.constant 1.280000e+02 : f32
    %div3A_40 = vector.broadcast %div3A : f32 to vector<2560x1xf32>
    %div3A_41 = arith.divf %broadcast_in_dim3A, %div3A_40 : vector<2560x1xf32>
    %sub3A = vector.broadcast %div3A_41 : vector<2560x1xf32> to vector<2560x128xf32>
    %sub3A_42 = arith.subf %add3A_38, %sub3A : vector<2560x128xf32>
    %integer_pow3A = arith.mulf %sub3A_42, %sub3A_42 : vector<2560x128xf32>
    %reduce_sum3A_43 = arith.constant dense<0.000000e+00> : vector<2560xf32>
    %reduce_sum3A_44 = vector.multi_reduction <add>, %integer_pow3A, %reduce_sum3A_43 [1] : vector<2560x128xf32> to vector<2560xf32>
    %broadcast_in_dim3A_45 = vector.shape_cast %reduce_sum3A_44 : vector<2560xf32> to vector<2560x1xf32>
    %div3A_46 = arith.constant 1.280000e+02 : f32
    %div3A_47 = vector.broadcast %div3A_46 : f32 to vector<2560x1xf32>
    %div3A_48 = arith.divf %broadcast_in_dim3A_45, %div3A_47 : vector<2560x1xf32>
    %sub3A_49 = vector.broadcast %div3A_41 : vector<2560x1xf32> to vector<2560x128xf32>
    %sub3A_50 = arith.subf %add3A_38, %sub3A_49 : vector<2560x128xf32>
    %add3A_51 = arith.constant 9.99999974E-6 : f32
    %add3A_52 = vector.broadcast %add3A_51 : f32 to vector<2560x1xf32>
    %add3A_53 = arith.addf %div3A_48, %add3A_52 : vector<2560x1xf32>
    %rsqrt3A = math.rsqrt %add3A_53 : vector<2560x1xf32>
    %mul3A_54 = vector.broadcast %rsqrt3A : vector<2560x1xf32> to vector<2560x128xf32>
    %mul3A_55 = arith.mulf %sub3A_50, %mul3A_54 : vector<2560x128xf32>
    %get3A_56 = arith.constant 0 : index
    %get3A_57 = arith.constant 0 : index
    %get3A_58 = vector.load %arg9[%get3A_56, %get3A_57] : memref<1x128xf32, #tpu.memory_space<vmem>>, vector<1x128xf32>
    %mul3A_59 = vector.broadcast %get3A_58 : vector<1x128xf32> to vector<2560x128xf32>
    %mul3A_60 = arith.mulf %mul3A_55, %mul3A_59 : vector<2560x128xf32>
    %get3A_61 = arith.constant 0 : index
    %get3A_62 = arith.constant 0 : index
    %get3A_63 = vector.load %arg10[%get3A_61, %get3A_62] : memref<1x128xf32, #tpu.memory_space<vmem>>, vector<1x128xf32>
    %add3A_64 = vector.broadcast %get3A_63 : vector<1x128xf32> to vector<2560x128xf32>
    %add3A_65 = arith.addf %mul3A_60, %add3A_64 : vector<2560x128xf32>
    %add3A_66 = arith.addf %add3A_65, %get3A_1 : vector<2560x128xf32>
    %swap3A = arith.constant 0 : index
    %swap3A_67 = arith.constant 0 : index
    %swap3A_68 = vector.load %arg11[%swap3A, %swap3A_67] : memref<2560x128xf32, #tpu.memory_space<vmem>>, vector<2560x128xf32>
    tpu.vector_store %arg11[%swap3A, %swap3A_67], %add3A_66 {strides = array<i32>} : memref<2560x128xf32, #tpu.memory_space<vmem>>, vector<2560x128xf32>,
    return
  }
  func.func @transform_0(%arg0: i32) -> (i32, i32) {
    %c0_i32 = arith.constant 0 : i32
    %c0_i32_0 = arith.constant 0 : i32
    return %arg0, %c0_i32 : i32, i32
  }
  func.func @transform_1(%arg0: i32) -> (i32, i32) {
    %c0_i32 = arith.constant 0 : i32
    %c0_i32_0 = arith.constant 0 : i32
    return %arg0, %c0_i32 : i32, i32
  }
  func.func @transform_2(%arg0: i32) -> (i32, i32) {
    %add3A = arith.constant 4 : i32
    %add3A_0 = arith.addi %arg0, %add3A : i32
    %c0_i32 = arith.constant 0 : i32
    %c0_i32_1 = arith.constant 0 : i32
    return %add3A_0, %c0_i32 : i32, i32
  }
  func.func @transform_3(%arg0: i32) -> (i32, i32) {
    %c0_i32 = arith.constant 0 : i32
    %c0_i32_0 = arith.constant 0 : i32
    %c0_i32_1 = arith.constant 0 : i32
    return %c0_i32, %c0_i32_0 : i32, i32
  }
  func.func @transform_4(%arg0: i32) -> (i32, i32) {
    %c0_i32 = arith.constant 0 : i32
    %c0_i32_0 = arith.constant 0 : i32
    %c0_i32_1 = arith.constant 0 : i32
    return %c0_i32, %c0_i32_0 : i32, i32
  }
  func.func @transform_5(%arg0: i32) -> (i32, i32) {
    %c0_i32 = arith.constant 0 : i32
    %c0_i32_0 = arith.constant 0 : i32
    %c0_i32_1 = arith.constant 0 : i32
    return %c0_i32, %c0_i32_0 : i32, i32
  }
  func.func @transform_6(%arg0: i32) -> (i32, i32) {
    %c0_i32 = arith.constant 0 : i32
    %c0_i32_0 = arith.constant 0 : i32
    %c0_i32_1 = arith.constant 0 : i32
    return %c0_i32, %c0_i32_0 : i32, i32
  }
  func.func @transform_7(%arg0: i32) -> (i32, i32) {
    %c0_i32 = arith.constant 0 : i32
    %c0_i32_0 = arith.constant 0 : i32
    %c0_i32_1 = arith.constant 0 : i32
    return %c0_i32, %c0_i32_0 : i32, i32
  }
  func.func @transform_8(%arg0: i32) -> (i32, i32) {
    %c0_i32 = arith.constant 0 : i32
    %c0_i32_0 = arith.constant 0 : i32
    %c0_i32_1 = arith.constant 0 : i32
    return %c0_i32, %c0_i32_0 : i32, i32
  }
  func.func @transform_9(%arg0: i32) -> (i32, i32) {
    %c0_i32 = arith.constant 0 : i32
    %c0_i32_0 = arith.constant 0 : i32
    %c0_i32_1 = arith.constant 0 : i32
    return %c0_i32, %c0_i32_0 : i32, i32
  }
  func.func @transform_10(%arg0: i32) -> (i32, i32) {
    %c0_i32 = arith.constant 0 : i32
    %c0_i32_0 = arith.constant 0 : i32
    return %arg0, %c0_i32 : i32, i32
  }
}

</mosaic_0001>

<sc_bundles>
// kernel: kernel.4.cloned.1.call-start
scs
__scs_entry_jumppad:
0x0: {  	(pc) =	sbr.rel $0x88, $3  }
0x1: {  	(tag) =	ssettag $0x0;
	lr =	simm.s32 $0x1  }
0x2: {  	[smem:$0x3F98] =	sst lr;
	_ =	strace $0xD0000000  }
0x3: {  	_ = 	snop  }
0x4: {  	_ = 	snop  }
0x5: {  	_ = 	snop  }
0x6: {  	_ = 	snop  }
0x7: {  	_ = 	snop  }
__scs_overlays_trampoline_lowered:
0x8: {  	[smem:$0x3FA7] =	sst s0  }
0x9: {  	[smem:$0x3FA8] =	sst s1  }
0xa: {  	[smem:$0x3FA9] =	sst s2  }
0xb: {  	[smem:$0x3FAA] =	sst s3  }
0xc: {  	[smem:$0x3FAB] =	sst s4  }
0xd: {  	[smem:$0x3FAC] =	sst s5  }
0xe: {  	[smem:$0x3FAD] =	sst s6  }
0xf: {  	[smem:$0x3FAE] =	sst s7  }
0x10: {  	[smem:$0x3FAF] =	sst s8  }
0x11: {  	[smem:$0x3FB0] =	sst s9;
	s0 =	simm.s32 @!p0 $0x0  }
0x12: {  	s1 =	sld [smem:$0x3F96];
	s0 =	simm.s32 @p0 $0x1  }
0x13: {  	[smem:$0x3FB1] =	sst s0;
	s0 =	simm.s32 @!p1 $0x0  }
0x14: {  	s2 =	sld [smem:$0x3F95];
	s0 =	simm.s32 @p1 $0x1  }
0x15: {  	[smem:$0x3FB2] =	sst s0;
	s0 =	simm.s32 @!p2 $0x0  }
0x16: {  	s3 =	sld [smem:$0x3FDB];
	s0 =	simm.s32 @p2 $0x1  }
0x17: {  	s4 =	simm.s32 $0x1BF5;
	[smem:$0x3FB4] =	sst s0  }
0x18: {  	s0 =	sld [smem:$0x3F97];
	_ =	swait.ge [sflag:s4], $0x0  }
0x19: {  	s7 =	sld [smem:$0x3F98]  }
0x1a: {  	s8 =	sadd.s32 $0xFFFFE003, lr  }
0x1b: {  	s9 =	sadd.s32 $0xFFFFFEF7, lr;
	s5 =	simm.s32 $0xFFFFFFFF;
	p2 =	slt.u32 s8, $0xFFFFF086  }
0x1c: {  	p1 =	slt.u32 s9, $0xF7A;
	s5 =	simm.s32 @!p2 $0x0  }
0x1d: {  	s5 =	simm.s32 @p1 $0x1;
	p0 =	seq.s32 s7, s2  }
0x1e: {  	s7 =	smul.u32 @!p0 $0xF7A, s2;
	p2 =	seq.s32 @!p0 s5, $0x0  }
0x1f: {  	s9 =	smul.u32 $0xF7A, s1;
	s8 =	simm.s32 @!p0 $0x1BF5;
	p2 =	por !p2, p0  }
0x20: {  	[sflag:s8] =	ssyncset.s32 @!p0 $0xFFFFF086;
	s6 =	sadd.s32 @!p0 s3, s7;
	s7 =	simm.s32 @!p0 $0x108  }
0x21: {  	s3 =	sadd.s32 s3, s9;
	s6 =	sadd.s32 @!p0 $0x88, s6;
	s7 =	simm.s32 @p2 $0x1082  }
0x22: {  	[simem:s7], [sflag:s8] =	dma.local @!p0 [hbm:s6], $0xF7A  }
0x23: {  	s9 =	sor.u32 $0xD0000000, s2;
	s6 =	simm.s32 $0x108;
	_ =	swait.ge @!p0 [sflag:s8], $0x0  }
0x24: {  	s3 =	sadd.s32 $0x88, s3;
	s6 =	simm.s32 @!p1 $0x1082;
	[sflag:s4] =	ssyncset.s32 $0xFFFFF086  }
0x25: {  	[simem:s6], [sflag:s4] =	dma.local [hbm:s3], $0xF7A  }
0x26: {  	[smem:$0x3F98] =	sst s1;
	(tag) =	ssettag s2;
	_ =	strace s9  }
0x27: {  	s1 =	sld [smem:$0x3FA8]  }
0x28: {  	s2 =	sld [smem:$0x3FA9]  }
0x29: {  	s4 =	sld [smem:$0x3FAB]  }
0x2a: {  	p0 =	seq.s32 s5, $0x0;
	s5 =	sld [smem:$0x3FAC]  }
0x2b: {  	s6 =	sld [smem:$0x3FAD]  }
0x2c: {  	s7 =	sld [smem:$0x3FAE]  }
0x2d: {  	s3 =	simm.s32 $0x108;
	s8 =	sld [smem:$0x3FAF]  }
0x2e: {  	s3 =	simm.s32 @!p0 $0x1082;
	s9 =	sld [smem:$0x3FB0]  }
0x2f: {  	lr =	sadd.s32 s0, s3;
	s0 =	sld [smem:$0x3FA7]  }
0x30: {  	s3 =	sld [smem:$0x3FAA]  }
0x31: {  	[smem:$0x3FB3] =	sst s10  }
0x32: {  	s10 =	sld [smem:$0x3FB1];
	_ =	sdelay $0x3  }
0x33: {  	p0 =	seq.s32 s10, $0x1;
	s10 =	sld [smem:$0x3FB3];
	_ =	sdelay $0x3  }
0x34: {  	[smem:$0x3FB3] =	sst s10  }
0x35: {  	s10 =	sld [smem:$0x3FB2];
	_ =	sdelay $0x3  }
0x36: {  	p1 =	seq.s32 s10, $0x1;
	s10 =	sld [smem:$0x3FB3];
	_ =	sdelay $0x3  }
0x37: {  	[smem:$0x3FB3] =	sst s10  }
0x38: {  	s10 =	sld [smem:$0x3FB4]  }
0x39: {  	_ = 	snop;
	(pc) =	sbr.ind lr, $3  }
0x3a: {  	_ = 	snop  }
0x3b: {  	_ = 	snop  }
0x3c: {  	p2 =	seq.s32 s10, $0x1;
	s10 =	sld [smem:$0x3FB3]  }
0x3d: {  	_ =	shalt  }
0x3e: {  	_ =	shalt  }
0x3f: {  	_ =	shalt  }
0x40: {  	_ =	shalt  }
0x41: {  	_ =	shalt  }
0x42: {  	_ =	shalt  }
0x43: {  	_ =	shalt  }
0x44: {  	_ =	shalt  }
0x45: {  	_ =	shalt  }
0x46: {  	_ =	shalt  }
0x47: {  	_ =	shalt  }
0x48: {  	_ =	shalt  }
0x49: {  	_ =	shalt  }
0x4a: {  	_ =	shalt  }
0x4b: {  	_ =	shalt  }
0x4c: {  	_ =	shalt  }
0x4d: {  	_ =	shalt  }
0x4e: {  	_ =	shalt  }
0x4f: {  	_ =	shalt  }
0x50: {  	_ =	shalt  }
0x51: {  	_ =	shalt  }
0x52: {  	_ =	shalt  }
0x53: {  	_ =	shalt  }
0x54: {  	_ =	shalt  }
0x55: {  	_ =	shalt  }
0x56: {  	_ =	shalt  }
0x57: {  	_ =	shalt  }
0x58: {  	_ =	shalt  }
0x59: {  	_ =	shalt  }
0x5a: {  	_ =	shalt  }
0x5b: {  	_ =	shalt  }
0x5c: {  	_ =	shalt  }
0x5d: {  	_ =	shalt  }
0x5e: {  	_ =	shalt  }
0x5f: {  	_ =	shalt  }
0x60: {  	_ =	shalt  }
0x61: {  	_ =	shalt  }
0x62: {  	_ =	shalt  }
0x63: {  	_ =	shalt  }
0x64: {  	_ =	shalt  }
0x65: {  	_ =	shalt  }
0x66: {  	_ =	shalt  }
0x67: {  	_ =	shalt  }
0x68: {  	_ =	shalt  }
0x69: {  	_ =	shalt  }
0x6a: {  	_ =	shalt  }
0x6b: {  	_ =	shalt  }
0x6c: {  	_ =	shalt  }
0x6d: {  	_ =	shalt  }
0x6e: {  	_ =	shalt  }
0x6f: {  	_ =	shalt  }
0x70: {  	_ =	shalt  }
0x71: {  	_ =	shalt  }
0x72: {  	_ =	shalt  }
0x73: {  	_ =	shalt  }
0x74: {  	_ =	shalt  }
0x75: {  	_ =	shalt  }
0x76: {  	_ =	shalt  }
0x77: {  	_ =	shalt  }
0x78: {  	_ =	shalt  }
0x79: {  	_ =	shalt  }
0x7a: {  	_ =	shalt  }
0x7b: {  	_ =	shalt  }
0x7c: {  	_ =	shalt  }
0x7d: {  	_ =	shalt  }
0x7e: {  	_ =	shalt  }
0x7f: {  	_ =	shalt  }
0x80: {  	_ =	shalt  }
0x81: {  	_ =	shalt  }
0x82: {  	_ =	shalt  }
0x83: {  	_ =	shalt  }
0x84: {  	_ =	shalt  }
0x85: {  	_ =	shalt  }
0x86: {  	_ =	shalt  }
0x87: {  	_ =	shalt  }
.Lfunc_end0:
.L_simem_size_0:
called_computation_lowered:
.L_overlay_start_0:
0x88: {  	s2 =	sld [smem:$0x3FD9]  }
0x89: {  	s3 =	sld [smem:$0x3FFE];
	_ =	sdelay $0x1  }
0x8a: {  	s1 =	srdreg.scid  }
0x8b: {  	s0 =	sand.u32 $0x1, s1  }
0x8c: {  	s18 =	sshll.u32 s0, $0xA;
	s2 =	sadd.s32 s3, s2  }
0x8d: {  	s2 =	sadd.s32 s2, s18  }
0x8e: {  	[smem:$0x3FBF] =	sst s2  }
0x8f: {  	_ = 	snop  }
0x90: {  	s2 =	sld [smem:$0x3FC8]  }
0x91: {  	s19 =	sld [smem:$0x3FC7]  }
0x92: {  	s4 =	sld [smem:$0x3FD0];
	(tm) =	ssettm $0x1  }
0x93: {  	s5 =	sld [smem:$0x3FFB];
	_ =	sdelay $0x3  }
0x94: {  	_ =	strace s5  }
0x95: {  	s5 =	sld [smem:$0x3FFC];
	_ =	sdelay $0x3  }
0x96: {  	_ =	strace s5  }
0x97: {  	s5 =	sld [smem:$0x3FFD];
	_ =	sdelay $0x3  }
0x98: {  	_ =	strace s5  }
0x99: {  	_ =	strace $0x8FFFFFFF  }
0x9a: {  	s20 =	sld [smem:$0x3FDB];
	_ =	sdelay $0x1  }
0x9b: {  	s6 =	simm.s32 $_scs_section_size  }
0x9c: {  	s7 =	simm.s32 $_size__tile_overlayer_lowered;
	s8 =	simm.s32 $_tile_overlayer_lowered  }
0x9d: {  	s23 =	simm.s32 $0x1BFF;
	s22 =	sshll.u32 s8, $0x1;
	s5 =	sadd.s32 s6, s20  }
0x9e: {  	s9 =	simm.s32 $0x0;
	s21 =	sshll.u32 s7, $0x1;
	s7 =	sadd.s32 s22, s5  }
0x9f: {  	[timem:s9], [sflag:s23] =	dma.local [hbm:s7], s21  }
0xa0: {  	_ =	swait.ge [sflag:s23], s21  }
0xa1: {  	s6 =	ssub.s32 $0x0, s21;
	[sflag:s23] =	ssyncset.done $0x0  }
0xa2: {  	[sflag:s23] =	ssyncadd.s32 s6;
	_ =	sdelay $0x1  }
0xa3: {  	s24 =	simm.s32 $0x1B8B  }
0xa4: {  	_ =	swait.ge [sflag:s24], $0x1  }
0xa5: {  	[sflag:s24] =	ssyncset.done $0x0  }
0xa6: {  	s25 =	simm.s32 $0x1B8E;
	[sflag:s24] =	ssyncadd.s32 $0xFFFFFFFF  }
0xa7: {  	s26 =	simm.s32 $execute0_lowered;
	[smem:$0x3FD2] =	sst s25  }
0xa8: {  	s6 =	sshll.u32 s26, $0x1;
	_ =	strace $0x80000046;
	[dreg:$0x1] =	wrdreg $0xFFFFFFFF  }
0xa9: {  	s28 =	simm.s32 $_size_execute0_lowered;
	s5 =	sadd.s32 s5, s6;
	[dreg:$0x0] =	wrdreg $0x0  }
0xaa: {  	s6 =	sshll.u32 s28, $0x1;
	[dreg:$0x2] =	wrdreg s5  }
0xab: {  	[dreg:$0x3] =	wrdreg s6  }
0xac: {  	[dreg:$0x4] =	wrdreg $0xC0  }
0xad: {  	_ =	task [dreg:s9], $0x5FFFF  }
0xae: {  	[dreg:$0x1] =	wrdreg $0xFFFFFFFF  }
0xaf: {  	[dreg:$0x0] =	wrdreg $0x60  }
0xb0: {  	[dreg:$0x2] =	wrdreg s2  }
0xb1: {  	[dreg:$0x3] =	wrdreg s19  }
0xb2: {  	[dreg:$0x4] =	wrdreg s4  }
0xb3: {  	[dreg:$0x5] =	wrdreg $0x1D4800  }
0xb4: {  	[dreg:$0x6] =	wrdreg $0x9  }
0xb5: {  	_ =	task.clear_ibuf [dreg:s9], $0x7FFFF;
	_ =	strace $0x90000046  }
0xb6: {  	s29 =	simm.s32 $0x9;
	_ =	strace $0x80000048  }
0xb7: {  	_ =	swait.ge [sflag:s29], $0x1  }
0xb8: {  	[sflag:s29] =	ssyncadd.s32 $0xFFFFFFFF  }
0xb9: {  	_ =	strace $0x90000048  }
0xba: {  	_ =	sfence  }
0xbb: {  	s30 =	sld [smem:$0x0];
	_ =	sdelay $0x2  }
0xbc: {  	s31 =	sshll.u32 s1, $0xD;
	s1 =	sshrl.u32 s1, $0x2  }
0xbd: {  	s3 =	sand.u32 $0x4000, s31;
	s1 =	sadd.s32 s1, s30  }
0xbe: {  	s0 =	sor.u32 s3, s0;
	s1 =	sshll.u32 s1, $0x11  }
0xbf: {  	s0 =	sor.u32 s1, s0  }
0xc0: {  	s0 =	sadd.s32 $0x8F2B, s0  }
0xc1: {  	[sflag:s0] =	ssyncadd.remote.s32 $0x1  }
0xc2: {  	_ =	sfence.sel $0xFFFF  }
0xc3: {  	[dreg:$0x0] =	wrdreg $0xFFFFFFFF;
	(pc) =	sbr.abs _section_cstart, $3  }
0xc4: {  	[dreg:$0x1] =	wrdreg $0xFFFFFFFF  }
0xc5: {  	_ =	task.clear_ibuf [dreg:s9], $0x2FFFF;
	_ =	strace $0x9FFFFFFF  }
0xc6: {  	(tm) =	ssettm $0x7FFFFFFF  }
0xc7: {  	_ =	shalt  }
tec
execute0_lowered:
.L_overlay_start_1:
0x0: {  	(tag) =	ssettag $0x1  }
0x1: {  	v0 =	vimm.s32 $0x3AF8;
	vm13 =	vcmask $0x300  }
0x2: {  	vm6 =	vcmask $0x704;
	v1 =	vimm.s32 $0x3AF9;
	vm7 =	vcmask $0xB08  }
0x3: {  	vm8 =	vcmask $0xF0C;
	vm9 =	vcmask $0x1310;
	vm10 =	vcmask $0x1714  }
0x4: {  	vm11 =	vcmask $0x1B18;
	vm12 =	vcmask $0x1F1C;
	vm5 =	vcmask $0x2320  }
0x5: {  	vm0 =	vcmask $0x2724;
	vm1 =	vcmask $0x2B28;
	vm2 =	vcmask $0x2F2C  }
0x6: {  	vm3 =	vcmask $0x3330;
	vm4 =	vcmask $0x3734;
	vm14 =	vcmask $0x3B38  }
0x7: {  	v3 =	vimm.s32 $0x0;
	v5 =	vimm.s32 $0x3AFB;
	v6 =	vimm.s32 $0x3AFC  }
0x8: {  	v7 =	vimm.s32 $0x3AFD;
	v8 =	vimm.s32 $0x3AFE;
	v9 =	vimm.s32 $0x3AFF  }
0x9: {  	v0 =	vsel vm13, $0x0, v0;
	v1 =	vsel vm13, $0x1, v1;
	v5 =	vsel vm13, $0x3, v5  }
0xa: {  	v6 =	vsel vm13, $0x4, v6;
	v7 =	vsel vm13, $0x5, v7;
	v8 =	vsel vm13, $0x6, v8  }
0xb: {  	v9 =	vsel vm13, $0x7, v9;
	v0 =	vsel vm6, $0x88, v0;
	v1 =	vsel vm6, $0x89, v1  }
0xc: {  	v5 =	vsel vm6, $0x8B, v5;
	v6 =	vsel vm6, $0x8C, v6;
	v7 =	vsel vm6, $0x8D, v7  }
0xd: {  	v8 =	vsel vm6, $0x8E, v8;
	v9 =	vsel vm6, $0x8F, v9;
	v0 =	vsel vm7, $0x110, v0  }
0xe: {  	v1 =	vsel vm7, $0x111, v1;
	v5 =	vsel vm7, $0x113, v5;
	v6 =	vsel vm7, $0x114, v6  }
0xf: {  	v7 =	vsel vm7, $0x115, v7;
	v8 =	vsel vm7, $0x116, v8;
	v9 =	vsel vm7, $0x117, v9  }
0x10: {  	v0 =	vsel vm8, $0x198, v0;
	v1 =	vsel vm8, $0x199, v1;
	v5 =	vsel vm8, $0x19B, v5  }
0x11: {  	v6 =	vsel vm8, $0x19C, v6;
	v7 =	vsel vm8, $0x19D, v7;
	v8 =	vsel vm8, $0x19E, v8  }
0x12: {  	v9 =	vsel vm8, $0x19F, v9;
	v0 =	vsel vm9, $0x220, v0;
	v1 =	vsel vm9, $0x221, v1  }
0x13: {  	v5 =	vsel vm9, $0x223, v5;
	v6 =	vsel vm9, $0x224, v6;
	v7 =	vsel vm9, $0x225, v7  }
0x14: {  	v8 =	vsel vm9, $0x226, v8;
	v9 =	vsel vm9, $0x227, v9;
	v0 =	vsel vm10, $0x2A8, v0  }
0x15: {  	v1 =	vsel vm10, $0x2A9, v1;
	v5 =	vsel vm10, $0x2AB, v5;
	v6 =	vsel vm10, $0x2AC, v6  }
0x16: {  	v7 =	vsel vm10, $0x2AD, v7;
	v8 =	vsel vm10, $0x2AE, v8;
	v9 =	vsel vm10, $0x2AF, v9  }
0x17: {  	v0 =	vsel vm11, $0x330, v0;
	v1 =	vsel vm11, $0x331, v1;
	v5 =	vsel vm11, $0x333, v5  }
0x18: {  	v6 =	vsel vm11, $0x334, v6;
	v7 =	vsel vm11, $0x335, v7;
	v8 =	vsel vm11, $0x336, v8  }
0x19: {  	v9 =	vsel vm11, $0x337, v9;
	v0 =	vsel vm12, $0x3B8, v0;
	v1 =	vsel vm12, $0x3B9, v1  }
0x1a: {  	v5 =	vsel vm12, $0x3BB, v5;
	v6 =	vsel vm12, $0x3BC, v6;
	v7 =	vsel vm12, $0x3BD, v7  }
0x1b: {  	v8 =	vsel vm12, $0x3BE, v8;
	v9 =	vsel vm12, $0x3BF, v9;
	v0 =	vsel vm5, $0x3740, v0  }
0x1c: {  	v1 =	vsel vm5, $0x3741, v1;
	v5 =	vsel vm5, $0x3743, v5;
	v0 =	vsel vm0, $0x37C8, v0  }
0x1d: {  	v6 =	vsel vm5, $0x3744, v6;
	v1 =	vsel vm0, $0x37C9, v1;
	v0 =	vsel vm1, $0x3850, v0  }
0x1e: {  	s0 =	rddreg [dreg:$0x0];
	v7 =	vsel vm5, $0x3745, v7;
	v1 =	vsel vm1, $0x3851, v1;
	v0 =	vsel vm2, $0x38D8, v0  }
0x1f: {  	s1 =	rddreg [dreg:$0x1];
	v8 =	vsel vm5, $0x3746, v8;
	v1 =	vsel vm2, $0x38D9, v1;
	v2 =	vsel vm3, $0x3960, v0  }
0x20: {  	s2 =	srdreg.scid;
	s19 =	stileid.u32;
	v9 =	vsel vm5, $0x3747, v9;
	v1 =	vsel vm3, $0x3961, v1;
	v2 =	vsel vm4, $0x39E8, v2  }
0x21: {  	s6 =	rddreg [dreg:$0x2];
	s17 =	simm.s32 $0x3;
	s18 =	simm.s32 $0x80;
	v5 =	vsel vm0, $0x37CB, v5;
	v4 =	vsel vm4, $0x39E9, v1;
	v1 =	vsel vm14, $0x3A70, v2  }
0x22: {  	s20 =	simm.s32 $0x1;
	s21 =	simm.s32 $0x2780;
	s10 =	sand.u32 $0x1, s2;
	v2 =	vsel vm13, $0x3, v3;
	v3 =	vsel vm14, $0x3A71, v4;
	v4 =	vimm.s32 $0x3AFA  }
0x23: {  	s3 =	sshll.u32 s19, $0x1;
	s2 =	rddreg [dreg:$0x3];
	s12 =	smul.u32 $0x2800, s19;
	v6 =	vsel vm0, $0x37CC, v6;
	v7 =	vsel vm0, $0x37CD, v7;
	v4 =	vsel vm13, $0x2, v4  }
0x24: {  	p0 =	sgt.u32 s19, $0x1;
	s19 =	simm.s32 $0x9600;
	s4 =	sor.u32 s10, s3;
	v8 =	vsel vm0, $0x37CE, v8;
	v9 =	vsel vm0, $0x37CF, v9;
	v4 =	vsel vm6, $0x8A, v4  }
0x25: {  	s3 =	simm.s32 $0x0;
	s7 =	ssub.s32 $0x2, s10;
	s15 =	smul.u32 $0x28000, s10;
	v5 =	vsel vm1, $0x3853, v5;
	v6 =	vsel vm1, $0x3854, v6;
	v4 =	vsel vm7, $0x112, v4  }
0x26: {  	s5 =	smul.u32 $0x4E, s4;
	[smem:$0x7FF] =	sst s3;
	s8 =	sshrl.u32 s7, $0x1;
	v7 =	vsel vm1, $0x3855, v7;
	v8 =	vsel vm1, $0x3856, v8;
	v4 =	vsel vm8, $0x19A, v4  }
0x27: {  	s4 =	smin.u32 s4, $0x4;
	_ =	strace $0x80000047;
	s14 =	ssub.s32 s7, s8;
	v9 =	vsel vm1, $0x3857, v9;
	v5 =	vsel vm2, $0x38DB, v5;
	v4 =	vsel vm9, $0x222, v4  }
0x28: {  	s11 =	sadd.s32 s4, s5;
	s4 =	sadd.s32 s12, s2;
	s12 =	sadd.s32 s12, s15;
	v6 =	vsel vm2, $0x38DC, v6;
	v7 =	vsel vm2, $0x38DD, v7;
	v4 =	vsel vm10, $0x2AA, v4  }
0x29: {  	s31 =	smax.u32 s14, $0x1;
	s5 =	sshll.u32 s11, $0x7;
	s28 =	sshll.u32 s11, $0x5;
	v8 =	vsel vm2, $0x38DE, v8;
	v9 =	vsel vm2, $0x38DF, v9;
	v4 =	vsel vm11, $0x332, v4  }
0x2a: {  	s13 =	sadd.s32 $0x4E, s11;
	s12 =	sshrl.u32 s12, $0x3;
	[dreg:$0x8] =	wrdreg s31;
	v0 =	vimm.f32 $0.0e+00;
	v5 =	vsel vm3, $0x3963, v5;
	v4 =	vsel vm12, $0x3BA, v4  }
0x2b: {  	s5 =	sadd.s32 s1, s5;
	s7 =	sadd.s32 s0, s28;
	s16 =	sshll.u32 s13, $0x5;
	v6 =	vsel vm3, $0x3964, v6;
	v7 =	vsel vm3, $0x3965, v7;
	v4 =	vsel vm5, $0x3742, v4  }
0x2c: {  	s13 =	sshll.u32 s13, $0x7;
	[dreg:$0x5] =	wrdreg s7;
	s7 =	sadd.s32 $0x680, s5;
	v8 =	vsel vm3, $0x3966, v8;
	v9 =	vsel vm3, $0x3967, v9;
	v4 =	vsel vm0, $0x37CA, v4  }
.Ltmp0:
0x2d: {  	s8 =	sadd.s32 $0xD00, s5;
	s9 =	sadd.s32 $0x1380, s5;
	v5 =	vsel vm4, $0x39EB, v5;
	v6 =	vsel vm4, $0x39EC, v6;
	v4 =	vsel vm1, $0x3852, v4;
	(pc) =	sbr.rel .LBB2_1-.Ltmp0, $4  }
0x2e: {  	s30 =	sadd.s32 s6, s12;
	s10 =	sadd.s32 $0x1A00, s5;
	s16 =	sand.u32 $0x1FFFFFE0, s16;
	v7 =	vsel vm4, $0x39ED, v7;
	v8 =	vsel vm4, $0x39EE, v8;
	v4 =	vsel vm2, $0x38DA, v4  }
0x2f: {  	s12 =	simm.s32 $0x2;
	s11 =	sadd.s32 $0x2080, s5;
	s29 =	sand.u32 $0x1FFFFF80, s13;
	v9 =	vsel vm4, $0x39EF, v9;
	v5 =	vsel vm14, $0x3A73, v5;
	v4 =	vsel vm3, $0x3962, v4  }
0x30: {  	[dreg:$0x7] =	wrdreg s30;
	s0 =	sadd.s32 s0, s16;
	s13 =	sadd.s32 s1, s29;
	v6 =	vsel vm14, $0x3A74, v6;
	v7 =	vsel vm14, $0x3A75, v7;
	v4 =	vsel vm4, $0x39EA, v4  }
0x31: {  	s16 =	simm.s32 $0x10480;
	[dreg:$0x6] =	wrdreg s0;
	s0 =	simm.s32 $0x0;
	v8 =	vsel vm14, $0x3A76, v8;
	v9 =	vsel vm14, $0x3A77, v9;
	v4 =	vsel vm14, $0x3A72, v4  }
.LBB2_55:
0x32: {  	s1 =	stileid.u32  }
0x33: {  	[bflag:$0x0] =	sbarrier.arrive $0xFFFF;
	s1 =	sshll.u32 s1, $0x6  }
0x34: {  	s6 =	sshrl.u32 s4, $0x3;
	s14 =	rddreg [dreg:$0x7];
	s1 =	sor.u32 $0x1C03, s1  }
0x35: {  	[hbm:s14], [sflag:s1] =	dma.local [spmem:s6], $0x500  }
0x36: {  	_ =	swait.ge [sflag:s17], $0x500  }
0x37: {  	s0 =	sadd.s32 $0x1, s0;
	s31 =	rddreg [dreg:$0x8]  }
0x38: {  	p1 =	sne.s32 s0, s31  }
.Ltmp1:
0x39: {  	_ = 	snop;
	(pc) =	sbr.rel @!p1 .LBB2_56-.Ltmp1, $3  }
0x3a: {  	_ =	sdelay $0x1  }
0x3b: {  	[sflag:s17] =	ssyncset.done $0x0  }
0x3c: {  	[sflag:s17] =	ssyncadd.s32 $0xFFFFFB00  }
.LBB2_1:
0x3d: {  	s6 =	simm.s32 $0x104C0  }
0x3e: {  	[tilespmem:s6+$0xFFFFFFC0] =	vst v0  }
0x3f: {  	[tilespmem:s6+$0x30] =	vst v0  }
0x40: {  	[tilespmem:s6+$0x20] =	vst v0  }
0x41: {  	[tilespmem:s6+$0x10] =	vst v0  }
0x42: {  	[tilespmem:s6+$0x0] =	vst v0  }
0x43: {  	[tilespmem:s6+$0xFFFFFFF0] =	vst v0  }
0x44: {  	s14 =	simm.s32 $0x0;
	[tilespmem:s6+$0xFFFFFFE0] =	vst v0  }
.LBB2_2:
0x45: {  	s14 =	sadd.s32 $0x8, s14;
	[tilespmem:s6+$0xFFFFFFD0] =	vst v0;
	s6 =	sadd.s32 $0x80, s6  }
0x46: {  	[tilespmem:s6+$0xFFFFFFC0] =	vst v0;
	p1 =	slt.u32 s14, $0x278  }
0x47: {  	[tilespmem:s6+$0x30] =	vst v0  }
.Ltmp2:
0x48: {  	[tilespmem:s6+$0x20] =	vst v0;
	(pc) =	sbr.rel @p1 .LBB2_2-.Ltmp2, $4  }
0x49: {  	[tilespmem:s6+$0x10] =	vst v0  }
0x4a: {  	[tilespmem:s6+$0x0] =	vst v0  }
0x4b: {  	[tilespmem:s6+$0xFFFFFFF0] =	vst v0  }
0x4c: {  	[tilespmem:s6+$0xFFFFFFE0] =	vst v0  }
0x4d: {  	[tilespmem:s6+$0xFFFFFFD0] =	vst v0  }
0x4e: {  	[spmem:s4] =	stream.linear.scatter [tilespmem:s16], [sflag:$0x3], $0x2800, $0x38;
	[tilespmem:$0x1FC80] =	vst v63  }
0x4f: {  	_ =	swait.ge [sflag:s17], $0x2800  }
0x50: {  	[sflag:s17] =	ssyncset.done $0x0  }
0x51: {  	[sflag:s17] =	ssyncadd.s32 $0xFFFFD800  }
0x52: {  	[bflag:$0x0] =	sbarrier.arrive $0xFFFF  }
0x53: {  	s31 =	simm.s32 $0x0;
	s14 =	simm.s32 $0x100;
	s1 =	rddreg [dreg:$0x5]  }
0x54: {  	[tilespmem:s31], [sflag:$0x3] =	stream.strided.gather [hbm4b:s1+s18], $0x2700, s14, s18, $0x38;
	[tilespmem:$0x1FC80] =	vst v63  }
0x55: {  	_ =	swait.ge [sflag:s17], $0x2700  }
0x56: {  	s6 =	simm.s32 $0x2780;
	s22 =	sadd.s32 $0x0, s5;
	[sflag:s17] =	ssyncset.done $0x0  }
0x57: {  	s15 =	simm.s32 $0x2808;
	s14 =	simm.s32 $0x10;
	[sflag:s17] =	ssyncadd.s32 $0xFFFFD900  }
.LBB2_4:
0x58: {  	[tilespmem:s6], [sflag:$0x1] =	stream.linear.gather [hbm4b:s22+s3], $0x80, $0x38;
	[tilespmem:$0x1FC80] =	vst v63  }
0x59: {  	s22 =	smov.u32 s14;
	s6 =	smov.u32 s15;
	p1 =	sne.s32 s14, $0x670  }
.Ltmp3:
0x5a: {  	s14 =	sadd.s32 $0x10, s14;
	(pc) =	sbr.rel @p1 .LBB2_4-.Ltmp3, $2  }
0x5b: {  	_ =	sdelay $0x2  }
0x5c: {  	s15 =	sadd.s32 $0x88, s15;
	s22 =	sadd.s32 s22, s5  }
0x5d: {  	[tilespmem:s6], [sflag:$0x1] =	stream.linear.gather [hbm4b:s22+s3], $0x80, $0x38;
	[tilespmem:$0x1FC80] =	vst v63  }
0x5e: {  	s6 =	sadd.s32 $0x4E200, s5;
	s14 =	simm.s32 $0x5EC0  }
0x5f: {  	s15 =	simm.s32 $0x10;
	s22 =	simm.s32 $0x5F48;
	s23 =	sadd.s32 $0x0, s6  }
.LBB2_6:
0x60: {  	[tilespmem:s14], [sflag:$0x1] =	stream.linear.gather [hbm4b:s23+s3], $0x80, $0x38;
	[tilespmem:$0x1FC80] =	vst v63  }
0x61: {  	s23 =	smov.u32 s15;
	s14 =	smov.u32 s22;
	p1 =	sne.s32 s15, $0x670  }
.Ltmp4:
0x62: {  	s15 =	sadd.s32 $0x10, s15;
	(pc) =	sbr.rel @p1 .LBB2_6-.Ltmp4, $2  }
0x63: {  	_ =	sdelay $0x2  }
0x64: {  	s22 =	sadd.s32 $0x88, s22;
	s23 =	sadd.s32 s23, s6  }
0x65: {  	[tilespmem:s14], [sflag:$0x1] =	stream.linear.gather [hbm4b:s23+s3], $0x80, $0x38;
	[tilespmem:$0x1FC80] =	vst v63  }
0x66: {  	s6 =	simm.s32 $0x9600  }
0x67: {  	s14 =	simm.s32 $0x10;
	s22 =	sadd.s32 $0x0, s7;
	s15 =	simm.s32 $0x9688  }
.LBB2_8:
0x68: {  	[tilespmem:s6], [sflag:$0x1] =	stream.linear.gather [hbm4b:s22+s3], $0x80, $0x38;
	[tilespmem:$0x1FC80] =	vst v63  }
0x69: {  	s22 =	smov.u32 s14;
	s6 =	smov.u32 s15;
	p1 =	sne.s32 s14, $0x670  }
.Ltmp5:
0x6a: {  	s14 =	sadd.s32 $0x10, s14;
	(pc) =	sbr.rel @p1 .LBB2_8-.Ltmp5, $2  }
0x6b: {  	_ =	sdelay $0x2  }
0x6c: {  	s15 =	sadd.s32 $0x88, s15;
	s22 =	sadd.s32 s22, s7  }
0x6d: {  	[tilespmem:s6], [sflag:$0x1] =	stream.linear.gather [hbm4b:s22+s3], $0x80, $0x38;
	[tilespmem:$0x1FC80] =	vst v63  }
0x6e: {  	s6 =	sadd.s32 $0x4E200, s7;
	s14 =	simm.s32 $0xCD40  }
0x6f: {  	s15 =	simm.s32 $0x10;
	s22 =	simm.s32 $0xCDC8;
	s23 =	sadd.s32 $0x0, s6  }
.LBB2_10:
0x70: {  	[tilespmem:s14], [sflag:$0x1] =	stream.linear.gather [hbm4b:s23+s3], $0x80, $0x38;
	[tilespmem:$0x1FC80] =	vst v63  }
0x71: {  	s23 =	smov.u32 s15;
	s14 =	smov.u32 s22;
	p1 =	sne.s32 s15, $0x670  }
.Ltmp6:
0x72: {  	s15 =	sadd.s32 $0x10, s15;
	(pc) =	sbr.rel @p1 .LBB2_10-.Ltmp6, $2  }
0x73: {  	_ =	sdelay $0x2  }
0x74: {  	s22 =	sadd.s32 $0x88, s22;
	s23 =	sadd.s32 s23, s6  }
0x75: {  	[tilespmem:s14], [sflag:$0x1] =	stream.linear.gather [hbm4b:s23+s3], $0x80, $0x38;
	[tilespmem:$0x1FC80] =	vst v63  }
0x76: {  	_ =	swait.ge [sflag:s20], $0x6800  }
0x77: {  	s6 =	simm.s32 $0x0;
	[sflag:s20] =	ssyncset.done $0x0  }
0x78: {  	s22 =	simm.s32 $0x10500;
	s15 =	simm.s32 $0x0;
	[sflag:s20] =	ssyncadd.s32 $0xFFFF9800  }
.LBB2_12:
0x79: {  	v10 =	vmov s15  }
0x7a: {  	s14 =	simm.s32 $0x1;
	v12 =	vmov s6;
	s23 =	simm.s32 $0x2;
	s25 =	simm.s32 $0x3;
	v11 =	vmul.u32 $0x440, v10  }
0x7b: {  	s29 =	simm.s32 $0x4;
	s30 =	simm.s32 $0x6;
	v13 =	vmov s14;
	v14 =	vmov s23;
	v15 =	vmov s25  }
0x7c: {  	s31 =	simm.s32 $0x7;
	s1 =	simm.s32 $0x9;
	s24 =	simm.s32 $0x5;
	v12 =	vshrl.u32 v12, $0x3;
	v16 =	vmov s29;
	v17 =	vmov s30  }
0x7d: {  	s28 =	simm.s32 $0x8;
	s26 =	simm.s32 $0xA;
	v18 =	vmov s31;
	v19 =	vmov s1;
	v20 =	vmov s24  }
0x7e: {  	v21 =	vmov s28;
	v23 =	vmov s26;
	v12 =	vshll.u32 v12, v2  }
0x7f: {  	s25 =	simm.s32 $0xB;
	v19 =	vshrl.u32 v19, $0x3;
	v14 =	vshrl.u32 v14, $0x3;
	v20 =	vshrl.u32 v20, $0x3  }
0x80: {  	s28 =	simm.s32 $0xF;
	v22 =	vmov s25;
	v17 =	vshrl.u32 v17, $0x3;
	v16 =	vshrl.u32 v16, $0x3  }
0x81: {  	s29 =	simm.s32 $0xD;
	s30 =	simm.s32 $0xE;
	v24 =	vmov s28;
	v21 =	vshrl.u32 v21, $0x3;
	v15 =	vshrl.u32 v15, $0x3  }
0x82: {  	v25 =	vmov s29;
	v26 =	vmov s30;
	v18 =	vshrl.u32 v18, $0x3  }
0x83: {  	v13 =	vshrl.u32 v13, $0x3;
	v23 =	vshrl.u32 v23, $0x3;
	v10 =	vbroadcast v11, $0x0  }
0x84: {  	v22 =	vshrl.u32 v22, $0x3;
	v17 =	vshll.u32 v17, v2;
	v16 =	vshll.u32 v16, v2  }
0x85: {  	v27 =	vshrl.u32 v24, $0x3;
	v20 =	vshll.u32 v20, v2;
	v15 =	vshll.u32 v15, v2  }
0x86: {  	s31 =	simm.s32 $0xC;
	v18 =	vshll.u32 v18, v2;
	v13 =	vshll.u32 v13, v2;
	v14 =	vshll.u32 v14, v2  }
0x87: {  	v24 =	vshrl.u32 v26, $0x3;
	v19 =	vshll.u32 v19, v2;
	v26 =	vmov s31  }
0x88: {  	v25 =	vshrl.u32 v25, $0x3;
	v23 =	vshll.u32 v23, v2;
	v63 =	vshll.u32 v21, v2  }
0x89: {  	v22 =	vshll.u32 v22, v2;
	v13 =	vadd.s32 v11, v13;
	v18 =	vadd.s32 v11, v18  }
0x8a: {  	v24 =	vshll.u32 v24, v2;
	v26 =	vshrl.u32 v26, $0x3;
	v25 =	vshll.u32 v25, v2  }
0x8b: {  	v16 =	vadd.s32 v11, v16;
	v28 =	vadd.s32 v11, v15;
	v15 =	vadd.s32 v11, v17  }
0x8c: {  	v20 =	vadd.s32 v11, v20;
	v22 =	vadd.s32 v11, v22;
	v13 =	vbroadcast v13, $0x0  }
0x8d: {  	v23 =	vadd.s32 v11, v23;
	v19 =	vadd.s32 v11, v19;
	v22 =	vbroadcast v22, $0x0  }
0x8e: {  	v18 =	vbroadcast v18, $0x0;
	v16 =	vbroadcast v16, $0x0;
	v13 =	vadd.s32 v3, v13  }
0x8f: {  	v26 =	vshll.u32 v26, v2;
	v24 =	vadd.s32 v11, v24;
	v22 =	vadd.s32 v5, v22  }
0x90: {  	v20 =	vbroadcast v20, $0x0;
	v17 =	vadd.s32 v11, v26;
	v16 =	vadd.s32 v6, v16  }
0x91: {  	v15 =	vbroadcast v15, $0x0;
	v18 =	vadd.s32 v9, v18;
	v17 =	vbroadcast v17, $0x0  }
0x92: {  	v25 =	vadd.s32 v11, v25;
	v26 =	vadd.s32 v7, v20;
	v20 =	vbroadcast v24, $0x0  }
0x93: {  	v23 =	vbroadcast v23, $0x0;
	v24 =	vbroadcast v25, $0x0;
	v25 =	vadd.s32 v6, v17;
	v29 =	vld.idx.msk [tilespmem:v13+s21+$0x0], $0xffff  }
0x94: {  	v14 =	vadd.s32 v11, v14;
	v19 =	vbroadcast v19, $0x0;
	v30 =	vadd.s32 v8, v20;
	v22 =	vld.idx.msk [tilespmem:v22+s21+$0x0], $0xffff  }
0x95: {  	v17 =	vadd.s32 v8, v15;
	v15 =	vadd.s32 v4, v23;
	v13 =	vld.idx.msk [tilespmem:v16+s21+$0x0], $0xffff;
	v16 =	vshll.u32 v27, v2  }
0x96: {  	v24 =	vadd.s32 v7, v24;
	v23 =	vbroadcast v28, $0x0;
	v20 =	vld.idx.msk [tilespmem:v18+s21+$0x0], $0xffff;
	v16 =	vadd.s32 v11, v16  }
0x97: {  	v10 =	vadd.s32 v1, v10;
	v27 =	vbroadcast v14, $0x0;
	v18 =	vld.idx.msk [tilespmem:v26+s21+$0x0], $0xffff;
	v16 =	vbroadcast v16, $0x0  }
0x98: {  	v12 =	vbroadcast v12, $0x0;
	v14 =	vadd.s32 v5, v23;
	v23 =	vadd.s32 v3, v19;
	v21 =	vld.idx.msk [tilespmem:v25+s21+$0x0], $0xffff;
	[tilespmem:s22+$0xFFFFFF90] =	vst v29  }
0x99: {  	s23 =	simm.s32 $0x10;
	s14 =	smov.u32 s22;
	s25 =	sadd.s32 $0x100, s22;
	v25 =	vbroadcast v63, $0x0;
	v19 =	vld.idx.msk [tilespmem:v30+s21+$0x0], $0xffff;
	v16 =	vadd.s32 v9, v16;
	[tilespmem:s22+$0x30] =	vst v22;
	v22 =	vadd.s32 v4, v27  }
.LBB2_13:
0x9a: {  	s28 =	sadd.s32 $0x1, s23  }
0x9b: {  	v26 =	vmov s23;
	s1 =	sadd.s32 $0x2, s23;
	s26 =	sadd.s32 $0x3, s23;
	v27 =	vadd.s32 v10, v12;
	v25 =	vadd.s32 v10, v25;
	v24 =	vld.idx.msk [tilespmem:v24+s21+$0x0], $0xffff;
	s30 =	smov.u32 s23  }
0x9c: {  	s31 =	sadd.s32 $0x8, s23;
	v28 =	vmov s28;
	v29 =	vmov s1;
	v30 =	vmov s26;
	s1 =	sadd.s32 $0x4, s23;
	s26 =	sadd.s32 $0x6, s23;
	v17 =	vld.idx.msk [tilespmem:v17+s21+$0x0], $0xffff  }
0x9d: {  	s29 =	sadd.s32 $0xF, s23;
	v12 =	vshrl.u32 v26, $0x3;
	v26 =	vmov s1;
	v31 =	vmov s26;
	s1 =	sadd.s32 $0x7, s23;
	s26 =	sadd.s32 $0x9, s23;
	[tilespmem:s14+$0xFFFFFFF0] =	vst v20;
	v15 =	vld.idx.msk [tilespmem:v15+s21+$0x0], $0xffff  }
0x9e: {  	s24 =	sadd.s32 $0x5, s23;
	s28 =	sadd.s32 $0xC, s23;
	v12 =	vshll.u32 v12, v2;
	v20 =	vmov s1;
	v32 =	vmov s26;
	s1 =	sadd.s32 $0xA, s23;
	[tilespmem:s14+$0xFFFFFFD0] =	vst v18;
	v18 =	vld.idx.msk [tilespmem:v23+s21+$0x0], $0xffff  }
0x9f: {  	p1 =	slt.u32 s23, $0x70;
	v33 =	vmov s31;
	v23 =	vmov s24;
	s24 =	sadd.s32 $0xB, s30;
	s23 =	sadd.s32 $0x10, s23;
	v32 =	vshrl.u32 v32, $0x3;
	v22 =	vld.idx.msk [tilespmem:v22+s21+$0x0], $0xffff;
	[tilespmem:s14+$0x40] =	vst v21  }
0xa0: {  	v21 =	vshrl.u32 v29, $0x3;
	v23 =	vshrl.u32 v23, $0x3;
	v29 =	vmov s24;
	v27 =	vld.idx.msk [tilespmem:v27+s21+$0x0], $0xffff;
	[tilespmem:s14+$0x60] =	vst v19  }
0xa1: {  	v19 =	vshrl.u32 v31, $0x3;
	v31 =	vmov s1;
	v29 =	vshrl.u32 v29, $0x3;
	v25 =	vld.idx.msk [tilespmem:v25+s21+$0x0], $0xffff;
	[tilespmem:s14+$0x50] =	vst v24  }
0xa2: {  	v24 =	vshrl.u32 v26, $0x3;
	v26 =	vshll.u32 v29, v2;
	v29 =	vmov s29;
	[tilespmem:s14+$0xFFFFFFE0] =	vst v17;
	v16 =	vld.idx.msk [tilespmem:v16+s21+$0x0], $0xffff  }
0xa3: {  	s1 =	sadd.s32 $0xD, s30;
	v17 =	vshll.u32 v19, v2;
	v19 =	vshrl.u32 v33, $0x3;
	v26 =	vadd.s32 v11, v26;
	v14 =	vld.idx.msk [tilespmem:v14+s21+$0x0], $0xffff;
	[tilespmem:s14+$0xFFFFFFC0] =	vst v13  }
0xa4: {  	v13 =	vshrl.u32 v30, $0x3;
	v26 =	vbroadcast v26, $0x0;
	v30 =	vmov s1;
	s1 =	sadd.s32 $0xE, s30;
	[tilespmem:s14+$0x10] =	vst v18  }
0xa5: {  	v29 =	vshrl.u32 v29, $0x3;
	v18 =	vshll.u32 v24, v2;
	v24 =	vmov s1;
	[tilespmem:s14+$0xFFFFFFA0] =	vst v22  }
0xa6: {  	v20 =	vshrl.u32 v20, $0x3;
	v22 =	vshll.u32 v23, v2;
	v23 =	vadd.s32 v5, v26;
	[tilespmem:s14+$0xFFFFFF80] =	vst v27  }
0xa7: {  	v20 =	vshll.u32 v20, v2;
	v13 =	vshll.u32 v13, v2;
	v26 =	vshrl.u32 v28, $0x3;
	[tilespmem:s14+$0x0] =	vst v25  }
0xa8: {  	v21 =	vshll.u32 v21, v2;
	v24 =	vshrl.u32 v24, $0x3;
	v25 =	vshll.u32 v26, v2;
	[tilespmem:s14+$0x20] =	vst v15  }
0xa9: {  	v20 =	vadd.s32 v11, v20;
	v15 =	vadd.s32 v11, v25;
	v25 =	vshll.u32 v32, v2;
	[tilespmem:s14+$0x70] =	vst v16  }
0xaa: {  	v15 =	vbroadcast v15, $0x0;
	v16 =	vadd.s32 v11, v21;
	v21 =	vshll.u32 v24, v2;
	[tilespmem:s14+$0xFFFFFFB0] =	vst v14;
	s14 =	smov.u32 s25  }
0xab: {  	v24 =	vshrl.u32 v30, $0x3;
	v14 =	vbroadcast v20, $0x0;
	v20 =	vld.idx.msk [tilespmem:v23+s21+$0x0], $0xffff;
	v23 =	vmov s28  }
0xac: {  	v26 =	vshrl.u32 v31, $0x3;
	v15 =	vadd.s32 v3, v15;
	v23 =	vshrl.u32 v23, $0x3  }
0xad: {  	v26 =	vshll.u32 v26, v2;
	v24 =	vshll.u32 v24, v2;
	v23 =	vshll.u32 v23, v2  }
0xae: {  	v17 =	vadd.s32 v11, v17;
	v13 =	vadd.s32 v11, v13;
	v18 =	vadd.s32 v11, v18  }
0xaf: {  	v18 =	vbroadcast v18, $0x0;
	v21 =	vadd.s32 v11, v21;
	v23 =	vadd.s32 v11, v23  }
0xb0: {  	v17 =	vbroadcast v17, $0x0;
	v22 =	vadd.s32 v11, v22;
	v24 =	vadd.s32 v11, v24  }
0xb1: {  	v18 =	vadd.s32 v6, v18;
	v14 =	vadd.s32 v9, v14;
	v27 =	vld.idx.msk [tilespmem:v15+s21+$0x0], $0xffff;
	v15 =	vbroadcast v22, $0x0;
	[tilespmem:s25+$0x30] =	vst v20  }
0xb2: {  	v20 =	vadd.s32 v11, v26;
	v22 =	vbroadcast v23, $0x0;
	v23 =	vbroadcast v24, $0x0  }
0xb3: {  	v26 =	vadd.s32 v7, v15;
	v15 =	vbroadcast v20, $0x0;
	v20 =	vbroadcast v21, $0x0  }
0xb4: {  	v17 =	vadd.s32 v8, v17;
	v21 =	vadd.s32 v11, v25;
	v28 =	vadd.s32 v6, v22  }
0xb5: {  	v24 =	vadd.s32 v7, v23;
	v15 =	vadd.s32 v4, v15;
	v30 =	vadd.s32 v8, v20  }
.Ltmp7:
0xb6: {  	v22 =	vbroadcast v13, $0x0;
	v21 =	vbroadcast v21, $0x0;
	v13 =	vld.idx.msk [tilespmem:v18+s21+$0x0], $0xffff;
	v18 =	vshll.u32 v29, v2;
	(pc) =	sbr.rel @p1 .LBB2_13-.Ltmp7, $4  }
0xb7: {  	v19 =	vshll.u32 v19, v2;
	v16 =	vbroadcast v16, $0x0;
	[tilespmem:s25+$0xFFFFFF90] =	vst v27;
	v20 =	vld.idx.msk [tilespmem:v14+s21+$0x0], $0xffff;
	v25 =	vadd.s32 v11, v18  }
0xb8: {  	v23 =	vadd.s32 v3, v21;
	v14 =	vadd.s32 v5, v22;
	v18 =	vld.idx.msk [tilespmem:v26+s21+$0x0], $0xffff;
	v26 =	vbroadcast v25, $0x0  }
0xb9: {  	v12 =	vbroadcast v12, $0x0;
	v22 =	vadd.s32 v4, v16;
	v25 =	vbroadcast v19, $0x0;
	v21 =	vld.idx.msk [tilespmem:v28+s21+$0x0], $0xffff  }
0xba: {  	s25 =	sadd.s32 $0x100, s25;
	v19 =	vld.idx.msk [tilespmem:v30+s21+$0x0], $0xffff;
	v16 =	vadd.s32 v9, v26  }
0xbb: {  	_ =	sdelay $0x3  }
0xbc: {  	v59 =	vld.idx.msk [tilespmem:v24+s21+$0x0], $0xffff;
	[tilespmem:s14+$0xFFFFFFC0] =	vst v13  }
0xbd: {  	v17 =	vld.idx.msk [tilespmem:v17+s21+$0x0], $0xffff;
	[tilespmem:s14+$0xFFFFFFF0] =	vst v20  }
0xbe: {  	v11 =	vadd.s32 v10, v12;
	v60 =	vld.idx.msk [tilespmem:v23+s21+$0x0], $0xffff;
	[tilespmem:s14+$0xFFFFFFD0] =	vst v18  }
0xbf: {  	v10 =	vadd.s32 v10, v25;
	v61 =	vld.idx.msk [tilespmem:v22+s21+$0x0], $0xffff;
	[tilespmem:s14+$0x40] =	vst v21  }
0xc0: {  	v62 =	vld.idx.msk [tilespmem:v15+s21+$0x0], $0xffff;
	[tilespmem:s14+$0x60] =	vst v19  }
0xc1: {  	v63 =	vld.idx.msk [tilespmem:v16+s21+$0x0], $0xffff;
	[tilespmem:s14+$0x50] =	vst v59  }
0xc2: {  	v14 =	vld.idx.msk [tilespmem:v14+s21+$0x0], $0xffff;
	[tilespmem:s14+$0xFFFFFFE0] =	vst v17  }
0xc3: {  	s15 =	sadd.s32 $0x1, s15;
	v11 =	vld.idx.msk [tilespmem:v11+s21+$0x0], $0xffff;
	[tilespmem:s14+$0x10] =	vst v60  }
0xc4: {  	p1 =	sne.s32 s15, $0xD;
	v10 =	vld.idx.msk [tilespmem:v10+s21+$0x0], $0xffff;
	[tilespmem:s14+$0xFFFFFFA0] =	vst v61  }
.Ltmp8:
0xc5: {  	[tilespmem:s14+$0x20] =	vst v62;
	(pc) =	sbr.rel @p1 .LBB2_12-.Ltmp8, $4  }
0xc6: {  	[tilespmem:s14+$0x70] =	vst v63  }
0xc7: {  	[tilespmem:s14+$0xFFFFFFB0] =	vst v14  }
0xc8: {  	[tilespmem:s14+$0xFFFFFF80] =	vst v11  }
0xc9: {  	s22 =	sadd.s32 $0x800, s22;
	[tilespmem:s14+$0x0] =	vst v10  }
0xca: {  	s1 =	simm.s32 $0x0  }
0xcb: {  	[spmem:s2] =	stream.indirect.scatter.add.f32 [tilespmem:s16], [sflag:$0x2], $0x10, s1, s18, $0xb8;
	[tilespmem:$0x1FC80] =	vst v63  }
0xcc: {  	s15 =	simm.s32 $0x10C80  }
0xcd: {  	[spmem:s2] =	stream.indirect.scatter.add.f32 [tilespmem:s15], [sflag:$0x2], $0x10, s18, s18, $0xb8;
	[tilespmem:$0x1FC80] =	vst v63  }
0xce: {  	s22 =	simm.s32 $0x100;
	s6 =	simm.s32 $0x11480  }
0xcf: {  	[spmem:s2] =	stream.indirect.scatter.add.f32 [tilespmem:s6], [sflag:$0x2], $0x10, s22, s18, $0xb8;
	[tilespmem:$0x1FC80] =	vst v63  }
0xd0: {  	s23 =	simm.s32 $0x180;
	s24 =	simm.s32 $0x11C80  }
0xd1: {  	[spmem:s2] =	stream.indirect.scatter.add.f32 [tilespmem:s24], [sflag:$0x2], $0x10, s23, s18, $0xb8;
	[tilespmem:$0x1FC80] =	vst v63  }
0xd2: {  	s25 =	simm.s32 $0x200;
	s26 =	simm.s32 $0x12480  }
0xd3: {  	[spmem:s2] =	stream.indirect.scatter.add.f32 [tilespmem:s26], [sflag:$0x2], $0x10, s25, s18, $0xb8;
	[tilespmem:$0x1FC80] =	vst v63  }
0xd4: {  	s28 =	simm.s32 $0x280;
	s29 =	simm.s32 $0x12C80  }
0xd5: {  	[spmem:s2] =	stream.indirect.scatter.add.f32 [tilespmem:s29], [sflag:$0x2], $0x10, s28, s18, $0xb8;
	[tilespmem:$0x1FC80] =	vst v63  }
0xd6: {  	s30 =	simm.s32 $0x300;
	s31 =	simm.s32 $0x13480  }
0xd7: {  	[spmem:s2] =	stream.indirect.scatter.add.f32 [tilespmem:s31], [sflag:$0x2], $0x10, s30, s18, $0xb8;
	[tilespmem:$0x1FC80] =	vst v63  }
0xd8: {  	s14 =	simm.s32 $0x13C80;
	s6 =	simm.s32 $0x380  }
0xd9: {  	[spmem:s2] =	stream.indirect.scatter.add.f32 [tilespmem:s14], [sflag:$0x2], $0x10, s6, s18, $0xb8;
	[tilespmem:$0x1FC80] =	vst v63  }
0xda: {  	s15 =	simm.s32 $0x400;
	s22 =	simm.s32 $0x14480  }
0xdb: {  	[spmem:s2] =	stream.indirect.scatter.add.f32 [tilespmem:s22], [sflag:$0x2], $0x10, s15, s18, $0xb8;
	[tilespmem:$0x1FC80] =	vst v63  }
0xdc: {  	s23 =	simm.s32 $0x480;
	s24 =	simm.s32 $0x14C80;
	s25 =	simm.s32 $0x500  }
0xdd: {  	[spmem:s2] =	stream.indirect.scatter.add.f32 [tilespmem:s24], [sflag:$0x2], $0x10, s23, s18, $0xb8;
	[tilespmem:$0x1FC80] =	vst v63  }
0xde: {  	s26 =	simm.s32 $0x15480;
	s28 =	simm.s32 $0x580;
	s29 =	simm.s32 $0x15C80  }
0xdf: {  	[spmem:s2] =	stream.indirect.scatter.add.f32 [tilespmem:s26], [sflag:$0x2], $0x10, s25, s18, $0xb8;
	[tilespmem:$0x1FC80] =	vst v63  }
0xe0: {  	s30 =	simm.s32 $0x600;
	s31 =	simm.s32 $0x16480;
	s6 =	simm.s32 $0x2780  }
0xe1: {  	[spmem:s2] =	stream.indirect.scatter.add.f32 [tilespmem:s29], [sflag:$0x2], $0x10, s28, s18, $0xb8;
	[tilespmem:$0x1FC80] =	vst v63  }
0xe2: {  	s14 =	simm.s32 $0x10;
	s22 =	sadd.s32 $0x0, s8;
	s15 =	simm.s32 $0x2808  }
0xe3: {  	[spmem:s2] =	stream.indirect.scatter.add.f32 [tilespmem:s31], [sflag:$0x2], $0x10, s30, s18, $0xb8;
	[tilespmem:$0x1FC80] =	vst v63  }
.LBB2_16:
0xe4: {  	[tilespmem:s6], [sflag:$0x1] =	stream.linear.gather [hbm4b:s22+s3], $0x80, $0x38;
	[tilespmem:$0x1FC80] =	vst v63  }
0xe5: {  	s1 =	smov.u32 s14;
	s6 =	smov.u32 s15;
	p1 =	sne.s32 s14, $0x670  }
.Ltmp9:
0xe6: {  	s14 =	sadd.s32 $0x10, s14;
	(pc) =	sbr.rel @p1 .LBB2_16-.Ltmp9, $2  }
0xe7: {  	_ =	sdelay $0x2  }
0xe8: {  	s15 =	sadd.s32 $0x88, s15;
	s22 =	sadd.s32 s1, s8  }
0xe9: {  	[tilespmem:s6], [sflag:$0x1] =	stream.linear.gather [hbm4b:s22+s3], $0x80, $0x38;
	[tilespmem:$0x1FC80] =	vst v63  }
0xea: {  	s6 =	sadd.s32 $0x4E200, s8;
	s14 =	simm.s32 $0x5EC0  }
0xeb: {  	s15 =	simm.s32 $0x10;
	s22 =	simm.s32 $0x5F48;
	s23 =	sadd.s32 $0x0, s6  }
.LBB2_18:
0xec: {  	[tilespmem:s14], [sflag:$0x1] =	stream.linear.gather [hbm4b:s23+s3], $0x80, $0x38;
	[tilespmem:$0x1FC80] =	vst v63  }
0xed: {  	s1 =	smov.u32 s15;
	s14 =	smov.u32 s22;
	p1 =	sne.s32 s15, $0x670  }
.Ltmp10:
0xee: {  	s15 =	sadd.s32 $0x10, s15;
	(pc) =	sbr.rel @p1 .LBB2_18-.Ltmp10, $2  }
0xef: {  	_ =	sdelay $0x2  }
0xf0: {  	s22 =	sadd.s32 $0x88, s22;
	s23 =	sadd.s32 s1, s6  }
0xf1: {  	[tilespmem:s14], [sflag:$0x1] =	stream.linear.gather [hbm4b:s23+s3], $0x80, $0x38;
	[tilespmem:$0x1FC80] =	vst v63  }
0xf2: {  	_ =	swait.ge [sflag:s20], $0x6800  }
0xf3: {  	s6 =	simm.s32 $0x0;
	[sflag:s20] =	ssyncset.done $0x0  }
0xf4: {  	s14 =	simm.s32 $0x16D00;
	s15 =	simm.s32 $0x0;
	[sflag:s20] =	ssyncadd.s32 $0xFFFF9800  }
.LBB2_20:
0xf5: {  	v10 =	vmov s15  }
0xf6: {  	s1 =	simm.s32 $0x1;
	v12 =	vmov s6;
	s22 =	simm.s32 $0x2;
	s23 =	simm.s32 $0x3;
	v11 =	vmul.u32 $0x440, v10  }
0xf7: {  	s26 =	simm.s32 $0x4;
	s28 =	simm.s32 $0x6;
	v13 =	vmov s1;
	v14 =	vmov s22;
	v15 =	vmov s23  }
0xf8: {  	s29 =	simm.s32 $0x7;
	s30 =	simm.s32 $0x9;
	s31 =	simm.s32 $0x5;
	v12 =	vshrl.u32 v12, $0x3;
	v16 =	vmov s26;
	v17 =	vmov s28  }
0xf9: {  	s24 =	simm.s32 $0x8;
	s25 =	simm.s32 $0xB;
	v18 =	vmov s29;
	v19 =	vmov s30;
	v20 =	vmov s31  }
0xfa: {  	v21 =	vmov s24;
	v22 =	vmov s25;
	v12 =	vshll.u32 v12, v2  }
0xfb: {  	s26 =	simm.s32 $0xA;
	v19 =	vshrl.u32 v19, $0x3;
	v14 =	vshrl.u32 v14, $0x3;
	v20 =	vshrl.u32 v20, $0x3  }
0xfc: {  	s28 =	simm.s32 $0xF;
	v17 =	vshrl.u32 v17, $0x3;
	v23 =	vmov s26;
	v22 =	vshrl.u32 v22, $0x3  }
0xfd: {  	s29 =	simm.s32 $0xD;
	s30 =	simm.s32 $0xE;
	v16 =	vshrl.u32 v16, $0x3;
	v24 =	vmov s28;
	v21 =	vshrl.u32 v21, $0x3  }
0xfe: {  	v15 =	vshrl.u32 v15, $0x3;
	v25 =	vmov s29;
	v26 =	vmov s30  }
0xff: {  	v18 =	vshrl.u32 v18, $0x3;
	v13 =	vshrl.u32 v13, $0x3;
	v10 =	vbroadcast v11, $0x0  }
0x100: {  	v22 =	vshll.u32 v22, v2;
	v17 =	vshll.u32 v17, v2;
	v16 =	vshll.u32 v16, v2  }
0x101: {  	v27 =	vshrl.u32 v24, $0x3;
	v20 =	vshll.u32 v20, v2;
	v15 =	vshll.u32 v15, v2  }
0x102: {  	s31 =	simm.s32 $0xC;
	v18 =	vshll.u32 v18, v2;
	v13 =	vshll.u32 v13, v2;
	v14 =	vshll.u32 v14, v2  }
0x103: {  	v24 =	vshrl.u32 v26, $0x3;
	v19 =	vshll.u32 v19, v2;
	v26 =	vmov s31  }
0x104: {  	v25 =	vshrl.u32 v25, $0x3;
	v23 =	vshrl.u32 v23, $0x3;
	v63 =	vshll.u32 v21, v2  }
0x105: {  	v22 =	vadd.s32 v11, v22;
	v13 =	vadd.s32 v11, v13;
	v18 =	vadd.s32 v11, v18  }
0x106: {  	v24 =	vshll.u32 v24, v2;
	v26 =	vshrl.u32 v26, $0x3;
	v23 =	vshll.u32 v23, v2  }
0x107: {  	v25 =	vshll.u32 v25, v2;
	v16 =	vadd.s32 v11, v16;
	v28 =	vadd.s32 v11, v15  }
0x108: {  	v15 =	vadd.s32 v11, v17;
	v20 =	vadd.s32 v11, v20;
	v22 =	vbroadcast v22, $0x0  }
0x109: {  	v19 =	vadd.s32 v11, v19;
	v13 =	vbroadcast v13, $0x0;
	v18 =	vbroadcast v18, $0x0  }
0x10a: {  	v26 =	vshll.u32 v26, v2;
	v16 =	vbroadcast v16, $0x0;
	v22 =	vadd.s32 v5, v22  }
0x10b: {  	v24 =	vadd.s32 v11, v24;
	v15 =	vbroadcast v15, $0x0;
	v13 =	vadd.s32 v3, v13  }
0x10c: {  	v20 =	vbroadcast v20, $0x0;
	v17 =	vadd.s32 v11, v26;
	v16 =	vadd.s32 v6, v16  }
0x10d: {  	v25 =	vadd.s32 v11, v25;
	v18 =	vadd.s32 v9, v18;
	v17 =	vbroadcast v17, $0x0  }
0x10e: {  	v23 =	vadd.s32 v11, v23;
	v26 =	vadd.s32 v7, v20;
	v20 =	vbroadcast v24, $0x0  }
0x10f: {  	v23 =	vbroadcast v23, $0x0;
	v24 =	vbroadcast v25, $0x0;
	v25 =	vadd.s32 v6, v17;
	v22 =	vld.idx.msk [tilespmem:v22+s19+$0x0], $0xffff  }
0x110: {  	v14 =	vadd.s32 v11, v14;
	v19 =	vbroadcast v19, $0x0;
	v30 =	vadd.s32 v8, v20;
	v29 =	vld.idx.msk [tilespmem:v13+s19+$0x0], $0xffff  }
0x111: {  	v17 =	vadd.s32 v8, v15;
	v15 =	vadd.s32 v4, v23;
	v13 =	vld.idx.msk [tilespmem:v16+s19+$0x0], $0xffff;
	v16 =	vshll.u32 v27, v2  }
0x112: {  	v24 =	vadd.s32 v7, v24;
	v23 =	vbroadcast v28, $0x0;
	v20 =	vld.idx.msk [tilespmem:v18+s19+$0x0], $0xffff;
	v16 =	vadd.s32 v11, v16  }
0x113: {  	v10 =	vadd.s32 v1, v10;
	v27 =	vbroadcast v14, $0x0;
	v18 =	vld.idx.msk [tilespmem:v26+s19+$0x0], $0xffff;
	v16 =	vbroadcast v16, $0x0  }
0x114: {  	v12 =	vbroadcast v12, $0x0;
	v14 =	vadd.s32 v5, v23;
	v23 =	vadd.s32 v3, v19;
	v21 =	vld.idx.msk [tilespmem:v25+s19+$0x0], $0xffff;
	[tilespmem:s14+$0x30] =	vst v22  }
0x115: {  	s23 =	simm.s32 $0x10;
	s25 =	sadd.s32 $0x100, s14;
	s22 =	smov.u32 s14;
	v25 =	vbroadcast v63, $0x0;
	v19 =	vld.idx.msk [tilespmem:v30+s19+$0x0], $0xffff;
	v16 =	vadd.s32 v9, v16;
	[tilespmem:s14+$0xFFFFFF90] =	vst v29;
	v22 =	vadd.s32 v4, v27  }
.LBB2_21:
0x116: {  	s1 =	sadd.s32 $0x1, s23  }
0x117: {  	v26 =	vmov s23;
	s24 =	sadd.s32 $0x2, s23;
	s26 =	sadd.s32 $0x3, s23;
	v27 =	vadd.s32 v10, v12;
	v25 =	vadd.s32 v10, v25;
	v24 =	vld.idx.msk [tilespmem:v24+s19+$0x0], $0xffff;
	s30 =	smov.u32 s23  }
0x118: {  	v28 =	vmov s1;
	v29 =	vmov s24;
	v30 =	vmov s26;
	s1 =	sadd.s32 $0x4, s23;
	s24 =	sadd.s32 $0x6, s23;
	s26 =	sadd.s32 $0x8, s23;
	v17 =	vld.idx.msk [tilespmem:v17+s19+$0x0], $0xffff  }
0x119: {  	s29 =	sadd.s32 $0xF, s23;
	v12 =	vshrl.u32 v26, $0x3;
	v26 =	vmov s1;
	v31 =	vmov s24;
	s1 =	sadd.s32 $0x7, s23;
	s24 =	sadd.s32 $0x9, s23;
	[tilespmem:s22+$0xFFFFFFF0] =	vst v20;
	v15 =	vld.idx.msk [tilespmem:v15+s19+$0x0], $0xffff  }
0x11a: {  	s31 =	sadd.s32 $0x5, s23;
	s28 =	sadd.s32 $0xC, s23;
	v12 =	vshll.u32 v12, v2;
	v20 =	vmov s1;
	v32 =	vmov s24;
	s1 =	sadd.s32 $0xA, s23;
	[tilespmem:s22+$0xFFFFFFD0] =	vst v18;
	v18 =	vld.idx.msk [tilespmem:v23+s19+$0x0], $0xffff  }
0x11b: {  	p1 =	slt.u32 s23, $0x70;
	v33 =	vmov s26;
	v23 =	vmov s31;
	s24 =	sadd.s32 $0xB, s30;
	s23 =	sadd.s32 $0x10, s23;
	v32 =	vshrl.u32 v32, $0x3;
	v22 =	vld.idx.msk [tilespmem:v22+s19+$0x0], $0xffff;
	[tilespmem:s22+$0x40] =	vst v21  }
0x11c: {  	v21 =	vshrl.u32 v29, $0x3;
	v23 =	vshrl.u32 v23, $0x3;
	v29 =	vmov s24;
	v27 =	vld.idx.msk [tilespmem:v27+s19+$0x0], $0xffff;
	[tilespmem:s22+$0x60] =	vst v19  }
0x11d: {  	v19 =	vshrl.u32 v31, $0x3;
	v31 =	vmov s1;
	v29 =	vshrl.u32 v29, $0x3;
	v25 =	vld.idx.msk [tilespmem:v25+s19+$0x0], $0xffff;
	[tilespmem:s22+$0x50] =	vst v24  }
0x11e: {  	v24 =	vshrl.u32 v26, $0x3;
	v26 =	vshll.u32 v29, v2;
	v29 =	vmov s29;
	[tilespmem:s22+$0xFFFFFFE0] =	vst v17;
	v16 =	vld.idx.msk [tilespmem:v16+s19+$0x0], $0xffff  }
0x11f: {  	s1 =	sadd.s32 $0xD, s30;
	v17 =	vshll.u32 v19, v2;
	v19 =	vshrl.u32 v33, $0x3;
	v26 =	vadd.s32 v11, v26;
	v14 =	vld.idx.msk [tilespmem:v14+s19+$0x0], $0xffff;
	[tilespmem:s22+$0xFFFFFFC0] =	vst v13  }
0x120: {  	v13 =	vshrl.u32 v30, $0x3;
	v26 =	vbroadcast v26, $0x0;
	v30 =	vmov s1;
	s1 =	sadd.s32 $0xE, s30;
	[tilespmem:s22+$0x10] =	vst v18  }
0x121: {  	v29 =	vshrl.u32 v29, $0x3;
	v18 =	vshll.u32 v24, v2;
	v24 =	vmov s1;
	[tilespmem:s22+$0xFFFFFFA0] =	vst v22  }
0x122: {  	v20 =	vshrl.u32 v20, $0x3;
	v22 =	vshll.u32 v23, v2;
	v23 =	vadd.s32 v5, v26;
	[tilespmem:s22+$0xFFFFFF80] =	vst v27  }
0x123: {  	v20 =	vshll.u32 v20, v2;
	v13 =	vshll.u32 v13, v2;
	v26 =	vshrl.u32 v28, $0x3;
	[tilespmem:s22+$0x0] =	vst v25  }
0x124: {  	v21 =	vshll.u32 v21, v2;
	v24 =	vshrl.u32 v24, $0x3;
	v25 =	vshll.u32 v26, v2;
	[tilespmem:s22+$0x20] =	vst v15  }
0x125: {  	v20 =	vadd.s32 v11, v20;
	v15 =	vadd.s32 v11, v25;
	v25 =	vshll.u32 v32, v2;
	[tilespmem:s22+$0x70] =	vst v16  }
0x126: {  	v15 =	vbroadcast v15, $0x0;
	v16 =	vadd.s32 v11, v21;
	v21 =	vshll.u32 v24, v2;
	[tilespmem:s22+$0xFFFFFFB0] =	vst v14;
	s22 =	smov.u32 s25  }
0x127: {  	v24 =	vshrl.u32 v30, $0x3;
	v14 =	vbroadcast v20, $0x0;
	v20 =	vld.idx.msk [tilespmem:v23+s19+$0x0], $0xffff;
	v23 =	vmov s28  }
0x128: {  	v26 =	vshrl.u32 v31, $0x3;
	v15 =	vadd.s32 v3, v15;
	v23 =	vshrl.u32 v23, $0x3  }
0x129: {  	v26 =	vshll.u32 v26, v2;
	v24 =	vshll.u32 v24, v2;
	v23 =	vshll.u32 v23, v2  }
0x12a: {  	v17 =	vadd.s32 v11, v17;
	v13 =	vadd.s32 v11, v13;
	v18 =	vadd.s32 v11, v18  }
0x12b: {  	v18 =	vbroadcast v18, $0x0;
	v21 =	vadd.s32 v11, v21;
	v23 =	vadd.s32 v11, v23  }
0x12c: {  	v17 =	vbroadcast v17, $0x0;
	v22 =	vadd.s32 v11, v22;
	v24 =	vadd.s32 v11, v24  }
0x12d: {  	v18 =	vadd.s32 v6, v18;
	v14 =	vadd.s32 v9, v14;
	v27 =	vld.idx.msk [tilespmem:v15+s19+$0x0], $0xffff;
	v15 =	vbroadcast v22, $0x0;
	[tilespmem:s25+$0x30] =	vst v20  }
0x12e: {  	v20 =	vadd.s32 v11, v26;
	v22 =	vbroadcast v23, $0x0;
	v23 =	vbroadcast v24, $0x0  }
0x12f: {  	v26 =	vadd.s32 v7, v15;
	v15 =	vbroadcast v20, $0x0;
	v20 =	vbroadcast v21, $0x0  }
0x130: {  	v17 =	vadd.s32 v8, v17;
	v21 =	vadd.s32 v11, v25;
	v28 =	vadd.s32 v6, v22  }
0x131: {  	v24 =	vadd.s32 v7, v23;
	v15 =	vadd.s32 v4, v15;
	v30 =	vadd.s32 v8, v20  }
.Ltmp11:
0x132: {  	v22 =	vbroadcast v13, $0x0;
	v21 =	vbroadcast v21, $0x0;
	v13 =	vld.idx.msk [tilespmem:v18+s19+$0x0], $0xffff;
	v18 =	vshll.u32 v29, v2;
	(pc) =	sbr.rel @p1 .LBB2_21-.Ltmp11, $4  }
0x133: {  	v19 =	vshll.u32 v19, v2;
	v16 =	vbroadcast v16, $0x0;
	[tilespmem:s25+$0xFFFFFF90] =	vst v27;
	v20 =	vld.idx.msk [tilespmem:v14+s19+$0x0], $0xffff;
	v25 =	vadd.s32 v11, v18  }
0x134: {  	v23 =	vadd.s32 v3, v21;
	v14 =	vadd.s32 v5, v22;
	v18 =	vld.idx.msk [tilespmem:v26+s19+$0x0], $0xffff;
	v26 =	vbroadcast v25, $0x0  }
0x135: {  	v12 =	vbroadcast v12, $0x0;
	v22 =	vadd.s32 v4, v16;
	v25 =	vbroadcast v19, $0x0;
	v21 =	vld.idx.msk [tilespmem:v28+s19+$0x0], $0xffff  }
0x136: {  	s25 =	sadd.s32 $0x100, s25;
	v19 =	vld.idx.msk [tilespmem:v30+s19+$0x0], $0xffff;
	v16 =	vadd.s32 v9, v26  }
0x137: {  	_ =	sdelay $0x3  }
0x138: {  	v59 =	vld.idx.msk [tilespmem:v24+s19+$0x0], $0xffff;
	[tilespmem:s22+$0xFFFFFFC0] =	vst v13  }
0x139: {  	v17 =	vld.idx.msk [tilespmem:v17+s19+$0x0], $0xffff;
	[tilespmem:s22+$0xFFFFFFF0] =	vst v20  }
0x13a: {  	v11 =	vadd.s32 v10, v12;
	v60 =	vld.idx.msk [tilespmem:v23+s19+$0x0], $0xffff;
	[tilespmem:s22+$0xFFFFFFD0] =	vst v18  }
0x13b: {  	v10 =	vadd.s32 v10, v25;
	v61 =	vld.idx.msk [tilespmem:v22+s19+$0x0], $0xffff;
	[tilespmem:s22+$0x40] =	vst v21  }
0x13c: {  	v62 =	vld.idx.msk [tilespmem:v15+s19+$0x0], $0xffff;
	[tilespmem:s22+$0x60] =	vst v19  }
0x13d: {  	v63 =	vld.idx.msk [tilespmem:v16+s19+$0x0], $0xffff;
	[tilespmem:s22+$0x50] =	vst v59  }
0x13e: {  	v14 =	vld.idx.msk [tilespmem:v14+s19+$0x0], $0xffff;
	[tilespmem:s22+$0xFFFFFFE0] =	vst v17  }
0x13f: {  	s15 =	sadd.s32 $0x1, s15;
	v11 =	vld.idx.msk [tilespmem:v11+s19+$0x0], $0xffff;
	[tilespmem:s22+$0x10] =	vst v60  }
0x140: {  	p1 =	sne.s32 s15, $0xD;
	v10 =	vld.idx.msk [tilespmem:v10+s19+$0x0], $0xffff;
	[tilespmem:s22+$0xFFFFFFA0] =	vst v61  }
.Ltmp12:
0x141: {  	[tilespmem:s22+$0x20] =	vst v62;
	(pc) =	sbr.rel @p1 .LBB2_20-.Ltmp12, $4  }
0x142: {  	[tilespmem:s22+$0x70] =	vst v63  }
0x143: {  	[tilespmem:s22+$0xFFFFFFB0] =	vst v14  }
0x144: {  	[tilespmem:s22+$0xFFFFFF80] =	vst v11  }
0x145: {  	s14 =	sadd.s32 $0x800, s14;
	[tilespmem:s22+$0x0] =	vst v10  }
0x146: {  	s1 =	simm.s32 $0x680;
	s6 =	simm.s32 $0x16C80  }
0x147: {  	[spmem:s2] =	stream.indirect.scatter.add.f32 [tilespmem:s6], [sflag:$0x2], $0x10, s1, s18, $0xb8;
	[tilespmem:$0x1FC80] =	vst v63  }
0x148: {  	s14 =	simm.s32 $0x17480;
	s6 =	simm.s32 $0x700  }
0x149: {  	[spmem:s2] =	stream.indirect.scatter.add.f32 [tilespmem:s14], [sflag:$0x2], $0x10, s6, s18, $0xb8;
	[tilespmem:$0x1FC80] =	vst v63  }
0x14a: {  	s15 =	simm.s32 $0x780;
	s22 =	simm.s32 $0x17C80  }
0x14b: {  	[spmem:s2] =	stream.indirect.scatter.add.f32 [tilespmem:s22], [sflag:$0x2], $0x10, s15, s18, $0xb8;
	[tilespmem:$0x1FC80] =	vst v63  }
0x14c: {  	s23 =	simm.s32 $0x800;
	s24 =	simm.s32 $0x18480  }
0x14d: {  	[spmem:s2] =	stream.indirect.scatter.add.f32 [tilespmem:s24], [sflag:$0x2], $0x10, s23, s18, $0xb8;
	[tilespmem:$0x1FC80] =	vst v63  }
0x14e: {  	s25 =	simm.s32 $0x880;
	s26 =	simm.s32 $0x18C80  }
0x14f: {  	[spmem:s2] =	stream.indirect.scatter.add.f32 [tilespmem:s26], [sflag:$0x2], $0x10, s25, s18, $0xb8;
	[tilespmem:$0x1FC80] =	vst v63  }
0x150: {  	s28 =	simm.s32 $0x900;
	s29 =	simm.s32 $0x19480  }
0x151: {  	[spmem:s2] =	stream.indirect.scatter.add.f32 [tilespmem:s29], [sflag:$0x2], $0x10, s28, s18, $0xb8;
	[tilespmem:$0x1FC80] =	vst v63  }
0x152: {  	s30 =	simm.s32 $0x980;
	s31 =	simm.s32 $0x19C80  }
0x153: {  	[spmem:s2] =	stream.indirect.scatter.add.f32 [tilespmem:s31], [sflag:$0x2], $0x10, s30, s18, $0xb8;
	[tilespmem:$0x1FC80] =	vst v63  }
0x154: {  	s6 =	simm.s32 $0xA00;
	s14 =	simm.s32 $0x1A480  }
0x155: {  	[spmem:s2] =	stream.indirect.scatter.add.f32 [tilespmem:s14], [sflag:$0x2], $0x10, s6, s18, $0xb8;
	[tilespmem:$0x1FC80] =	vst v63  }
0x156: {  	s15 =	simm.s32 $0xA80;
	s22 =	simm.s32 $0x1AC80  }
0x157: {  	[spmem:s2] =	stream.indirect.scatter.add.f32 [tilespmem:s22], [sflag:$0x2], $0x10, s15, s18, $0xb8;
	[tilespmem:$0x1FC80] =	vst v63  }
0x158: {  	s23 =	simm.s32 $0xB00;
	s24 =	simm.s32 $0x1B480;
	s25 =	simm.s32 $0xB80  }
0x159: {  	[spmem:s2] =	stream.indirect.scatter.add.f32 [tilespmem:s24], [sflag:$0x2], $0x10, s23, s18, $0xb8;
	[tilespmem:$0x1FC80] =	vst v63  }
0x15a: {  	s26 =	simm.s32 $0x1BC80;
	s28 =	simm.s32 $0xC00;
	s29 =	simm.s32 $0x1C480  }
0x15b: {  	[spmem:s2] =	stream.indirect.scatter.add.f32 [tilespmem:s26], [sflag:$0x2], $0x10, s25, s18, $0xb8;
	[tilespmem:$0x1FC80] =	vst v63  }
0x15c: {  	s30 =	simm.s32 $0xC80;
	s31 =	simm.s32 $0x1CC80;
	s6 =	simm.s32 $0x9600  }
0x15d: {  	[spmem:s2] =	stream.indirect.scatter.add.f32 [tilespmem:s29], [sflag:$0x2], $0x10, s28, s18, $0xb8;
	[tilespmem:$0x1FC80] =	vst v63  }
0x15e: {  	s14 =	simm.s32 $0x10;
	s22 =	sadd.s32 $0x0, s9;
	s15 =	simm.s32 $0x9688  }
0x15f: {  	[spmem:s2] =	stream.indirect.scatter.add.f32 [tilespmem:s31], [sflag:$0x2], $0x10, s30, s18, $0xb8;
	[tilespmem:$0x1FC80] =	vst v63  }
.LBB2_24:
0x160: {  	[tilespmem:s6], [sflag:$0x1] =	stream.linear.gather [hbm4b:s22+s3], $0x80, $0x38;
	[tilespmem:$0x1FC80] =	vst v63  }
0x161: {  	s1 =	smov.u32 s14;
	s6 =	smov.u32 s15;
	p1 =	sne.s32 s14, $0x670  }
.Ltmp13:
0x162: {  	s14 =	sadd.s32 $0x10, s14;
	(pc) =	sbr.rel @p1 .LBB2_24-.Ltmp13, $2  }
0x163: {  	_ =	sdelay $0x2  }
0x164: {  	s15 =	sadd.s32 $0x88, s15;
	s22 =	sadd.s32 s1, s9  }
0x165: {  	[tilespmem:s6], [sflag:$0x1] =	stream.linear.gather [hbm4b:s22+s3], $0x80, $0x38;
	[tilespmem:$0x1FC80] =	vst v63  }
0x166: {  	s6 =	sadd.s32 $0x4E200, s9;
	s14 =	simm.s32 $0xCD40  }
0x167: {  	s15 =	simm.s32 $0x10;
	s22 =	simm.s32 $0xCDC8;
	s23 =	sadd.s32 $0x0, s6  }
.LBB2_26:
0x168: {  	[tilespmem:s14], [sflag:$0x1] =	stream.linear.gather [hbm4b:s23+s3], $0x80, $0x38;
	[tilespmem:$0x1FC80] =	vst v63  }
0x169: {  	s1 =	smov.u32 s15;
	s14 =	smov.u32 s22;
	p1 =	sne.s32 s15, $0x670  }
.Ltmp14:
0x16a: {  	s15 =	sadd.s32 $0x10, s15;
	(pc) =	sbr.rel @p1 .LBB2_26-.Ltmp14, $2  }
0x16b: {  	_ =	sdelay $0x2  }
0x16c: {  	s22 =	sadd.s32 $0x88, s22;
	s23 =	sadd.s32 s1, s6  }
0x16d: {  	[tilespmem:s14], [sflag:$0x1] =	stream.linear.gather [hbm4b:s23+s3], $0x80, $0x38;
	[tilespmem:$0x1FC80] =	vst v63  }
0x16e: {  	_ =	swait.ge [sflag:s12], $0x800  }
0x16f: {  	[sflag:s12] =	ssyncset.done $0x0  }
0x170: {  	[sflag:s12] =	ssyncadd.s32 $0xFFFFF800  }
0x171: {  	_ =	swait.ge [sflag:s12], $0x800  }
0x172: {  	[sflag:s12] =	ssyncset.done $0x0  }
0x173: {  	[sflag:s12] =	ssyncadd.s32 $0xFFFFF800  }
0x174: {  	_ =	swait.ge [sflag:s12], $0x800  }
0x175: {  	[sflag:s12] =	ssyncset.done $0x0  }
0x176: {  	[sflag:s12] =	ssyncadd.s32 $0xFFFFF800  }
0x177: {  	_ =	swait.ge [sflag:s12], $0x800  }
0x178: {  	[sflag:s12] =	ssyncset.done $0x0  }
0x179: {  	[sflag:s12] =	ssyncadd.s32 $0xFFFFF800  }
0x17a: {  	_ =	swait.ge [sflag:s12], $0x800  }
0x17b: {  	[sflag:s12] =	ssyncset.done $0x0  }
0x17c: {  	[sflag:s12] =	ssyncadd.s32 $0xFFFFF800  }
0x17d: {  	_ =	swait.ge [sflag:s12], $0x800  }
0x17e: {  	[sflag:s12] =	ssyncset.done $0x0  }
0x17f: {  	[sflag:s12] =	ssyncadd.s32 $0xFFFFF800  }
0x180: {  	_ =	swait.ge [sflag:s12], $0x800  }
0x181: {  	[sflag:s12] =	ssyncset.done $0x0  }
0x182: {  	[sflag:s12] =	ssyncadd.s32 $0xFFFFF800  }
0x183: {  	_ =	swait.ge [sflag:s12], $0x800  }
0x184: {  	[sflag:s12] =	ssyncset.done $0x0  }
0x185: {  	[sflag:s12] =	ssyncadd.s32 $0xFFFFF800  }
0x186: {  	_ =	swait.ge [sflag:s12], $0x800  }
0x187: {  	[sflag:s12] =	ssyncset.done $0x0  }
0x188: {  	[sflag:s12] =	ssyncadd.s32 $0xFFFFF800  }
0x189: {  	_ =	swait.ge [sflag:s12], $0x800  }
0x18a: {  	[sflag:s12] =	ssyncset.done $0x0  }
0x18b: {  	[sflag:s12] =	ssyncadd.s32 $0xFFFFF800  }
0x18c: {  	_ =	swait.ge [sflag:s12], $0x800  }
0x18d: {  	[sflag:s12] =	ssyncset.done $0x0  }
0x18e: {  	[sflag:s12] =	ssyncadd.s32 $0xFFFFF800  }
0x18f: {  	_ =	swait.ge [sflag:s12], $0x800  }
0x190: {  	[sflag:s12] =	ssyncset.done $0x0  }
0x191: {  	[sflag:s12] =	ssyncadd.s32 $0xFFFFF800  }
0x192: {  	_ =	swait.ge [sflag:s12], $0x800  }
0x193: {  	[sflag:s12] =	ssyncset.done $0x0  }
0x194: {  	[sflag:s12] =	ssyncadd.s32 $0xFFFFF800  }
0x195: {  	_ =	swait.ge [sflag:s20], $0x6800  }
0x196: {  	s6 =	simm.s32 $0x0;
	[sflag:s20] =	ssyncset.done $0x0  }
0x197: {  	s14 =	simm.s32 $0x10500;
	s15 =	simm.s32 $0x0;
	[sflag:s20] =	ssyncadd.s32 $0xFFFF9800  }
.LBB2_28:
0x198: {  	v10 =	vmov s15  }
0x199: {  	s1 =	simm.s32 $0x1;
	v12 =	vmov s6;
	s22 =	simm.s32 $0x2;
	s23 =	simm.s32 $0x3;
	v11 =	vmul.u32 $0x440, v10  }
0x19a: {  	s26 =	simm.s32 $0x4;
	s28 =	simm.s32 $0x6;
	v13 =	vmov s1;
	v14 =	vmov s22;
	v15 =	vmov s23  }
0x19b: {  	s29 =	simm.s32 $0x7;
	s30 =	simm.s32 $0x9;
	s31 =	simm.s32 $0x5;
	v12 =	vshrl.u32 v12, $0x3;
	v16 =	vmov s26;
	v17 =	vmov s28  }
0x19c: {  	s24 =	simm.s32 $0x8;
	s25 =	simm.s32 $0xB;
	v18 =	vmov s29;
	v19 =	vmov s30;
	v20 =	vmov s31  }
0x19d: {  	v21 =	vmov s24;
	v22 =	vmov s25;
	v12 =	vshll.u32 v12, v2  }
0x19e: {  	s26 =	simm.s32 $0xA;
	v19 =	vshrl.u32 v19, $0x3;
	v14 =	vshrl.u32 v14, $0x3;
	v20 =	vshrl.u32 v20, $0x3  }
0x19f: {  	s28 =	simm.s32 $0xF;
	v17 =	vshrl.u32 v17, $0x3;
	v23 =	vmov s26;
	v22 =	vshrl.u32 v22, $0x3  }
0x1a0: {  	s29 =	simm.s32 $0xD;
	s30 =	simm.s32 $0xE;
	v16 =	vshrl.u32 v16, $0x3;
	v24 =	vmov s28;
	v21 =	vshrl.u32 v21, $0x3  }
0x1a1: {  	v15 =	vshrl.u32 v15, $0x3;
	v25 =	vmov s29;
	v26 =	vmov s30  }
0x1a2: {  	v18 =	vshrl.u32 v18, $0x3;
	v13 =	vshrl.u32 v13, $0x3;
	v10 =	vbroadcast v11, $0x0  }
0x1a3: {  	v22 =	vshll.u32 v22, v2;
	v17 =	vshll.u32 v17, v2;
	v16 =	vshll.u32 v16, v2  }
0x1a4: {  	v27 =	vshrl.u32 v24, $0x3;
	v20 =	vshll.u32 v20, v2;
	v15 =	vshll.u32 v15, v2  }
0x1a5: {  	s31 =	simm.s32 $0xC;
	v18 =	vshll.u32 v18, v2;
	v13 =	vshll.u32 v13, v2;
	v14 =	vshll.u32 v14, v2  }
0x1a6: {  	v24 =	vshrl.u32 v26, $0x3;
	v19 =	vshll.u32 v19, v2;
	v26 =	vmov s31  }
0x1a7: {  	v25 =	vshrl.u32 v25, $0x3;
	v23 =	vshrl.u32 v23, $0x3;
	v63 =	vshll.u32 v21, v2  }
0x1a8: {  	v22 =	vadd.s32 v11, v22;
	v13 =	vadd.s32 v11, v13;
	v18 =	vadd.s32 v11, v18  }
0x1a9: {  	v24 =	vshll.u32 v24, v2;
	v26 =	vshrl.u32 v26, $0x3;
	v23 =	vshll.u32 v23, v2  }
0x1aa: {  	v25 =	vshll.u32 v25, v2;
	v16 =	vadd.s32 v11, v16;
	v28 =	vadd.s32 v11, v15  }
0x1ab: {  	v15 =	vadd.s32 v11, v17;
	v20 =	vadd.s32 v11, v20;
	v22 =	vbroadcast v22, $0x0  }
0x1ac: {  	v19 =	vadd.s32 v11, v19;
	v13 =	vbroadcast v13, $0x0;
	v18 =	vbroadcast v18, $0x0  }
0x1ad: {  	v26 =	vshll.u32 v26, v2;
	v16 =	vbroadcast v16, $0x0;
	v22 =	vadd.s32 v5, v22  }
0x1ae: {  	v24 =	vadd.s32 v11, v24;
	v15 =	vbroadcast v15, $0x0;
	v13 =	vadd.s32 v3, v13  }
0x1af: {  	v20 =	vbroadcast v20, $0x0;
	v17 =	vadd.s32 v11, v26;
	v16 =	vadd.s32 v6, v16  }
0x1b0: {  	v25 =	vadd.s32 v11, v25;
	v18 =	vadd.s32 v9, v18;
	v17 =	vbroadcast v17, $0x0  }
0x1b1: {  	v23 =	vadd.s32 v11, v23;
	v26 =	vadd.s32 v7, v20;
	v20 =	vbroadcast v24, $0x0  }
0x1b2: {  	v23 =	vbroadcast v23, $0x0;
	v24 =	vbroadcast v25, $0x0;
	v25 =	vadd.s32 v6, v17;
	v22 =	vld.idx.msk [tilespmem:v22+s21+$0x0], $0xffff  }
0x1b3: {  	v14 =	vadd.s32 v11, v14;
	v19 =	vbroadcast v19, $0x0;
	v30 =	vadd.s32 v8, v20;
	v29 =	vld.idx.msk [tilespmem:v13+s21+$0x0], $0xffff  }
0x1b4: {  	v17 =	vadd.s32 v8, v15;
	v15 =	vadd.s32 v4, v23;
	v13 =	vld.idx.msk [tilespmem:v16+s21+$0x0], $0xffff;
	v16 =	vshll.u32 v27, v2  }
0x1b5: {  	v24 =	vadd.s32 v7, v24;
	v23 =	vbroadcast v28, $0x0;
	v20 =	vld.idx.msk [tilespmem:v18+s21+$0x0], $0xffff;
	v16 =	vadd.s32 v11, v16  }
0x1b6: {  	v10 =	vadd.s32 v1, v10;
	v27 =	vbroadcast v14, $0x0;
	v18 =	vld.idx.msk [tilespmem:v26+s21+$0x0], $0xffff;
	v16 =	vbroadcast v16, $0x0  }
0x1b7: {  	v12 =	vbroadcast v12, $0x0;
	v14 =	vadd.s32 v5, v23;
	v23 =	vadd.s32 v3, v19;
	v21 =	vld.idx.msk [tilespmem:v25+s21+$0x0], $0xffff;
	[tilespmem:s14+$0x30] =	vst v22  }
0x1b8: {  	s23 =	simm.s32 $0x10;
	s25 =	sadd.s32 $0x100, s14;
	s22 =	smov.u32 s14;
	v25 =	vbroadcast v63, $0x0;
	v19 =	vld.idx.msk [tilespmem:v30+s21+$0x0], $0xffff;
	v16 =	vadd.s32 v9, v16;
	[tilespmem:s14+$0xFFFFFF90] =	vst v29;
	v22 =	vadd.s32 v4, v27  }
.LBB2_29:
0x1b9: {  	s1 =	sadd.s32 $0x1, s23  }
0x1ba: {  	v26 =	vmov s23;
	s24 =	sadd.s32 $0x2, s23;
	s26 =	sadd.s32 $0x3, s23;
	v27 =	vadd.s32 v10, v12;
	v25 =	vadd.s32 v10, v25;
	v24 =	vld.idx.msk [tilespmem:v24+s21+$0x0], $0xffff;
	s30 =	smov.u32 s23  }
0x1bb: {  	v28 =	vmov s1;
	v29 =	vmov s24;
	v30 =	vmov s26;
	s1 =	sadd.s32 $0x4, s23;
	s24 =	sadd.s32 $0x6, s23;
	s26 =	sadd.s32 $0x8, s23;
	v17 =	vld.idx.msk [tilespmem:v17+s21+$0x0], $0xffff  }
0x1bc: {  	s29 =	sadd.s32 $0xF, s23;
	v12 =	vshrl.u32 v26, $0x3;
	v26 =	vmov s1;
	v31 =	vmov s24;
	s1 =	sadd.s32 $0x7, s23;
	s24 =	sadd.s32 $0x9, s23;
	[tilespmem:s22+$0xFFFFFFF0] =	vst v20;
	v15 =	vld.idx.msk [tilespmem:v15+s21+$0x0], $0xffff  }
0x1bd: {  	s31 =	sadd.s32 $0x5, s23;
	s28 =	sadd.s32 $0xC, s23;
	v12 =	vshll.u32 v12, v2;
	v20 =	vmov s1;
	v32 =	vmov s24;
	s1 =	sadd.s32 $0xA, s23;
	[tilespmem:s22+$0xFFFFFFD0] =	vst v18;
	v18 =	vld.idx.msk [tilespmem:v23+s21+$0x0], $0xffff  }
0x1be: {  	p1 =	slt.u32 s23, $0x70;
	v33 =	vmov s26;
	v23 =	vmov s31;
	s24 =	sadd.s32 $0xB, s30;
	s23 =	sadd.s32 $0x10, s23;
	v32 =	vshrl.u32 v32, $0x3;
	v22 =	vld.idx.msk [tilespmem:v22+s21+$0x0], $0xffff;
	[tilespmem:s22+$0x40] =	vst v21  }
0x1bf: {  	v21 =	vshrl.u32 v29, $0x3;
	v23 =	vshrl.u32 v23, $0x3;
	v29 =	vmov s24;
	v27 =	vld.idx.msk [tilespmem:v27+s21+$0x0], $0xffff;
	[tilespmem:s22+$0x60] =	vst v19  }
0x1c0: {  	v19 =	vshrl.u32 v31, $0x3;
	v31 =	vmov s1;
	v29 =	vshrl.u32 v29, $0x3;
	v25 =	vld.idx.msk [tilespmem:v25+s21+$0x0], $0xffff;
	[tilespmem:s22+$0x50] =	vst v24  }
0x1c1: {  	v24 =	vshrl.u32 v26, $0x3;
	v26 =	vshll.u32 v29, v2;
	v29 =	vmov s29;
	[tilespmem:s22+$0xFFFFFFE0] =	vst v17;
	v16 =	vld.idx.msk [tilespmem:v16+s21+$0x0], $0xffff  }
0x1c2: {  	s1 =	sadd.s32 $0xD, s30;
	v17 =	vshll.u32 v19, v2;
	v19 =	vshrl.u32 v33, $0x3;
	v26 =	vadd.s32 v11, v26;
	v14 =	vld.idx.msk [tilespmem:v14+s21+$0x0], $0xffff;
	[tilespmem:s22+$0xFFFFFFC0] =	vst v13  }
0x1c3: {  	v13 =	vshrl.u32 v30, $0x3;
	v26 =	vbroadcast v26, $0x0;
	v30 =	vmov s1;
	s1 =	sadd.s32 $0xE, s30;
	[tilespmem:s22+$0x10] =	vst v18  }
0x1c4: {  	v29 =	vshrl.u32 v29, $0x3;
	v18 =	vshll.u32 v24, v2;
	v24 =	vmov s1;
	[tilespmem:s22+$0xFFFFFFA0] =	vst v22  }
0x1c5: {  	v20 =	vshrl.u32 v20, $0x3;
	v22 =	vshll.u32 v23, v2;
	v23 =	vadd.s32 v5, v26;
	[tilespmem:s22+$0xFFFFFF80] =	vst v27  }
0x1c6: {  	v20 =	vshll.u32 v20, v2;
	v13 =	vshll.u32 v13, v2;
	v26 =	vshrl.u32 v28, $0x3;
	[tilespmem:s22+$0x0] =	vst v25  }
0x1c7: {  	v21 =	vshll.u32 v21, v2;
	v24 =	vshrl.u32 v24, $0x3;
	v25 =	vshll.u32 v26, v2;
	[tilespmem:s22+$0x20] =	vst v15  }
0x1c8: {  	v20 =	vadd.s32 v11, v20;
	v15 =	vadd.s32 v11, v25;
	v25 =	vshll.u32 v32, v2;
	[tilespmem:s22+$0x70] =	vst v16  }
0x1c9: {  	v15 =	vbroadcast v15, $0x0;
	v16 =	vadd.s32 v11, v21;
	v21 =	vshll.u32 v24, v2;
	[tilespmem:s22+$0xFFFFFFB0] =	vst v14;
	s22 =	smov.u32 s25  }
0x1ca: {  	v24 =	vshrl.u32 v30, $0x3;
	v14 =	vbroadcast v20, $0x0;
	v20 =	vld.idx.msk [tilespmem:v23+s21+$0x0], $0xffff;
	v23 =	vmov s28  }
0x1cb: {  	v26 =	vshrl.u32 v31, $0x3;
	v15 =	vadd.s32 v3, v15;
	v23 =	vshrl.u32 v23, $0x3  }
0x1cc: {  	v26 =	vshll.u32 v26, v2;
	v24 =	vshll.u32 v24, v2;
	v23 =	vshll.u32 v23, v2  }
0x1cd: {  	v17 =	vadd.s32 v11, v17;
	v13 =	vadd.s32 v11, v13;
	v18 =	vadd.s32 v11, v18  }
0x1ce: {  	v18 =	vbroadcast v18, $0x0;
	v21 =	vadd.s32 v11, v21;
	v23 =	vadd.s32 v11, v23  }
0x1cf: {  	v17 =	vbroadcast v17, $0x0;
	v22 =	vadd.s32 v11, v22;
	v24 =	vadd.s32 v11, v24  }
0x1d0: {  	v18 =	vadd.s32 v6, v18;
	v14 =	vadd.s32 v9, v14;
	v27 =	vld.idx.msk [tilespmem:v15+s21+$0x0], $0xffff;
	v15 =	vbroadcast v22, $0x0;
	[tilespmem:s25+$0x30] =	vst v20  }
0x1d1: {  	v20 =	vadd.s32 v11, v26;
	v22 =	vbroadcast v23, $0x0;
	v23 =	vbroadcast v24, $0x0  }
0x1d2: {  	v26 =	vadd.s32 v7, v15;
	v15 =	vbroadcast v20, $0x0;
	v20 =	vbroadcast v21, $0x0  }
0x1d3: {  	v17 =	vadd.s32 v8, v17;
	v21 =	vadd.s32 v11, v25;
	v28 =	vadd.s32 v6, v22  }
0x1d4: {  	v24 =	vadd.s32 v7, v23;
	v15 =	vadd.s32 v4, v15;
	v30 =	vadd.s32 v8, v20  }
.Ltmp15:
0x1d5: {  	v22 =	vbroadcast v13, $0x0;
	v21 =	vbroadcast v21, $0x0;
	v13 =	vld.idx.msk [tilespmem:v18+s21+$0x0], $0xffff;
	v18 =	vshll.u32 v29, v2;
	(pc) =	sbr.rel @p1 .LBB2_29-.Ltmp15, $4  }
0x1d6: {  	v19 =	vshll.u32 v19, v2;
	v16 =	vbroadcast v16, $0x0;
	[tilespmem:s25+$0xFFFFFF90] =	vst v27;
	v20 =	vld.idx.msk [tilespmem:v14+s21+$0x0], $0xffff;
	v25 =	vadd.s32 v11, v18  }
0x1d7: {  	v23 =	vadd.s32 v3, v21;
	v14 =	vadd.s32 v5, v22;
	v18 =	vld.idx.msk [tilespmem:v26+s21+$0x0], $0xffff;
	v26 =	vbroadcast v25, $0x0  }
0x1d8: {  	v12 =	vbroadcast v12, $0x0;
	v22 =	vadd.s32 v4, v16;
	v25 =	vbroadcast v19, $0x0;
	v21 =	vld.idx.msk [tilespmem:v28+s21+$0x0], $0xffff  }
0x1d9: {  	s25 =	sadd.s32 $0x100, s25;
	v19 =	vld.idx.msk [tilespmem:v30+s21+$0x0], $0xffff;
	v16 =	vadd.s32 v9, v26  }
0x1da: {  	_ =	sdelay $0x3  }
0x1db: {  	v59 =	vld.idx.msk [tilespmem:v24+s21+$0x0], $0xffff;
	[tilespmem:s22+$0xFFFFFFC0] =	vst v13  }
0x1dc: {  	v17 =	vld.idx.msk [tilespmem:v17+s21+$0x0], $0xffff;
	[tilespmem:s22+$0xFFFFFFF0] =	vst v20  }
0x1dd: {  	v11 =	vadd.s32 v10, v12;
	v60 =	vld.idx.msk [tilespmem:v23+s21+$0x0], $0xffff;
	[tilespmem:s22+$0xFFFFFFD0] =	vst v18  }
0x1de: {  	v10 =	vadd.s32 v10, v25;
	v61 =	vld.idx.msk [tilespmem:v22+s21+$0x0], $0xffff;
	[tilespmem:s22+$0x40] =	vst v21  }
0x1df: {  	v62 =	vld.idx.msk [tilespmem:v15+s21+$0x0], $0xffff;
	[tilespmem:s22+$0x60] =	vst v19  }
0x1e0: {  	v63 =	vld.idx.msk [tilespmem:v16+s21+$0x0], $0xffff;
	[tilespmem:s22+$0x50] =	vst v59  }
0x1e1: {  	v14 =	vld.idx.msk [tilespmem:v14+s21+$0x0], $0xffff;
	[tilespmem:s22+$0xFFFFFFE0] =	vst v17  }
0x1e2: {  	s15 =	sadd.s32 $0x1, s15;
	v11 =	vld.idx.msk [tilespmem:v11+s21+$0x0], $0xffff;
	[tilespmem:s22+$0x10] =	vst v60  }
0x1e3: {  	p1 =	sne.s32 s15, $0xD;
	v10 =	vld.idx.msk [tilespmem:v10+s21+$0x0], $0xffff;
	[tilespmem:s22+$0xFFFFFFA0] =	vst v61  }
.Ltmp16:
0x1e4: {  	[tilespmem:s22+$0x20] =	vst v62;
	(pc) =	sbr.rel @p1 .LBB2_28-.Ltmp16, $4  }
0x1e5: {  	[tilespmem:s22+$0x70] =	vst v63  }
0x1e6: {  	[tilespmem:s22+$0xFFFFFFB0] =	vst v14  }
0x1e7: {  	[tilespmem:s22+$0xFFFFFF80] =	vst v11  }
0x1e8: {  	s14 =	sadd.s32 $0x800, s14;
	[tilespmem:s22+$0x0] =	vst v10  }
0x1e9: {  	s1 =	simm.s32 $0xD00  }
0x1ea: {  	[spmem:s2] =	stream.indirect.scatter.add.f32 [tilespmem:s16], [sflag:$0x2], $0x10, s1, s18, $0xb8;
	[tilespmem:$0x1FC80] =	vst v63  }
0x1eb: {  	s14 =	simm.s32 $0x10C80;
	s6 =	simm.s32 $0xD80  }
0x1ec: {  	[spmem:s2] =	stream.indirect.scatter.add.f32 [tilespmem:s14], [sflag:$0x2], $0x10, s6, s18, $0xb8;
	[tilespmem:$0x1FC80] =	vst v63  }
0x1ed: {  	s15 =	simm.s32 $0x11480;
	s22 =	simm.s32 $0xE00  }
0x1ee: {  	[spmem:s2] =	stream.indirect.scatter.add.f32 [tilespmem:s15], [sflag:$0x2], $0x10, s22, s18, $0xb8;
	[tilespmem:$0x1FC80] =	vst v63  }
0x1ef: {  	s23 =	simm.s32 $0x11C80;
	s24 =	simm.s32 $0xE80  }
0x1f0: {  	[spmem:s2] =	stream.indirect.scatter.add.f32 [tilespmem:s23], [sflag:$0x2], $0x10, s24, s18, $0xb8;
	[tilespmem:$0x1FC80] =	vst v63  }
0x1f1: {  	s25 =	simm.s32 $0x12480;
	s26 =	simm.s32 $0xF00  }
0x1f2: {  	[spmem:s2] =	stream.indirect.scatter.add.f32 [tilespmem:s25], [sflag:$0x2], $0x10, s26, s18, $0xb8;
	[tilespmem:$0x1FC80] =	vst v63  }
0x1f3: {  	s28 =	simm.s32 $0x12C80;
	s29 =	simm.s32 $0xF80  }
0x1f4: {  	[spmem:s2] =	stream.indirect.scatter.add.f32 [tilespmem:s28], [sflag:$0x2], $0x10, s29, s18, $0xb8;
	[tilespmem:$0x1FC80] =	vst v63  }
0x1f5: {  	s30 =	simm.s32 $0x13480;
	s31 =	simm.s32 $0x1000  }
0x1f6: {  	[spmem:s2] =	stream.indirect.scatter.add.f32 [tilespmem:s30], [sflag:$0x2], $0x10, s31, s18, $0xb8;
	[tilespmem:$0x1FC80] =	vst v63  }
0x1f7: {  	s6 =	simm.s32 $0x13C80;
	s14 =	simm.s32 $0x1080  }
0x1f8: {  	[spmem:s2] =	stream.indirect.scatter.add.f32 [tilespmem:s6], [sflag:$0x2], $0x10, s14, s18, $0xb8;
	[tilespmem:$0x1FC80] =	vst v63  }
0x1f9: {  	s15 =	simm.s32 $0x14480;
	s22 =	simm.s32 $0x1100  }
0x1fa: {  	[spmem:s2] =	stream.indirect.scatter.add.f32 [tilespmem:s15], [sflag:$0x2], $0x10, s22, s18, $0xb8;
	[tilespmem:$0x1FC80] =	vst v63  }
0x1fb: {  	s23 =	simm.s32 $0x14C80;
	s24 =	simm.s32 $0x1180;
	s25 =	simm.s32 $0x15480  }
0x1fc: {  	[spmem:s2] =	stream.indirect.scatter.add.f32 [tilespmem:s23], [sflag:$0x2], $0x10, s24, s18, $0xb8;
	[tilespmem:$0x1FC80] =	vst v63  }
0x1fd: {  	s26 =	simm.s32 $0x1200;
	s28 =	simm.s32 $0x15C80;
	s29 =	simm.s32 $0x1280  }
0x1fe: {  	[spmem:s2] =	stream.indirect.scatter.add.f32 [tilespmem:s25], [sflag:$0x2], $0x10, s26, s18, $0xb8;
	[tilespmem:$0x1FC80] =	vst v63  }
0x1ff: {  	s30 =	simm.s32 $0x16480;
	s31 =	simm.s32 $0x1300;
	s6 =	simm.s32 $0x2780  }
0x200: {  	[spmem:s2] =	stream.indirect.scatter.add.f32 [tilespmem:s28], [sflag:$0x2], $0x10, s29, s18, $0xb8;
	[tilespmem:$0x1FC80] =	vst v63  }
0x201: {  	s14 =	simm.s32 $0x10;
	s22 =	sadd.s32 $0x0, s10;
	s15 =	simm.s32 $0x2808  }
0x202: {  	[spmem:s2] =	stream.indirect.scatter.add.f32 [tilespmem:s30], [sflag:$0x2], $0x10, s31, s18, $0xb8;
	[tilespmem:$0x1FC80] =	vst v63  }
.LBB2_32:
0x203: {  	[tilespmem:s6], [sflag:$0x1] =	stream.linear.gather [hbm4b:s22+s3], $0x80, $0x38;
	[tilespmem:$0x1FC80] =	vst v63  }
0x204: {  	s1 =	smov.u32 s14;
	s6 =	smov.u32 s15;
	p1 =	sne.s32 s14, $0x670  }
.Ltmp17:
0x205: {  	s14 =	sadd.s32 $0x10, s14;
	(pc) =	sbr.rel @p1 .LBB2_32-.Ltmp17, $2  }
0x206: {  	_ =	sdelay $0x2  }
0x207: {  	s15 =	sadd.s32 $0x88, s15;
	s22 =	sadd.s32 s1, s10  }
0x208: {  	[tilespmem:s6], [sflag:$0x1] =	stream.linear.gather [hbm4b:s22+s3], $0x80, $0x38;
	[tilespmem:$0x1FC80] =	vst v63  }
0x209: {  	s6 =	sadd.s32 $0x4E200, s10;
	s14 =	simm.s32 $0x5EC0  }
0x20a: {  	s15 =	simm.s32 $0x10;
	s22 =	simm.s32 $0x5F48;
	s23 =	sadd.s32 $0x0, s6  }
.LBB2_34:
0x20b: {  	[tilespmem:s14], [sflag:$0x1] =	stream.linear.gather [hbm4b:s23+s3], $0x80, $0x38;
	[tilespmem:$0x1FC80] =	vst v63  }
0x20c: {  	s1 =	smov.u32 s15;
	s14 =	smov.u32 s22;
	p1 =	sne.s32 s15, $0x670  }
.Ltmp18:
0x20d: {  	s15 =	sadd.s32 $0x10, s15;
	(pc) =	sbr.rel @p1 .LBB2_34-.Ltmp18, $2  }
0x20e: {  	_ =	sdelay $0x2  }
0x20f: {  	s22 =	sadd.s32 $0x88, s22;
	s23 =	sadd.s32 s1, s6  }
0x210: {  	[tilespmem:s14], [sflag:$0x1] =	stream.linear.gather [hbm4b:s23+s3], $0x80, $0x38;
	[tilespmem:$0x1FC80] =	vst v63  }
0x211: {  	_ =	swait.ge [sflag:s12], $0x800  }
0x212: {  	[sflag:s12] =	ssyncset.done $0x0  }
0x213: {  	[sflag:s12] =	ssyncadd.s32 $0xFFFFF800  }
0x214: {  	_ =	swait.ge [sflag:s12], $0x800  }
0x215: {  	[sflag:s12] =	ssyncset.done $0x0  }
0x216: {  	[sflag:s12] =	ssyncadd.s32 $0xFFFFF800  }
0x217: {  	_ =	swait.ge [sflag:s12], $0x800  }
0x218: {  	[sflag:s12] =	ssyncset.done $0x0  }
0x219: {  	[sflag:s12] =	ssyncadd.s32 $0xFFFFF800  }
0x21a: {  	_ =	swait.ge [sflag:s12], $0x800  }
0x21b: {  	[sflag:s12] =	ssyncset.done $0x0  }
0x21c: {  	[sflag:s12] =	ssyncadd.s32 $0xFFFFF800  }
0x21d: {  	_ =	swait.ge [sflag:s12], $0x800  }
0x21e: {  	[sflag:s12] =	ssyncset.done $0x0  }
0x21f: {  	[sflag:s12] =	ssyncadd.s32 $0xFFFFF800  }
0x220: {  	_ =	swait.ge [sflag:s12], $0x800  }
0x221: {  	[sflag:s12] =	ssyncset.done $0x0  }
0x222: {  	[sflag:s12] =	ssyncadd.s32 $0xFFFFF800  }
0x223: {  	_ =	swait.ge [sflag:s12], $0x800  }
0x224: {  	[sflag:s12] =	ssyncset.done $0x0  }
0x225: {  	[sflag:s12] =	ssyncadd.s32 $0xFFFFF800  }
0x226: {  	_ =	swait.ge [sflag:s12], $0x800  }
0x227: {  	[sflag:s12] =	ssyncset.done $0x0  }
0x228: {  	[sflag:s12] =	ssyncadd.s32 $0xFFFFF800  }
0x229: {  	_ =	swait.ge [sflag:s12], $0x800  }
0x22a: {  	[sflag:s12] =	ssyncset.done $0x0  }
0x22b: {  	[sflag:s12] =	ssyncadd.s32 $0xFFFFF800  }
0x22c: {  	_ =	swait.ge [sflag:s12], $0x800  }
0x22d: {  	[sflag:s12] =	ssyncset.done $0x0  }
0x22e: {  	[sflag:s12] =	ssyncadd.s32 $0xFFFFF800  }
0x22f: {  	_ =	swait.ge [sflag:s12], $0x800  }
0x230: {  	[sflag:s12] =	ssyncset.done $0x0  }
0x231: {  	[sflag:s12] =	ssyncadd.s32 $0xFFFFF800  }
0x232: {  	_ =	swait.ge [sflag:s12], $0x800  }
0x233: {  	[sflag:s12] =	ssyncset.done $0x0  }
0x234: {  	[sflag:s12] =	ssyncadd.s32 $0xFFFFF800  }
0x235: {  	_ =	swait.ge [sflag:s12], $0x800  }
0x236: {  	[sflag:s12] =	ssyncset.done $0x0  }
0x237: {  	[sflag:s12] =	ssyncadd.s32 $0xFFFFF800  }
0x238: {  	_ =	swait.ge [sflag:s20], $0x6800  }
0x239: {  	s6 =	simm.s32 $0x0;
	[sflag:s20] =	ssyncset.done $0x0  }
0x23a: {  	s14 =	simm.s32 $0x16D00;
	s15 =	simm.s32 $0x0;
	[sflag:s20] =	ssyncadd.s32 $0xFFFF9800  }
.LBB2_36:
0x23b: {  	v10 =	vmov s15  }
0x23c: {  	s1 =	simm.s32 $0x1;
	v12 =	vmov s6;
	s22 =	simm.s32 $0x2;
	s23 =	simm.s32 $0x3;
	v11 =	vmul.u32 $0x440, v10  }
0x23d: {  	s26 =	simm.s32 $0x4;
	s28 =	simm.s32 $0x6;
	v13 =	vmov s1;
	v14 =	vmov s22;
	v15 =	vmov s23  }
0x23e: {  	s29 =	simm.s32 $0x7;
	s30 =	simm.s32 $0x9;
	s31 =	simm.s32 $0x5;
	v12 =	vshrl.u32 v12, $0x3;
	v16 =	vmov s26;
	v17 =	vmov s28  }
0x23f: {  	s24 =	simm.s32 $0x8;
	s25 =	simm.s32 $0xB;
	v18 =	vmov s29;
	v19 =	vmov s30;
	v20 =	vmov s31  }
0x240: {  	v21 =	vmov s24;
	v22 =	vmov s25;
	v12 =	vshll.u32 v12, v2  }
0x241: {  	s26 =	simm.s32 $0xA;
	v19 =	vshrl.u32 v19, $0x3;
	v14 =	vshrl.u32 v14, $0x3;
	v20 =	vshrl.u32 v20, $0x3  }
0x242: {  	s28 =	simm.s32 $0xF;
	v17 =	vshrl.u32 v17, $0x3;
	v23 =	vmov s26;
	v22 =	vshrl.u32 v22, $0x3  }
0x243: {  	s29 =	simm.s32 $0xD;
	s30 =	simm.s32 $0xE;
	v16 =	vshrl.u32 v16, $0x3;
	v24 =	vmov s28;
	v21 =	vshrl.u32 v21, $0x3  }
0x244: {  	v15 =	vshrl.u32 v15, $0x3;
	v25 =	vmov s29;
	v26 =	vmov s30  }
0x245: {  	v18 =	vshrl.u32 v18, $0x3;
	v13 =	vshrl.u32 v13, $0x3;
	v10 =	vbroadcast v11, $0x0  }
0x246: {  	v22 =	vshll.u32 v22, v2;
	v17 =	vshll.u32 v17, v2;
	v16 =	vshll.u32 v16, v2  }
0x247: {  	v27 =	vshrl.u32 v24, $0x3;
	v20 =	vshll.u32 v20, v2;
	v15 =	vshll.u32 v15, v2  }
0x248: {  	s31 =	simm.s32 $0xC;
	v18 =	vshll.u32 v18, v2;
	v13 =	vshll.u32 v13, v2;
	v14 =	vshll.u32 v14, v2  }
0x249: {  	v24 =	vshrl.u32 v26, $0x3;
	v19 =	vshll.u32 v19, v2;
	v26 =	vmov s31  }
0x24a: {  	v25 =	vshrl.u32 v25, $0x3;
	v23 =	vshrl.u32 v23, $0x3;
	v63 =	vshll.u32 v21, v2  }
0x24b: {  	v22 =	vadd.s32 v11, v22;
	v13 =	vadd.s32 v11, v13;
	v18 =	vadd.s32 v11, v18  }
0x24c: {  	v24 =	vshll.u32 v24, v2;
	v26 =	vshrl.u32 v26, $0x3;
	v23 =	vshll.u32 v23, v2  }
0x24d: {  	v25 =	vshll.u32 v25, v2;
	v16 =	vadd.s32 v11, v16;
	v28 =	vadd.s32 v11, v15  }
0x24e: {  	v15 =	vadd.s32 v11, v17;
	v20 =	vadd.s32 v11, v20;
	v22 =	vbroadcast v22, $0x0  }
0x24f: {  	v19 =	vadd.s32 v11, v19;
	v13 =	vbroadcast v13, $0x0;
	v18 =	vbroadcast v18, $0x0  }
0x250: {  	v26 =	vshll.u32 v26, v2;
	v16 =	vbroadcast v16, $0x0;
	v22 =	vadd.s32 v5, v22  }
0x251: {  	v24 =	vadd.s32 v11, v24;
	v15 =	vbroadcast v15, $0x0;
	v13 =	vadd.s32 v3, v13  }
0x252: {  	v20 =	vbroadcast v20, $0x0;
	v17 =	vadd.s32 v11, v26;
	v16 =	vadd.s32 v6, v16  }
0x253: {  	v25 =	vadd.s32 v11, v25;
	v18 =	vadd.s32 v9, v18;
	v17 =	vbroadcast v17, $0x0  }
0x254: {  	v23 =	vadd.s32 v11, v23;
	v26 =	vadd.s32 v7, v20;
	v20 =	vbroadcast v24, $0x0  }
0x255: {  	v23 =	vbroadcast v23, $0x0;
	v24 =	vbroadcast v25, $0x0;
	v25 =	vadd.s32 v6, v17;
	v22 =	vld.idx.msk [tilespmem:v22+s19+$0x0], $0xffff  }
0x256: {  	v14 =	vadd.s32 v11, v14;
	v19 =	vbroadcast v19, $0x0;
	v30 =	vadd.s32 v8, v20;
	v29 =	vld.idx.msk [tilespmem:v13+s19+$0x0], $0xffff  }
0x257: {  	v17 =	vadd.s32 v8, v15;
	v15 =	vadd.s32 v4, v23;
	v13 =	vld.idx.msk [tilespmem:v16+s19+$0x0], $0xffff;
	v16 =	vshll.u32 v27, v2  }
0x258: {  	v24 =	vadd.s32 v7, v24;
	v23 =	vbroadcast v28, $0x0;
	v20 =	vld.idx.msk [tilespmem:v18+s19+$0x0], $0xffff;
	v16 =	vadd.s32 v11, v16  }
0x259: {  	v10 =	vadd.s32 v1, v10;
	v27 =	vbroadcast v14, $0x0;
	v18 =	vld.idx.msk [tilespmem:v26+s19+$0x0], $0xffff;
	v16 =	vbroadcast v16, $0x0  }
0x25a: {  	v12 =	vbroadcast v12, $0x0;
	v14 =	vadd.s32 v5, v23;
	v23 =	vadd.s32 v3, v19;
	v21 =	vld.idx.msk [tilespmem:v25+s19+$0x0], $0xffff;
	[tilespmem:s14+$0x30] =	vst v22  }
0x25b: {  	s23 =	simm.s32 $0x10;
	s25 =	sadd.s32 $0x100, s14;
	s22 =	smov.u32 s14;
	v25 =	vbroadcast v63, $0x0;
	v19 =	vld.idx.msk [tilespmem:v30+s19+$0x0], $0xffff;
	v16 =	vadd.s32 v9, v16;
	[tilespmem:s14+$0xFFFFFF90] =	vst v29;
	v22 =	vadd.s32 v4, v27  }
.LBB2_37:
0x25c: {  	s1 =	sadd.s32 $0x1, s23  }
0x25d: {  	v26 =	vmov s23;
	s24 =	sadd.s32 $0x2, s23;
	s26 =	sadd.s32 $0x3, s23;
	v27 =	vadd.s32 v10, v12;
	v25 =	vadd.s32 v10, v25;
	v24 =	vld.idx.msk [tilespmem:v24+s19+$0x0], $0xffff;
	s30 =	smov.u32 s23  }
0x25e: {  	v28 =	vmov s1;
	v29 =	vmov s24;
	v30 =	vmov s26;
	s1 =	sadd.s32 $0x4, s23;
	s24 =	sadd.s32 $0x6, s23;
	s26 =	sadd.s32 $0x8, s23;
	v17 =	vld.idx.msk [tilespmem:v17+s19+$0x0], $0xffff  }
0x25f: {  	s29 =	sadd.s32 $0xF, s23;
	v12 =	vshrl.u32 v26, $0x3;
	v26 =	vmov s1;
	v31 =	vmov s24;
	s1 =	sadd.s32 $0x7, s23;
	s24 =	sadd.s32 $0x9, s23;
	[tilespmem:s22+$0xFFFFFFF0] =	vst v20;
	v15 =	vld.idx.msk [tilespmem:v15+s19+$0x0], $0xffff  }
0x260: {  	s31 =	sadd.s32 $0x5, s23;
	s28 =	sadd.s32 $0xC, s23;
	v12 =	vshll.u32 v12, v2;
	v20 =	vmov s1;
	v32 =	vmov s24;
	s1 =	sadd.s32 $0xA, s23;
	[tilespmem:s22+$0xFFFFFFD0] =	vst v18;
	v18 =	vld.idx.msk [tilespmem:v23+s19+$0x0], $0xffff  }
0x261: {  	p1 =	slt.u32 s23, $0x70;
	v33 =	vmov s26;
	v23 =	vmov s31;
	s24 =	sadd.s32 $0xB, s30;
	s23 =	sadd.s32 $0x10, s23;
	v32 =	vshrl.u32 v32, $0x3;
	v22 =	vld.idx.msk [tilespmem:v22+s19+$0x0], $0xffff;
	[tilespmem:s22+$0x40] =	vst v21  }
0x262: {  	v21 =	vshrl.u32 v29, $0x3;
	v23 =	vshrl.u32 v23, $0x3;
	v29 =	vmov s24;
	v27 =	vld.idx.msk [tilespmem:v27+s19+$0x0], $0xffff;
	[tilespmem:s22+$0x60] =	vst v19  }
0x263: {  	v19 =	vshrl.u32 v31, $0x3;
	v31 =	vmov s1;
	v29 =	vshrl.u32 v29, $0x3;
	v25 =	vld.idx.msk [tilespmem:v25+s19+$0x0], $0xffff;
	[tilespmem:s22+$0x50] =	vst v24  }
0x264: {  	v24 =	vshrl.u32 v26, $0x3;
	v26 =	vshll.u32 v29, v2;
	v29 =	vmov s29;
	[tilespmem:s22+$0xFFFFFFE0] =	vst v17;
	v16 =	vld.idx.msk [tilespmem:v16+s19+$0x0], $0xffff  }
0x265: {  	s1 =	sadd.s32 $0xD, s30;
	v17 =	vshll.u32 v19, v2;
	v19 =	vshrl.u32 v33, $0x3;
	v26 =	vadd.s32 v11, v26;
	v14 =	vld.idx.msk [tilespmem:v14+s19+$0x0], $0xffff;
	[tilespmem:s22+$0xFFFFFFC0] =	vst v13  }
0x266: {  	v13 =	vshrl.u32 v30, $0x3;
	v26 =	vbroadcast v26, $0x0;
	v30 =	vmov s1;
	s1 =	sadd.s32 $0xE, s30;
	[tilespmem:s22+$0x10] =	vst v18  }
0x267: {  	v29 =	vshrl.u32 v29, $0x3;
	v18 =	vshll.u32 v24, v2;
	v24 =	vmov s1;
	[tilespmem:s22+$0xFFFFFFA0] =	vst v22  }
0x268: {  	v20 =	vshrl.u32 v20, $0x3;
	v22 =	vshll.u32 v23, v2;
	v23 =	vadd.s32 v5, v26;
	[tilespmem:s22+$0xFFFFFF80] =	vst v27  }
0x269: {  	v20 =	vshll.u32 v20, v2;
	v13 =	vshll.u32 v13, v2;
	v26 =	vshrl.u32 v28, $0x3;
	[tilespmem:s22+$0x0] =	vst v25  }
0x26a: {  	v21 =	vshll.u32 v21, v2;
	v24 =	vshrl.u32 v24, $0x3;
	v25 =	vshll.u32 v26, v2;
	[tilespmem:s22+$0x20] =	vst v15  }
0x26b: {  	v20 =	vadd.s32 v11, v20;
	v15 =	vadd.s32 v11, v25;
	v25 =	vshll.u32 v32, v2;
	[tilespmem:s22+$0x70] =	vst v16  }
0x26c: {  	v15 =	vbroadcast v15, $0x0;
	v16 =	vadd.s32 v11, v21;
	v21 =	vshll.u32 v24, v2;
	[tilespmem:s22+$0xFFFFFFB0] =	vst v14;
	s22 =	smov.u32 s25  }
0x26d: {  	v24 =	vshrl.u32 v30, $0x3;
	v14 =	vbroadcast v20, $0x0;
	v20 =	vld.idx.msk [tilespmem:v23+s19+$0x0], $0xffff;
	v23 =	vmov s28  }
0x26e: {  	v26 =	vshrl.u32 v31, $0x3;
	v15 =	vadd.s32 v3, v15;
	v23 =	vshrl.u32 v23, $0x3  }
0x26f: {  	v26 =	vshll.u32 v26, v2;
	v24 =	vshll.u32 v24, v2;
	v23 =	vshll.u32 v23, v2  }
0x270: {  	v17 =	vadd.s32 v11, v17;
	v13 =	vadd.s32 v11, v13;
	v18 =	vadd.s32 v11, v18  }
0x271: {  	v18 =	vbroadcast v18, $0x0;
	v21 =	vadd.s32 v11, v21;
	v23 =	vadd.s32 v11, v23  }
0x272: {  	v17 =	vbroadcast v17, $0x0;
	v22 =	vadd.s32 v11, v22;
	v24 =	vadd.s32 v11, v24  }
0x273: {  	v18 =	vadd.s32 v6, v18;
	v14 =	vadd.s32 v9, v14;
	v27 =	vld.idx.msk [tilespmem:v15+s19+$0x0], $0xffff;
	v15 =	vbroadcast v22, $0x0;
	[tilespmem:s25+$0x30] =	vst v20  }
0x274: {  	v20 =	vadd.s32 v11, v26;
	v22 =	vbroadcast v23, $0x0;
	v23 =	vbroadcast v24, $0x0  }
0x275: {  	v26 =	vadd.s32 v7, v15;
	v15 =	vbroadcast v20, $0x0;
	v20 =	vbroadcast v21, $0x0  }
0x276: {  	v17 =	vadd.s32 v8, v17;
	v21 =	vadd.s32 v11, v25;
	v28 =	vadd.s32 v6, v22  }
0x277: {  	v24 =	vadd.s32 v7, v23;
	v15 =	vadd.s32 v4, v15;
	v30 =	vadd.s32 v8, v20  }
.Ltmp19:
0x278: {  	v22 =	vbroadcast v13, $0x0;
	v21 =	vbroadcast v21, $0x0;
	v13 =	vld.idx.msk [tilespmem:v18+s19+$0x0], $0xffff;
	v18 =	vshll.u32 v29, v2;
	(pc) =	sbr.rel @p1 .LBB2_37-.Ltmp19, $4  }
0x279: {  	v19 =	vshll.u32 v19, v2;
	v16 =	vbroadcast v16, $0x0;
	[tilespmem:s25+$0xFFFFFF90] =	vst v27;
	v20 =	vld.idx.msk [tilespmem:v14+s19+$0x0], $0xffff;
	v25 =	vadd.s32 v11, v18  }
0x27a: {  	v23 =	vadd.s32 v3, v21;
	v14 =	vadd.s32 v5, v22;
	v18 =	vld.idx.msk [tilespmem:v26+s19+$0x0], $0xffff;
	v26 =	vbroadcast v25, $0x0  }
0x27b: {  	v12 =	vbroadcast v12, $0x0;
	v22 =	vadd.s32 v4, v16;
	v25 =	vbroadcast v19, $0x0;
	v21 =	vld.idx.msk [tilespmem:v28+s19+$0x0], $0xffff  }
0x27c: {  	s25 =	sadd.s32 $0x100, s25;
	v19 =	vld.idx.msk [tilespmem:v30+s19+$0x0], $0xffff;
	v16 =	vadd.s32 v9, v26  }
0x27d: {  	_ =	sdelay $0x3  }
0x27e: {  	v59 =	vld.idx.msk [tilespmem:v24+s19+$0x0], $0xffff;
	[tilespmem:s22+$0xFFFFFFC0] =	vst v13  }
0x27f: {  	v17 =	vld.idx.msk [tilespmem:v17+s19+$0x0], $0xffff;
	[tilespmem:s22+$0xFFFFFFF0] =	vst v20  }
0x280: {  	v11 =	vadd.s32 v10, v12;
	v60 =	vld.idx.msk [tilespmem:v23+s19+$0x0], $0xffff;
	[tilespmem:s22+$0xFFFFFFD0] =	vst v18  }
0x281: {  	v10 =	vadd.s32 v10, v25;
	v61 =	vld.idx.msk [tilespmem:v22+s19+$0x0], $0xffff;
	[tilespmem:s22+$0x40] =	vst v21  }
0x282: {  	v62 =	vld.idx.msk [tilespmem:v15+s19+$0x0], $0xffff;
	[tilespmem:s22+$0x60] =	vst v19  }
0x283: {  	v63 =	vld.idx.msk [tilespmem:v16+s19+$0x0], $0xffff;
	[tilespmem:s22+$0x50] =	vst v59  }
0x284: {  	v14 =	vld.idx.msk [tilespmem:v14+s19+$0x0], $0xffff;
	[tilespmem:s22+$0xFFFFFFE0] =	vst v17  }
0x285: {  	s15 =	sadd.s32 $0x1, s15;
	v11 =	vld.idx.msk [tilespmem:v11+s19+$0x0], $0xffff;
	[tilespmem:s22+$0x10] =	vst v60  }
0x286: {  	p1 =	sne.s32 s15, $0xD;
	v10 =	vld.idx.msk [tilespmem:v10+s19+$0x0], $0xffff;
	[tilespmem:s22+$0xFFFFFFA0] =	vst v61  }
.Ltmp20:
0x287: {  	[tilespmem:s22+$0x20] =	vst v62;
	(pc) =	sbr.rel @p1 .LBB2_36-.Ltmp20, $4  }
0x288: {  	[tilespmem:s22+$0x70] =	vst v63  }
0x289: {  	[tilespmem:s22+$0xFFFFFFB0] =	vst v14  }
0x28a: {  	[tilespmem:s22+$0xFFFFFF80] =	vst v11  }
0x28b: {  	s14 =	sadd.s32 $0x800, s14;
	[tilespmem:s22+$0x0] =	vst v10  }
0x28c: {  	s1 =	simm.s32 $0x16C80;
	s6 =	simm.s32 $0x1380  }
0x28d: {  	[spmem:s2] =	stream.indirect.scatter.add.f32 [tilespmem:s1], [sflag:$0x2], $0x10, s6, s18, $0xb8;
	[tilespmem:$0x1FC80] =	vst v63  }
0x28e: {  	s14 =	simm.s32 $0x1400;
	s6 =	simm.s32 $0x17480  }
0x28f: {  	[spmem:s2] =	stream.indirect.scatter.add.f32 [tilespmem:s6], [sflag:$0x2], $0x10, s14, s18, $0xb8;
	[tilespmem:$0x1FC80] =	vst v63  }
0x290: {  	s15 =	simm.s32 $0x17C80;
	s22 =	simm.s32 $0x1480  }
0x291: {  	[spmem:s2] =	stream.indirect.scatter.add.f32 [tilespmem:s15], [sflag:$0x2], $0x10, s22, s18, $0xb8;
	[tilespmem:$0x1FC80] =	vst v63  }
0x292: {  	s23 =	simm.s32 $0x18480;
	s24 =	simm.s32 $0x1500  }
0x293: {  	[spmem:s2] =	stream.indirect.scatter.add.f32 [tilespmem:s23], [sflag:$0x2], $0x10, s24, s18, $0xb8;
	[tilespmem:$0x1FC80] =	vst v63  }
0x294: {  	s25 =	simm.s32 $0x18C80;
	s26 =	simm.s32 $0x1580  }
0x295: {  	[spmem:s2] =	stream.indirect.scatter.add.f32 [tilespmem:s25], [sflag:$0x2], $0x10, s26, s18, $0xb8;
	[tilespmem:$0x1FC80] =	vst v63  }
0x296: {  	s28 =	simm.s32 $0x19480;
	s29 =	simm.s32 $0x1600  }
0x297: {  	[spmem:s2] =	stream.indirect.scatter.add.f32 [tilespmem:s28], [sflag:$0x2], $0x10, s29, s18, $0xb8;
	[tilespmem:$0x1FC80] =	vst v63  }
0x298: {  	s30 =	simm.s32 $0x19C80;
	s31 =	simm.s32 $0x1680  }
0x299: {  	[spmem:s2] =	stream.indirect.scatter.add.f32 [tilespmem:s30], [sflag:$0x2], $0x10, s31, s18, $0xb8;
	[tilespmem:$0x1FC80] =	vst v63  }
0x29a: {  	s6 =	simm.s32 $0x1A480;
	s14 =	simm.s32 $0x1700  }
0x29b: {  	[spmem:s2] =	stream.indirect.scatter.add.f32 [tilespmem:s6], [sflag:$0x2], $0x10, s14, s18, $0xb8;
	[tilespmem:$0x1FC80] =	vst v63  }
0x29c: {  	s15 =	simm.s32 $0x1AC80;
	s22 =	simm.s32 $0x1780  }
0x29d: {  	[spmem:s2] =	stream.indirect.scatter.add.f32 [tilespmem:s15], [sflag:$0x2], $0x10, s22, s18, $0xb8;
	[tilespmem:$0x1FC80] =	vst v63  }
0x29e: {  	s23 =	simm.s32 $0x1B480;
	s24 =	simm.s32 $0x1800;
	s25 =	simm.s32 $0x1BC80  }
0x29f: {  	[spmem:s2] =	stream.indirect.scatter.add.f32 [tilespmem:s23], [sflag:$0x2], $0x10, s24, s18, $0xb8;
	[tilespmem:$0x1FC80] =	vst v63  }
0x2a0: {  	s26 =	simm.s32 $0x1880;
	s28 =	simm.s32 $0x1C480;
	s29 =	simm.s32 $0x1900  }
0x2a1: {  	[spmem:s2] =	stream.indirect.scatter.add.f32 [tilespmem:s25], [sflag:$0x2], $0x10, s26, s18, $0xb8;
	[tilespmem:$0x1FC80] =	vst v63  }
0x2a2: {  	s30 =	simm.s32 $0x1CC80;
	s31 =	simm.s32 $0x1980;
	s6 =	simm.s32 $0x9600  }
0x2a3: {  	[spmem:s2] =	stream.indirect.scatter.add.f32 [tilespmem:s28], [sflag:$0x2], $0x10, s29, s18, $0xb8;
	[tilespmem:$0x1FC80] =	vst v63  }
0x2a4: {  	s14 =	simm.s32 $0x10;
	s22 =	sadd.s32 $0x0, s11;
	s15 =	simm.s32 $0x9688  }
0x2a5: {  	[spmem:s2] =	stream.indirect.scatter.add.f32 [tilespmem:s30], [sflag:$0x2], $0x10, s31, s18, $0xb8;
	[tilespmem:$0x1FC80] =	vst v63  }
.LBB2_40:
0x2a6: {  	[tilespmem:s6], [sflag:$0x1] =	stream.linear.gather [hbm4b:s22+s3], $0x80, $0x38;
	[tilespmem:$0x1FC80] =	vst v63  }
0x2a7: {  	s1 =	smov.u32 s14;
	s6 =	smov.u32 s15;
	p1 =	sne.s32 s14, $0x670  }
.Ltmp21:
0x2a8: {  	s14 =	sadd.s32 $0x10, s14;
	(pc) =	sbr.rel @p1 .LBB2_40-.Ltmp21, $2  }
0x2a9: {  	_ =	sdelay $0x2  }
0x2aa: {  	s15 =	sadd.s32 $0x88, s15;
	s22 =	sadd.s32 s1, s11  }
0x2ab: {  	[tilespmem:s6], [sflag:$0x1] =	stream.linear.gather [hbm4b:s22+s3], $0x80, $0x38;
	[tilespmem:$0x1FC80] =	vst v63  }
0x2ac: {  	s6 =	sadd.s32 $0x4E200, s11;
	s14 =	simm.s32 $0xCD40  }
0x2ad: {  	s15 =	simm.s32 $0x10;
	s22 =	simm.s32 $0xCDC8;
	s23 =	sadd.s32 $0x0, s6  }
.LBB2_42:
0x2ae: {  	[tilespmem:s14], [sflag:$0x1] =	stream.linear.gather [hbm4b:s23+s3], $0x80, $0x38;
	[tilespmem:$0x1FC80] =	vst v63  }
0x2af: {  	s1 =	smov.u32 s15;
	s14 =	smov.u32 s22;
	p1 =	sne.s32 s15, $0x670  }
.Ltmp22:
0x2b0: {  	s15 =	sadd.s32 $0x10, s15;
	(pc) =	sbr.rel @p1 .LBB2_42-.Ltmp22, $2  }
0x2b1: {  	_ =	sdelay $0x2  }
0x2b2: {  	s22 =	sadd.s32 $0x88, s22;
	s23 =	sadd.s32 s1, s6  }
0x2b3: {  	[tilespmem:s14], [sflag:$0x1] =	stream.linear.gather [hbm4b:s23+s3], $0x80, $0x38;
	[tilespmem:$0x1FC80] =	vst v63  }
0x2b4: {  	_ =	swait.ge [sflag:s12], $0x800  }
0x2b5: {  	[sflag:s12] =	ssyncset.done $0x0  }
0x2b6: {  	[sflag:s12] =	ssyncadd.s32 $0xFFFFF800  }
0x2b7: {  	_ =	swait.ge [sflag:s12], $0x800  }
0x2b8: {  	[sflag:s12] =	ssyncset.done $0x0  }
0x2b9: {  	[sflag:s12] =	ssyncadd.s32 $0xFFFFF800  }
0x2ba: {  	_ =	swait.ge [sflag:s12], $0x800  }
0x2bb: {  	[sflag:s12] =	ssyncset.done $0x0  }
0x2bc: {  	[sflag:s12] =	ssyncadd.s32 $0xFFFFF800  }
0x2bd: {  	_ =	swait.ge [sflag:s12], $0x800  }
0x2be: {  	[sflag:s12] =	ssyncset.done $0x0  }
0x2bf: {  	[sflag:s12] =	ssyncadd.s32 $0xFFFFF800  }
0x2c0: {  	_ =	swait.ge [sflag:s12], $0x800  }
0x2c1: {  	[sflag:s12] =	ssyncset.done $0x0  }
0x2c2: {  	[sflag:s12] =	ssyncadd.s32 $0xFFFFF800  }
0x2c3: {  	_ =	swait.ge [sflag:s12], $0x800  }
0x2c4: {  	[sflag:s12] =	ssyncset.done $0x0  }
0x2c5: {  	[sflag:s12] =	ssyncadd.s32 $0xFFFFF800  }
0x2c6: {  	_ =	swait.ge [sflag:s12], $0x800  }
0x2c7: {  	[sflag:s12] =	ssyncset.done $0x0  }
0x2c8: {  	[sflag:s12] =	ssyncadd.s32 $0xFFFFF800  }
0x2c9: {  	_ =	swait.ge [sflag:s12], $0x800  }
0x2ca: {  	[sflag:s12] =	ssyncset.done $0x0  }
0x2cb: {  	[sflag:s12] =	ssyncadd.s32 $0xFFFFF800  }
0x2cc: {  	_ =	swait.ge [sflag:s12], $0x800  }
0x2cd: {  	[sflag:s12] =	ssyncset.done $0x0  }
0x2ce: {  	[sflag:s12] =	ssyncadd.s32 $0xFFFFF800  }
0x2cf: {  	_ =	swait.ge [sflag:s12], $0x800  }
0x2d0: {  	[sflag:s12] =	ssyncset.done $0x0  }
0x2d1: {  	[sflag:s12] =	ssyncadd.s32 $0xFFFFF800  }
0x2d2: {  	_ =	swait.ge [sflag:s12], $0x800  }
0x2d3: {  	[sflag:s12] =	ssyncset.done $0x0  }
0x2d4: {  	[sflag:s12] =	ssyncadd.s32 $0xFFFFF800  }
0x2d5: {  	_ =	swait.ge [sflag:s12], $0x800  }
0x2d6: {  	[sflag:s12] =	ssyncset.done $0x0  }
0x2d7: {  	[sflag:s12] =	ssyncadd.s32 $0xFFFFF800  }
0x2d8: {  	_ =	swait.ge [sflag:s12], $0x800  }
0x2d9: {  	[sflag:s12] =	ssyncset.done $0x0  }
0x2da: {  	[sflag:s12] =	ssyncadd.s32 $0xFFFFF800  }
0x2db: {  	_ =	swait.ge [sflag:s20], $0x6800  }
0x2dc: {  	s6 =	simm.s32 $0x0;
	[sflag:s20] =	ssyncset.done $0x0  }
0x2dd: {  	s14 =	simm.s32 $0x10500;
	s15 =	simm.s32 $0x0;
	[sflag:s20] =	ssyncadd.s32 $0xFFFF9800  }
.LBB2_44:
0x2de: {  	v10 =	vmov s15  }
0x2df: {  	s1 =	simm.s32 $0x1;
	v12 =	vmov s6;
	s22 =	simm.s32 $0x2;
	s23 =	simm.s32 $0x3;
	v11 =	vmul.u32 $0x440, v10  }
0x2e0: {  	s26 =	simm.s32 $0x4;
	s28 =	simm.s32 $0x6;
	v13 =	vmov s1;
	v14 =	vmov s22;
	v15 =	vmov s23  }
0x2e1: {  	s29 =	simm.s32 $0x7;
	s30 =	simm.s32 $0x9;
	s31 =	simm.s32 $0x5;
	v12 =	vshrl.u32 v12, $0x3;
	v16 =	vmov s26;
	v17 =	vmov s28  }
0x2e2: {  	s24 =	simm.s32 $0x8;
	s25 =	simm.s32 $0xB;
	v18 =	vmov s29;
	v19 =	vmov s30;
	v20 =	vmov s31  }
0x2e3: {  	v21 =	vmov s24;
	v22 =	vmov s25;
	v12 =	vshll.u32 v12, v2  }
0x2e4: {  	s26 =	simm.s32 $0xA;
	v19 =	vshrl.u32 v19, $0x3;
	v14 =	vshrl.u32 v14, $0x3;
	v20 =	vshrl.u32 v20, $0x3  }
0x2e5: {  	s28 =	simm.s32 $0xF;
	v17 =	vshrl.u32 v17, $0x3;
	v23 =	vmov s26;
	v22 =	vshrl.u32 v22, $0x3  }
0x2e6: {  	s29 =	simm.s32 $0xD;
	s30 =	simm.s32 $0xE;
	v16 =	vshrl.u32 v16, $0x3;
	v24 =	vmov s28;
	v21 =	vshrl.u32 v21, $0x3  }
0x2e7: {  	v15 =	vshrl.u32 v15, $0x3;
	v25 =	vmov s29;
	v26 =	vmov s30  }
0x2e8: {  	v18 =	vshrl.u32 v18, $0x3;
	v13 =	vshrl.u32 v13, $0x3;
	v10 =	vbroadcast v11, $0x0  }
0x2e9: {  	v22 =	vshll.u32 v22, v2;
	v17 =	vshll.u32 v17, v2;
	v16 =	vshll.u32 v16, v2  }
0x2ea: {  	v27 =	vshrl.u32 v24, $0x3;
	v20 =	vshll.u32 v20, v2;
	v15 =	vshll.u32 v15, v2  }
0x2eb: {  	s31 =	simm.s32 $0xC;
	v18 =	vshll.u32 v18, v2;
	v13 =	vshll.u32 v13, v2;
	v14 =	vshll.u32 v14, v2  }
0x2ec: {  	v24 =	vshrl.u32 v26, $0x3;
	v19 =	vshll.u32 v19, v2;
	v26 =	vmov s31  }
0x2ed: {  	v25 =	vshrl.u32 v25, $0x3;
	v23 =	vshrl.u32 v23, $0x3;
	v63 =	vshll.u32 v21, v2  }
0x2ee: {  	v22 =	vadd.s32 v11, v22;
	v13 =	vadd.s32 v11, v13;
	v18 =	vadd.s32 v11, v18  }
0x2ef: {  	v24 =	vshll.u32 v24, v2;
	v26 =	vshrl.u32 v26, $0x3;
	v23 =	vshll.u32 v23, v2  }
0x2f0: {  	v25 =	vshll.u32 v25, v2;
	v16 =	vadd.s32 v11, v16;
	v28 =	vadd.s32 v11, v15  }
0x2f1: {  	v15 =	vadd.s32 v11, v17;
	v20 =	vadd.s32 v11, v20;
	v22 =	vbroadcast v22, $0x0  }
0x2f2: {  	v19 =	vadd.s32 v11, v19;
	v13 =	vbroadcast v13, $0x0;
	v18 =	vbroadcast v18, $0x0  }
0x2f3: {  	v26 =	vshll.u32 v26, v2;
	v16 =	vbroadcast v16, $0x0;
	v22 =	vadd.s32 v5, v22  }
0x2f4: {  	v24 =	vadd.s32 v11, v24;
	v15 =	vbroadcast v15, $0x0;
	v13 =	vadd.s32 v3, v13  }
0x2f5: {  	v20 =	vbroadcast v20, $0x0;
	v17 =	vadd.s32 v11, v26;
	v16 =	vadd.s32 v6, v16  }
0x2f6: {  	v25 =	vadd.s32 v11, v25;
	v18 =	vadd.s32 v9, v18;
	v17 =	vbroadcast v17, $0x0  }
0x2f7: {  	v23 =	vadd.s32 v11, v23;
	v26 =	vadd.s32 v7, v20;
	v20 =	vbroadcast v24, $0x0  }
0x2f8: {  	v23 =	vbroadcast v23, $0x0;
	v24 =	vbroadcast v25, $0x0;
	v25 =	vadd.s32 v6, v17;
	v22 =	vld.idx.msk [tilespmem:v22+s21+$0x0], $0xffff  }
0x2f9: {  	v14 =	vadd.s32 v11, v14;
	v19 =	vbroadcast v19, $0x0;
	v30 =	vadd.s32 v8, v20;
	v29 =	vld.idx.msk [tilespmem:v13+s21+$0x0], $0xffff  }
0x2fa: {  	v17 =	vadd.s32 v8, v15;
	v15 =	vadd.s32 v4, v23;
	v13 =	vld.idx.msk [tilespmem:v16+s21+$0x0], $0xffff;
	v16 =	vshll.u32 v27, v2  }
0x2fb: {  	v24 =	vadd.s32 v7, v24;
	v23 =	vbroadcast v28, $0x0;
	v20 =	vld.idx.msk [tilespmem:v18+s21+$0x0], $0xffff;
	v16 =	vadd.s32 v11, v16  }
0x2fc: {  	v10 =	vadd.s32 v1, v10;
	v27 =	vbroadcast v14, $0x0;
	v18 =	vld.idx.msk [tilespmem:v26+s21+$0x0], $0xffff;
	v16 =	vbroadcast v16, $0x0  }
0x2fd: {  	v12 =	vbroadcast v12, $0x0;
	v14 =	vadd.s32 v5, v23;
	v23 =	vadd.s32 v3, v19;
	v21 =	vld.idx.msk [tilespmem:v25+s21+$0x0], $0xffff;
	[tilespmem:s14+$0x30] =	vst v22  }
0x2fe: {  	s23 =	simm.s32 $0x10;
	s25 =	sadd.s32 $0x100, s14;
	s22 =	smov.u32 s14;
	v25 =	vbroadcast v63, $0x0;
	v19 =	vld.idx.msk [tilespmem:v30+s21+$0x0], $0xffff;
	v16 =	vadd.s32 v9, v16;
	[tilespmem:s14+$0xFFFFFF90] =	vst v29;
	v22 =	vadd.s32 v4, v27  }
.LBB2_45:
0x2ff: {  	s1 =	sadd.s32 $0x1, s23  }
0x300: {  	v26 =	vmov s23;
	s24 =	sadd.s32 $0x2, s23;
	s26 =	sadd.s32 $0x3, s23;
	v27 =	vadd.s32 v10, v12;
	v25 =	vadd.s32 v10, v25;
	v24 =	vld.idx.msk [tilespmem:v24+s21+$0x0], $0xffff;
	s30 =	smov.u32 s23  }
0x301: {  	v28 =	vmov s1;
	v29 =	vmov s24;
	v30 =	vmov s26;
	s1 =	sadd.s32 $0x4, s23;
	s24 =	sadd.s32 $0x6, s23;
	s26 =	sadd.s32 $0x8, s23;
	v17 =	vld.idx.msk [tilespmem:v17+s21+$0x0], $0xffff  }
0x302: {  	s29 =	sadd.s32 $0xF, s23;
	v12 =	vshrl.u32 v26, $0x3;
	v26 =	vmov s1;
	v31 =	vmov s24;
	s1 =	sadd.s32 $0x7, s23;
	s24 =	sadd.s32 $0x9, s23;
	[tilespmem:s22+$0xFFFFFFF0] =	vst v20;
	v15 =	vld.idx.msk [tilespmem:v15+s21+$0x0], $0xffff  }
0x303: {  	s31 =	sadd.s32 $0x5, s23;
	s28 =	sadd.s32 $0xC, s23;
	v12 =	vshll.u32 v12, v2;
	v20 =	vmov s1;
	v32 =	vmov s24;
	s1 =	sadd.s32 $0xA, s23;
	[tilespmem:s22+$0xFFFFFFD0] =	vst v18;
	v18 =	vld.idx.msk [tilespmem:v23+s21+$0x0], $0xffff  }
0x304: {  	p1 =	slt.u32 s23, $0x70;
	v33 =	vmov s26;
	v23 =	vmov s31;
	s24 =	sadd.s32 $0xB, s30;
	s23 =	sadd.s32 $0x10, s23;
	v32 =	vshrl.u32 v32, $0x3;
	v22 =	vld.idx.msk [tilespmem:v22+s21+$0x0], $0xffff;
	[tilespmem:s22+$0x40] =	vst v21  }
0x305: {  	v21 =	vshrl.u32 v29, $0x3;
	v23 =	vshrl.u32 v23, $0x3;
	v29 =	vmov s24;
	v27 =	vld.idx.msk [tilespmem:v27+s21+$0x0], $0xffff;
	[tilespmem:s22+$0x60] =	vst v19  }
0x306: {  	v19 =	vshrl.u32 v31, $0x3;
	v31 =	vmov s1;
	v29 =	vshrl.u32 v29, $0x3;
	v25 =	vld.idx.msk [tilespmem:v25+s21+$0x0], $0xffff;
	[tilespmem:s22+$0x50] =	vst v24  }
0x307: {  	v24 =	vshrl.u32 v26, $0x3;
	v26 =	vshll.u32 v29, v2;
	v29 =	vmov s29;
	[tilespmem:s22+$0xFFFFFFE0] =	vst v17;
	v16 =	vld.idx.msk [tilespmem:v16+s21+$0x0], $0xffff  }
0x308: {  	s1 =	sadd.s32 $0xD, s30;
	v17 =	vshll.u32 v19, v2;
	v19 =	vshrl.u32 v33, $0x3;
	v26 =	vadd.s32 v11, v26;
	v14 =	vld.idx.msk [tilespmem:v14+s21+$0x0], $0xffff;
	[tilespmem:s22+$0xFFFFFFC0] =	vst v13  }
0x309: {  	v13 =	vshrl.u32 v30, $0x3;
	v26 =	vbroadcast v26, $0x0;
	v30 =	vmov s1;
	s1 =	sadd.s32 $0xE, s30;
	[tilespmem:s22+$0x10] =	vst v18  }
0x30a: {  	v29 =	vshrl.u32 v29, $0x3;
	v18 =	vshll.u32 v24, v2;
	v24 =	vmov s1;
	[tilespmem:s22+$0xFFFFFFA0] =	vst v22  }
0x30b: {  	v20 =	vshrl.u32 v20, $0x3;
	v22 =	vshll.u32 v23, v2;
	v23 =	vadd.s32 v5, v26;
	[tilespmem:s22+$0xFFFFFF80] =	vst v27  }
0x30c: {  	v20 =	vshll.u32 v20, v2;
	v13 =	vshll.u32 v13, v2;
	v26 =	vshrl.u32 v28, $0x3;
	[tilespmem:s22+$0x0] =	vst v25  }
0x30d: {  	v21 =	vshll.u32 v21, v2;
	v24 =	vshrl.u32 v24, $0x3;
	v25 =	vshll.u32 v26, v2;
	[tilespmem:s22+$0x20] =	vst v15  }
0x30e: {  	v20 =	vadd.s32 v11, v20;
	v15 =	vadd.s32 v11, v25;
	v25 =	vshll.u32 v32, v2;
	[tilespmem:s22+$0x70] =	vst v16  }
0x30f: {  	v15 =	vbroadcast v15, $0x0;
	v16 =	vadd.s32 v11, v21;
	v21 =	vshll.u32 v24, v2;
	[tilespmem:s22+$0xFFFFFFB0] =	vst v14;
	s22 =	smov.u32 s25  }
0x310: {  	v24 =	vshrl.u32 v30, $0x3;
	v14 =	vbroadcast v20, $0x0;
	v20 =	vld.idx.msk [tilespmem:v23+s21+$0x0], $0xffff;
	v23 =	vmov s28  }
0x311: {  	v26 =	vshrl.u32 v31, $0x3;
	v15 =	vadd.s32 v3, v15;
	v23 =	vshrl.u32 v23, $0x3  }
0x312: {  	v26 =	vshll.u32 v26, v2;
	v24 =	vshll.u32 v24, v2;
	v23 =	vshll.u32 v23, v2  }
0x313: {  	v17 =	vadd.s32 v11, v17;
	v13 =	vadd.s32 v11, v13;
	v18 =	vadd.s32 v11, v18  }
0x314: {  	v18 =	vbroadcast v18, $0x0;
	v21 =	vadd.s32 v11, v21;
	v23 =	vadd.s32 v11, v23  }
0x315: {  	v17 =	vbroadcast v17, $0x0;
	v22 =	vadd.s32 v11, v22;
	v24 =	vadd.s32 v11, v24  }
0x316: {  	v18 =	vadd.s32 v6, v18;
	v14 =	vadd.s32 v9, v14;
	v27 =	vld.idx.msk [tilespmem:v15+s21+$0x0], $0xffff;
	v15 =	vbroadcast v22, $0x0;
	[tilespmem:s25+$0x30] =	vst v20  }
0x317: {  	v20 =	vadd.s32 v11, v26;
	v22 =	vbroadcast v23, $0x0;
	v23 =	vbroadcast v24, $0x0  }
0x318: {  	v26 =	vadd.s32 v7, v15;
	v15 =	vbroadcast v20, $0x0;
	v20 =	vbroadcast v21, $0x0  }
0x319: {  	v17 =	vadd.s32 v8, v17;
	v21 =	vadd.s32 v11, v25;
	v28 =	vadd.s32 v6, v22  }
0x31a: {  	v24 =	vadd.s32 v7, v23;
	v15 =	vadd.s32 v4, v15;
	v30 =	vadd.s32 v8, v20  }
.Ltmp23:
0x31b: {  	v22 =	vbroadcast v13, $0x0;
	v21 =	vbroadcast v21, $0x0;
	v13 =	vld.idx.msk [tilespmem:v18+s21+$0x0], $0xffff;
	v18 =	vshll.u32 v29, v2;
	(pc) =	sbr.rel @p1 .LBB2_45-.Ltmp23, $4  }
0x31c: {  	v19 =	vshll.u32 v19, v2;
	v16 =	vbroadcast v16, $0x0;
	[tilespmem:s25+$0xFFFFFF90] =	vst v27;
	v20 =	vld.idx.msk [tilespmem:v14+s21+$0x0], $0xffff;
	v25 =	vadd.s32 v11, v18  }
0x31d: {  	v23 =	vadd.s32 v3, v21;
	v14 =	vadd.s32 v5, v22;
	v18 =	vld.idx.msk [tilespmem:v26+s21+$0x0], $0xffff;
	v26 =	vbroadcast v25, $0x0  }
0x31e: {  	v12 =	vbroadcast v12, $0x0;
	v22 =	vadd.s32 v4, v16;
	v25 =	vbroadcast v19, $0x0;
	v21 =	vld.idx.msk [tilespmem:v28+s21+$0x0], $0xffff  }
0x31f: {  	s25 =	sadd.s32 $0x100, s25;
	v19 =	vld.idx.msk [tilespmem:v30+s21+$0x0], $0xffff;
	v16 =	vadd.s32 v9, v26  }
0x320: {  	_ =	sdelay $0x3  }
0x321: {  	v59 =	vld.idx.msk [tilespmem:v24+s21+$0x0], $0xffff;
	[tilespmem:s22+$0xFFFFFFC0] =	vst v13  }
0x322: {  	v17 =	vld.idx.msk [tilespmem:v17+s21+$0x0], $0xffff;
	[tilespmem:s22+$0xFFFFFFF0] =	vst v20  }
0x323: {  	v11 =	vadd.s32 v10, v12;
	v60 =	vld.idx.msk [tilespmem:v23+s21+$0x0], $0xffff;
	[tilespmem:s22+$0xFFFFFFD0] =	vst v18  }
0x324: {  	v10 =	vadd.s32 v10, v25;
	v61 =	vld.idx.msk [tilespmem:v22+s21+$0x0], $0xffff;
	[tilespmem:s22+$0x40] =	vst v21  }
0x325: {  	v62 =	vld.idx.msk [tilespmem:v15+s21+$0x0], $0xffff;
	[tilespmem:s22+$0x60] =	vst v19  }
0x326: {  	v63 =	vld.idx.msk [tilespmem:v16+s21+$0x0], $0xffff;
	[tilespmem:s22+$0x50] =	vst v59  }
0x327: {  	v14 =	vld.idx.msk [tilespmem:v14+s21+$0x0], $0xffff;
	[tilespmem:s22+$0xFFFFFFE0] =	vst v17  }
0x328: {  	s15 =	sadd.s32 $0x1, s15;
	v11 =	vld.idx.msk [tilespmem:v11+s21+$0x0], $0xffff;
	[tilespmem:s22+$0x10] =	vst v60  }
0x329: {  	p1 =	sne.s32 s15, $0xD;
	v10 =	vld.idx.msk [tilespmem:v10+s21+$0x0], $0xffff;
	[tilespmem:s22+$0xFFFFFFA0] =	vst v61  }
.Ltmp24:
0x32a: {  	[tilespmem:s22+$0x20] =	vst v62;
	(pc) =	sbr.rel @p1 .LBB2_44-.Ltmp24, $4  }
0x32b: {  	[tilespmem:s22+$0x70] =	vst v63  }
0x32c: {  	[tilespmem:s22+$0xFFFFFFB0] =	vst v14  }
0x32d: {  	[tilespmem:s22+$0xFFFFFF80] =	vst v11  }
0x32e: {  	s14 =	sadd.s32 $0x800, s14;
	[tilespmem:s22+$0x0] =	vst v10  }
0x32f: {  	s1 =	simm.s32 $0x1A00  }
0x330: {  	[spmem:s2] =	stream.indirect.scatter.add.f32 [tilespmem:s16], [sflag:$0x2], $0x10, s1, s18, $0xb8;
	[tilespmem:$0x1FC80] =	vst v63  }
0x331: {  	s14 =	simm.s32 $0x10C80;
	s6 =	simm.s32 $0x1A80  }
0x332: {  	[spmem:s2] =	stream.indirect.scatter.add.f32 [tilespmem:s14], [sflag:$0x2], $0x10, s6, s18, $0xb8;
	[tilespmem:$0x1FC80] =	vst v63  }
0x333: {  	s15 =	simm.s32 $0x11480;
	s22 =	simm.s32 $0x1B00  }
0x334: {  	[spmem:s2] =	stream.indirect.scatter.add.f32 [tilespmem:s15], [sflag:$0x2], $0x10, s22, s18, $0xb8;
	[tilespmem:$0x1FC80] =	vst v63  }
0x335: {  	s23 =	simm.s32 $0x11C80;
	s24 =	simm.s32 $0x1B80  }
0x336: {  	[spmem:s2] =	stream.indirect.scatter.add.f32 [tilespmem:s23], [sflag:$0x2], $0x10, s24, s18, $0xb8;
	[tilespmem:$0x1FC80] =	vst v63  }
0x337: {  	s25 =	simm.s32 $0x12480;
	s26 =	simm.s32 $0x1C00  }
0x338: {  	[spmem:s2] =	stream.indirect.scatter.add.f32 [tilespmem:s25], [sflag:$0x2], $0x10, s26, s18, $0xb8;
	[tilespmem:$0x1FC80] =	vst v63  }
0x339: {  	s28 =	simm.s32 $0x12C80;
	s29 =	simm.s32 $0x1C80  }
0x33a: {  	[spmem:s2] =	stream.indirect.scatter.add.f32 [tilespmem:s28], [sflag:$0x2], $0x10, s29, s18, $0xb8;
	[tilespmem:$0x1FC80] =	vst v63  }
0x33b: {  	s30 =	simm.s32 $0x13480;
	s31 =	simm.s32 $0x1D00  }
0x33c: {  	[spmem:s2] =	stream.indirect.scatter.add.f32 [tilespmem:s30], [sflag:$0x2], $0x10, s31, s18, $0xb8;
	[tilespmem:$0x1FC80] =	vst v63  }
0x33d: {  	s6 =	simm.s32 $0x13C80;
	s14 =	simm.s32 $0x1D80  }
0x33e: {  	[spmem:s2] =	stream.indirect.scatter.add.f32 [tilespmem:s6], [sflag:$0x2], $0x10, s14, s18, $0xb8;
	[tilespmem:$0x1FC80] =	vst v63  }
0x33f: {  	s15 =	simm.s32 $0x14480;
	s22 =	simm.s32 $0x1E00  }
0x340: {  	[spmem:s2] =	stream.indirect.scatter.add.f32 [tilespmem:s15], [sflag:$0x2], $0x10, s22, s18, $0xb8;
	[tilespmem:$0x1FC80] =	vst v63  }
0x341: {  	s23 =	simm.s32 $0x14C80;
	s24 =	simm.s32 $0x1E80  }
0x342: {  	[spmem:s2] =	stream.indirect.scatter.add.f32 [tilespmem:s23], [sflag:$0x2], $0x10, s24, s18, $0xb8;
	[tilespmem:$0x1FC80] =	vst v63  }
0x343: {  	s25 =	simm.s32 $0x15480;
	s26 =	simm.s32 $0x1F00  }
0x344: {  	[spmem:s2] =	stream.indirect.scatter.add.f32 [tilespmem:s25], [sflag:$0x2], $0x10, s26, s18, $0xb8;
	[tilespmem:$0x1FC80] =	vst v63  }
0x345: {  	s28 =	simm.s32 $0x15C80;
	s29 =	simm.s32 $0x1F80  }
0x346: {  	[spmem:s2] =	stream.indirect.scatter.add.f32 [tilespmem:s28], [sflag:$0x2], $0x10, s29, s18, $0xb8;
	[tilespmem:$0x1FC80] =	vst v63  }
0x347: {  	s30 =	simm.s32 $0x16480;
	s31 =	simm.s32 $0x2000  }
0x348: {  	[spmem:s2] =	stream.indirect.scatter.add.f32 [tilespmem:s30], [sflag:$0x2], $0x10, s31, s18, $0xb8;
	[tilespmem:$0x1FC80] =	vst v63  }
0x349: {  	_ =	swait.ge [sflag:s12], $0x800  }
0x34a: {  	[sflag:s12] =	ssyncset.done $0x0  }
0x34b: {  	[sflag:s12] =	ssyncadd.s32 $0xFFFFF800  }
0x34c: {  	_ =	swait.ge [sflag:s12], $0x800  }
0x34d: {  	[sflag:s12] =	ssyncset.done $0x0  }
0x34e: {  	[sflag:s12] =	ssyncadd.s32 $0xFFFFF800  }
0x34f: {  	_ =	swait.ge [sflag:s12], $0x800  }
0x350: {  	[sflag:s12] =	ssyncset.done $0x0  }
0x351: {  	[sflag:s12] =	ssyncadd.s32 $0xFFFFF800  }
0x352: {  	_ =	swait.ge [sflag:s12], $0x800  }
0x353: {  	[sflag:s12] =	ssyncset.done $0x0  }
0x354: {  	[sflag:s12] =	ssyncadd.s32 $0xFFFFF800  }
0x355: {  	_ =	swait.ge [sflag:s12], $0x800  }
0x356: {  	[sflag:s12] =	ssyncset.done $0x0  }
0x357: {  	[sflag:s12] =	ssyncadd.s32 $0xFFFFF800  }
0x358: {  	_ =	swait.ge [sflag:s12], $0x800  }
0x359: {  	[sflag:s12] =	ssyncset.done $0x0  }
0x35a: {  	[sflag:s12] =	ssyncadd.s32 $0xFFFFF800  }
0x35b: {  	_ =	swait.ge [sflag:s12], $0x800  }
0x35c: {  	[sflag:s12] =	ssyncset.done $0x0  }
0x35d: {  	[sflag:s12] =	ssyncadd.s32 $0xFFFFF800  }
0x35e: {  	_ =	swait.ge [sflag:s12], $0x800  }
0x35f: {  	[sflag:s12] =	ssyncset.done $0x0  }
0x360: {  	[sflag:s12] =	ssyncadd.s32 $0xFFFFF800  }
0x361: {  	_ =	swait.ge [sflag:s12], $0x800  }
0x362: {  	[sflag:s12] =	ssyncset.done $0x0  }
0x363: {  	[sflag:s12] =	ssyncadd.s32 $0xFFFFF800  }
0x364: {  	_ =	swait.ge [sflag:s12], $0x800  }
0x365: {  	[sflag:s12] =	ssyncset.done $0x0  }
0x366: {  	[sflag:s12] =	ssyncadd.s32 $0xFFFFF800  }
0x367: {  	_ =	swait.ge [sflag:s12], $0x800  }
0x368: {  	[sflag:s12] =	ssyncset.done $0x0  }
0x369: {  	[sflag:s12] =	ssyncadd.s32 $0xFFFFF800  }
0x36a: {  	_ =	swait.ge [sflag:s12], $0x800  }
0x36b: {  	[sflag:s12] =	ssyncset.done $0x0  }
0x36c: {  	[sflag:s12] =	ssyncadd.s32 $0xFFFFF800  }
0x36d: {  	_ =	swait.ge [sflag:s12], $0x800  }
0x36e: {  	[sflag:s12] =	ssyncset.done $0x0  }
0x36f: {  	[sflag:s12] =	ssyncadd.s32 $0xFFFFF800  }
0x370: {  	_ =	swait.ge [sflag:s20], $0x6800  }
0x371: {  	s6 =	simm.s32 $0x0;
	[sflag:s20] =	ssyncset.done $0x0  }
0x372: {  	s14 =	simm.s32 $0x16D00;
	s15 =	simm.s32 $0x0;
	[sflag:s20] =	ssyncadd.s32 $0xFFFF9800  }
.LBB2_48:
0x373: {  	v10 =	vmov s15  }
0x374: {  	s1 =	simm.s32 $0x1;
	v12 =	vmov s6;
	s22 =	simm.s32 $0x2;
	s23 =	simm.s32 $0x3;
	v11 =	vmul.u32 $0x440, v10  }
0x375: {  	s26 =	simm.s32 $0x4;
	s28 =	simm.s32 $0x6;
	v13 =	vmov s1;
	v14 =	vmov s22;
	v15 =	vmov s23  }
0x376: {  	s29 =	simm.s32 $0x7;
	s30 =	simm.s32 $0x9;
	s31 =	simm.s32 $0x5;
	v12 =	vshrl.u32 v12, $0x3;
	v16 =	vmov s26;
	v17 =	vmov s28  }
0x377: {  	s24 =	simm.s32 $0x8;
	s25 =	simm.s32 $0xB;
	v18 =	vmov s29;
	v19 =	vmov s30;
	v20 =	vmov s31  }
0x378: {  	v21 =	vmov s24;
	v22 =	vmov s25;
	v12 =	vshll.u32 v12, v2  }
0x379: {  	s26 =	simm.s32 $0xA;
	v19 =	vshrl.u32 v19, $0x3;
	v14 =	vshrl.u32 v14, $0x3;
	v20 =	vshrl.u32 v20, $0x3  }
0x37a: {  	s28 =	simm.s32 $0xF;
	v17 =	vshrl.u32 v17, $0x3;
	v23 =	vmov s26;
	v22 =	vshrl.u32 v22, $0x3  }
0x37b: {  	s29 =	simm.s32 $0xD;
	s30 =	simm.s32 $0xE;
	v16 =	vshrl.u32 v16, $0x3;
	v24 =	vmov s28;
	v21 =	vshrl.u32 v21, $0x3  }
0x37c: {  	v15 =	vshrl.u32 v15, $0x3;
	v25 =	vmov s29;
	v26 =	vmov s30  }
0x37d: {  	v18 =	vshrl.u32 v18, $0x3;
	v13 =	vshrl.u32 v13, $0x3;
	v10 =	vbroadcast v11, $0x0  }
0x37e: {  	v22 =	vshll.u32 v22, v2;
	v17 =	vshll.u32 v17, v2;
	v16 =	vshll.u32 v16, v2  }
0x37f: {  	v27 =	vshrl.u32 v24, $0x3;
	v20 =	vshll.u32 v20, v2;
	v15 =	vshll.u32 v15, v2  }
0x380: {  	s31 =	simm.s32 $0xC;
	v18 =	vshll.u32 v18, v2;
	v13 =	vshll.u32 v13, v2;
	v14 =	vshll.u32 v14, v2  }
0x381: {  	v24 =	vshrl.u32 v26, $0x3;
	v19 =	vshll.u32 v19, v2;
	v26 =	vmov s31  }
0x382: {  	v25 =	vshrl.u32 v25, $0x3;
	v23 =	vshrl.u32 v23, $0x3;
	v63 =	vshll.u32 v21, v2  }
0x383: {  	v22 =	vadd.s32 v11, v22;
	v13 =	vadd.s32 v11, v13;
	v18 =	vadd.s32 v11, v18  }
0x384: {  	v24 =	vshll.u32 v24, v2;
	v26 =	vshrl.u32 v26, $0x3;
	v23 =	vshll.u32 v23, v2  }
0x385: {  	v25 =	vshll.u32 v25, v2;
	v16 =	vadd.s32 v11, v16;
	v28 =	vadd.s32 v11, v15  }
0x386: {  	v15 =	vadd.s32 v11, v17;
	v20 =	vadd.s32 v11, v20;
	v22 =	vbroadcast v22, $0x0  }
0x387: {  	v19 =	vadd.s32 v11, v19;
	v13 =	vbroadcast v13, $0x0;
	v18 =	vbroadcast v18, $0x0  }
0x388: {  	v26 =	vshll.u32 v26, v2;
	v16 =	vbroadcast v16, $0x0;
	v22 =	vadd.s32 v5, v22  }
0x389: {  	v24 =	vadd.s32 v11, v24;
	v15 =	vbroadcast v15, $0x0;
	v13 =	vadd.s32 v3, v13  }
0x38a: {  	v20 =	vbroadcast v20, $0x0;
	v17 =	vadd.s32 v11, v26;
	v16 =	vadd.s32 v6, v16  }
0x38b: {  	v25 =	vadd.s32 v11, v25;
	v18 =	vadd.s32 v9, v18;
	v17 =	vbroadcast v17, $0x0  }
0x38c: {  	v23 =	vadd.s32 v11, v23;
	v26 =	vadd.s32 v7, v20;
	v20 =	vbroadcast v24, $0x0  }
0x38d: {  	v23 =	vbroadcast v23, $0x0;
	v24 =	vbroadcast v25, $0x0;
	v25 =	vadd.s32 v6, v17;
	v22 =	vld.idx.msk [tilespmem:v22+s19+$0x0], $0xffff  }
0x38e: {  	v14 =	vadd.s32 v11, v14;
	v19 =	vbroadcast v19, $0x0;
	v30 =	vadd.s32 v8, v20;
	v29 =	vld.idx.msk [tilespmem:v13+s19+$0x0], $0xffff  }
0x38f: {  	v17 =	vadd.s32 v8, v15;
	v15 =	vadd.s32 v4, v23;
	v13 =	vld.idx.msk [tilespmem:v16+s19+$0x0], $0xffff;
	v16 =	vshll.u32 v27, v2  }
0x390: {  	v24 =	vadd.s32 v7, v24;
	v23 =	vbroadcast v28, $0x0;
	v20 =	vld.idx.msk [tilespmem:v18+s19+$0x0], $0xffff;
	v16 =	vadd.s32 v11, v16  }
0x391: {  	v10 =	vadd.s32 v1, v10;
	v27 =	vbroadcast v14, $0x0;
	v18 =	vld.idx.msk [tilespmem:v26+s19+$0x0], $0xffff;
	v16 =	vbroadcast v16, $0x0  }
0x392: {  	v12 =	vbroadcast v12, $0x0;
	v14 =	vadd.s32 v5, v23;
	v23 =	vadd.s32 v3, v19;
	v21 =	vld.idx.msk [tilespmem:v25+s19+$0x0], $0xffff;
	[tilespmem:s14+$0x30] =	vst v22  }
0x393: {  	s23 =	simm.s32 $0x10;
	s25 =	sadd.s32 $0x100, s14;
	s22 =	smov.u32 s14;
	v25 =	vbroadcast v63, $0x0;
	v19 =	vld.idx.msk [tilespmem:v30+s19+$0x0], $0xffff;
	v16 =	vadd.s32 v9, v16;
	[tilespmem:s14+$0xFFFFFF90] =	vst v29;
	v22 =	vadd.s32 v4, v27  }
.LBB2_49:
0x394: {  	s1 =	sadd.s32 $0x1, s23  }
0x395: {  	v26 =	vmov s23;
	s24 =	sadd.s32 $0x2, s23;
	s26 =	sadd.s32 $0x3, s23;
	v27 =	vadd.s32 v10, v12;
	v25 =	vadd.s32 v10, v25;
	v24 =	vld.idx.msk [tilespmem:v24+s19+$0x0], $0xffff;
	s30 =	smov.u32 s23  }
0x396: {  	v28 =	vmov s1;
	v29 =	vmov s24;
	v30 =	vmov s26;
	s1 =	sadd.s32 $0x4, s23;
	s24 =	sadd.s32 $0x6, s23;
	s26 =	sadd.s32 $0x8, s23;
	v17 =	vld.idx.msk [tilespmem:v17+s19+$0x0], $0xffff  }
0x397: {  	s29 =	sadd.s32 $0xF, s23;
	v12 =	vshrl.u32 v26, $0x3;
	v26 =	vmov s1;
	v31 =	vmov s24;
	s1 =	sadd.s32 $0x7, s23;
	s24 =	sadd.s32 $0x9, s23;
	[tilespmem:s22+$0xFFFFFFF0] =	vst v20;
	v15 =	vld.idx.msk [tilespmem:v15+s19+$0x0], $0xffff  }
0x398: {  	s31 =	sadd.s32 $0x5, s23;
	s28 =	sadd.s32 $0xC, s23;
	v12 =	vshll.u32 v12, v2;
	v20 =	vmov s1;
	v32 =	vmov s24;
	s1 =	sadd.s32 $0xA, s23;
	[tilespmem:s22+$0xFFFFFFD0] =	vst v18;
	v18 =	vld.idx.msk [tilespmem:v23+s19+$0x0], $0xffff  }
0x399: {  	p1 =	slt.u32 s23, $0x70;
	v33 =	vmov s26;
	v23 =	vmov s31;
	s24 =	sadd.s32 $0xB, s30;
	s23 =	sadd.s32 $0x10, s23;
	v32 =	vshrl.u32 v32, $0x3;
	v22 =	vld.idx.msk [tilespmem:v22+s19+$0x0], $0xffff;
	[tilespmem:s22+$0x40] =	vst v21  }
0x39a: {  	v21 =	vshrl.u32 v29, $0x3;
	v23 =	vshrl.u32 v23, $0x3;
	v29 =	vmov s24;
	v27 =	vld.idx.msk [tilespmem:v27+s19+$0x0], $0xffff;
	[tilespmem:s22+$0x60] =	vst v19  }
0x39b: {  	v19 =	vshrl.u32 v31, $0x3;
	v31 =	vmov s1;
	v29 =	vshrl.u32 v29, $0x3;
	v25 =	vld.idx.msk [tilespmem:v25+s19+$0x0], $0xffff;
	[tilespmem:s22+$0x50] =	vst v24  }
0x39c: {  	v24 =	vshrl.u32 v26, $0x3;
	v26 =	vshll.u32 v29, v2;
	v29 =	vmov s29;
	[tilespmem:s22+$0xFFFFFFE0] =	vst v17;
	v16 =	vld.idx.msk [tilespmem:v16+s19+$0x0], $0xffff  }
0x39d: {  	s1 =	sadd.s32 $0xD, s30;
	v17 =	vshll.u32 v19, v2;
	v19 =	vshrl.u32 v33, $0x3;
	v26 =	vadd.s32 v11, v26;
	v14 =	vld.idx.msk [tilespmem:v14+s19+$0x0], $0xffff;
	[tilespmem:s22+$0xFFFFFFC0] =	vst v13  }
0x39e: {  	v13 =	vshrl.u32 v30, $0x3;
	v26 =	vbroadcast v26, $0x0;
	v30 =	vmov s1;
	s1 =	sadd.s32 $0xE, s30;
	[tilespmem:s22+$0x10] =	vst v18  }
0x39f: {  	v29 =	vshrl.u32 v29, $0x3;
	v18 =	vshll.u32 v24, v2;
	v24 =	vmov s1;
	[tilespmem:s22+$0xFFFFFFA0] =	vst v22  }
0x3a0: {  	v20 =	vshrl.u32 v20, $0x3;
	v22 =	vshll.u32 v23, v2;
	v23 =	vadd.s32 v5, v26;
	[tilespmem:s22+$0xFFFFFF80] =	vst v27  }
0x3a1: {  	v20 =	vshll.u32 v20, v2;
	v13 =	vshll.u32 v13, v2;
	v26 =	vshrl.u32 v28, $0x3;
	[tilespmem:s22+$0x0] =	vst v25  }
0x3a2: {  	v21 =	vshll.u32 v21, v2;
	v24 =	vshrl.u32 v24, $0x3;
	v25 =	vshll.u32 v26, v2;
	[tilespmem:s22+$0x20] =	vst v15  }
0x3a3: {  	v20 =	vadd.s32 v11, v20;
	v15 =	vadd.s32 v11, v25;
	v25 =	vshll.u32 v32, v2;
	[tilespmem:s22+$0x70] =	vst v16  }
0x3a4: {  	v15 =	vbroadcast v15, $0x0;
	v16 =	vadd.s32 v11, v21;
	v21 =	vshll.u32 v24, v2;
	[tilespmem:s22+$0xFFFFFFB0] =	vst v14;
	s22 =	smov.u32 s25  }
0x3a5: {  	v24 =	vshrl.u32 v30, $0x3;
	v14 =	vbroadcast v20, $0x0;
	v20 =	vld.idx.msk [tilespmem:v23+s19+$0x0], $0xffff;
	v23 =	vmov s28  }
0x3a6: {  	v26 =	vshrl.u32 v31, $0x3;
	v15 =	vadd.s32 v3, v15;
	v23 =	vshrl.u32 v23, $0x3  }
0x3a7: {  	v26 =	vshll.u32 v26, v2;
	v24 =	vshll.u32 v24, v2;
	v23 =	vshll.u32 v23, v2  }
0x3a8: {  	v17 =	vadd.s32 v11, v17;
	v13 =	vadd.s32 v11, v13;
	v18 =	vadd.s32 v11, v18  }
0x3a9: {  	v18 =	vbroadcast v18, $0x0;
	v21 =	vadd.s32 v11, v21;
	v23 =	vadd.s32 v11, v23  }
0x3aa: {  	v17 =	vbroadcast v17, $0x0;
	v22 =	vadd.s32 v11, v22;
	v24 =	vadd.s32 v11, v24  }
0x3ab: {  	v18 =	vadd.s32 v6, v18;
	v14 =	vadd.s32 v9, v14;
	v27 =	vld.idx.msk [tilespmem:v15+s19+$0x0], $0xffff;
	v15 =	vbroadcast v22, $0x0;
	[tilespmem:s25+$0x30] =	vst v20  }
0x3ac: {  	v20 =	vadd.s32 v11, v26;
	v22 =	vbroadcast v23, $0x0;
	v23 =	vbroadcast v24, $0x0  }
0x3ad: {  	v26 =	vadd.s32 v7, v15;
	v15 =	vbroadcast v20, $0x0;
	v20 =	vbroadcast v21, $0x0  }
0x3ae: {  	v17 =	vadd.s32 v8, v17;
	v21 =	vadd.s32 v11, v25;
	v28 =	vadd.s32 v6, v22  }
0x3af: {  	v24 =	vadd.s32 v7, v23;
	v15 =	vadd.s32 v4, v15;
	v30 =	vadd.s32 v8, v20  }
.Ltmp25:
0x3b0: {  	v22 =	vbroadcast v13, $0x0;
	v21 =	vbroadcast v21, $0x0;
	v13 =	vld.idx.msk [tilespmem:v18+s19+$0x0], $0xffff;
	v18 =	vshll.u32 v29, v2;
	(pc) =	sbr.rel @p1 .LBB2_49-.Ltmp25, $4  }
0x3b1: {  	v19 =	vshll.u32 v19, v2;
	v16 =	vbroadcast v16, $0x0;
	[tilespmem:s25+$0xFFFFFF90] =	vst v27;
	v20 =	vld.idx.msk [tilespmem:v14+s19+$0x0], $0xffff;
	v25 =	vadd.s32 v11, v18  }
0x3b2: {  	v23 =	vadd.s32 v3, v21;
	v14 =	vadd.s32 v5, v22;
	v18 =	vld.idx.msk [tilespmem:v26+s19+$0x0], $0xffff;
	v26 =	vbroadcast v25, $0x0  }
0x3b3: {  	v12 =	vbroadcast v12, $0x0;
	v22 =	vadd.s32 v4, v16;
	v25 =	vbroadcast v19, $0x0;
	v21 =	vld.idx.msk [tilespmem:v28+s19+$0x0], $0xffff  }
0x3b4: {  	s25 =	sadd.s32 $0x100, s25;
	v19 =	vld.idx.msk [tilespmem:v30+s19+$0x0], $0xffff;
	v16 =	vadd.s32 v9, v26  }
0x3b5: {  	_ =	sdelay $0x3  }
0x3b6: {  	v59 =	vld.idx.msk [tilespmem:v24+s19+$0x0], $0xffff;
	[tilespmem:s22+$0xFFFFFFC0] =	vst v13  }
0x3b7: {  	v17 =	vld.idx.msk [tilespmem:v17+s19+$0x0], $0xffff;
	[tilespmem:s22+$0xFFFFFFF0] =	vst v20  }
0x3b8: {  	v11 =	vadd.s32 v10, v12;
	v60 =	vld.idx.msk [tilespmem:v23+s19+$0x0], $0xffff;
	[tilespmem:s22+$0xFFFFFFD0] =	vst v18  }
0x3b9: {  	v10 =	vadd.s32 v10, v25;
	v61 =	vld.idx.msk [tilespmem:v22+s19+$0x0], $0xffff;
	[tilespmem:s22+$0x40] =	vst v21  }
0x3ba: {  	v62 =	vld.idx.msk [tilespmem:v15+s19+$0x0], $0xffff;
	[tilespmem:s22+$0x60] =	vst v19  }
0x3bb: {  	v63 =	vld.idx.msk [tilespmem:v16+s19+$0x0], $0xffff;
	[tilespmem:s22+$0x50] =	vst v59  }
0x3bc: {  	v14 =	vld.idx.msk [tilespmem:v14+s19+$0x0], $0xffff;
	[tilespmem:s22+$0xFFFFFFE0] =	vst v17  }
0x3bd: {  	s15 =	sadd.s32 $0x1, s15;
	v11 =	vld.idx.msk [tilespmem:v11+s19+$0x0], $0xffff;
	[tilespmem:s22+$0x10] =	vst v60  }
0x3be: {  	p1 =	sne.s32 s15, $0xD;
	v10 =	vld.idx.msk [tilespmem:v10+s19+$0x0], $0xffff;
	[tilespmem:s22+$0xFFFFFFA0] =	vst v61  }
.Ltmp26:
0x3bf: {  	[tilespmem:s22+$0x20] =	vst v62;
	(pc) =	sbr.rel @p1 .LBB2_48-.Ltmp26, $4  }
0x3c0: {  	[tilespmem:s22+$0x70] =	vst v63  }
0x3c1: {  	[tilespmem:s22+$0xFFFFFFB0] =	vst v14  }
0x3c2: {  	[tilespmem:s22+$0xFFFFFF80] =	vst v11  }
0x3c3: {  	s14 =	sadd.s32 $0x800, s14;
	[tilespmem:s22+$0x0] =	vst v10  }
0x3c4: {  	s1 =	simm.s32 $0x16C80;
	s6 =	simm.s32 $0x2080  }
0x3c5: {  	[spmem:s2] =	stream.indirect.scatter.add.f32 [tilespmem:s1], [sflag:$0x2], $0x10, s6, s18, $0xb8;
	[tilespmem:$0x1FC80] =	vst v63  }
0x3c6: {  	s14 =	simm.s32 $0x2100;
	s6 =	simm.s32 $0x17480  }
0x3c7: {  	[spmem:s2] =	stream.indirect.scatter.add.f32 [tilespmem:s6], [sflag:$0x2], $0x10, s14, s18, $0xb8;
	[tilespmem:$0x1FC80] =	vst v63  }
0x3c8: {  	s15 =	simm.s32 $0x17C80;
	s22 =	simm.s32 $0x2180  }
0x3c9: {  	[spmem:s2] =	stream.indirect.scatter.add.f32 [tilespmem:s15], [sflag:$0x2], $0x10, s22, s18, $0xb8;
	[tilespmem:$0x1FC80] =	vst v63  }
0x3ca: {  	s23 =	simm.s32 $0x18480;
	s24 =	simm.s32 $0x2200  }
0x3cb: {  	[spmem:s2] =	stream.indirect.scatter.add.f32 [tilespmem:s23], [sflag:$0x2], $0x10, s24, s18, $0xb8;
	[tilespmem:$0x1FC80] =	vst v63  }
0x3cc: {  	s25 =	simm.s32 $0x18C80;
	s26 =	simm.s32 $0x2280  }
0x3cd: {  	[spmem:s2] =	stream.indirect.scatter.add.f32 [tilespmem:s25], [sflag:$0x2], $0x10, s26, s18, $0xb8;
	[tilespmem:$0x1FC80] =	vst v63  }
0x3ce: {  	s28 =	simm.s32 $0x19480;
	s29 =	simm.s32 $0x2300  }
0x3cf: {  	[spmem:s2] =	stream.indirect.scatter.add.f32 [tilespmem:s28], [sflag:$0x2], $0x10, s29, s18, $0xb8;
	[tilespmem:$0x1FC80] =	vst v63  }
0x3d0: {  	s30 =	simm.s32 $0x19C80;
	s31 =	simm.s32 $0x2380  }
0x3d1: {  	[spmem:s2] =	stream.indirect.scatter.add.f32 [tilespmem:s30], [sflag:$0x2], $0x10, s31, s18, $0xb8;
	[tilespmem:$0x1FC80] =	vst v63  }
0x3d2: {  	s6 =	simm.s32 $0x1A480;
	s14 =	simm.s32 $0x2400  }
0x3d3: {  	[spmem:s2] =	stream.indirect.scatter.add.f32 [tilespmem:s6], [sflag:$0x2], $0x10, s14, s18, $0xb8;
	[tilespmem:$0x1FC80] =	vst v63  }
0x3d4: {  	s15 =	simm.s32 $0x1AC80;
	s22 =	simm.s32 $0x2480  }
0x3d5: {  	[spmem:s2] =	stream.indirect.scatter.add.f32 [tilespmem:s15], [sflag:$0x2], $0x10, s22, s18, $0xb8;
	[tilespmem:$0x1FC80] =	vst v63  }
0x3d6: {  	s23 =	simm.s32 $0x1B480;
	s24 =	simm.s32 $0x2500  }
0x3d7: {  	[spmem:s2] =	stream.indirect.scatter.add.f32 [tilespmem:s23], [sflag:$0x2], $0x10, s24, s18, $0xb8;
	[tilespmem:$0x1FC80] =	vst v63  }
0x3d8: {  	s25 =	simm.s32 $0x1BC80;
	s26 =	simm.s32 $0x2580  }
0x3d9: {  	[spmem:s2] =	stream.indirect.scatter.add.f32 [tilespmem:s25], [sflag:$0x2], $0x10, s26, s18, $0xb8;
	[tilespmem:$0x1FC80] =	vst v63  }
0x3da: {  	s28 =	simm.s32 $0x1C480;
	s29 =	simm.s32 $0x2600  }
0x3db: {  	[spmem:s2] =	stream.indirect.scatter.add.f32 [tilespmem:s28], [sflag:$0x2], $0x10, s29, s18, $0xb8;
	[tilespmem:$0x1FC80] =	vst v63  }
0x3dc: {  	s30 =	simm.s32 $0x1CC80;
	s31 =	simm.s32 $0x2680  }
0x3dd: {  	[spmem:s2] =	stream.indirect.scatter.add.f32 [tilespmem:s30], [sflag:$0x2], $0x10, s31, s18, $0xb8;
	[tilespmem:$0x1FC80] =	vst v63  }
0x3de: {  	_ =	swait.ge [sflag:s12], $0x800  }
0x3df: {  	[sflag:s12] =	ssyncset.done $0x0  }
0x3e0: {  	[sflag:s12] =	ssyncadd.s32 $0xFFFFF800  }
0x3e1: {  	_ =	swait.ge [sflag:s12], $0x800  }
0x3e2: {  	[sflag:s12] =	ssyncset.done $0x0  }
0x3e3: {  	[sflag:s12] =	ssyncadd.s32 $0xFFFFF800  }
0x3e4: {  	_ =	swait.ge [sflag:s12], $0x800  }
0x3e5: {  	[sflag:s12] =	ssyncset.done $0x0  }
0x3e6: {  	[sflag:s12] =	ssyncadd.s32 $0xFFFFF800  }
0x3e7: {  	_ =	swait.ge [sflag:s12], $0x800  }
0x3e8: {  	[sflag:s12] =	ssyncset.done $0x0  }
0x3e9: {  	[sflag:s12] =	ssyncadd.s32 $0xFFFFF800  }
0x3ea: {  	_ =	swait.ge [sflag:s12], $0x800  }
0x3eb: {  	[sflag:s12] =	ssyncset.done $0x0  }
0x3ec: {  	[sflag:s12] =	ssyncadd.s32 $0xFFFFF800  }
0x3ed: {  	_ =	swait.ge [sflag:s12], $0x800  }
0x3ee: {  	[sflag:s12] =	ssyncset.done $0x0  }
0x3ef: {  	[sflag:s12] =	ssyncadd.s32 $0xFFFFF800  }
0x3f0: {  	_ =	swait.ge [sflag:s12], $0x800  }
0x3f1: {  	[sflag:s12] =	ssyncset.done $0x0  }
0x3f2: {  	[sflag:s12] =	ssyncadd.s32 $0xFFFFF800  }
0x3f3: {  	_ =	swait.ge [sflag:s12], $0x800  }
0x3f4: {  	[sflag:s12] =	ssyncset.done $0x0  }
0x3f5: {  	[sflag:s12] =	ssyncadd.s32 $0xFFFFF800  }
0x3f6: {  	_ =	swait.ge [sflag:s12], $0x800  }
0x3f7: {  	[sflag:s12] =	ssyncset.done $0x0  }
0x3f8: {  	[sflag:s12] =	ssyncadd.s32 $0xFFFFF800  }
0x3f9: {  	_ =	swait.ge [sflag:s12], $0x800  }
0x3fa: {  	[sflag:s12] =	ssyncset.done $0x0  }
0x3fb: {  	[sflag:s12] =	ssyncadd.s32 $0xFFFFF800  }
0x3fc: {  	_ =	swait.ge [sflag:s12], $0x800  }
0x3fd: {  	[sflag:s12] =	ssyncset.done $0x0  }
0x3fe: {  	[sflag:s12] =	ssyncadd.s32 $0xFFFFF800  }
0x3ff: {  	_ =	swait.ge [sflag:s12], $0x800  }
0x400: {  	[sflag:s12] =	ssyncset.done $0x0  }
0x401: {  	[sflag:s12] =	ssyncadd.s32 $0xFFFFF800  }
0x402: {  	_ =	swait.ge [sflag:s12], $0x800  }
0x403: {  	[sflag:s12] =	ssyncset.done $0x0  }
0x404: {  	[sflag:s12] =	ssyncadd.s32 $0xFFFFF800  }
0x405: {  	_ =	swait.ge [sflag:s12], $0x800  }
0x406: {  	[sflag:s12] =	ssyncset.done $0x0  }
0x407: {  	[sflag:s12] =	ssyncadd.s32 $0xFFFFF800  }
0x408: {  	_ =	swait.ge [sflag:s12], $0x800  }
0x409: {  	[sflag:s12] =	ssyncset.done $0x0  }
0x40a: {  	[sflag:s12] =	ssyncadd.s32 $0xFFFFF800  }
0x40b: {  	_ =	swait.ge [sflag:s12], $0x800  }
0x40c: {  	[sflag:s12] =	ssyncset.done $0x0  }
0x40d: {  	[sflag:s12] =	ssyncadd.s32 $0xFFFFF800  }
0x40e: {  	_ =	swait.ge [sflag:s12], $0x800  }
0x40f: {  	[sflag:s12] =	ssyncset.done $0x0  }
0x410: {  	[sflag:s12] =	ssyncadd.s32 $0xFFFFF800  }
0x411: {  	_ =	swait.ge [sflag:s12], $0x800  }
0x412: {  	[sflag:s12] =	ssyncset.done $0x0  }
0x413: {  	[sflag:s12] =	ssyncadd.s32 $0xFFFFF800  }
0x414: {  	_ =	swait.ge [sflag:s12], $0x800  }
0x415: {  	[sflag:s12] =	ssyncset.done $0x0  }
0x416: {  	[sflag:s12] =	ssyncadd.s32 $0xFFFFF800  }
0x417: {  	_ =	swait.ge [sflag:s12], $0x800  }
0x418: {  	[sflag:s12] =	ssyncset.done $0x0  }
0x419: {  	[sflag:s12] =	ssyncadd.s32 $0xFFFFF800  }
0x41a: {  	_ =	swait.ge [sflag:s12], $0x800  }
0x41b: {  	[sflag:s12] =	ssyncset.done $0x0  }
0x41c: {  	[sflag:s12] =	ssyncadd.s32 $0xFFFFF800  }
0x41d: {  	_ =	swait.ge [sflag:s12], $0x800  }
0x41e: {  	[sflag:s12] =	ssyncset.done $0x0  }
0x41f: {  	[sflag:s12] =	ssyncadd.s32 $0xFFFFF800  }
0x420: {  	_ =	swait.ge [sflag:s12], $0x800  }
0x421: {  	[sflag:s12] =	ssyncset.done $0x0  }
0x422: {  	[sflag:s12] =	ssyncadd.s32 $0xFFFFF800  }
0x423: {  	_ =	swait.ge [sflag:s12], $0x800  }
0x424: {  	[sflag:s12] =	ssyncset.done $0x0  }
0x425: {  	[sflag:s12] =	ssyncadd.s32 $0xFFFFF800  }
0x426: {  	_ =	swait.ge [sflag:s12], $0x800  }
.Ltmp27:
0x427: {  	[sflag:s12] =	ssyncset.done $0x0;
	(pc) =	sbr.rel @p0 .LBB2_55-.Ltmp27, $4  }
0x428: {  	[sflag:s12] =	ssyncadd.s32 $0xFFFFF800  }
0x429: {  	_ =	swait.ge [sflag:s12], $0x800  }
0x42a: {  	[sflag:s12] =	ssyncset.done $0x0  }
0x42b: {  	[sflag:s12] =	ssyncadd.s32 $0xFFFFF800  }
0x42c: {  	s6 =	simm.s32 $0x0;
	s1 =	rddreg [dreg:$0x6];
	s14 =	simm.s32 $0x2700  }
0x42d: {  	[tilespmem:s14], [sflag:$0x3] =	stream.linear.gather [hbm4b:s1+s6], $0x80, $0x38;
	[tilespmem:$0x1FC80] =	vst v63  }
0x42e: {  	_ =	swait.ge [sflag:s17], $0x80  }
0x42f: {  	[sflag:s17] =	ssyncset.done $0x0  }
0x430: {  	[sflag:s17] =	ssyncadd.s32 $0xFFFFFF80  }
0x431: {  	[tilespmem:s21], [sflag:$0x3] =	stream.linear.gather [hbm4b:s13+s6], $0x80, $0x38;
	[tilespmem:$0x1FC80] =	vst v63  }
0x432: {  	s28 =	sadd.s32 $0x10, s13;
	s29 =	simm.s32 $0x2808;
	s30 =	sadd.s32 $0x20, s13  }
0x433: {  	[tilespmem:s29], [sflag:$0x3] =	stream.linear.gather [hbm4b:s28+s6], $0x80, $0x38;
	[tilespmem:$0x1FC80] =	vst v63  }
0x434: {  	s31 =	simm.s32 $0x2890;
	s15 =	sadd.s32 $0x30, s13;
	s22 =	simm.s32 $0x2918  }
0x435: {  	[tilespmem:s31], [sflag:$0x3] =	stream.linear.gather [hbm4b:s30+s6], $0x80, $0x38;
	[tilespmem:$0x1FC80] =	vst v63  }
0x436: {  	s23 =	sadd.s32 $0x40, s13;
	s24 =	simm.s32 $0x29A0;
	s25 =	sadd.s32 $0x50, s13  }
0x437: {  	[tilespmem:s22], [sflag:$0x3] =	stream.linear.gather [hbm4b:s15+s6], $0x80, $0x38;
	[tilespmem:$0x1FC80] =	vst v63  }
0x438: {  	s26 =	simm.s32 $0x2A28;
	s14 =	sadd.s32 $0x4E200, s13;
	s28 =	sadd.s32 $0x60, s13  }
0x439: {  	[tilespmem:s24], [sflag:$0x3] =	stream.linear.gather [hbm4b:s23+s6], $0x80, $0x38;
	[tilespmem:$0x1FC80] =	vst v63  }
0x43a: {  	s29 =	simm.s32 $0x2AB0;
	s30 =	sadd.s32 $0x70, s13;
	s31 =	simm.s32 $0x2B38  }
0x43b: {  	[tilespmem:s26], [sflag:$0x3] =	stream.linear.gather [hbm4b:s25+s6], $0x80, $0x38;
	[tilespmem:$0x1FC80] =	vst v63  }
0x43c: {  	s15 =	simm.s32 $0x5EC0;
	s22 =	sadd.s32 $0x10, s14;
	s23 =	sadd.s32 $0x20, s14  }
0x43d: {  	[tilespmem:s29], [sflag:$0x3] =	stream.linear.gather [hbm4b:s28+s6], $0x80, $0x38;
	[tilespmem:$0x1FC80] =	vst v63  }
0x43e: {  	s24 =	simm.s32 $0x5FD0;
	s25 =	simm.s32 $0x1;
	s26 =	simm.s32 $0x2  }
0x43f: {  	v25 =	vmov s6;
	[tilespmem:s31], [sflag:$0x3] =	stream.linear.gather [hbm4b:s30+s6], $0x80, $0x38;
	[tilespmem:$0x1FC80] =	vst v63  }
0x440: {  	v25 =	vshrl.u32 v25, $0x3;
	v10 =	vmov s25;
	v11 =	vmov s26;
	s25 =	simm.s32 $0xF;
	s26 =	simm.s32 $0xE;
	s28 =	simm.s32 $0x4  }
0x441: {  	v25 =	vshll.u32 v25, v2;
	[tilespmem:s15], [sflag:$0x3] =	stream.linear.gather [hbm4b:s14+s6], $0x80, $0x38;
	[tilespmem:$0x1FC80] =	vst v63  }
0x442: {  	v25 =	vbroadcast v25, $0x0;
	s29 =	simm.s32 $0x5;
	v21 =	vmov s25;
	s25 =	sadd.s32 $0x50, s14;
	s15 =	simm.s32 $0x5F48  }
0x443: {  	[tilespmem:s15], [sflag:$0x3] =	stream.linear.gather [hbm4b:s22+s6], $0x80, $0x38;
	[tilespmem:$0x1FC80] =	vst v63  }
0x444: {  	v25 =	vadd.s32 v1, v25;
	v13 =	vmov s28;
	v14 =	vmov s29;
	s28 =	simm.s32 $0x6;
	s29 =	sadd.s32 $0x30, s14;
	s31 =	simm.s32 $0x8  }
0x445: {  	v20 =	vmov s26;
	v11 =	vshrl.u32 v11, $0x3;
	v10 =	vshrl.u32 v10, $0x3;
	[tilespmem:s24], [sflag:$0x3] =	stream.linear.gather [hbm4b:s23+s6], $0x80, $0x38;
	[tilespmem:$0x1FC80] =	vst v63  }
0x446: {  	v20 =	vshrl.u32 v20, $0x3;
	v21 =	vshrl.u32 v21, $0x3;
	v16 =	vmov s31;
	s31 =	simm.s32 $0x6058;
	s23 =	simm.s32 $0xD;
	s24 =	simm.s32 $0x9  }
0x447: {  	v11 =	vshll.u32 v11, v2;
	v10 =	vshll.u32 v10, v2;
	v23 =	vmov s28;
	[tilespmem:s31], [sflag:$0x3] =	stream.linear.gather [hbm4b:s29+s6], $0x80, $0x38;
	[tilespmem:$0x1FC80] =	vst v63  }
0x448: {  	s30 =	simm.s32 $0x7;
	v13 =	vshrl.u32 v13, $0x3;
	v19 =	vmov s23;
	v22 =	vmov s24;
	s23 =	sadd.s32 $0x40, s14;
	s24 =	simm.s32 $0x60E0  }
0x449: {  	v20 =	vshll.u32 v20, v2;
	v14 =	vshrl.u32 v14, $0x3;
	v11 =	vbroadcast v11, $0x0;
	[tilespmem:s24], [sflag:$0x3] =	stream.linear.gather [hbm4b:s23+s6], $0x80, $0x38;
	[tilespmem:$0x1FC80] =	vst v63  }
0x44a: {  	s26 =	simm.s32 $0x6168;
	v15 =	vmov s30;
	s30 =	simm.s32 $0xC;
	v13 =	vshll.u32 v13, v2;
	v20 =	vbroadcast v20, $0x0;
	s15 =	simm.s32 $0xA  }
0x44b: {  	v23 =	vshrl.u32 v23, $0x3;
	v26 =	vshll.u32 v14, v2;
	v17 =	vmov s15;
	[tilespmem:s26], [sflag:$0x3] =	stream.linear.gather [hbm4b:s25+s6], $0x80, $0x38;
	[tilespmem:$0x1FC80] =	vst v63  }
0x44c: {  	s28 =	sadd.s32 $0x60, s14;
	v24 =	vmov s30;
	v15 =	vshrl.u32 v15, $0x3;
	v17 =	vshrl.u32 v17, $0x3;
	s29 =	simm.s32 $0x61F0  }
0x44d: {  	v13 =	vbroadcast v13, $0x0;
	v23 =	vshll.u32 v23, v2;
	v17 =	vshll.u32 v17, v2;
	[tilespmem:s29], [sflag:$0x3] =	stream.linear.gather [hbm4b:s28+s6], $0x80, $0x38;
	[tilespmem:$0x1FC80] =	vst v63  }
0x44e: {  	s30 =	sadd.s32 $0x70, s14;
	v16 =	vshrl.u32 v16, $0x3;
	v20 =	vadd.s32 v8, v20;
	v17 =	vbroadcast v17, $0x0;
	s31 =	simm.s32 $0x6278  }
0x44f: {  	v24 =	vshrl.u32 v24, $0x3;
	v15 =	vshll.u32 v15, v2;
	v13 =	vadd.s32 v6, v13;
	[tilespmem:s31], [sflag:$0x3] =	stream.linear.gather [hbm4b:s30+s6], $0x80, $0x38;
	[tilespmem:$0x1FC80] =	vst v63  }
0x450: {  	v23 =	vbroadcast v23, $0x0;
	v27 =	vshll.u32 v16, v2;
	s22 =	simm.s32 $0x3;
	v17 =	vadd.s32 v4, v17;
	_ =	swait.ge [sflag:s17], $0x800  }
0x451: {  	v24 =	vshll.u32 v24, v2;
	v15 =	vbroadcast v15, $0x0;
	v12 =	vmov s22;
	s22 =	simm.s32 $0xB;
	[sflag:s17] =	ssyncset.done $0x0  }
0x452: {  	v23 =	vadd.s32 v8, v23;
	v18 =	vmov s22;
	v19 =	vshrl.u32 v19, $0x3;
	[sflag:s17] =	ssyncadd.s32 $0xFFFFF800  }
0x453: {  	v12 =	vshrl.u32 v12, $0x3;
	v14 =	vadd.s32 v9, v15;
	v19 =	vshll.u32 v19, v2;
	v20 =	vld.idx.msk [tilespmem:v20+s21+$0x0], $0xffff  }
0x454: {  	v18 =	vshrl.u32 v18, $0x3;
	v12 =	vshll.u32 v12, v2;
	v15 =	vbroadcast v19, $0x0;
	v19 =	vld.idx.msk [tilespmem:v13+s21+$0x0], $0xffff  }
0x455: {  	v22 =	vshrl.u32 v22, $0x3;
	v18 =	vshll.u32 v18, v2;
	v12 =	vbroadcast v12, $0x0;
	v16 =	vld.idx.msk [tilespmem:v17+s21+$0x0], $0xffff  }
0x456: {  	v17 =	vadd.s32 v7, v15;
	v13 =	vshll.u32 v21, v2;
	v15 =	vbroadcast v18, $0x0  }
0x457: {  	s6 =	simm.s32 $0x10500;
	v18 =	vadd.s32 v4, v11;
	v11 =	vshll.u32 v22, v2;
	v21 =	vbroadcast v13, $0x0  }
0x458: {  	v12 =	vadd.s32 v5, v12;
	v13 =	vld.idx.msk [tilespmem:v25+s21+$0x0], $0xffff;
	v63 =	vbroadcast v11, $0x0;
	v15 =	vadd.s32 v5, v15;
	[tilespmem:s6+$0x60] =	vst v20  }
0x459: {  	v14 =	vld.idx.msk [tilespmem:v14+s21+$0x0], $0xffff;
	v11 =	vadd.s32 v9, v21;
	v21 =	vbroadcast v24, $0x0;
	[tilespmem:s6+$0xFFFFFFC0] =	vst v19;
	v20 =	vbroadcast v26, $0x0  }
0x45a: {  	s15 =	simm.s32 $0x10600;
	s14 =	simm.s32 $0x10;
	v22 =	vbroadcast v27, $0x0;
	[tilespmem:s6+$0x20] =	vst v16;
	v19 =	vbroadcast v10, $0x0;
	v16 =	vld.idx.msk [tilespmem:v23+s21+$0x0], $0xffff;
	v10 =	vadd.s32 v3, v63  }
.LBB2_53:
0x45b: {  	s1 =	sadd.s32 $0x1, s14;
	s22 =	sadd.s32 $0x2, s14;
	s23 =	sadd.s32 $0x3, s14;
	v20 =	vadd.s32 v7, v20;
	v21 =	vadd.s32 v6, v21;
	v17 =	vld.idx.msk [tilespmem:v17+s21+$0x0], $0xffff  }
0x45c: {  	s24 =	sadd.s32 $0x9, s14;
	v23 =	vmov s1;
	v24 =	vmov s22;
	s1 =	sadd.s32 $0x4, s14;
	s22 =	sadd.s32 $0x5, s14;
	v18 =	vld.idx.msk [tilespmem:v18+s21+$0x0], $0xffff;
	v22 =	vadd.s32 v1, v22  }
0x45d: {  	v25 =	vmov s23;
	s23 =	sadd.s32 $0xF, s14;
	v26 =	vmov s1;
	v27 =	vmov s22;
	s1 =	sadd.s32 $0x7, s14;
	s22 =	sadd.s32 $0x8, s14;
	[tilespmem:s6+$0xFFFFFF80] =	vst v13  }
0x45e: {  	s25 =	sadd.s32 $0x6, s14;
	v19 =	vadd.s32 v3, v19;
	v13 =	vmov s1;
	v28 =	vmov s22;
	s1 =	sadd.s32 $0xA, s14;
	s22 =	sadd.s32 $0xB, s14;
	[tilespmem:s6+$0xFFFFFFF0] =	vst v14;
	v14 =	vld.idx.msk [tilespmem:v15+s21+$0x0], $0xffff  }
0x45f: {  	s26 =	sadd.s32 $0xE, s14;
	v15 =	vshrl.u32 v24, $0x3;
	v24 =	vmov s1;
	v29 =	vmov s22;
	s1 =	sadd.s32 $0xC, s14;
	s22 =	sadd.s32 $0xD, s14;
	v12 =	vld.idx.msk [tilespmem:v12+s21+$0x0], $0xffff  }
0x460: {  	p1 =	slt.u32 s14, $0x70;
	v31 =	vmov s26;
	v32 =	vmov s23;
	v30 =	vmov s22;
	[tilespmem:s6+$0xFFFFFFE0] =	vst v16;
	s22 =	smov.u32 s14;
	s14 =	sadd.s32 $0x10, s14  }
0x461: {  	v31 =	vshrl.u32 v31, $0x3;
	v13 =	vshrl.u32 v13, $0x3;
	v16 =	vmov s24;
	[tilespmem:s6+$0x50] =	vst v17;
	v11 =	vld.idx.msk [tilespmem:v11+s21+$0x0], $0xffff  }
0x462: {  	v31 =	vshll.u32 v31, v2;
	v17 =	vshrl.u32 v26, $0x3;
	v26 =	vmov s25;
	[tilespmem:s6+$0xFFFFFFA0] =	vst v18;
	v18 =	vld.idx.msk [tilespmem:v22+s21+$0x0], $0xffff  }
0x463: {  	v31 =	vbroadcast v31, $0x0;
	v17 =	vshll.u32 v17, v2;
	v22 =	vmov s1;
	v21 =	vld.idx.msk [tilespmem:v21+s21+$0x0], $0xffff  }
0x464: {  	v32 =	vshrl.u32 v32, $0x3;
	v24 =	vshrl.u32 v24, $0x3;
	v17 =	vbroadcast v17, $0x0;
	v19 =	vld.idx.msk [tilespmem:v19+s21+$0x0], $0xffff;
	[tilespmem:s6+$0x30] =	vst v14  }
0x465: {  	v22 =	vshrl.u32 v22, $0x3;
	v14 =	vshll.u32 v24, v2;
	v24 =	vadd.s32 v8, v31;
	[tilespmem:s6+$0xFFFFFFB0] =	vst v12;
	v12 =	vld.idx.msk [tilespmem:v20+s21+$0x0], $0xffff  }
0x466: {  	v22 =	vshll.u32 v22, v2;
	v20 =	vmov s22;
	v17 =	vadd.s32 v6, v17;
	v10 =	vld.idx.msk [tilespmem:v10+s21+$0x0], $0xffff  }
0x467: {  	v16 =	vshrl.u32 v16, $0x3;
	v14 =	vbroadcast v14, $0x0;
	v20 =	vshrl.u32 v20, $0x3;
	[tilespmem:s6+$0x70] =	vst v11  }
0x468: {  	v11 =	vshll.u32 v20, v2;
	v20 =	vshrl.u32 v26, $0x3;
	v26 =	vshrl.u32 v29, $0x3;
	[tilespmem:s6+$0x0] =	vst v18  }
0x469: {  	v14 =	vadd.s32 v4, v14;
	v11 =	vbroadcast v11, $0x0;
	v18 =	vshrl.u32 v25, $0x3;
	[tilespmem:s6+$0x40] =	vst v21  }
0x46a: {  	v13 =	vshll.u32 v13, v2;
	v20 =	vshll.u32 v20, v2;
	v21 =	vshrl.u32 v27, $0x3;
	v24 =	vld.idx.msk [tilespmem:v24+s21+$0x0], $0xffff;
	[tilespmem:s6+$0xFFFFFF90] =	vst v19  }
0x46b: {  	v13 =	vbroadcast v13, $0x0;
	v11 =	vadd.s32 v1, v11;
	v19 =	vld.idx.msk [tilespmem:v17+s21+$0x0], $0xffff;
	v17 =	vbroadcast v20, $0x0;
	[tilespmem:s6+$0xFFFFFFD0] =	vst v12  }
0x46c: {  	v25 =	vshrl.u32 v30, $0x3;
	v12 =	vshrl.u32 v28, $0x3;
	v20 =	vshll.u32 v26, v2;
	[tilespmem:s6+$0x10] =	vst v10;
	s6 =	smov.u32 s15  }
0x46d: {  	v10 =	vshll.u32 v15, v2;
	v15 =	vshll.u32 v18, v2;
	v18 =	vshll.u32 v25, v2  }
0x46e: {  	v21 =	vshll.u32 v21, v2;
	v25 =	vadd.s32 v9, v13;
	v13 =	vbroadcast v18, $0x0;
	v26 =	vld.idx.msk [tilespmem:v14+s21+$0x0], $0xffff  }
0x46f: {  	v28 =	vshll.u32 v12, v2;
	v10 =	vbroadcast v10, $0x0;
	v27 =	vadd.s32 v8, v17  }
0x470: {  	v12 =	vbroadcast v15, $0x0;
	v14 =	vshll.u32 v32, v2;
	v17 =	vadd.s32 v7, v13;
	[tilespmem:s15+$0x60] =	vst v24  }
.Ltmp28:
0x471: {  	v23 =	vshrl.u32 v23, $0x3;
	v13 =	vld.idx.msk [tilespmem:v11+s21+$0x0], $0xffff;
	[tilespmem:s15+$0xFFFFFFC0] =	vst v19;
	v11 =	vbroadcast v20, $0x0;
	v19 =	vbroadcast v14, $0x0;
	(pc) =	sbr.rel @p1 .LBB2_53-.Ltmp28, $4  }
0x472: {  	v18 =	vadd.s32 v4, v10;
	v12 =	vadd.s32 v5, v12;
	v10 =	vshll.u32 v16, v2  }
0x473: {  	v10 =	vbroadcast v10, $0x0;
	v14 =	vld.idx.msk [tilespmem:v25+s21+$0x0], $0xffff;
	v15 =	vadd.s32 v5, v11;
	v11 =	vadd.s32 v9, v19  }
0x474: {  	v16 =	vshll.u32 v23, v2;
	v20 =	vbroadcast v21, $0x0;
	v21 =	vbroadcast v22, $0x0;
	[tilespmem:s15+$0x20] =	vst v26  }
0x475: {  	v22 =	vbroadcast v28, $0x0;
	v10 =	vadd.s32 v3, v10;
	v19 =	vbroadcast v16, $0x0;
	s15 =	sadd.s32 $0x100, s15;
	v16 =	vld.idx.msk [tilespmem:v27+s21+$0x0], $0xffff  }
0x476: {  	_ =	sdelay $0x3  }
0x477: {  	v17 =	vld.idx.msk [tilespmem:v17+s21+$0x0], $0xffff  }
0x478: {  	v21 =	vadd.s32 v6, v21;
	v18 =	vld.idx.msk [tilespmem:v18+s21+$0x0], $0xffff  }
0x479: {  	[tilespmem:s6+$0xFFFFFF80] =	vst v13;
	v15 =	vld.idx.msk [tilespmem:v15+s21+$0x0], $0xffff;
	v60 =	vadd.s32 v7, v20  }
0x47a: {  	v12 =	vld.idx.msk [tilespmem:v12+s21+$0x0], $0xffff;
	v22 =	vadd.s32 v1, v22;
	[tilespmem:s6+$0xFFFFFFF0] =	vst v14  }
0x47b: {  	v11 =	vld.idx.msk [tilespmem:v11+s21+$0x0], $0xffff;
	v59 =	vadd.s32 v3, v19;
	[tilespmem:s6+$0xFFFFFFE0] =	vst v16  }
0x47c: {  	v10 =	vld.idx.msk [tilespmem:v10+s21+$0x0], $0xffff;
	[tilespmem:s6+$0x50] =	vst v17  }
0x47d: {  	[tilespmem:s6+$0xFFFFFFA0] =	vst v18;
	v62 =	vld.idx.msk [tilespmem:v21+s21+$0x0], $0xffff  }
0x47e: {  	[tilespmem:s6+$0x30] =	vst v15;
	v63 =	vld.idx.msk [tilespmem:v60+s21+$0x0], $0xffff  }
0x47f: {  	[tilespmem:s6+$0xFFFFFFB0] =	vst v12;
	v61 =	vld.idx.msk [tilespmem:v22+s21+$0x0], $0xffff  }
0x480: {  	[tilespmem:s6+$0x70] =	vst v11;
	v13 =	vld.idx.msk [tilespmem:v59+s21+$0x0], $0xffff  }
0x481: {  	[tilespmem:s6+$0x10] =	vst v10  }
0x482: {  	[tilespmem:s6+$0x40] =	vst v62  }
0x483: {  	[tilespmem:s6+$0xFFFFFFD0] =	vst v63  }
0x484: {  	[tilespmem:s6+$0x0] =	vst v61  }
.Ltmp29:
0x485: {  	s1 =	simm.s32 $0x2700;
	[tilespmem:s6+$0xFFFFFF90] =	vst v13;
	(pc) =	sbr.rel .LBB2_55-.Ltmp29, $4  }
0x486: {  	[spmem:s2] =	stream.indirect.scatter.add.f32 [tilespmem:s16], [sflag:$0x3], $0x10, s1, s18, $0xb8;
	[tilespmem:$0x1FC80] =	vst v63  }
0x487: {  	_ =	swait.ge [sflag:s17], $0x800  }
0x488: {  	[sflag:s17] =	ssyncset.done $0x0  }
0x489: {  	[sflag:s17] =	ssyncadd.s32 $0xFFFFF800  }
.LBB2_56:
0x48a: {  	_ =	sfence.sel $0x180000  }
0x48b: {  	[bflag:$0x0] =	sbarrier.arrive $0xFFFF  }
0x48c: {  	_ =	strace $0x90000047  }
0x48d: {  	s0 =	stileid.u32;
	[bflag:$0x2] =	sbarrier.arrive $0xFFFF  }
0x48e: {  	p0 =	sne.s32 s0, $0x0;
	s0 =	rddreg [dreg:$0x4]  }
0x48f: {  	s0 =	sadd.s32 @!p0 $0x100000, s0  }
0x490: {  	[sflag:s0] =	ssyncadd.tile.s32 @!p0 $0x1;
	_ =	shalt  }
.Lfunc_end2:
_tile_overlayer_lowered:
.L_overlay_start_2:
0x491: {  	(tag) =	ssettag $0x2  }
0x492: {  	s0 =	rddreg [dreg:$0x0];
	s2 =	stileid.u32  }
0x493: {  	s1 =	rddreg [dreg:$0x1];
	p0 =	sne.s32 s2, $0x0  }
0x494: {  	s3 =	rddreg [dreg:$0x2];
	[bflag:$0x3] =	sbarrier.arrive $0xFFFF;
	s2 =	simm.s32 @!p0 $0x1C03  }
0x495: {  	[timem:s3], [sflag:s2] =	dma.local @!p0 [hbm:s0], s1  }
0x496: {  	s0 =	simm.s32 @!p0 $0x3  }
0x497: {  	_ =	swait.ge @!p0 [sflag:s0], s1  }
0x498: {  	s1 =	ssub.s32 @!p0 $0x0, s1;
	[sflag:s0] =	ssyncset.done @!p0 $0x0  }
0x499: {  	[sflag:s0] =	ssyncadd.s32 @!p0 s1  }
0x49a: {  	[bflag:$0x3] =	sbarrier.arrive $0xFFFF  }
0x49b: {  	_ =	shalt  }

</sc_bundles>
